<compile_context>
chip_gen: v7x
topology: tpu7x:2x2x1
jax: 0.10.2.dev20260603
libtpu: 0.0.44.dev20260713+nightly
codegen_flags: <defaults>
</compile_context>

<pallas_src>
import functools

import jax
import jax.numpy as jnp
from jax import lax
from jax.experimental import pallas as pl
from jax.experimental.pallas import tpu as pltpu
from jax.experimental.pallas import tpu_sc as plsc

VOCAB = 30522
D = 768
BATCH = 128
SEQ = 512
B = BATCH * SEQ

NC = 2
NS = 16
NW = NC * NS
LANES = 16

BG = 2
SG = NW // BG
B_PER_W = BATCH // BG
S_PER_W = SEQ // SG
NBUF = 4
VREGS_PER_ROW = D // LANES


def _sc_body(seq_hbm, table_hbm, pos_hbm, out_hbm, idx_bufs, pos_v, *rest):
    wid = lax.axis_index("s") * NC + lax.axis_index("c")
    bg = wid // SG
    sg = lax.rem(wid, SG)
    b0 = bg * B_PER_W
    s0 = sg * S_PER_W

    bufs = rest[:NBUF]
    gsems = rest[NBUF:2 * NBUF]
    wsems = rest[2 * NBUF:3 * NBUF]
    isems = rest[3 * NBUF:4 * NBUF]

    pltpu.sync_copy(pos_hbm.at[pl.ds(s0, S_PER_W)], pos_v)

    def idx_src(c):
        return seq_hbm.at[pl.ds((b0 + c) * SEQ + s0, S_PER_W)]

    def start_idx(c, k):
        pltpu.async_copy(idx_src(c), idx_bufs.at[k], isems[k])

    def wait_idx(c, k):
        pltpu.make_async_copy(idx_src(c), idx_bufs.at[k], isems[k]).wait()

    def start_gather(c, k):
        pltpu.async_copy(table_hbm.at[idx_bufs.at[k]], bufs[k], gsems[k])

    def wait_gather(c, k):
        pltpu.make_async_copy(table_hbm.at[idx_bufs.at[k]], bufs[k],
                              gsems[k]).wait()

    for k in range(NBUF):
        start_idx(k, k)
    for k in range(NBUF - 1):
        wait_idx(k, k)
        start_gather(k, k)

    def step(t, carry):
        for k in range(NBUF):
            c = t * NBUF + k
            wait_gather(c, k)
            buf = bufs[k]

            def row_step(i, carry2):
                for j in range(VREGS_PER_ROW):
                    g = buf[i, pl.ds(j * LANES, LANES)]
                    p = pos_v[i, pl.ds(j * LANES, LANES)]
                    buf[i, pl.ds(j * LANES, LANES)] = (g + p) * 2.0
                return carry2

            lax.fori_loop(0, S_PER_W, row_step, 0, unroll=False)
            dst = out_hbm.at[b0 + c, pl.ds(s0, S_PER_W)]
            pltpu.async_copy(buf, dst, wsems[k])

            @pl.when(c + NBUF < B_PER_W)
            def _prefetch_idx():
                start_idx(c + NBUF, k)

            kn = (k + NBUF - 1) % NBUF
            cn = c + NBUF - 1

            @pl.when(jnp.logical_and(c >= 1, cn < B_PER_W))
            def _wait_prev_write():
                prev = out_hbm.at[b0 + c - 1, pl.ds(s0, S_PER_W)]
                pltpu.make_async_copy(bufs[kn], prev, wsems[kn]).wait()

            @pl.when(cn < B_PER_W)
            def _start_gather():
                wait_idx(cn, kn)
                start_gather(cn, kn)
        return carry

    lax.fori_loop(0, B_PER_W // NBUF, step, 0, unroll=False)

    for k in range(NBUF):
        c = B_PER_W - NBUF + k
        dst = out_hbm.at[b0 + c, pl.ds(s0, S_PER_W)]
        pltpu.make_async_copy(bufs[k], dst, wsems[k]).wait()


@jax.jit
def _embed(seq_flat, content_table, pos_pe):
    mesh = plsc.VectorSubcoreMesh(core_axis_name="c", subcore_axis_name="s")
    k = functools.partial(
        pl.kernel,
        mesh=mesh,
        out_type=jax.ShapeDtypeStruct((BATCH, SEQ, D), jnp.float32),
        scratch_types=[
            pltpu.VMEM((NBUF, S_PER_W), jnp.int32),
            pltpu.VMEM((S_PER_W, D), jnp.float32),
        ] + [pltpu.VMEM((S_PER_W, D), jnp.float32)] * NBUF
          + [pltpu.SemaphoreType.DMA] * (3 * NBUF),
    )(_sc_body)
    return k(seq_flat, content_table, pos_pe)


def kernel(sequence, content_table, pos_pe):
    return _embed(sequence.reshape(B), content_table, pos_pe)

# --- scband reference (transcript-rebuilt; emitter-appended) ---
"""Pipeline reference for scband-bertembedding-25537875542298 (READ-ONLY COPY).

The authoritative reference and input builder live on the scoring server;
editing this copy changes nothing except your own understanding.
"""

import jax, jax.numpy as jnp
import numpy as np

VOCAB = 30522
D_MODEL = 768
MAX_LEN = 512
BATCH = 128
SEQ = 512


def _sinusoidal_pe(max_len, d_model):
    # Standard BERT/transformer PositionalEmbedding buffer (non-trainable).
    position = np.arange(max_len, dtype=np.float32)[:, None]
    div_term = np.exp(np.arange(0, d_model, 2, dtype=np.float32) * -(np.log(10000.0) / d_model))
    pe = np.zeros((max_len, d_model), dtype=np.float32)
    pe[:, 0::2] = np.sin(position * div_term)
    pe[:, 1::2] = np.cos(position * div_term)
    return jnp.asarray(pe)


def setup_inputs(seed: int = 0) -> dict:
    key = jax.random.key(seed)
    k_seq, k_tbl = jax.random.split(key)
    sequence = jax.random.randint(k_seq, (BATCH, SEQ), 0, VOCAB, dtype=jnp.int32)
    # ContentEmbedding: pretrained token-embedding table loaded from embeddings_path
    content_table = jax.random.normal(k_tbl, (VOCAB, D_MODEL), dtype=jnp.float32) * 0.02
    pos_pe = _sinusoidal_pe(MAX_LEN, D_MODEL)
    return {"sequence": sequence, "content_table": content_table, "pos_pe": pos_pe}


def reference(sequence, content_table, pos_pe):
    # content_ = self.content(sequence).float()  -> embedding gather
    content = jnp.take(content_table, sequence, axis=0).astype(jnp.float32)
    # x = self.position(sequence) + content_
    seq_len = sequence.shape[1]
    pos = pos_pe[:seq_len][None, :, :]
    x = pos + content
    # return self.dropout(x) + x ; dropout is identity at inference
    return x + x

if __name__ == "__main__":
    import jax
    _d = setup_inputs()
    print(jax.jit(kernel)(*tuple(_d.values())))

</pallas_src>

<mosaic_0001>
#map = affine_map<(d0, d1) -> (0)>
#map1 = affine_map<(d0, d1) -> (0, 0)>
#map2 = affine_map<(d0, d1) -> (0, 0, 0)>
module attributes {stable_mosaic.version = 14 : i64} {
  func.func @_sc_body(%arg0: i32, %arg1: i32, %arg2: memref<65536xi32, #tpu.memory_space<hbm>>, %arg3: memref<30522x768xf32, #tpu.memory_space<hbm>>, %arg4: memref<512x768xf32, #tpu.memory_space<hbm>>, %arg5: memref<128x512x768xf32, #tpu.memory_space<hbm>>, %arg6: memref<4x32xi32, #tpu.memory_space<vmem>>, %arg7: memref<32x768xf32, #tpu.memory_space<vmem>>, %arg8: memref<32x768xf32, #tpu.memory_space<vmem>>, %arg9: memref<32x768xf32, #tpu.memory_space<vmem>>, %arg10: memref<32x768xf32, #tpu.memory_space<vmem>>, %arg11: memref<32x768xf32, #tpu.memory_space<vmem>>, %arg12: memref<!tpu.dma_semaphore, #tpu.memory_space<semaphore_mem>>, %arg13: memref<!tpu.dma_semaphore, #tpu.memory_space<semaphore_mem>>, %arg14: memref<!tpu.dma_semaphore, #tpu.memory_space<semaphore_mem>>, %arg15: memref<!tpu.dma_semaphore, #tpu.memory_space<semaphore_mem>>, %arg16: memref<!tpu.dma_semaphore, #tpu.memory_space<semaphore_mem>>, %arg17: memref<!tpu.dma_semaphore, #tpu.memory_space<semaphore_mem>>, %arg18: memref<!tpu.dma_semaphore, #tpu.memory_space<semaphore_mem>>, %arg19: memref<!tpu.dma_semaphore, #tpu.memory_space<semaphore_mem>>, %arg20: memref<!tpu.dma_semaphore, #tpu.memory_space<semaphore_mem>>, %arg21: memref<!tpu.dma_semaphore, #tpu.memory_space<semaphore_mem>>, %arg22: memref<!tpu.dma_semaphore, #tpu.memory_space<semaphore_mem>>, %arg23: memref<!tpu.dma_semaphore, #tpu.memory_space<semaphore_mem>>) attributes {dimension_semantics = [#tpu.dimension_semantics<core_parallel>, #tpu.dimension_semantics<subcore_parallel>], iteration_bounds = array<i64: 2, 16>, scalar_prefetch = 0 : i64, scratch_operands = 18 : i64, tpu.core_type = #tpu.core_type<sc_vector_subcore>, window_params = [{transform_indices = #map}, {transform_indices = #map1}, {transform_indices = #map1}, {transform_indices = #map2}]} {
    %mul3A = arith.constant 2 : i32
    %mul3A_0 = arith.muli %arg1, %mul3A : i32
    %add3A = arith.addi %mul3A_0, %arg0 : i32
    %jit3A = arith.constant 16 : i32
    %div3A = arith.divsi %add3A, %jit3A : i32
    %sign3A = arith.constant 0 : i32
    %sign3A_1 = arith.cmpi sgt, %add3A, %sign3A : i32
    %sign3A_2 = arith.extui %sign3A_1 : i1 to i32
    %sign3A_3 = arith.constant 0 : i32
    %sign3A_4 = arith.cmpi slt, %add3A, %sign3A_3 : i32
    %sign3A_5 = arith.extui %sign3A_4 : i1 to i32
    %sign3A_6 = arith.subi %sign3A_2, %sign3A_5 : i32
    %sign3A_7 = arith.constant 0 : i32
    %sign3A_8 = arith.cmpi sgt, %jit3A, %sign3A_7 : i32
    %sign3A_9 = arith.extui %sign3A_8 : i1 to i32
    %sign3A_10 = arith.constant 0 : i32
    %sign3A_11 = arith.cmpi slt, %jit3A, %sign3A_10 : i32
    %sign3A_12 = arith.extui %sign3A_11 : i1 to i32
    %sign3A_13 = arith.subi %sign3A_9, %sign3A_12 : i32
    %ne3A = arith.cmpi ne, %sign3A_6, %sign3A_13 : i32
    %rem3A = arith.remsi %add3A, %jit3A : i32
    %ne3A_14 = arith.constant 0 : i32
    %ne3A_15 = arith.cmpi ne, %rem3A, %ne3A_14 : i32
    %and3A = arith.andi %ne3A, %ne3A_15 : i1
    %sub3A = arith.constant 1 : i32
    %sub3A_16 = arith.subi %div3A, %sub3A : i32
    %select_n3A = arith.select %and3A, %sub3A_16, %div3A : i32
    %rem3A_17 = arith.constant 16 : i32
    %rem3A_18 = arith.remsi %add3A, %rem3A_17 : i32
    %mul3A_19 = arith.constant 64 : i32
    %mul3A_20 = arith.muli %select_n3A, %mul3A_19 : i32
    %mul3A_21 = arith.constant 32 : i32
    %mul3A_22 = arith.muli %rem3A_18, %mul3A_21 : i32
    "tpu.region"() ({
      %run_scoped3A = tpu.sem_alloc : memref<!tpu.dma_semaphore, #tpu.memory_space<semaphore_mem>>
      %dma_start3A_177 = arith.constant 0 : i32
      %dma_start3A_178 = tpu.memref_slice %arg4[%mul3A_22, %dma_start3A_177] : memref<512x768xf32, #tpu.memory_space<hbm>> -> memref<32x768xf32, #tpu.memory_space<hbm>>
      %dma_start3A_179 = arith.constant 0 : i32
      %dma_start3A_180 = tpu.memref_slice %arg4[%mul3A_22, %dma_start3A_179] : memref<512x768xf32, #tpu.memory_space<hbm>> -> memref<32x768xf32, #tpu.memory_space<hbm>>
      tpu.enqueue_dma source(%dma_start3A_180 : memref<32x768xf32, #tpu.memory_space<hbm>>) target(%arg7 : memref<32x768xf32, #tpu.memory_space<vmem>>) target_semaphore(%run_scoped3A : memref<!tpu.dma_semaphore, #tpu.memory_space<semaphore_mem>>)
      %dma_wait3A_181 = arith.constant 0 : i32
      %dma_wait3A_182 = tpu.memref_slice %arg4[%mul3A_22, %dma_wait3A_181] : memref<512x768xf32, #tpu.memory_space<hbm>> -> memref<32x768xf32, #tpu.memory_space<hbm>>
      %dma_wait3A_183 = arith.constant 0 : i32
      %dma_wait3A_184 = tpu.memref_slice %arg4[%mul3A_22, %dma_wait3A_183] : memref<512x768xf32, #tpu.memory_space<hbm>> -> memref<32x768xf32, #tpu.memory_space<hbm>>
      tpu.wait_dma2 semaphore(%run_scoped3A : memref<!tpu.dma_semaphore, #tpu.memory_space<semaphore_mem>>) src(%dma_wait3A_184 : memref<32x768xf32, #tpu.memory_space<hbm>>) dst(%arg7 : memref<32x768xf32, #tpu.memory_space<vmem>>)
      tpu.yield
    }) : () -> ()
    %add3A_23 = arith.constant 0 : i32
    %add3A_24 = arith.addi %mul3A_20, %add3A_23 : i32
    %mul3A_25 = arith.constant 512 : i32
    %mul3A_26 = arith.muli %add3A_24, %mul3A_25 : i32
    %add3A_27 = arith.addi %mul3A_26, %mul3A_22 : i32
    %dma_start3A = arith.constant 0 : i32
    %dma_start3A_28 = arith.constant 0 : i32
    %dma_start3A_29 = tpu.memref_slice %arg6[%dma_start3A, %dma_start3A_28] : memref<4x32xi32, #tpu.memory_space<vmem>> -> memref<1x32xi32, #tpu.memory_space<vmem>>
    %dma_start3A_30 = tpu.memref_squeeze %dma_start3A_29 : memref<1x32xi32, #tpu.memory_space<vmem>> -> memref<32xi32, #tpu.memory_space<vmem>>
    %dma_start3A_31 = tpu.memref_slice %arg2[%add3A_27] : memref<65536xi32, #tpu.memory_space<hbm>> -> memref<32xi32, #tpu.memory_space<hbm>>
    %dma_start3A_32 = arith.constant 0 : i32
    %dma_start3A_33 = tpu.memref_slice %arg6[%dma_start3A, %dma_start3A_32] : memref<4x32xi32, #tpu.memory_space<vmem>> -> memref<1x32xi32, #tpu.memory_space<vmem>>
    %dma_start3A_34 = tpu.memref_squeeze %dma_start3A_33 : memref<1x32xi32, #tpu.memory_space<vmem>> -> memref<32xi32, #tpu.memory_space<vmem>>
    %dma_start3A_35 = tpu.memref_slice %arg2[%add3A_27] : memref<65536xi32, #tpu.memory_space<hbm>> -> memref<32xi32, #tpu.memory_space<hbm>>
    tpu.enqueue_dma source(%dma_start3A_35 : memref<32xi32, #tpu.memory_space<hbm>>) target(%dma_start3A_34 : memref<32xi32, #tpu.memory_space<vmem>>) target_semaphore(%arg20 : memref<!tpu.dma_semaphore, #tpu.memory_space<semaphore_mem>>)
    %add3A_36 = arith.constant 1 : i32
    %add3A_37 = arith.addi %mul3A_20, %add3A_36 : i32
    %mul3A_38 = arith.constant 512 : i32
    %mul3A_39 = arith.muli %add3A_37, %mul3A_38 : i32
    %add3A_40 = arith.addi %mul3A_39, %mul3A_22 : i32
    %dma_start3A_41 = arith.constant 1 : i32
    %dma_start3A_42 = arith.constant 0 : i32
    %dma_start3A_43 = tpu.memref_slice %arg6[%dma_start3A_41, %dma_start3A_42] : memref<4x32xi32, #tpu.memory_space<vmem>> -> memref<1x32xi32, #tpu.memory_space<vmem>>
    %dma_start3A_44 = tpu.memref_squeeze %dma_start3A_43 : memref<1x32xi32, #tpu.memory_space<vmem>> -> memref<32xi32, #tpu.memory_space<vmem>>
    %dma_start3A_45 = tpu.memref_slice %arg2[%add3A_40] : memref<65536xi32, #tpu.memory_space<hbm>> -> memref<32xi32, #tpu.memory_space<hbm>>
    %dma_start3A_46 = arith.constant 0 : i32
    %dma_start3A_47 = tpu.memref_slice %arg6[%dma_start3A_41, %dma_start3A_46] : memref<4x32xi32, #tpu.memory_space<vmem>> -> memref<1x32xi32, #tpu.memory_space<vmem>>
    %dma_start3A_48 = tpu.memref_squeeze %dma_start3A_47 : memref<1x32xi32, #tpu.memory_space<vmem>> -> memref<32xi32, #tpu.memory_space<vmem>>
    %dma_start3A_49 = tpu.memref_slice %arg2[%add3A_40] : memref<65536xi32, #tpu.memory_space<hbm>> -> memref<32xi32, #tpu.memory_space<hbm>>
    tpu.enqueue_dma source(%dma_start3A_49 : memref<32xi32, #tpu.memory_space<hbm>>) target(%dma_start3A_48 : memref<32xi32, #tpu.memory_space<vmem>>) target_semaphore(%arg21 : memref<!tpu.dma_semaphore, #tpu.memory_space<semaphore_mem>>)
    %add3A_50 = arith.constant 2 : i32
    %add3A_51 = arith.addi %mul3A_20, %add3A_50 : i32
    %mul3A_52 = arith.constant 512 : i32
    %mul3A_53 = arith.muli %add3A_51, %mul3A_52 : i32
    %add3A_54 = arith.addi %mul3A_53, %mul3A_22 : i32
    %dma_start3A_55 = arith.constant 2 : i32
    %dma_start3A_56 = arith.constant 0 : i32
    %dma_start3A_57 = tpu.memref_slice %arg6[%dma_start3A_55, %dma_start3A_56] : memref<4x32xi32, #tpu.memory_space<vmem>> -> memref<1x32xi32, #tpu.memory_space<vmem>>
    %dma_start3A_58 = tpu.memref_squeeze %dma_start3A_57 : memref<1x32xi32, #tpu.memory_space<vmem>> -> memref<32xi32, #tpu.memory_space<vmem>>
    %dma_start3A_59 = tpu.memref_slice %arg2[%add3A_54] : memref<65536xi32, #tpu.memory_space<hbm>> -> memref<32xi32, #tpu.memory_space<hbm>>
    %dma_start3A_60 = arith.constant 0 : i32
    %dma_start3A_61 = tpu.memref_slice %arg6[%dma_start3A_55, %dma_start3A_60] : memref<4x32xi32, #tpu.memory_space<vmem>> -> memref<1x32xi32, #tpu.memory_space<vmem>>
    %dma_start3A_62 = tpu.memref_squeeze %dma_start3A_61 : memref<1x32xi32, #tpu.memory_space<vmem>> -> memref<32xi32, #tpu.memory_space<vmem>>
    %dma_start3A_63 = tpu.memref_slice %arg2[%add3A_54] : memref<65536xi32, #tpu.memory_space<hbm>> -> memref<32xi32, #tpu.memory_space<hbm>>
    tpu.enqueue_dma source(%dma_start3A_63 : memref<32xi32, #tpu.memory_space<hbm>>) target(%dma_start3A_62 : memref<32xi32, #tpu.memory_space<vmem>>) target_semaphore(%arg22 : memref<!tpu.dma_semaphore, #tpu.memory_space<semaphore_mem>>)
    %add3A_64 = arith.constant 3 : i32
    %add3A_65 = arith.addi %mul3A_20, %add3A_64 : i32
    %mul3A_66 = arith.constant 512 : i32
    %mul3A_67 = arith.muli %add3A_65, %mul3A_66 : i32
    %add3A_68 = arith.addi %mul3A_67, %mul3A_22 : i32
    %dma_start3A_69 = arith.constant 3 : i32
    %dma_start3A_70 = arith.constant 0 : i32
    %dma_start3A_71 = tpu.memref_slice %arg6[%dma_start3A_69, %dma_start3A_70] : memref<4x32xi32, #tpu.memory_space<vmem>> -> memref<1x32xi32, #tpu.memory_space<vmem>>
    %dma_start3A_72 = tpu.memref_squeeze %dma_start3A_71 : memref<1x32xi32, #tpu.memory_space<vmem>> -> memref<32xi32, #tpu.memory_space<vmem>>
    %dma_start3A_73 = tpu.memref_slice %arg2[%add3A_68] : memref<65536xi32, #tpu.memory_space<hbm>> -> memref<32xi32, #tpu.memory_space<hbm>>
    %dma_start3A_74 = arith.constant 0 : i32
    %dma_start3A_75 = tpu.memref_slice %arg6[%dma_start3A_69, %dma_start3A_74] : memref<4x32xi32, #tpu.memory_space<vmem>> -> memref<1x32xi32, #tpu.memory_space<vmem>>
    %dma_start3A_76 = tpu.memref_squeeze %dma_start3A_75 : memref<1x32xi32, #tpu.memory_space<vmem>> -> memref<32xi32, #tpu.memory_space<vmem>>
    %dma_start3A_77 = tpu.memref_slice %arg2[%add3A_68] : memref<65536xi32, #tpu.memory_space<hbm>> -> memref<32xi32, #tpu.memory_space<hbm>>
    tpu.enqueue_dma source(%dma_start3A_77 : memref<32xi32, #tpu.memory_space<hbm>>) target(%dma_start3A_76 : memref<32xi32, #tpu.memory_space<vmem>>) target_semaphore(%arg23 : memref<!tpu.dma_semaphore, #tpu.memory_space<semaphore_mem>>)
    %add3A_78 = arith.constant 0 : i32
    %add3A_79 = arith.addi %mul3A_20, %add3A_78 : i32
    %mul3A_80 = arith.constant 512 : i32
    %mul3A_81 = arith.muli %add3A_79, %mul3A_80 : i32
    %add3A_82 = arith.addi %mul3A_81, %mul3A_22 : i32
    %dma_wait3A = arith.constant 0 : i32
    %dma_wait3A_83 = arith.constant 0 : i32
    %dma_wait3A_84 = tpu.memref_slice %arg6[%dma_wait3A, %dma_wait3A_83] : memref<4x32xi32, #tpu.memory_space<vmem>> -> memref<1x32xi32, #tpu.memory_space<vmem>>
    %dma_wait3A_85 = tpu.memref_squeeze %dma_wait3A_84 : memref<1x32xi32, #tpu.memory_space<vmem>> -> memref<32xi32, #tpu.memory_space<vmem>>
    %dma_wait3A_86 = tpu.memref_slice %arg2[%add3A_82] : memref<65536xi32, #tpu.memory_space<hbm>> -> memref<32xi32, #tpu.memory_space<hbm>>
    %dma_wait3A_87 = arith.constant 0 : i32
    %dma_wait3A_88 = tpu.memref_slice %arg6[%dma_wait3A, %dma_wait3A_87] : memref<4x32xi32, #tpu.memory_space<vmem>> -> memref<1x32xi32, #tpu.memory_space<vmem>>
    %dma_wait3A_89 = tpu.memref_squeeze %dma_wait3A_88 : memref<1x32xi32, #tpu.memory_space<vmem>> -> memref<32xi32, #tpu.memory_space<vmem>>
    %dma_wait3A_90 = tpu.memref_slice %arg2[%add3A_82] : memref<65536xi32, #tpu.memory_space<hbm>> -> memref<32xi32, #tpu.memory_space<hbm>>
    tpu.wait_dma2 semaphore(%arg20 : memref<!tpu.dma_semaphore, #tpu.memory_space<semaphore_mem>>) src(%dma_wait3A_90 : memref<32xi32, #tpu.memory_space<hbm>>) dst(%dma_wait3A_89 : memref<32xi32, #tpu.memory_space<vmem>>)
    %dma_start3A_91 = arith.constant 0 : i32
    %dma_start3A_92 = arith.constant 0 : i32
    %dma_start3A_93 = tpu.memref_slice %arg6[%dma_start3A_91, %dma_start3A_92] : memref<4x32xi32, #tpu.memory_space<vmem>> -> memref<1x32xi32, #tpu.memory_space<vmem>>
    %dma_start3A_94 = tpu.memref_squeeze %dma_start3A_93 : memref<1x32xi32, #tpu.memory_space<vmem>> -> memref<32xi32, #tpu.memory_space<vmem>>
    %dma_start3A_95 = arith.constant 0 : i32
    %dma_start3A_96 = arith.constant 0 : i32
    %dma_start3A_97 = tpu.memref_slice %arg3[%dma_start3A_95, %dma_start3A_96] : memref<30522x768xf32, #tpu.memory_space<hbm>> -> memref<30522x768xf32, #tpu.memory_space<hbm>>
    tpu.enqueue_indirect_dma source(%dma_start3A_97 : memref<30522x768xf32, #tpu.memory_space<hbm>>) target(%arg8 : memref<32x768xf32, #tpu.memory_space<vmem>>) offsets(%dma_start3A_94 : memref<32xi32, #tpu.memory_space<vmem>>) semaphore(%arg12 : memref<!tpu.dma_semaphore, #tpu.memory_space<semaphore_mem>>)
    %add3A_98 = arith.constant 1 : i32
    %add3A_99 = arith.addi %mul3A_20, %add3A_98 : i32
    %mul3A_100 = arith.constant 512 : i32
    %mul3A_101 = arith.muli %add3A_99, %mul3A_100 : i32
    %add3A_102 = arith.addi %mul3A_101, %mul3A_22 : i32
    %dma_wait3A_103 = arith.constant 1 : i32
    %dma_wait3A_104 = arith.constant 0 : i32
    %dma_wait3A_105 = tpu.memref_slice %arg6[%dma_wait3A_103, %dma_wait3A_104] : memref<4x32xi32, #tpu.memory_space<vmem>> -> memref<1x32xi32, #tpu.memory_space<vmem>>
    %dma_wait3A_106 = tpu.memref_squeeze %dma_wait3A_105 : memref<1x32xi32, #tpu.memory_space<vmem>> -> memref<32xi32, #tpu.memory_space<vmem>>
    %dma_wait3A_107 = tpu.memref_slice %arg2[%add3A_102] : memref<65536xi32, #tpu.memory_space<hbm>> -> memref<32xi32, #tpu.memory_space<hbm>>
    %dma_wait3A_108 = arith.constant 0 : i32
    %dma_wait3A_109 = tpu.memref_slice %arg6[%dma_wait3A_103, %dma_wait3A_108] : memref<4x32xi32, #tpu.memory_space<vmem>> -> memref<1x32xi32, #tpu.memory_space<vmem>>
    %dma_wait3A_110 = tpu.memref_squeeze %dma_wait3A_109 : memref<1x32xi32, #tpu.memory_space<vmem>> -> memref<32xi32, #tpu.memory_space<vmem>>
    %dma_wait3A_111 = tpu.memref_slice %arg2[%add3A_102] : memref<65536xi32, #tpu.memory_space<hbm>> -> memref<32xi32, #tpu.memory_space<hbm>>
    tpu.wait_dma2 semaphore(%arg21 : memref<!tpu.dma_semaphore, #tpu.memory_space<semaphore_mem>>) src(%dma_wait3A_111 : memref<32xi32, #tpu.memory_space<hbm>>) dst(%dma_wait3A_110 : memref<32xi32, #tpu.memory_space<vmem>>)
    %dma_start3A_112 = arith.constant 1 : i32
    %dma_start3A_113 = arith.constant 0 : i32
    %dma_start3A_114 = tpu.memref_slice %arg6[%dma_start3A_112, %dma_start3A_113] : memref<4x32xi32, #tpu.memory_space<vmem>> -> memref<1x32xi32, #tpu.memory_space<vmem>>
    %dma_start3A_115 = tpu.memref_squeeze %dma_start3A_114 : memref<1x32xi32, #tpu.memory_space<vmem>> -> memref<32xi32, #tpu.memory_space<vmem>>
    %dma_start3A_116 = arith.constant 0 : i32
    %dma_start3A_117 = arith.constant 0 : i32
    %dma_start3A_118 = tpu.memref_slice %arg3[%dma_start3A_116, %dma_start3A_117] : memref<30522x768xf32, #tpu.memory_space<hbm>> -> memref<30522x768xf32, #tpu.memory_space<hbm>>
    tpu.enqueue_indirect_dma source(%dma_start3A_118 : memref<30522x768xf32, #tpu.memory_space<hbm>>) target(%arg9 : memref<32x768xf32, #tpu.memory_space<vmem>>) offsets(%dma_start3A_115 : memref<32xi32, #tpu.memory_space<vmem>>) semaphore(%arg13 : memref<!tpu.dma_semaphore, #tpu.memory_space<semaphore_mem>>)
    %add3A_119 = arith.constant 2 : i32
    %add3A_120 = arith.addi %mul3A_20, %add3A_119 : i32
    %mul3A_121 = arith.constant 512 : i32
    %mul3A_122 = arith.muli %add3A_120, %mul3A_121 : i32
    %add3A_123 = arith.addi %mul3A_122, %mul3A_22 : i32
    %dma_wait3A_124 = arith.constant 2 : i32
    %dma_wait3A_125 = arith.constant 0 : i32
    %dma_wait3A_126 = tpu.memref_slice %arg6[%dma_wait3A_124, %dma_wait3A_125] : memref<4x32xi32, #tpu.memory_space<vmem>> -> memref<1x32xi32, #tpu.memory_space<vmem>>
    %dma_wait3A_127 = tpu.memref_squeeze %dma_wait3A_126 : memref<1x32xi32, #tpu.memory_space<vmem>> -> memref<32xi32, #tpu.memory_space<vmem>>
    %dma_wait3A_128 = tpu.memref_slice %arg2[%add3A_123] : memref<65536xi32, #tpu.memory_space<hbm>> -> memref<32xi32, #tpu.memory_space<hbm>>
    %dma_wait3A_129 = arith.constant 0 : i32
    %dma_wait3A_130 = tpu.memref_slice %arg6[%dma_wait3A_124, %dma_wait3A_129] : memref<4x32xi32, #tpu.memory_space<vmem>> -> memref<1x32xi32, #tpu.memory_space<vmem>>
    %dma_wait3A_131 = tpu.memref_squeeze %dma_wait3A_130 : memref<1x32xi32, #tpu.memory_space<vmem>> -> memref<32xi32, #tpu.memory_space<vmem>>
    %dma_wait3A_132 = tpu.memref_slice %arg2[%add3A_123] : memref<65536xi32, #tpu.memory_space<hbm>> -> memref<32xi32, #tpu.memory_space<hbm>>
    tpu.wait_dma2 semaphore(%arg22 : memref<!tpu.dma_semaphore, #tpu.memory_space<semaphore_mem>>) src(%dma_wait3A_132 : memref<32xi32, #tpu.memory_space<hbm>>) dst(%dma_wait3A_131 : memref<32xi32, #tpu.memory_space<vmem>>)
    %dma_start3A_133 = arith.constant 2 : i32
    %dma_start3A_134 = arith.constant 0 : i32
    %dma_start3A_135 = tpu.memref_slice %arg6[%dma_start3A_133, %dma_start3A_134] : memref<4x32xi32, #tpu.memory_space<vmem>> -> memref<1x32xi32, #tpu.memory_space<vmem>>
    %dma_start3A_136 = tpu.memref_squeeze %dma_start3A_135 : memref<1x32xi32, #tpu.memory_space<vmem>> -> memref<32xi32, #tpu.memory_space<vmem>>
    %dma_start3A_137 = arith.constant 0 : i32
    %dma_start3A_138 = arith.constant 0 : i32
    %dma_start3A_139 = tpu.memref_slice %arg3[%dma_start3A_137, %dma_start3A_138] : memref<30522x768xf32, #tpu.memory_space<hbm>> -> memref<30522x768xf32, #tpu.memory_space<hbm>>
    tpu.enqueue_indirect_dma source(%dma_start3A_139 : memref<30522x768xf32, #tpu.memory_space<hbm>>) target(%arg10 : memref<32x768xf32, #tpu.memory_space<vmem>>) offsets(%dma_start3A_136 : memref<32xi32, #tpu.memory_space<vmem>>) semaphore(%arg14 : memref<!tpu.dma_semaphore, #tpu.memory_space<semaphore_mem>>)
    %scan3A = arith.constant 0 : i32
    %scan3A_140 = arith.constant 0 : i32
    %scan3A_141 = arith.constant 16 : i32
    %scan3A_142 = arith.addi %scan3A_140, %scan3A_141 : i32
    %scan3A_143 = arith.constant 1 : i32
    scf.for %scan3A_177 = %scan3A_140 to %scan3A_142 step %scan3A_143  : i32 {
      %mul3A_178 = arith.constant 4 : i32
      %mul3A_179 = arith.muli %scan3A_177, %mul3A_178 : i32
      %add3A_180 = arith.constant 0 : i32
      %add3A_181 = arith.addi %mul3A_179, %add3A_180 : i32
      %dma_wait3A_182 = arith.constant 0 : i32
      %dma_wait3A_183 = arith.constant 0 : i32
      %dma_wait3A_184 = tpu.memref_slice %arg6[%dma_wait3A_182, %dma_wait3A_183] : memref<4x32xi32, #tpu.memory_space<vmem>> -> memref<1x32xi32, #tpu.memory_space<vmem>>
      %dma_wait3A_185 = tpu.memref_squeeze %dma_wait3A_184 : memref<1x32xi32, #tpu.memory_space<vmem>> -> memref<32xi32, #tpu.memory_space<vmem>>
      %dma_wait3A_186 = arith.constant 0 : i32
      %dma_wait3A_187 = arith.constant 0 : i32
      %dma_wait3A_188 = tpu.memref_slice %arg3[%dma_wait3A_186, %dma_wait3A_187] : memref<30522x768xf32, #tpu.memory_space<hbm>> -> memref<30522x768xf32, #tpu.memory_space<hbm>>
      tpu.wait_indirect_dma semaphore(%arg12 : memref<!tpu.dma_semaphore, #tpu.memory_space<semaphore_mem>>) src(%dma_wait3A_188 : memref<30522x768xf32, #tpu.memory_space<hbm>>) dst(%arg8 : memref<32x768xf32, #tpu.memory_space<vmem>>)
      %scan3A_189 = arith.constant 0 : i32
      %scan3A_190 = arith.constant 0 : i32
      %scan3A_191 = arith.constant 32 : i32
      %scan3A_192 = arith.addi %scan3A_190, %scan3A_191 : i32
      %scan3A_193 = arith.constant 1 : i32
      scf.for %scan3A_366 = %scan3A_190 to %scan3A_192 step %scan3A_193  : i32 {
        %get3A = arith.index_cast %scan3A_366 : i32 to index
        %get3A_367 = arith.constant 0 : index
        %get3A_368 = tpu.vector_load %arg8[%get3A, %get3A_367] {strides = array<i32>} : memref<32x768xf32, #tpu.memory_space<vmem>>, vector<1x16xf32>,
        %get3A_369 = vector.shape_cast %get3A_368 : vector<1x16xf32> to vector<16xf32>
        %get3A_370 = arith.index_cast %scan3A_366 : i32 to index
        %get3A_371 = arith.constant 0 : index
        %get3A_372 = tpu.vector_load %arg7[%get3A_370, %get3A_371] {strides = array<i32>} : memref<32x768xf32, #tpu.memory_space<vmem>>, vector<1x16xf32>,
        %get3A_373 = vector.shape_cast %get3A_372 : vector<1x16xf32> to vector<16xf32>
        %add3A_374 = arith.addf %get3A_369, %get3A_373 : vector<16xf32>
        %mul3A_375 = arith.constant 2.000000e+00 : f32
        %mul3A_376 = vector.broadcast %mul3A_375 : f32 to vector<16xf32>
        %mul3A_377 = arith.mulf %add3A_374, %mul3A_376 : vector<16xf32>
        %swap3A = arith.index_cast %scan3A_366 : i32 to index
        %swap3A_378 = arith.constant 0 : index
        %swap3A_379 = tpu.vector_load %arg8[%swap3A, %swap3A_378] {strides = array<i32>} : memref<32x768xf32, #tpu.memory_space<vmem>>, vector<1x16xf32>,
        %swap3A_380 = vector.shape_cast %swap3A_379 : vector<1x16xf32> to vector<16xf32>
        %swap3A_381 = vector.shape_cast %mul3A_377 : vector<16xf32> to vector<1x16xf32>
        tpu.vector_store %arg8[%swap3A, %swap3A_378], %swap3A_381 {strides = array<i32>} : memref<32x768xf32, #tpu.memory_space<vmem>>, vector<1x16xf32>,
        %get3A_382 = arith.index_cast %scan3A_366 : i32 to index
        %get3A_383 = arith.constant 16 : index
        %get3A_384 = tpu.vector_load %arg8[%get3A_382, %get3A_383] {strides = array<i32>} : memref<32x768xf32, #tpu.memory_space<vmem>>, vector<1x16xf32>,
        %get3A_385 = vector.shape_cast %get3A_384 : vector<1x16xf32> to vector<16xf32>
        %get3A_386 = arith.index_cast %scan3A_366 : i32 to index
        %get3A_387 = arith.constant 16 : index
        %get3A_388 = tpu.vector_load %arg7[%get3A_386, %get3A_387] {strides = array<i32>} : memref<32x768xf32, #tpu.memory_space<vmem>>, vector<1x16xf32>,
        %get3A_389 = vector.shape_cast %get3A_388 : vector<1x16xf32> to vector<16xf32>
        %add3A_390 = arith.addf %get3A_385, %get3A_389 : vector<16xf32>
        %mul3A_391 = arith.constant 2.000000e+00 : f32
        %mul3A_392 = vector.broadcast %mul3A_391 : f32 to vector<16xf32>
        %mul3A_393 = arith.mulf %add3A_390, %mul3A_392 : vector<16xf32>
        %swap3A_394 = arith.index_cast %scan3A_366 : i32 to index
        %swap3A_395 = arith.constant 16 : index
        %swap3A_396 = tpu.vector_load %arg8[%swap3A_394, %swap3A_395] {strides = array<i32>} : memref<32x768xf32, #tpu.memory_space<vmem>>, vector<1x16xf32>,
        %swap3A_397 = vector.shape_cast %swap3A_396 : vector<1x16xf32> to vector<16xf32>
        %swap3A_398 = vector.shape_cast %mul3A_393 : vector<16xf32> to vector<1x16xf32>
        tpu.vector_store %arg8[%swap3A_394, %swap3A_395], %swap3A_398 {strides = array<i32>} : memref<32x768xf32, #tpu.memory_space<vmem>>, vector<1x16xf32>,
        %get3A_399 = arith.index_cast %scan3A_366 : i32 to index
        %get3A_400 = arith.constant 32 : index
        %get3A_401 = tpu.vector_load %arg8[%get3A_399, %get3A_400] {strides = array<i32>} : memref<32x768xf32, #tpu.memory_space<vmem>>, vector<1x16xf32>,
        %get3A_402 = vector.shape_cast %get3A_401 : vector<1x16xf32> to vector<16xf32>
        %get3A_403 = arith.index_cast %scan3A_366 : i32 to index
        %get3A_404 = arith.constant 32 : index
        %get3A_405 = tpu.vector_load %arg7[%get3A_403, %get3A_404] {strides = array<i32>} : memref<32x768xf32, #tpu.memory_space<vmem>>, vector<1x16xf32>,
        %get3A_406 = vector.shape_cast %get3A_405 : vector<1x16xf32> to vector<16xf32>
        %add3A_407 = arith.addf %get3A_402, %get3A_406 : vector<16xf32>
        %mul3A_408 = arith.constant 2.000000e+00 : f32
        %mul3A_409 = vector.broadcast %mul3A_408 : f32 to vector<16xf32>
        %mul3A_410 = arith.mulf %add3A_407, %mul3A_409 : vector<16xf32>
        %swap3A_411 = arith.index_cast %scan3A_366 : i32 to index
        %swap3A_412 = arith.constant 32 : index
        %swap3A_413 = tpu.vector_load %arg8[%swap3A_411, %swap3A_412] {strides = array<i32>} : memref<32x768xf32, #tpu.memory_space<vmem>>, vector<1x16xf32>,
        %swap3A_414 = vector.shape_cast %swap3A_413 : vector<1x16xf32> to vector<16xf32>
        %swap3A_415 = vector.shape_cast %mul3A_410 : vector<16xf32> to vector<1x16xf32>
        tpu.vector_store %arg8[%swap3A_411, %swap3A_412], %swap3A_415 {strides = array<i32>} : memref<32x768xf32, #tpu.memory_space<vmem>>, vector<1x16xf32>,
        %get3A_416 = arith.index_cast %scan3A_366 : i32 to index
        %get3A_417 = arith.constant 48 : index
        %get3A_418 = tpu.vector_load %arg8[%get3A_416, %get3A_417] {strides = array<i32>} : memref<32x768xf32, #tpu.memory_space<vmem>>, vector<1x16xf32>,
        %get3A_419 = vector.shape_cast %get3A_418 : vector<1x16xf32> to vector<16xf32>
        %get3A_420 = arith.index_cast %scan3A_366 : i32 to index
        %get3A_421 = arith.constant 48 : index
        %get3A_422 = tpu.vector_load %arg7[%get3A_420, %get3A_421] {strides = array<i32>} : memref<32x768xf32, #tpu.memory_space<vmem>>, vector<1x16xf32>,
        %get3A_423 = vector.shape_cast %get3A_422 : vector<1x16xf32> to vector<16xf32>
        %add3A_424 = arith.addf %get3A_419, %get3A_423 : vector<16xf32>
        %mul3A_425 = arith.constant 2.000000e+00 : f32
        %mul3A_426 = vector.broadcast %mul3A_425 : f32 to vector<16xf32>
        %mul3A_427 = arith.mulf %add3A_424, %mul3A_426 : vector<16xf32>
        %swap3A_428 = arith.index_cast %scan3A_366 : i32 to index
        %swap3A_429 = arith.constant 48 : index
        %swap3A_430 = tpu.vector_load %arg8[%swap3A_428, %swap3A_429] {strides = array<i32>} : memref<32x768xf32, #tpu.memory_space<vmem>>, vector<1x16xf32>,
        %swap3A_431 = vector.shape_cast %swap3A_430 : vector<1x16xf32> to vector<16xf32>
        %swap3A_432 = vector.shape_cast %mul3A_427 : vector<16xf32> to vector<1x16xf32>
        tpu.vector_store %arg8[%swap3A_428, %swap3A_429], %swap3A_432 {strides = array<i32>} : memref<32x768xf32, #tpu.memory_space<vmem>>, vector<1x16xf32>,
        %get3A_433 = arith.index_cast %scan3A_366 : i32 to index
        %get3A_434 = arith.constant 64 : index
        %get3A_435 = tpu.vector_load %arg8[%get3A_433, %get3A_434] {strides = array<i32>} : memref<32x768xf32, #tpu.memory_space<vmem>>, vector<1x16xf32>,
        %get3A_436 = vector.shape_cast %get3A_435 : vector<1x16xf32> to vector<16xf32>
        %get3A_437 = arith.index_cast %scan3A_366 : i32 to index
        %get3A_438 = arith.constant 64 : index
        %get3A_439 = tpu.vector_load %arg7[%get3A_437, %get3A_438] {strides = array<i32>} : memref<32x768xf32, #tpu.memory_space<vmem>>, vector<1x16xf32>,
        %get3A_440 = vector.shape_cast %get3A_439 : vector<1x16xf32> to vector<16xf32>
        %add3A_441 = arith.addf %get3A_436, %get3A_440 : vector<16xf32>
        %mul3A_442 = arith.constant 2.000000e+00 : f32
        %mul3A_443 = vector.broadcast %mul3A_442 : f32 to vector<16xf32>
        %mul3A_444 = arith.mulf %add3A_441, %mul3A_443 : vector<16xf32>
        %swap3A_445 = arith.index_cast %scan3A_366 : i32 to index
        %swap3A_446 = arith.constant 64 : index
        %swap3A_447 = tpu.vector_load %arg8[%swap3A_445, %swap3A_446] {strides = array<i32>} : memref<32x768xf32, #tpu.memory_space<vmem>>, vector<1x16xf32>,
        %swap3A_448 = vector.shape_cast %swap3A_447 : vector<1x16xf32> to vector<16xf32>
        %swap3A_449 = vector.shape_cast %mul3A_444 : vector<16xf32> to vector<1x16xf32>
        tpu.vector_store %arg8[%swap3A_445, %swap3A_446], %swap3A_449 {strides = array<i32>} : memref<32x768xf32, #tpu.memory_space<vmem>>, vector<1x16xf32>,
        %get3A_450 = arith.index_cast %scan3A_366 : i32 to index
        %get3A_451 = arith.constant 80 : index
        %get3A_452 = tpu.vector_load %arg8[%get3A_450, %get3A_451] {strides = array<i32>} : memref<32x768xf32, #tpu.memory_space<vmem>>, vector<1x16xf32>,
        %get3A_453 = vector.shape_cast %get3A_452 : vector<1x16xf32> to vector<16xf32>
        %get3A_454 = arith.index_cast %scan3A_366 : i32 to index
        %get3A_455 = arith.constant 80 : index
        %get3A_456 = tpu.vector_load %arg7[%get3A_454, %get3A_455] {strides = array<i32>} : memref<32x768xf32, #tpu.memory_space<vmem>>, vector<1x16xf32>,
        %get3A_457 = vector.shape_cast %get3A_456 : vector<1x16xf32> to vector<16xf32>
        %add3A_458 = arith.addf %get3A_453, %get3A_457 : vector<16xf32>
        %mul3A_459 = arith.constant 2.000000e+00 : f32
        %mul3A_460 = vector.broadcast %mul3A_459 : f32 to vector<16xf32>
        %mul3A_461 = arith.mulf %add3A_458, %mul3A_460 : vector<16xf32>
        %swap3A_462 = arith.index_cast %scan3A_366 : i32 to index
        %swap3A_463 = arith.constant 80 : index
        %swap3A_464 = tpu.vector_load %arg8[%swap3A_462, %swap3A_463] {strides = array<i32>} : memref<32x768xf32, #tpu.memory_space<vmem>>, vector<1x16xf32>,
        %swap3A_465 = vector.shape_cast %swap3A_464 : vector<1x16xf32> to vector<16xf32>
        %swap3A_466 = vector.shape_cast %mul3A_461 : vector<16xf32> to vector<1x16xf32>
        tpu.vector_store %arg8[%swap3A_462, %swap3A_463], %swap3A_466 {strides = array<i32>} : memref<32x768xf32, #tpu.memory_space<vmem>>, vector<1x16xf32>,
        %get3A_467 = arith.index_cast %scan3A_366 : i32 to index
        %get3A_468 = arith.constant 96 : index
        %get3A_469 = tpu.vector_load %arg8[%get3A_467, %get3A_468] {strides = array<i32>} : memref<32x768xf32, #tpu.memory_space<vmem>>, vector<1x16xf32>,
        %get3A_470 = vector.shape_cast %get3A_469 : vector<1x16xf32> to vector<16xf32>
        %get3A_471 = arith.index_cast %scan3A_366 : i32 to index
        %get3A_472 = arith.constant 96 : index
        %get3A_473 = tpu.vector_load %arg7[%get3A_471, %get3A_472] {strides = array<i32>} : memref<32x768xf32, #tpu.memory_space<vmem>>, vector<1x16xf32>,
        %get3A_474 = vector.shape_cast %get3A_473 : vector<1x16xf32> to vector<16xf32>
        %add3A_475 = arith.addf %get3A_470, %get3A_474 : vector<16xf32>
        %mul3A_476 = arith.constant 2.000000e+00 : f32
        %mul3A_477 = vector.broadcast %mul3A_476 : f32 to vector<16xf32>
        %mul3A_478 = arith.mulf %add3A_475, %mul3A_477 : vector<16xf32>
        %swap3A_479 = arith.index_cast %scan3A_366 : i32 to index
        %swap3A_480 = arith.constant 96 : index
        %swap3A_481 = tpu.vector_load %arg8[%swap3A_479, %swap3A_480] {strides = array<i32>} : memref<32x768xf32, #tpu.memory_space<vmem>>, vector<1x16xf32>,
        %swap3A_482 = vector.shape_cast %swap3A_481 : vector<1x16xf32> to vector<16xf32>
        %swap3A_483 = vector.shape_cast %mul3A_478 : vector<16xf32> to vector<1x16xf32>
        tpu.vector_store %arg8[%swap3A_479, %swap3A_480], %swap3A_483 {strides = array<i32>} : memref<32x768xf32, #tpu.memory_space<vmem>>, vector<1x16xf32>,
        %get3A_484 = arith.index_cast %scan3A_366 : i32 to index
        %get3A_485 = arith.constant 112 : index
        %get3A_486 = tpu.vector_load %arg8[%get3A_484, %get3A_485] {strides = array<i32>} : memref<32x768xf32, #tpu.memory_space<vmem>>, vector<1x16xf32>,
        %get3A_487 = vector.shape_cast %get3A_486 : vector<1x16xf32> to vector<16xf32>
        %get3A_488 = arith.index_cast %scan3A_366 : i32 to index
        %get3A_489 = arith.constant 112 : index
        %get3A_490 = tpu.vector_load %arg7[%get3A_488, %get3A_489] {strides = array<i32>} : memref<32x768xf32, #tpu.memory_space<vmem>>, vector<1x16xf32>,
        %get3A_491 = vector.shape_cast %get3A_490 : vector<1x16xf32> to vector<16xf32>
        %add3A_492 = arith.addf %get3A_487, %get3A_491 : vector<16xf32>
        %mul3A_493 = arith.constant 2.000000e+00 : f32
        %mul3A_494 = vector.broadcast %mul3A_493 : f32 to vector<16xf32>
        %mul3A_495 = arith.mulf %add3A_492, %mul3A_494 : vector<16xf32>
        %swap3A_496 = arith.index_cast %scan3A_366 : i32 to index
        %swap3A_497 = arith.constant 112 : index
        %swap3A_498 = tpu.vector_load %arg8[%swap3A_496, %swap3A_497] {strides = array<i32>} : memref<32x768xf32, #tpu.memory_space<vmem>>, vector<1x16xf32>,
        %swap3A_499 = vector.shape_cast %swap3A_498 : vector<1x16xf32> to vector<16xf32>
        %swap3A_500 = vector.shape_cast %mul3A_495 : vector<16xf32> to vector<1x16xf32>
        tpu.vector_store %arg8[%swap3A_496, %swap3A_497], %swap3A_500 {strides = array<i32>} : memref<32x768xf32, #tpu.memory_space<vmem>>, vector<1x16xf32>,
        %get3A_501 = arith.index_cast %scan3A_366 : i32 to index
        %get3A_502 = arith.constant 128 : index
        %get3A_503 = tpu.vector_load %arg8[%get3A_501, %get3A_502] {strides = array<i32>} : memref<32x768xf32, #tpu.memory_space<vmem>>, vector<1x16xf32>,
        %get3A_504 = vector.shape_cast %get3A_503 : vector<1x16xf32> to vector<16xf32>
        %get3A_505 = arith.index_cast %scan3A_366 : i32 to index
        %get3A_506 = arith.constant 128 : index
        %get3A_507 = tpu.vector_load %arg7[%get3A_505, %get3A_506] {strides = array<i32>} : memref<32x768xf32, #tpu.memory_space<vmem>>, vector<1x16xf32>,
        %get3A_508 = vector.shape_cast %get3A_507 : vector<1x16xf32> to vector<16xf32>
        %add3A_509 = arith.addf %get3A_504, %get3A_508 : vector<16xf32>
        %mul3A_510 = arith.constant 2.000000e+00 : f32
        %mul3A_511 = vector.broadcast %mul3A_510 : f32 to vector<16xf32>
        %mul3A_512 = arith.mulf %add3A_509, %mul3A_511 : vector<16xf32>
        %swap3A_513 = arith.index_cast %scan3A_366 : i32 to index
        %swap3A_514 = arith.constant 128 : index
        %swap3A_515 = tpu.vector_load %arg8[%swap3A_513, %swap3A_514] {strides = array<i32>} : memref<32x768xf32, #tpu.memory_space<vmem>>, vector<1x16xf32>,
        %swap3A_516 = vector.shape_cast %swap3A_515 : vector<1x16xf32> to vector<16xf32>
        %swap3A_517 = vector.shape_cast %mul3A_512 : vector<16xf32> to vector<1x16xf32>
        tpu.vector_store %arg8[%swap3A_513, %swap3A_514], %swap3A_517 {strides = array<i32>} : memref<32x768xf32, #tpu.memory_space<vmem>>, vector<1x16xf32>,
        %get3A_518 = arith.index_cast %scan3A_366 : i32 to index
        %get3A_519 = arith.constant 144 : index
        %get3A_520 = tpu.vector_load %arg8[%get3A_518, %get3A_519] {strides = array<i32>} : memref<32x768xf32, #tpu.memory_space<vmem>>, vector<1x16xf32>,
        %get3A_521 = vector.shape_cast %get3A_520 : vector<1x16xf32> to vector<16xf32>
        %get3A_522 = arith.index_cast %scan3A_366 : i32 to index
        %get3A_523 = arith.constant 144 : index
        %get3A_524 = tpu.vector_load %arg7[%get3A_522, %get3A_523] {strides = array<i32>} : memref<32x768xf32, #tpu.memory_space<vmem>>, vector<1x16xf32>,
        %get3A_525 = vector.shape_cast %get3A_524 : vector<1x16xf32> to vector<16xf32>
        %add3A_526 = arith.addf %get3A_521, %get3A_525 : vector<16xf32>
        %mul3A_527 = arith.constant 2.000000e+00 : f32
        %mul3A_528 = vector.broadcast %mul3A_527 : f32 to vector<16xf32>
        %mul3A_529 = arith.mulf %add3A_526, %mul3A_528 : vector<16xf32>
        %swap3A_530 = arith.index_cast %scan3A_366 : i32 to index
        %swap3A_531 = arith.constant 144 : index
        %swap3A_532 = tpu.vector_load %arg8[%swap3A_530, %swap3A_531] {strides = array<i32>} : memref<32x768xf32, #tpu.memory_space<vmem>>, vector<1x16xf32>,
        %swap3A_533 = vector.shape_cast %swap3A_532 : vector<1x16xf32> to vector<16xf32>
        %swap3A_534 = vector.shape_cast %mul3A_529 : vector<16xf32> to vector<1x16xf32>
        tpu.vector_store %arg8[%swap3A_530, %swap3A_531], %swap3A_534 {strides = array<i32>} : memref<32x768xf32, #tpu.memory_space<vmem>>, vector<1x16xf32>,
        %get3A_535 = arith.index_cast %scan3A_366 : i32 to index
        %get3A_536 = arith.constant 160 : index
        %get3A_537 = tpu.vector_load %arg8[%get3A_535, %get3A_536] {strides = array<i32>} : memref<32x768xf32, #tpu.memory_space<vmem>>, vector<1x16xf32>,
        %get3A_538 = vector.shape_cast %get3A_537 : vector<1x16xf32> to vector<16xf32>
        %get3A_539 = arith.index_cast %scan3A_366 : i32 to index
        %get3A_540 = arith.constant 160 : index
        %get3A_541 = tpu.vector_load %arg7[%get3A_539, %get3A_540] {strides = array<i32>} : memref<32x768xf32, #tpu.memory_space<vmem>>, vector<1x16xf32>,
        %get3A_542 = vector.shape_cast %get3A_541 : vector<1x16xf32> to vector<16xf32>
        %add3A_543 = arith.addf %get3A_538, %get3A_542 : vector<16xf32>
        %mul3A_544 = arith.constant 2.000000e+00 : f32
        %mul3A_545 = vector.broadcast %mul3A_544 : f32 to vector<16xf32>
        %mul3A_546 = arith.mulf %add3A_543, %mul3A_545 : vector<16xf32>
        %swap3A_547 = arith.index_cast %scan3A_366 : i32 to index
        %swap3A_548 = arith.constant 160 : index
        %swap3A_549 = tpu.vector_load %arg8[%swap3A_547, %swap3A_548] {strides = array<i32>} : memref<32x768xf32, #tpu.memory_space<vmem>>, vector<1x16xf32>,
        %swap3A_550 = vector.shape_cast %swap3A_549 : vector<1x16xf32> to vector<16xf32>
        %swap3A_551 = vector.shape_cast %mul3A_546 : vector<16xf32> to vector<1x16xf32>
        tpu.vector_store %arg8[%swap3A_547, %swap3A_548], %swap3A_551 {strides = array<i32>} : memref<32x768xf32, #tpu.memory_space<vmem>>, vector<1x16xf32>,
        %get3A_552 = arith.index_cast %scan3A_366 : i32 to index
        %get3A_553 = arith.constant 176 : index
        %get3A_554 = tpu.vector_load %arg8[%get3A_552, %get3A_553] {strides = array<i32>} : memref<32x768xf32, #tpu.memory_space<vmem>>, vector<1x16xf32>,
        %get3A_555 = vector.shape_cast %get3A_554 : vector<1x16xf32> to vector<16xf32>
        %get3A_556 = arith.index_cast %scan3A_366 : i32 to index
        %get3A_557 = arith.constant 176 : index
        %get3A_558 = tpu.vector_load %arg7[%get3A_556, %get3A_557] {strides = array<i32>} : memref<32x768xf32, #tpu.memory_space<vmem>>, vector<1x16xf32>,
        %get3A_559 = vector.shape_cast %get3A_558 : vector<1x16xf32> to vector<16xf32>
        %add3A_560 = arith.addf %get3A_555, %get3A_559 : vector<16xf32>
        %mul3A_561 = arith.constant 2.000000e+00 : f32
        %mul3A_562 = vector.broadcast %mul3A_561 : f32 to vector<16xf32>
        %mul3A_563 = arith.mulf %add3A_560, %mul3A_562 : vector<16xf32>
        %swap3A_564 = arith.index_cast %scan3A_366 : i32 to index
        %swap3A_565 = arith.constant 176 : index
        %swap3A_566 = tpu.vector_load %arg8[%swap3A_564, %swap3A_565] {strides = array<i32>} : memref<32x768xf32, #tpu.memory_space<vmem>>, vector<1x16xf32>,
        %swap3A_567 = vector.shape_cast %swap3A_566 : vector<1x16xf32> to vector<16xf32>
        %swap3A_568 = vector.shape_cast %mul3A_563 : vector<16xf32> to vector<1x16xf32>
        tpu.vector_store %arg8[%swap3A_564, %swap3A_565], %swap3A_568 {strides = array<i32>} : memref<32x768xf32, #tpu.memory_space<vmem>>, vector<1x16xf32>,
        %get3A_569 = arith.index_cast %scan3A_366 : i32 to index
        %get3A_570 = arith.constant 192 : index
        %get3A_571 = tpu.vector_load %arg8[%get3A_569, %get3A_570] {strides = array<i32>} : memref<32x768xf32, #tpu.memory_space<vmem>>, vector<1x16xf32>,
        %get3A_572 = vector.shape_cast %get3A_571 : vector<1x16xf32> to vector<16xf32>
        %get3A_573 = arith.index_cast %scan3A_366 : i32 to index
        %get3A_574 = arith.constant 192 : index
        %get3A_575 = tpu.vector_load %arg7[%get3A_573, %get3A_574] {strides = array<i32>} : memref<32x768xf32, #tpu.memory_space<vmem>>, vector<1x16xf32>,
        %get3A_576 = vector.shape_cast %get3A_575 : vector<1x16xf32> to vector<16xf32>
        %add3A_577 = arith.addf %get3A_572, %get3A_576 : vector<16xf32>
        %mul3A_578 = arith.constant 2.000000e+00 : f32
        %mul3A_579 = vector.broadcast %mul3A_578 : f32 to vector<16xf32>
        %mul3A_580 = arith.mulf %add3A_577, %mul3A_579 : vector<16xf32>
        %swap3A_581 = arith.index_cast %scan3A_366 : i32 to index
        %swap3A_582 = arith.constant 192 : index
        %swap3A_583 = tpu.vector_load %arg8[%swap3A_581, %swap3A_582] {strides = array<i32>} : memref<32x768xf32, #tpu.memory_space<vmem>>, vector<1x16xf32>,
        %swap3A_584 = vector.shape_cast %swap3A_583 : vector<1x16xf32> to vector<16xf32>
        %swap3A_585 = vector.shape_cast %mul3A_580 : vector<16xf32> to vector<1x16xf32>
        tpu.vector_store %arg8[%swap3A_581, %swap3A_582], %swap3A_585 {strides = array<i32>} : memref<32x768xf32, #tpu.memory_space<vmem>>, vector<1x16xf32>,
        %get3A_586 = arith.index_cast %scan3A_366 : i32 to index
        %get3A_587 = arith.constant 208 : index
        %get3A_588 = tpu.vector_load %arg8[%get3A_586, %get3A_587] {strides = array<i32>} : memref<32x768xf32, #tpu.memory_space<vmem>>, vector<1x16xf32>,
        %get3A_589 = vector.shape_cast %get3A_588 : vector<1x16xf32> to vector<16xf32>
        %get3A_590 = arith.index_cast %scan3A_366 : i32 to index
        %get3A_591 = arith.constant 208 : index
        %get3A_592 = tpu.vector_load %arg7[%get3A_590, %get3A_591] {strides = array<i32>} : memref<32x768xf32, #tpu.memory_space<vmem>>, vector<1x16xf32>,
        %get3A_593 = vector.shape_cast %get3A_592 : vector<1x16xf32> to vector<16xf32>
        %add3A_594 = arith.addf %get3A_589, %get3A_593 : vector<16xf32>
        %mul3A_595 = arith.constant 2.000000e+00 : f32
        %mul3A_596 = vector.broadcast %mul3A_595 : f32 to vector<16xf32>
        %mul3A_597 = arith.mulf %add3A_594, %mul3A_596 : vector<16xf32>
        %swap3A_598 = arith.index_cast %scan3A_366 : i32 to index
        %swap3A_599 = arith.constant 208 : index
        %swap3A_600 = tpu.vector_load %arg8[%swap3A_598, %swap3A_599] {strides = array<i32>} : memref<32x768xf32, #tpu.memory_space<vmem>>, vector<1x16xf32>,
        %swap3A_601 = vector.shape_cast %swap3A_600 : vector<1x16xf32> to vector<16xf32>
        %swap3A_602 = vector.shape_cast %mul3A_597 : vector<16xf32> to vector<1x16xf32>
        tpu.vector_store %arg8[%swap3A_598, %swap3A_599], %swap3A_602 {strides = array<i32>} : memref<32x768xf32, #tpu.memory_space<vmem>>, vector<1x16xf32>,
        %get3A_603 = arith.index_cast %scan3A_366 : i32 to index
        %get3A_604 = arith.constant 224 : index
        %get3A_605 = tpu.vector_load %arg8[%get3A_603, %get3A_604] {strides = array<i32>} : memref<32x768xf32, #tpu.memory_space<vmem>>, vector<1x16xf32>,
        %get3A_606 = vector.shape_cast %get3A_605 : vector<1x16xf32> to vector<16xf32>
        %get3A_607 = arith.index_cast %scan3A_366 : i32 to index
        %get3A_608 = arith.constant 224 : index
        %get3A_609 = tpu.vector_load %arg7[%get3A_607, %get3A_608] {strides = array<i32>} : memref<32x768xf32, #tpu.memory_space<vmem>>, vector<1x16xf32>,
        %get3A_610 = vector.shape_cast %get3A_609 : vector<1x16xf32> to vector<16xf32>
        %add3A_611 = arith.addf %get3A_606, %get3A_610 : vector<16xf32>
        %mul3A_612 = arith.constant 2.000000e+00 : f32
        %mul3A_613 = vector.broadcast %mul3A_612 : f32 to vector<16xf32>
        %mul3A_614 = arith.mulf %add3A_611, %mul3A_613 : vector<16xf32>
        %swap3A_615 = arith.index_cast %scan3A_366 : i32 to index
        %swap3A_616 = arith.constant 224 : index
        %swap3A_617 = tpu.vector_load %arg8[%swap3A_615, %swap3A_616] {strides = array<i32>} : memref<32x768xf32, #tpu.memory_space<vmem>>, vector<1x16xf32>,
        %swap3A_618 = vector.shape_cast %swap3A_617 : vector<1x16xf32> to vector<16xf32>
        %swap3A_619 = vector.shape_cast %mul3A_614 : vector<16xf32> to vector<1x16xf32>
        tpu.vector_store %arg8[%swap3A_615, %swap3A_616], %swap3A_619 {strides = array<i32>} : memref<32x768xf32, #tpu.memory_space<vmem>>, vector<1x16xf32>,
        %get3A_620 = arith.index_cast %scan3A_366 : i32 to index
        %get3A_621 = arith.constant 240 : index
        %get3A_622 = tpu.vector_load %arg8[%get3A_620, %get3A_621] {strides = array<i32>} : memref<32x768xf32, #tpu.memory_space<vmem>>, vector<1x16xf32>,
        %get3A_623 = vector.shape_cast %get3A_622 : vector<1x16xf32> to vector<16xf32>
        %get3A_624 = arith.index_cast %scan3A_366 : i32 to index
        %get3A_625 = arith.constant 240 : index
        %get3A_626 = tpu.vector_load %arg7[%get3A_624, %get3A_625] {strides = array<i32>} : memref<32x768xf32, #tpu.memory_space<vmem>>, vector<1x16xf32>,
        %get3A_627 = vector.shape_cast %get3A_626 : vector<1x16xf32> to vector<16xf32>
        %add3A_628 = arith.addf %get3A_623, %get3A_627 : vector<16xf32>
        %mul3A_629 = arith.constant 2.000000e+00 : f32
        %mul3A_630 = vector.broadcast %mul3A_629 : f32 to vector<16xf32>
        %mul3A_631 = arith.mulf %add3A_628, %mul3A_630 : vector<16xf32>
        %swap3A_632 = arith.index_cast %scan3A_366 : i32 to index
        %swap3A_633 = arith.constant 240 : index
        %swap3A_634 = tpu.vector_load %arg8[%swap3A_632, %swap3A_633] {strides = array<i32>} : memref<32x768xf32, #tpu.memory_space<vmem>>, vector<1x16xf32>,
        %swap3A_635 = vector.shape_cast %swap3A_634 : vector<1x16xf32> to vector<16xf32>
        %swap3A_636 = vector.shape_cast %mul3A_631 : vector<16xf32> to vector<1x16xf32>
        tpu.vector_store %arg8[%swap3A_632, %swap3A_633], %swap3A_636 {strides = array<i32>} : memref<32x768xf32, #tpu.memory_space<vmem>>, vector<1x16xf32>,
        %get3A_637 = arith.index_cast %scan3A_366 : i32 to index
        %get3A_638 = arith.constant 256 : index
        %get3A_639 = tpu.vector_load %arg8[%get3A_637, %get3A_638] {strides = array<i32>} : memref<32x768xf32, #tpu.memory_space<vmem>>, vector<1x16xf32>,
        %get3A_640 = vector.shape_cast %get3A_639 : vector<1x16xf32> to vector<16xf32>
        %get3A_641 = arith.index_cast %scan3A_366 : i32 to index
        %get3A_642 = arith.constant 256 : index
        %get3A_643 = tpu.vector_load %arg7[%get3A_641, %get3A_642] {strides = array<i32>} : memref<32x768xf32, #tpu.memory_space<vmem>>, vector<1x16xf32>,
        %get3A_644 = vector.shape_cast %get3A_643 : vector<1x16xf32> to vector<16xf32>
        %add3A_645 = arith.addf %get3A_640, %get3A_644 : vector<16xf32>
        %mul3A_646 = arith.constant 2.000000e+00 : f32
        %mul3A_647 = vector.broadcast %mul3A_646 : f32 to vector<16xf32>
        %mul3A_648 = arith.mulf %add3A_645, %mul3A_647 : vector<16xf32>
        %swap3A_649 = arith.index_cast %scan3A_366 : i32 to index
        %swap3A_650 = arith.constant 256 : index
        %swap3A_651 = tpu.vector_load %arg8[%swap3A_649, %swap3A_650] {strides = array<i32>} : memref<32x768xf32, #tpu.memory_space<vmem>>, vector<1x16xf32>,
        %swap3A_652 = vector.shape_cast %swap3A_651 : vector<1x16xf32> to vector<16xf32>
        %swap3A_653 = vector.shape_cast %mul3A_648 : vector<16xf32> to vector<1x16xf32>
        tpu.vector_store %arg8[%swap3A_649, %swap3A_650], %swap3A_653 {strides = array<i32>} : memref<32x768xf32, #tpu.memory_space<vmem>>, vector<1x16xf32>,
        %get3A_654 = arith.index_cast %scan3A_366 : i32 to index
        %get3A_655 = arith.constant 272 : index
        %get3A_656 = tpu.vector_load %arg8[%get3A_654, %get3A_655] {strides = array<i32>} : memref<32x768xf32, #tpu.memory_space<vmem>>, vector<1x16xf32>,
        %get3A_657 = vector.shape_cast %get3A_656 : vector<1x16xf32> to vector<16xf32>
        %get3A_658 = arith.index_cast %scan3A_366 : i32 to index
        %get3A_659 = arith.constant 272 : index
        %get3A_660 = tpu.vector_load %arg7[%get3A_658, %get3A_659] {strides = array<i32>} : memref<32x768xf32, #tpu.memory_space<vmem>>, vector<1x16xf32>,
        %get3A_661 = vector.shape_cast %get3A_660 : vector<1x16xf32> to vector<16xf32>
        %add3A_662 = arith.addf %get3A_657, %get3A_661 : vector<16xf32>
        %mul3A_663 = arith.constant 2.000000e+00 : f32
        %mul3A_664 = vector.broadcast %mul3A_663 : f32 to vector<16xf32>
        %mul3A_665 = arith.mulf %add3A_662, %mul3A_664 : vector<16xf32>
        %swap3A_666 = arith.index_cast %scan3A_366 : i32 to index
        %swap3A_667 = arith.constant 272 : index
        %swap3A_668 = tpu.vector_load %arg8[%swap3A_666, %swap3A_667] {strides = array<i32>} : memref<32x768xf32, #tpu.memory_space<vmem>>, vector<1x16xf32>,
        %swap3A_669 = vector.shape_cast %swap3A_668 : vector<1x16xf32> to vector<16xf32>
        %swap3A_670 = vector.shape_cast %mul3A_665 : vector<16xf32> to vector<1x16xf32>
        tpu.vector_store %arg8[%swap3A_666, %swap3A_667], %swap3A_670 {strides = array<i32>} : memref<32x768xf32, #tpu.memory_space<vmem>>, vector<1x16xf32>,
        %get3A_671 = arith.index_cast %scan3A_366 : i32 to index
        %get3A_672 = arith.constant 288 : index
        %get3A_673 = tpu.vector_load %arg8[%get3A_671, %get3A_672] {strides = array<i32>} : memref<32x768xf32, #tpu.memory_space<vmem>>, vector<1x16xf32>,
        %get3A_674 = vector.shape_cast %get3A_673 : vector<1x16xf32> to vector<16xf32>
        %get3A_675 = arith.index_cast %scan3A_366 : i32 to index
        %get3A_676 = arith.constant 288 : index
        %get3A_677 = tpu.vector_load %arg7[%get3A_675, %get3A_676] {strides = array<i32>} : memref<32x768xf32, #tpu.memory_space<vmem>>, vector<1x16xf32>,
        %get3A_678 = vector.shape_cast %get3A_677 : vector<1x16xf32> to vector<16xf32>
        %add3A_679 = arith.addf %get3A_674, %get3A_678 : vector<16xf32>
        %mul3A_680 = arith.constant 2.000000e+00 : f32
        %mul3A_681 = vector.broadcast %mul3A_680 : f32 to vector<16xf32>
        %mul3A_682 = arith.mulf %add3A_679, %mul3A_681 : vector<16xf32>
        %swap3A_683 = arith.index_cast %scan3A_366 : i32 to index
        %swap3A_684 = arith.constant 288 : index
        %swap3A_685 = tpu.vector_load %arg8[%swap3A_683, %swap3A_684] {strides = array<i32>} : memref<32x768xf32, #tpu.memory_space<vmem>>, vector<1x16xf32>,
        %swap3A_686 = vector.shape_cast %swap3A_685 : vector<1x16xf32> to vector<16xf32>
        %swap3A_687 = vector.shape_cast %mul3A_682 : vector<16xf32> to vector<1x16xf32>
        tpu.vector_store %arg8[%swap3A_683, %swap3A_684], %swap3A_687 {strides = array<i32>} : memref<32x768xf32, #tpu.memory_space<vmem>>, vector<1x16xf32>,
        %get3A_688 = arith.index_cast %scan3A_366 : i32 to index
        %get3A_689 = arith.constant 304 : index
        %get3A_690 = tpu.vector_load %arg8[%get3A_688, %get3A_689] {strides = array<i32>} : memref<32x768xf32, #tpu.memory_space<vmem>>, vector<1x16xf32>,
        %get3A_691 = vector.shape_cast %get3A_690 : vector<1x16xf32> to vector<16xf32>
        %get3A_692 = arith.index_cast %scan3A_366 : i32 to index
        %get3A_693 = arith.constant 304 : index
        %get3A_694 = tpu.vector_load %arg7[%get3A_692, %get3A_693] {strides = array<i32>} : memref<32x768xf32, #tpu.memory_space<vmem>>, vector<1x16xf32>,
        %get3A_695 = vector.shape_cast %get3A_694 : vector<1x16xf32> to vector<16xf32>
        %add3A_696 = arith.addf %get3A_691, %get3A_695 : vector<16xf32>
        %mul3A_697 = arith.constant 2.000000e+00 : f32
        %mul3A_698 = vector.broadcast %mul3A_697 : f32 to vector<16xf32>
        %mul3A_699 = arith.mulf %add3A_696, %mul3A_698 : vector<16xf32>
        %swap3A_700 = arith.index_cast %scan3A_366 : i32 to index
        %swap3A_701 = arith.constant 304 : index
        %swap3A_702 = tpu.vector_load %arg8[%swap3A_700, %swap3A_701] {strides = array<i32>} : memref<32x768xf32, #tpu.memory_space<vmem>>, vector<1x16xf32>,
        %swap3A_703 = vector.shape_cast %swap3A_702 : vector<1x16xf32> to vector<16xf32>
        %swap3A_704 = vector.shape_cast %mul3A_699 : vector<16xf32> to vector<1x16xf32>
        tpu.vector_store %arg8[%swap3A_700, %swap3A_701], %swap3A_704 {strides = array<i32>} : memref<32x768xf32, #tpu.memory_space<vmem>>, vector<1x16xf32>,
        %get3A_705 = arith.index_cast %scan3A_366 : i32 to index
        %get3A_706 = arith.constant 320 : index
        %get3A_707 = tpu.vector_load %arg8[%get3A_705, %get3A_706] {strides = array<i32>} : memref<32x768xf32, #tpu.memory_space<vmem>>, vector<1x16xf32>,
        %get3A_708 = vector.shape_cast %get3A_707 : vector<1x16xf32> to vector<16xf32>
        %get3A_709 = arith.index_cast %scan3A_366 : i32 to index
        %get3A_710 = arith.constant 320 : index
        %get3A_711 = tpu.vector_load %arg7[%get3A_709, %get3A_710] {strides = array<i32>} : memref<32x768xf32, #tpu.memory_space<vmem>>, vector<1x16xf32>,
        %get3A_712 = vector.shape_cast %get3A_711 : vector<1x16xf32> to vector<16xf32>
        %add3A_713 = arith.addf %get3A_708, %get3A_712 : vector<16xf32>
        %mul3A_714 = arith.constant 2.000000e+00 : f32
        %mul3A_715 = vector.broadcast %mul3A_714 : f32 to vector<16xf32>
        %mul3A_716 = arith.mulf %add3A_713, %mul3A_715 : vector<16xf32>
        %swap3A_717 = arith.index_cast %scan3A_366 : i32 to index
        %swap3A_718 = arith.constant 320 : index
        %swap3A_719 = tpu.vector_load %arg8[%swap3A_717, %swap3A_718] {strides = array<i32>} : memref<32x768xf32, #tpu.memory_space<vmem>>, vector<1x16xf32>,
        %swap3A_720 = vector.shape_cast %swap3A_719 : vector<1x16xf32> to vector<16xf32>
        %swap3A_721 = vector.shape_cast %mul3A_716 : vector<16xf32> to vector<1x16xf32>
        tpu.vector_store %arg8[%swap3A_717, %swap3A_718], %swap3A_721 {strides = array<i32>} : memref<32x768xf32, #tpu.memory_space<vmem>>, vector<1x16xf32>,
        %get3A_722 = arith.index_cast %scan3A_366 : i32 to index
        %get3A_723 = arith.constant 336 : index
        %get3A_724 = tpu.vector_load %arg8[%get3A_722, %get3A_723] {strides = array<i32>} : memref<32x768xf32, #tpu.memory_space<vmem>>, vector<1x16xf32>,
        %get3A_725 = vector.shape_cast %get3A_724 : vector<1x16xf32> to vector<16xf32>
        %get3A_726 = arith.index_cast %scan3A_366 : i32 to index
        %get3A_727 = arith.constant 336 : index
        %get3A_728 = tpu.vector_load %arg7[%get3A_726, %get3A_727] {strides = array<i32>} : memref<32x768xf32, #tpu.memory_space<vmem>>, vector<1x16xf32>,
        %get3A_729 = vector.shape_cast %get3A_728 : vector<1x16xf32> to vector<16xf32>
        %add3A_730 = arith.addf %get3A_725, %get3A_729 : vector<16xf32>
        %mul3A_731 = arith.constant 2.000000e+00 : f32
        %mul3A_732 = vector.broadcast %mul3A_731 : f32 to vector<16xf32>
        %mul3A_733 = arith.mulf %add3A_730, %mul3A_732 : vector<16xf32>
        %swap3A_734 = arith.index_cast %scan3A_366 : i32 to index
        %swap3A_735 = arith.constant 336 : index
        %swap3A_736 = tpu.vector_load %arg8[%swap3A_734, %swap3A_735] {strides = array<i32>} : memref<32x768xf32, #tpu.memory_space<vmem>>, vector<1x16xf32>,
        %swap3A_737 = vector.shape_cast %swap3A_736 : vector<1x16xf32> to vector<16xf32>
        %swap3A_738 = vector.shape_cast %mul3A_733 : vector<16xf32> to vector<1x16xf32>
        tpu.vector_store %arg8[%swap3A_734, %swap3A_735], %swap3A_738 {strides = array<i32>} : memref<32x768xf32, #tpu.memory_space<vmem>>, vector<1x16xf32>,
        %get3A_739 = arith.index_cast %scan3A_366 : i32 to index
        %get3A_740 = arith.constant 352 : index
        %get3A_741 = tpu.vector_load %arg8[%get3A_739, %get3A_740] {strides = array<i32>} : memref<32x768xf32, #tpu.memory_space<vmem>>, vector<1x16xf32>,
        %get3A_742 = vector.shape_cast %get3A_741 : vector<1x16xf32> to vector<16xf32>
        %get3A_743 = arith.index_cast %scan3A_366 : i32 to index
        %get3A_744 = arith.constant 352 : index
        %get3A_745 = tpu.vector_load %arg7[%get3A_743, %get3A_744] {strides = array<i32>} : memref<32x768xf32, #tpu.memory_space<vmem>>, vector<1x16xf32>,
        %get3A_746 = vector.shape_cast %get3A_745 : vector<1x16xf32> to vector<16xf32>
        %add3A_747 = arith.addf %get3A_742, %get3A_746 : vector<16xf32>
        %mul3A_748 = arith.constant 2.000000e+00 : f32
        %mul3A_749 = vector.broadcast %mul3A_748 : f32 to vector<16xf32>
        %mul3A_750 = arith.mulf %add3A_747, %mul3A_749 : vector<16xf32>
        %swap3A_751 = arith.index_cast %scan3A_366 : i32 to index
        %swap3A_752 = arith.constant 352 : index
        %swap3A_753 = tpu.vector_load %arg8[%swap3A_751, %swap3A_752] {strides = array<i32>} : memref<32x768xf32, #tpu.memory_space<vmem>>, vector<1x16xf32>,
        %swap3A_754 = vector.shape_cast %swap3A_753 : vector<1x16xf32> to vector<16xf32>
        %swap3A_755 = vector.shape_cast %mul3A_750 : vector<16xf32> to vector<1x16xf32>
        tpu.vector_store %arg8[%swap3A_751, %swap3A_752], %swap3A_755 {strides = array<i32>} : memref<32x768xf32, #tpu.memory_space<vmem>>, vector<1x16xf32>,
        %get3A_756 = arith.index_cast %scan3A_366 : i32 to index
        %get3A_757 = arith.constant 368 : index
        %get3A_758 = tpu.vector_load %arg8[%get3A_756, %get3A_757] {strides = array<i32>} : memref<32x768xf32, #tpu.memory_space<vmem>>, vector<1x16xf32>,
        %get3A_759 = vector.shape_cast %get3A_758 : vector<1x16xf32> to vector<16xf32>
        %get3A_760 = arith.index_cast %scan3A_366 : i32 to index
        %get3A_761 = arith.constant 368 : index
        %get3A_762 = tpu.vector_load %arg7[%get3A_760, %get3A_761] {strides = array<i32>} : memref<32x768xf32, #tpu.memory_space<vmem>>, vector<1x16xf32>,
        %get3A_763 = vector.shape_cast %get3A_762 : vector<1x16xf32> to vector<16xf32>
        %add3A_764 = arith.addf %get3A_759, %get3A_763 : vector<16xf32>
        %mul3A_765 = arith.constant 2.000000e+00 : f32
        %mul3A_766 = vector.broadcast %mul3A_765 : f32 to vector<16xf32>
        %mul3A_767 = arith.mulf %add3A_764, %mul3A_766 : vector<16xf32>
        %swap3A_768 = arith.index_cast %scan3A_366 : i32 to index
        %swap3A_769 = arith.constant 368 : index
        %swap3A_770 = tpu.vector_load %arg8[%swap3A_768, %swap3A_769] {strides = array<i32>} : memref<32x768xf32, #tpu.memory_space<vmem>>, vector<1x16xf32>,
        %swap3A_771 = vector.shape_cast %swap3A_770 : vector<1x16xf32> to vector<16xf32>
        %swap3A_772 = vector.shape_cast %mul3A_767 : vector<16xf32> to vector<1x16xf32>
        tpu.vector_store %arg8[%swap3A_768, %swap3A_769], %swap3A_772 {strides = array<i32>} : memref<32x768xf32, #tpu.memory_space<vmem>>, vector<1x16xf32>,
        %get3A_773 = arith.index_cast %scan3A_366 : i32 to index
        %get3A_774 = arith.constant 384 : index
        %get3A_775 = tpu.vector_load %arg8[%get3A_773, %get3A_774] {strides = array<i32>} : memref<32x768xf32, #tpu.memory_space<vmem>>, vector<1x16xf32>,
        %get3A_776 = vector.shape_cast %get3A_775 : vector<1x16xf32> to vector<16xf32>
        %get3A_777 = arith.index_cast %scan3A_366 : i32 to index
        %get3A_778 = arith.constant 384 : index
        %get3A_779 = tpu.vector_load %arg7[%get3A_777, %get3A_778] {strides = array<i32>} : memref<32x768xf32, #tpu.memory_space<vmem>>, vector<1x16xf32>,
        %get3A_780 = vector.shape_cast %get3A_779 : vector<1x16xf32> to vector<16xf32>
        %add3A_781 = arith.addf %get3A_776, %get3A_780 : vector<16xf32>
        %mul3A_782 = arith.constant 2.000000e+00 : f32
        %mul3A_783 = vector.broadcast %mul3A_782 : f32 to vector<16xf32>
        %mul3A_784 = arith.mulf %add3A_781, %mul3A_783 : vector<16xf32>
        %swap3A_785 = arith.index_cast %scan3A_366 : i32 to index
        %swap3A_786 = arith.constant 384 : index
        %swap3A_787 = tpu.vector_load %arg8[%swap3A_785, %swap3A_786] {strides = array<i32>} : memref<32x768xf32, #tpu.memory_space<vmem>>, vector<1x16xf32>,
        %swap3A_788 = vector.shape_cast %swap3A_787 : vector<1x16xf32> to vector<16xf32>
        %swap3A_789 = vector.shape_cast %mul3A_784 : vector<16xf32> to vector<1x16xf32>
        tpu.vector_store %arg8[%swap3A_785, %swap3A_786], %swap3A_789 {strides = array<i32>} : memref<32x768xf32, #tpu.memory_space<vmem>>, vector<1x16xf32>,
        %get3A_790 = arith.index_cast %scan3A_366 : i32 to index
        %get3A_791 = arith.constant 400 : index
        %get3A_792 = tpu.vector_load %arg8[%get3A_790, %get3A_791] {strides = array<i32>} : memref<32x768xf32, #tpu.memory_space<vmem>>, vector<1x16xf32>,
        %get3A_793 = vector.shape_cast %get3A_792 : vector<1x16xf32> to vector<16xf32>
        %get3A_794 = arith.index_cast %scan3A_366 : i32 to index
        %get3A_795 = arith.constant 400 : index
        %get3A_796 = tpu.vector_load %arg7[%get3A_794, %get3A_795] {strides = array<i32>} : memref<32x768xf32, #tpu.memory_space<vmem>>, vector<1x16xf32>,
        %get3A_797 = vector.shape_cast %get3A_796 : vector<1x16xf32> to vector<16xf32>
        %add3A_798 = arith.addf %get3A_793, %get3A_797 : vector<16xf32>
        %mul3A_799 = arith.constant 2.000000e+00 : f32
        %mul3A_800 = vector.broadcast %mul3A_799 : f32 to vector<16xf32>
        %mul3A_801 = arith.mulf %add3A_798, %mul3A_800 : vector<16xf32>
        %swap3A_802 = arith.index_cast %scan3A_366 : i32 to index
        %swap3A_803 = arith.constant 400 : index
        %swap3A_804 = tpu.vector_load %arg8[%swap3A_802, %swap3A_803] {strides = array<i32>} : memref<32x768xf32, #tpu.memory_space<vmem>>, vector<1x16xf32>,
        %swap3A_805 = vector.shape_cast %swap3A_804 : vector<1x16xf32> to vector<16xf32>
        %swap3A_806 = vector.shape_cast %mul3A_801 : vector<16xf32> to vector<1x16xf32>
        tpu.vector_store %arg8[%swap3A_802, %swap3A_803], %swap3A_806 {strides = array<i32>} : memref<32x768xf32, #tpu.memory_space<vmem>>, vector<1x16xf32>,
        %get3A_807 = arith.index_cast %scan3A_366 : i32 to index
        %get3A_808 = arith.constant 416 : index
        %get3A_809 = tpu.vector_load %arg8[%get3A_807, %get3A_808] {strides = array<i32>} : memref<32x768xf32, #tpu.memory_space<vmem>>, vector<1x16xf32>,
        %get3A_810 = vector.shape_cast %get3A_809 : vector<1x16xf32> to vector<16xf32>
        %get3A_811 = arith.index_cast %scan3A_366 : i32 to index
        %get3A_812 = arith.constant 416 : index
        %get3A_813 = tpu.vector_load %arg7[%get3A_811, %get3A_812] {strides = array<i32>} : memref<32x768xf32, #tpu.memory_space<vmem>>, vector<1x16xf32>,
        %get3A_814 = vector.shape_cast %get3A_813 : vector<1x16xf32> to vector<16xf32>
        %add3A_815 = arith.addf %get3A_810, %get3A_814 : vector<16xf32>
        %mul3A_816 = arith.constant 2.000000e+00 : f32
        %mul3A_817 = vector.broadcast %mul3A_816 : f32 to vector<16xf32>
        %mul3A_818 = arith.mulf %add3A_815, %mul3A_817 : vector<16xf32>
        %swap3A_819 = arith.index_cast %scan3A_366 : i32 to index
        %swap3A_820 = arith.constant 416 : index
        %swap3A_821 = tpu.vector_load %arg8[%swap3A_819, %swap3A_820] {strides = array<i32>} : memref<32x768xf32, #tpu.memory_space<vmem>>, vector<1x16xf32>,
        %swap3A_822 = vector.shape_cast %swap3A_821 : vector<1x16xf32> to vector<16xf32>
        %swap3A_823 = vector.shape_cast %mul3A_818 : vector<16xf32> to vector<1x16xf32>
        tpu.vector_store %arg8[%swap3A_819, %swap3A_820], %swap3A_823 {strides = array<i32>} : memref<32x768xf32, #tpu.memory_space<vmem>>, vector<1x16xf32>,
        %get3A_824 = arith.index_cast %scan3A_366 : i32 to index
        %get3A_825 = arith.constant 432 : index
        %get3A_826 = tpu.vector_load %arg8[%get3A_824, %get3A_825] {strides = array<i32>} : memref<32x768xf32, #tpu.memory_space<vmem>>, vector<1x16xf32>,
        %get3A_827 = vector.shape_cast %get3A_826 : vector<1x16xf32> to vector<16xf32>
        %get3A_828 = arith.index_cast %scan3A_366 : i32 to index
        %get3A_829 = arith.constant 432 : index
        %get3A_830 = tpu.vector_load %arg7[%get3A_828, %get3A_829] {strides = array<i32>} : memref<32x768xf32, #tpu.memory_space<vmem>>, vector<1x16xf32>,
        %get3A_831 = vector.shape_cast %get3A_830 : vector<1x16xf32> to vector<16xf32>
        %add3A_832 = arith.addf %get3A_827, %get3A_831 : vector<16xf32>
        %mul3A_833 = arith.constant 2.000000e+00 : f32
        %mul3A_834 = vector.broadcast %mul3A_833 : f32 to vector<16xf32>
        %mul3A_835 = arith.mulf %add3A_832, %mul3A_834 : vector<16xf32>
        %swap3A_836 = arith.index_cast %scan3A_366 : i32 to index
        %swap3A_837 = arith.constant 432 : index
        %swap3A_838 = tpu.vector_load %arg8[%swap3A_836, %swap3A_837] {strides = array<i32>} : memref<32x768xf32, #tpu.memory_space<vmem>>, vector<1x16xf32>,
        %swap3A_839 = vector.shape_cast %swap3A_838 : vector<1x16xf32> to vector<16xf32>
        %swap3A_840 = vector.shape_cast %mul3A_835 : vector<16xf32> to vector<1x16xf32>
        tpu.vector_store %arg8[%swap3A_836, %swap3A_837], %swap3A_840 {strides = array<i32>} : memref<32x768xf32, #tpu.memory_space<vmem>>, vector<1x16xf32>,
        %get3A_841 = arith.index_cast %scan3A_366 : i32 to index
        %get3A_842 = arith.constant 448 : index
        %get3A_843 = tpu.vector_load %arg8[%get3A_841, %get3A_842] {strides = array<i32>} : memref<32x768xf32, #tpu.memory_space<vmem>>, vector<1x16xf32>,
        %get3A_844 = vector.shape_cast %get3A_843 : vector<1x16xf32> to vector<16xf32>
        %get3A_845 = arith.index_cast %scan3A_366 : i32 to index
        %get3A_846 = arith.constant 448 : index
        %get3A_847 = tpu.vector_load %arg7[%get3A_845, %get3A_846] {strides = array<i32>} : memref<32x768xf32, #tpu.memory_space<vmem>>, vector<1x16xf32>,
        %get3A_848 = vector.shape_cast %get3A_847 : vector<1x16xf32> to vector<16xf32>
        %add3A_849 = arith.addf %get3A_844, %get3A_848 : vector<16xf32>
        %mul3A_850 = arith.constant 2.000000e+00 : f32
        %mul3A_851 = vector.broadcast %mul3A_850 : f32 to vector<16xf32>
        %mul3A_852 = arith.mulf %add3A_849, %mul3A_851 : vector<16xf32>
        %swap3A_853 = arith.index_cast %scan3A_366 : i32 to index
        %swap3A_854 = arith.constant 448 : index
        %swap3A_855 = tpu.vector_load %arg8[%swap3A_853, %swap3A_854] {strides = array<i32>} : memref<32x768xf32, #tpu.memory_space<vmem>>, vector<1x16xf32>,
        %swap3A_856 = vector.shape_cast %swap3A_855 : vector<1x16xf32> to vector<16xf32>
        %swap3A_857 = vector.shape_cast %mul3A_852 : vector<16xf32> to vector<1x16xf32>
        tpu.vector_store %arg8[%swap3A_853, %swap3A_854], %swap3A_857 {strides = array<i32>} : memref<32x768xf32, #tpu.memory_space<vmem>>, vector<1x16xf32>,
        %get3A_858 = arith.index_cast %scan3A_366 : i32 to index
        %get3A_859 = arith.constant 464 : index
        %get3A_860 = tpu.vector_load %arg8[%get3A_858, %get3A_859] {strides = array<i32>} : memref<32x768xf32, #tpu.memory_space<vmem>>, vector<1x16xf32>,
        %get3A_861 = vector.shape_cast %get3A_860 : vector<1x16xf32> to vector<16xf32>
        %get3A_862 = arith.index_cast %scan3A_366 : i32 to index
        %get3A_863 = arith.constant 464 : index
        %get3A_864 = tpu.vector_load %arg7[%get3A_862, %get3A_863] {strides = array<i32>} : memref<32x768xf32, #tpu.memory_space<vmem>>, vector<1x16xf32>,
        %get3A_865 = vector.shape_cast %get3A_864 : vector<1x16xf32> to vector<16xf32>
        %add3A_866 = arith.addf %get3A_861, %get3A_865 : vector<16xf32>
        %mul3A_867 = arith.constant 2.000000e+00 : f32
        %mul3A_868 = vector.broadcast %mul3A_867 : f32 to vector<16xf32>
        %mul3A_869 = arith.mulf %add3A_866, %mul3A_868 : vector<16xf32>
        %swap3A_870 = arith.index_cast %scan3A_366 : i32 to index
        %swap3A_871 = arith.constant 464 : index
        %swap3A_872 = tpu.vector_load %arg8[%swap3A_870, %swap3A_871] {strides = array<i32>} : memref<32x768xf32, #tpu.memory_space<vmem>>, vector<1x16xf32>,
        %swap3A_873 = vector.shape_cast %swap3A_872 : vector<1x16xf32> to vector<16xf32>
        %swap3A_874 = vector.shape_cast %mul3A_869 : vector<16xf32> to vector<1x16xf32>
        tpu.vector_store %arg8[%swap3A_870, %swap3A_871], %swap3A_874 {strides = array<i32>} : memref<32x768xf32, #tpu.memory_space<vmem>>, vector<1x16xf32>,
        %get3A_875 = arith.index_cast %scan3A_366 : i32 to index
        %get3A_876 = arith.constant 480 : index
        %get3A_877 = tpu.vector_load %arg8[%get3A_875, %get3A_876] {strides = array<i32>} : memref<32x768xf32, #tpu.memory_space<vmem>>, vector<1x16xf32>,
        %get3A_878 = vector.shape_cast %get3A_877 : vector<1x16xf32> to vector<16xf32>
        %get3A_879 = arith.index_cast %scan3A_366 : i32 to index
        %get3A_880 = arith.constant 480 : index
        %get3A_881 = tpu.vector_load %arg7[%get3A_879, %get3A_880] {strides = array<i32>} : memref<32x768xf32, #tpu.memory_space<vmem>>, vector<1x16xf32>,
        %get3A_882 = vector.shape_cast %get3A_881 : vector<1x16xf32> to vector<16xf32>
        %add3A_883 = arith.addf %get3A_878, %get3A_882 : vector<16xf32>
        %mul3A_884 = arith.constant 2.000000e+00 : f32
        %mul3A_885 = vector.broadcast %mul3A_884 : f32 to vector<16xf32>
        %mul3A_886 = arith.mulf %add3A_883, %mul3A_885 : vector<16xf32>
        %swap3A_887 = arith.index_cast %scan3A_366 : i32 to index
        %swap3A_888 = arith.constant 480 : index
        %swap3A_889 = tpu.vector_load %arg8[%swap3A_887, %swap3A_888] {strides = array<i32>} : memref<32x768xf32, #tpu.memory_space<vmem>>, vector<1x16xf32>,
        %swap3A_890 = vector.shape_cast %swap3A_889 : vector<1x16xf32> to vector<16xf32>
        %swap3A_891 = vector.shape_cast %mul3A_886 : vector<16xf32> to vector<1x16xf32>
        tpu.vector_store %arg8[%swap3A_887, %swap3A_888], %swap3A_891 {strides = array<i32>} : memref<32x768xf32, #tpu.memory_space<vmem>>, vector<1x16xf32>,
        %get3A_892 = arith.index_cast %scan3A_366 : i32 to index
        %get3A_893 = arith.constant 496 : index
        %get3A_894 = tpu.vector_load %arg8[%get3A_892, %get3A_893] {strides = array<i32>} : memref<32x768xf32, #tpu.memory_space<vmem>>, vector<1x16xf32>,
        %get3A_895 = vector.shape_cast %get3A_894 : vector<1x16xf32> to vector<16xf32>
        %get3A_896 = arith.index_cast %scan3A_366 : i32 to index
        %get3A_897 = arith.constant 496 : index
        %get3A_898 = tpu.vector_load %arg7[%get3A_896, %get3A_897] {strides = array<i32>} : memref<32x768xf32, #tpu.memory_space<vmem>>, vector<1x16xf32>,
        %get3A_899 = vector.shape_cast %get3A_898 : vector<1x16xf32> to vector<16xf32>
        %add3A_900 = arith.addf %get3A_895, %get3A_899 : vector<16xf32>
        %mul3A_901 = arith.constant 2.000000e+00 : f32
        %mul3A_902 = vector.broadcast %mul3A_901 : f32 to vector<16xf32>
        %mul3A_903 = arith.mulf %add3A_900, %mul3A_902 : vector<16xf32>
        %swap3A_904 = arith.index_cast %scan3A_366 : i32 to index
        %swap3A_905 = arith.constant 496 : index
        %swap3A_906 = tpu.vector_load %arg8[%swap3A_904, %swap3A_905] {strides = array<i32>} : memref<32x768xf32, #tpu.memory_space<vmem>>, vector<1x16xf32>,
        %swap3A_907 = vector.shape_cast %swap3A_906 : vector<1x16xf32> to vector<16xf32>
        %swap3A_908 = vector.shape_cast %mul3A_903 : vector<16xf32> to vector<1x16xf32>
        tpu.vector_store %arg8[%swap3A_904, %swap3A_905], %swap3A_908 {strides = array<i32>} : memref<32x768xf32, #tpu.memory_space<vmem>>, vector<1x16xf32>,
        %get3A_909 = arith.index_cast %scan3A_366 : i32 to index
        %get3A_910 = arith.constant 512 : index
        %get3A_911 = tpu.vector_load %arg8[%get3A_909, %get3A_910] {strides = array<i32>} : memref<32x768xf32, #tpu.memory_space<vmem>>, vector<1x16xf32>,
        %get3A_912 = vector.shape_cast %get3A_911 : vector<1x16xf32> to vector<16xf32>
        %get3A_913 = arith.index_cast %scan3A_366 : i32 to index
        %get3A_914 = arith.constant 512 : index
        %get3A_915 = tpu.vector_load %arg7[%get3A_913, %get3A_914] {strides = array<i32>} : memref<32x768xf32, #tpu.memory_space<vmem>>, vector<1x16xf32>,
        %get3A_916 = vector.shape_cast %get3A_915 : vector<1x16xf32> to vector<16xf32>
        %add3A_917 = arith.addf %get3A_912, %get3A_916 : vector<16xf32>
        %mul3A_918 = arith.constant 2.000000e+00 : f32
        %mul3A_919 = vector.broadcast %mul3A_918 : f32 to vector<16xf32>
        %mul3A_920 = arith.mulf %add3A_917, %mul3A_919 : vector<16xf32>
        %swap3A_921 = arith.index_cast %scan3A_366 : i32 to index
        %swap3A_922 = arith.constant 512 : index
        %swap3A_923 = tpu.vector_load %arg8[%swap3A_921, %swap3A_922] {strides = array<i32>} : memref<32x768xf32, #tpu.memory_space<vmem>>, vector<1x16xf32>,
        %swap3A_924 = vector.shape_cast %swap3A_923 : vector<1x16xf32> to vector<16xf32>
        %swap3A_925 = vector.shape_cast %mul3A_920 : vector<16xf32> to vector<1x16xf32>
        tpu.vector_store %arg8[%swap3A_921, %swap3A_922], %swap3A_925 {strides = array<i32>} : memref<32x768xf32, #tpu.memory_space<vmem>>, vector<1x16xf32>,
        %get3A_926 = arith.index_cast %scan3A_366 : i32 to index
        %get3A_927 = arith.constant 528 : index
        %get3A_928 = tpu.vector_load %arg8[%get3A_926, %get3A_927] {strides = array<i32>} : memref<32x768xf32, #tpu.memory_space<vmem>>, vector<1x16xf32>,
        %get3A_929 = vector.shape_cast %get3A_928 : vector<1x16xf32> to vector<16xf32>
        %get3A_930 = arith.index_cast %scan3A_366 : i32 to index
        %get3A_931 = arith.constant 528 : index
        %get3A_932 = tpu.vector_load %arg7[%get3A_930, %get3A_931] {strides = array<i32>} : memref<32x768xf32, #tpu.memory_space<vmem>>, vector<1x16xf32>,
        %get3A_933 = vector.shape_cast %get3A_932 : vector<1x16xf32> to vector<16xf32>
        %add3A_934 = arith.addf %get3A_929, %get3A_933 : vector<16xf32>
        %mul3A_935 = arith.constant 2.000000e+00 : f32
        %mul3A_936 = vector.broadcast %mul3A_935 : f32 to vector<16xf32>
        %mul3A_937 = arith.mulf %add3A_934, %mul3A_936 : vector<16xf32>
        %swap3A_938 = arith.index_cast %scan3A_366 : i32 to index
        %swap3A_939 = arith.constant 528 : index
        %swap3A_940 = tpu.vector_load %arg8[%swap3A_938, %swap3A_939] {strides = array<i32>} : memref<32x768xf32, #tpu.memory_space<vmem>>, vector<1x16xf32>,
        %swap3A_941 = vector.shape_cast %swap3A_940 : vector<1x16xf32> to vector<16xf32>
        %swap3A_942 = vector.shape_cast %mul3A_937 : vector<16xf32> to vector<1x16xf32>
        tpu.vector_store %arg8[%swap3A_938, %swap3A_939], %swap3A_942 {strides = array<i32>} : memref<32x768xf32, #tpu.memory_space<vmem>>, vector<1x16xf32>,
        %get3A_943 = arith.index_cast %scan3A_366 : i32 to index
        %get3A_944 = arith.constant 544 : index
        %get3A_945 = tpu.vector_load %arg8[%get3A_943, %get3A_944] {strides = array<i32>} : memref<32x768xf32, #tpu.memory_space<vmem>>, vector<1x16xf32>,
        %get3A_946 = vector.shape_cast %get3A_945 : vector<1x16xf32> to vector<16xf32>
        %get3A_947 = arith.index_cast %scan3A_366 : i32 to index
        %get3A_948 = arith.constant 544 : index
        %get3A_949 = tpu.vector_load %arg7[%get3A_947, %get3A_948] {strides = array<i32>} : memref<32x768xf32, #tpu.memory_space<vmem>>, vector<1x16xf32>,
        %get3A_950 = vector.shape_cast %get3A_949 : vector<1x16xf32> to vector<16xf32>
        %add3A_951 = arith.addf %get3A_946, %get3A_950 : vector<16xf32>
        %mul3A_952 = arith.constant 2.000000e+00 : f32
        %mul3A_953 = vector.broadcast %mul3A_952 : f32 to vector<16xf32>
        %mul3A_954 = arith.mulf %add3A_951, %mul3A_953 : vector<16xf32>
        %swap3A_955 = arith.index_cast %scan3A_366 : i32 to index
        %swap3A_956 = arith.constant 544 : index
        %swap3A_957 = tpu.vector_load %arg8[%swap3A_955, %swap3A_956] {strides = array<i32>} : memref<32x768xf32, #tpu.memory_space<vmem>>, vector<1x16xf32>,
        %swap3A_958 = vector.shape_cast %swap3A_957 : vector<1x16xf32> to vector<16xf32>
        %swap3A_959 = vector.shape_cast %mul3A_954 : vector<16xf32> to vector<1x16xf32>
        tpu.vector_store %arg8[%swap3A_955, %swap3A_956], %swap3A_959 {strides = array<i32>} : memref<32x768xf32, #tpu.memory_space<vmem>>, vector<1x16xf32>,
        %get3A_960 = arith.index_cast %scan3A_366 : i32 to index
        %get3A_961 = arith.constant 560 : index
        %get3A_962 = tpu.vector_load %arg8[%get3A_960, %get3A_961] {strides = array<i32>} : memref<32x768xf32, #tpu.memory_space<vmem>>, vector<1x16xf32>,
        %get3A_963 = vector.shape_cast %get3A_962 : vector<1x16xf32> to vector<16xf32>
        %get3A_964 = arith.index_cast %scan3A_366 : i32 to index
        %get3A_965 = arith.constant 560 : index
        %get3A_966 = tpu.vector_load %arg7[%get3A_964, %get3A_965] {strides = array<i32>} : memref<32x768xf32, #tpu.memory_space<vmem>>, vector<1x16xf32>,
        %get3A_967 = vector.shape_cast %get3A_966 : vector<1x16xf32> to vector<16xf32>
        %add3A_968 = arith.addf %get3A_963, %get3A_967 : vector<16xf32>
        %mul3A_969 = arith.constant 2.000000e+00 : f32
        %mul3A_970 = vector.broadcast %mul3A_969 : f32 to vector<16xf32>
        %mul3A_971 = arith.mulf %add3A_968, %mul3A_970 : vector<16xf32>
        %swap3A_972 = arith.index_cast %scan3A_366 : i32 to index
        %swap3A_973 = arith.constant 560 : index
        %swap3A_974 = tpu.vector_load %arg8[%swap3A_972, %swap3A_973] {strides = array<i32>} : memref<32x768xf32, #tpu.memory_space<vmem>>, vector<1x16xf32>,
        %swap3A_975 = vector.shape_cast %swap3A_974 : vector<1x16xf32> to vector<16xf32>
        %swap3A_976 = vector.shape_cast %mul3A_971 : vector<16xf32> to vector<1x16xf32>
        tpu.vector_store %arg8[%swap3A_972, %swap3A_973], %swap3A_976 {strides = array<i32>} : memref<32x768xf32, #tpu.memory_space<vmem>>, vector<1x16xf32>,
        %get3A_977 = arith.index_cast %scan3A_366 : i32 to index
        %get3A_978 = arith.constant 576 : index
        %get3A_979 = tpu.vector_load %arg8[%get3A_977, %get3A_978] {strides = array<i32>} : memref<32x768xf32, #tpu.memory_space<vmem>>, vector<1x16xf32>,
        %get3A_980 = vector.shape_cast %get3A_979 : vector<1x16xf32> to vector<16xf32>
        %get3A_981 = arith.index_cast %scan3A_366 : i32 to index
        %get3A_982 = arith.constant 576 : index
        %get3A_983 = tpu.vector_load %arg7[%get3A_981, %get3A_982] {strides = array<i32>} : memref<32x768xf32, #tpu.memory_space<vmem>>, vector<1x16xf32>,
        %get3A_984 = vector.shape_cast %get3A_983 : vector<1x16xf32> to vector<16xf32>
        %add3A_985 = arith.addf %get3A_980, %get3A_984 : vector<16xf32>
        %mul3A_986 = arith.constant 2.000000e+00 : f32
        %mul3A_987 = vector.broadcast %mul3A_986 : f32 to vector<16xf32>
        %mul3A_988 = arith.mulf %add3A_985, %mul3A_987 : vector<16xf32>
        %swap3A_989 = arith.index_cast %scan3A_366 : i32 to index
        %swap3A_990 = arith.constant 576 : index
        %swap3A_991 = tpu.vector_load %arg8[%swap3A_989, %swap3A_990] {strides = array<i32>} : memref<32x768xf32, #tpu.memory_space<vmem>>, vector<1x16xf32>,
        %swap3A_992 = vector.shape_cast %swap3A_991 : vector<1x16xf32> to vector<16xf32>
        %swap3A_993 = vector.shape_cast %mul3A_988 : vector<16xf32> to vector<1x16xf32>
        tpu.vector_store %arg8[%swap3A_989, %swap3A_990], %swap3A_993 {strides = array<i32>} : memref<32x768xf32, #tpu.memory_space<vmem>>, vector<1x16xf32>,
        %get3A_994 = arith.index_cast %scan3A_366 : i32 to index
        %get3A_995 = arith.constant 592 : index
        %get3A_996 = tpu.vector_load %arg8[%get3A_994, %get3A_995] {strides = array<i32>} : memref<32x768xf32, #tpu.memory_space<vmem>>, vector<1x16xf32>,
        %get3A_997 = vector.shape_cast %get3A_996 : vector<1x16xf32> to vector<16xf32>
        %get3A_998 = arith.index_cast %scan3A_366 : i32 to index
        %get3A_999 = arith.constant 592 : index
        %get3A_1000 = tpu.vector_load %arg7[%get3A_998, %get3A_999] {strides = array<i32>} : memref<32x768xf32, #tpu.memory_space<vmem>>, vector<1x16xf32>,
        %get3A_1001 = vector.shape_cast %get3A_1000 : vector<1x16xf32> to vector<16xf32>
        %add3A_1002 = arith.addf %get3A_997, %get3A_1001 : vector<16xf32>
        %mul3A_1003 = arith.constant 2.000000e+00 : f32
        %mul3A_1004 = vector.broadcast %mul3A_1003 : f32 to vector<16xf32>
        %mul3A_1005 = arith.mulf %add3A_1002, %mul3A_1004 : vector<16xf32>
        %swap3A_1006 = arith.index_cast %scan3A_366 : i32 to index
        %swap3A_1007 = arith.constant 592 : index
        %swap3A_1008 = tpu.vector_load %arg8[%swap3A_1006, %swap3A_1007] {strides = array<i32>} : memref<32x768xf32, #tpu.memory_space<vmem>>, vector<1x16xf32>,
        %swap3A_1009 = vector.shape_cast %swap3A_1008 : vector<1x16xf32> to vector<16xf32>
        %swap3A_1010 = vector.shape_cast %mul3A_1005 : vector<16xf32> to vector<1x16xf32>
        tpu.vector_store %arg8[%swap3A_1006, %swap3A_1007], %swap3A_1010 {strides = array<i32>} : memref<32x768xf32, #tpu.memory_space<vmem>>, vector<1x16xf32>,
        %get3A_1011 = arith.index_cast %scan3A_366 : i32 to index
        %get3A_1012 = arith.constant 608 : index
        %get3A_1013 = tpu.vector_load %arg8[%get3A_1011, %get3A_1012] {strides = array<i32>} : memref<32x768xf32, #tpu.memory_space<vmem>>, vector<1x16xf32>,
        %get3A_1014 = vector.shape_cast %get3A_1013 : vector<1x16xf32> to vector<16xf32>
        %get3A_1015 = arith.index_cast %scan3A_366 : i32 to index
        %get3A_1016 = arith.constant 608 : index
        %get3A_1017 = tpu.vector_load %arg7[%get3A_1015, %get3A_1016] {strides = array<i32>} : memref<32x768xf32, #tpu.memory_space<vmem>>, vector<1x16xf32>,
        %get3A_1018 = vector.shape_cast %get3A_1017 : vector<1x16xf32> to vector<16xf32>
        %add3A_1019 = arith.addf %get3A_1014, %get3A_1018 : vector<16xf32>
        %mul3A_1020 = arith.constant 2.000000e+00 : f32
        %mul3A_1021 = vector.broadcast %mul3A_1020 : f32 to vector<16xf32>
        %mul3A_1022 = arith.mulf %add3A_1019, %mul3A_1021 : vector<16xf32>
        %swap3A_1023 = arith.index_cast %scan3A_366 : i32 to index
        %swap3A_1024 = arith.constant 608 : index
        %swap3A_1025 = tpu.vector_load %arg8[%swap3A_1023, %swap3A_1024] {strides = array<i32>} : memref<32x768xf32, #tpu.memory_space<vmem>>, vector<1x16xf32>,
        %swap3A_1026 = vector.shape_cast %swap3A_1025 : vector<1x16xf32> to vector<16xf32>
        %swap3A_1027 = vector.shape_cast %mul3A_1022 : vector<16xf32> to vector<1x16xf32>
        tpu.vector_store %arg8[%swap3A_1023, %swap3A_1024], %swap3A_1027 {strides = array<i32>} : memref<32x768xf32, #tpu.memory_space<vmem>>, vector<1x16xf32>,
        %get3A_1028 = arith.index_cast %scan3A_366 : i32 to index
        %get3A_1029 = arith.constant 624 : index
        %get3A_1030 = tpu.vector_load %arg8[%get3A_1028, %get3A_1029] {strides = array<i32>} : memref<32x768xf32, #tpu.memory_space<vmem>>, vector<1x16xf32>,
        %get3A_1031 = vector.shape_cast %get3A_1030 : vector<1x16xf32> to vector<16xf32>
        %get3A_1032 = arith.index_cast %scan3A_366 : i32 to index
        %get3A_1033 = arith.constant 624 : index
        %get3A_1034 = tpu.vector_load %arg7[%get3A_1032, %get3A_1033] {strides = array<i32>} : memref<32x768xf32, #tpu.memory_space<vmem>>, vector<1x16xf32>,
        %get3A_1035 = vector.shape_cast %get3A_1034 : vector<1x16xf32> to vector<16xf32>
        %add3A_1036 = arith.addf %get3A_1031, %get3A_1035 : vector<16xf32>
        %mul3A_1037 = arith.constant 2.000000e+00 : f32
        %mul3A_1038 = vector.broadcast %mul3A_1037 : f32 to vector<16xf32>
        %mul3A_1039 = arith.mulf %add3A_1036, %mul3A_1038 : vector<16xf32>
        %swap3A_1040 = arith.index_cast %scan3A_366 : i32 to index
        %swap3A_1041 = arith.constant 624 : index
        %swap3A_1042 = tpu.vector_load %arg8[%swap3A_1040, %swap3A_1041] {strides = array<i32>} : memref<32x768xf32, #tpu.memory_space<vmem>>, vector<1x16xf32>,
        %swap3A_1043 = vector.shape_cast %swap3A_1042 : vector<1x16xf32> to vector<16xf32>
        %swap3A_1044 = vector.shape_cast %mul3A_1039 : vector<16xf32> to vector<1x16xf32>
        tpu.vector_store %arg8[%swap3A_1040, %swap3A_1041], %swap3A_1044 {strides = array<i32>} : memref<32x768xf32, #tpu.memory_space<vmem>>, vector<1x16xf32>,
        %get3A_1045 = arith.index_cast %scan3A_366 : i32 to index
        %get3A_1046 = arith.constant 640 : index
        %get3A_1047 = tpu.vector_load %arg8[%get3A_1045, %get3A_1046] {strides = array<i32>} : memref<32x768xf32, #tpu.memory_space<vmem>>, vector<1x16xf32>,
        %get3A_1048 = vector.shape_cast %get3A_1047 : vector<1x16xf32> to vector<16xf32>
        %get3A_1049 = arith.index_cast %scan3A_366 : i32 to index
        %get3A_1050 = arith.constant 640 : index
        %get3A_1051 = tpu.vector_load %arg7[%get3A_1049, %get3A_1050] {strides = array<i32>} : memref<32x768xf32, #tpu.memory_space<vmem>>, vector<1x16xf32>,
        %get3A_1052 = vector.shape_cast %get3A_1051 : vector<1x16xf32> to vector<16xf32>
        %add3A_1053 = arith.addf %get3A_1048, %get3A_1052 : vector<16xf32>
        %mul3A_1054 = arith.constant 2.000000e+00 : f32
        %mul3A_1055 = vector.broadcast %mul3A_1054 : f32 to vector<16xf32>
        %mul3A_1056 = arith.mulf %add3A_1053, %mul3A_1055 : vector<16xf32>
        %swap3A_1057 = arith.index_cast %scan3A_366 : i32 to index
        %swap3A_1058 = arith.constant 640 : index
        %swap3A_1059 = tpu.vector_load %arg8[%swap3A_1057, %swap3A_1058] {strides = array<i32>} : memref<32x768xf32, #tpu.memory_space<vmem>>, vector<1x16xf32>,
        %swap3A_1060 = vector.shape_cast %swap3A_1059 : vector<1x16xf32> to vector<16xf32>
        %swap3A_1061 = vector.shape_cast %mul3A_1056 : vector<16xf32> to vector<1x16xf32>
        tpu.vector_store %arg8[%swap3A_1057, %swap3A_1058], %swap3A_1061 {strides = array<i32>} : memref<32x768xf32, #tpu.memory_space<vmem>>, vector<1x16xf32>,
        %get3A_1062 = arith.index_cast %scan3A_366 : i32 to index
        %get3A_1063 = arith.constant 656 : index
        %get3A_1064 = tpu.vector_load %arg8[%get3A_1062, %get3A_1063] {strides = array<i32>} : memref<32x768xf32, #tpu.memory_space<vmem>>, vector<1x16xf32>,
        %get3A_1065 = vector.shape_cast %get3A_1064 : vector<1x16xf32> to vector<16xf32>
        %get3A_1066 = arith.index_cast %scan3A_366 : i32 to index
        %get3A_1067 = arith.constant 656 : index
        %get3A_1068 = tpu.vector_load %arg7[%get3A_1066, %get3A_1067] {strides = array<i32>} : memref<32x768xf32, #tpu.memory_space<vmem>>, vector<1x16xf32>,
        %get3A_1069 = vector.shape_cast %get3A_1068 : vector<1x16xf32> to vector<16xf32>
        %add3A_1070 = arith.addf %get3A_1065, %get3A_1069 : vector<16xf32>
        %mul3A_1071 = arith.constant 2.000000e+00 : f32
        %mul3A_1072 = vector.broadcast %mul3A_1071 : f32 to vector<16xf32>
        %mul3A_1073 = arith.mulf %add3A_1070, %mul3A_1072 : vector<16xf32>
        %swap3A_1074 = arith.index_cast %scan3A_366 : i32 to index
        %swap3A_1075 = arith.constant 656 : index
        %swap3A_1076 = tpu.vector_load %arg8[%swap3A_1074, %swap3A_1075] {strides = array<i32>} : memref<32x768xf32, #tpu.memory_space<vmem>>, vector<1x16xf32>,
        %swap3A_1077 = vector.shape_cast %swap3A_1076 : vector<1x16xf32> to vector<16xf32>
        %swap3A_1078 = vector.shape_cast %mul3A_1073 : vector<16xf32> to vector<1x16xf32>
        tpu.vector_store %arg8[%swap3A_1074, %swap3A_1075], %swap3A_1078 {strides = array<i32>} : memref<32x768xf32, #tpu.memory_space<vmem>>, vector<1x16xf32>,
        %get3A_1079 = arith.index_cast %scan3A_366 : i32 to index
        %get3A_1080 = arith.constant 672 : index
        %get3A_1081 = tpu.vector_load %arg8[%get3A_1079, %get3A_1080] {strides = array<i32>} : memref<32x768xf32, #tpu.memory_space<vmem>>, vector<1x16xf32>,
        %get3A_1082 = vector.shape_cast %get3A_1081 : vector<1x16xf32> to vector<16xf32>
        %get3A_1083 = arith.index_cast %scan3A_366 : i32 to index
        %get3A_1084 = arith.constant 672 : index
        %get3A_1085 = tpu.vector_load %arg7[%get3A_1083, %get3A_1084] {strides = array<i32>} : memref<32x768xf32, #tpu.memory_space<vmem>>, vector<1x16xf32>,
        %get3A_1086 = vector.shape_cast %get3A_1085 : vector<1x16xf32> to vector<16xf32>
        %add3A_1087 = arith.addf %get3A_1082, %get3A_1086 : vector<16xf32>
        %mul3A_1088 = arith.constant 2.000000e+00 : f32
        %mul3A_1089 = vector.broadcast %mul3A_1088 : f32 to vector<16xf32>
        %mul3A_1090 = arith.mulf %add3A_1087, %mul3A_1089 : vector<16xf32>
        %swap3A_1091 = arith.index_cast %scan3A_366 : i32 to index
        %swap3A_1092 = arith.constant 672 : index
        %swap3A_1093 = tpu.vector_load %arg8[%swap3A_1091, %swap3A_1092] {strides = array<i32>} : memref<32x768xf32, #tpu.memory_space<vmem>>, vector<1x16xf32>,
        %swap3A_1094 = vector.shape_cast %swap3A_1093 : vector<1x16xf32> to vector<16xf32>
        %swap3A_1095 = vector.shape_cast %mul3A_1090 : vector<16xf32> to vector<1x16xf32>
        tpu.vector_store %arg8[%swap3A_1091, %swap3A_1092], %swap3A_1095 {strides = array<i32>} : memref<32x768xf32, #tpu.memory_space<vmem>>, vector<1x16xf32>,
        %get3A_1096 = arith.index_cast %scan3A_366 : i32 to index
        %get3A_1097 = arith.constant 688 : index
        %get3A_1098 = tpu.vector_load %arg8[%get3A_1096, %get3A_1097] {strides = array<i32>} : memref<32x768xf32, #tpu.memory_space<vmem>>, vector<1x16xf32>,
        %get3A_1099 = vector.shape_cast %get3A_1098 : vector<1x16xf32> to vector<16xf32>
        %get3A_1100 = arith.index_cast %scan3A_366 : i32 to index
        %get3A_1101 = arith.constant 688 : index
        %get3A_1102 = tpu.vector_load %arg7[%get3A_1100, %get3A_1101] {strides = array<i32>} : memref<32x768xf32, #tpu.memory_space<vmem>>, vector<1x16xf32>,
        %get3A_1103 = vector.shape_cast %get3A_1102 : vector<1x16xf32> to vector<16xf32>
        %add3A_1104 = arith.addf %get3A_1099, %get3A_1103 : vector<16xf32>
        %mul3A_1105 = arith.constant 2.000000e+00 : f32
        %mul3A_1106 = vector.broadcast %mul3A_1105 : f32 to vector<16xf32>
        %mul3A_1107 = arith.mulf %add3A_1104, %mul3A_1106 : vector<16xf32>
        %swap3A_1108 = arith.index_cast %scan3A_366 : i32 to index
        %swap3A_1109 = arith.constant 688 : index
        %swap3A_1110 = tpu.vector_load %arg8[%swap3A_1108, %swap3A_1109] {strides = array<i32>} : memref<32x768xf32, #tpu.memory_space<vmem>>, vector<1x16xf32>,
        %swap3A_1111 = vector.shape_cast %swap3A_1110 : vector<1x16xf32> to vector<16xf32>
        %swap3A_1112 = vector.shape_cast %mul3A_1107 : vector<16xf32> to vector<1x16xf32>
        tpu.vector_store %arg8[%swap3A_1108, %swap3A_1109], %swap3A_1112 {strides = array<i32>} : memref<32x768xf32, #tpu.memory_space<vmem>>, vector<1x16xf32>,
        %get3A_1113 = arith.index_cast %scan3A_366 : i32 to index
        %get3A_1114 = arith.constant 704 : index
        %get3A_1115 = tpu.vector_load %arg8[%get3A_1113, %get3A_1114] {strides = array<i32>} : memref<32x768xf32, #tpu.memory_space<vmem>>, vector<1x16xf32>,
        %get3A_1116 = vector.shape_cast %get3A_1115 : vector<1x16xf32> to vector<16xf32>
        %get3A_1117 = arith.index_cast %scan3A_366 : i32 to index
        %get3A_1118 = arith.constant 704 : index
        %get3A_1119 = tpu.vector_load %arg7[%get3A_1117, %get3A_1118] {strides = array<i32>} : memref<32x768xf32, #tpu.memory_space<vmem>>, vector<1x16xf32>,
        %get3A_1120 = vector.shape_cast %get3A_1119 : vector<1x16xf32> to vector<16xf32>
        %add3A_1121 = arith.addf %get3A_1116, %get3A_1120 : vector<16xf32>
        %mul3A_1122 = arith.constant 2.000000e+00 : f32
        %mul3A_1123 = vector.broadcast %mul3A_1122 : f32 to vector<16xf32>
        %mul3A_1124 = arith.mulf %add3A_1121, %mul3A_1123 : vector<16xf32>
        %swap3A_1125 = arith.index_cast %scan3A_366 : i32 to index
        %swap3A_1126 = arith.constant 704 : index
        %swap3A_1127 = tpu.vector_load %arg8[%swap3A_1125, %swap3A_1126] {strides = array<i32>} : memref<32x768xf32, #tpu.memory_space<vmem>>, vector<1x16xf32>,
        %swap3A_1128 = vector.shape_cast %swap3A_1127 : vector<1x16xf32> to vector<16xf32>
        %swap3A_1129 = vector.shape_cast %mul3A_1124 : vector<16xf32> to vector<1x16xf32>
        tpu.vector_store %arg8[%swap3A_1125, %swap3A_1126], %swap3A_1129 {strides = array<i32>} : memref<32x768xf32, #tpu.memory_space<vmem>>, vector<1x16xf32>,
        %get3A_1130 = arith.index_cast %scan3A_366 : i32 to index
        %get3A_1131 = arith.constant 720 : index
        %get3A_1132 = tpu.vector_load %arg8[%get3A_1130, %get3A_1131] {strides = array<i32>} : memref<32x768xf32, #tpu.memory_space<vmem>>, vector<1x16xf32>,
        %get3A_1133 = vector.shape_cast %get3A_1132 : vector<1x16xf32> to vector<16xf32>
        %get3A_1134 = arith.index_cast %scan3A_366 : i32 to index
        %get3A_1135 = arith.constant 720 : index
        %get3A_1136 = tpu.vector_load %arg7[%get3A_1134, %get3A_1135] {strides = array<i32>} : memref<32x768xf32, #tpu.memory_space<vmem>>, vector<1x16xf32>,
        %get3A_1137 = vector.shape_cast %get3A_1136 : vector<1x16xf32> to vector<16xf32>
        %add3A_1138 = arith.addf %get3A_1133, %get3A_1137 : vector<16xf32>
        %mul3A_1139 = arith.constant 2.000000e+00 : f32
        %mul3A_1140 = vector.broadcast %mul3A_1139 : f32 to vector<16xf32>
        %mul3A_1141 = arith.mulf %add3A_1138, %mul3A_1140 : vector<16xf32>
        %swap3A_1142 = arith.index_cast %scan3A_366 : i32 to index
        %swap3A_1143 = arith.constant 720 : index
        %swap3A_1144 = tpu.vector_load %arg8[%swap3A_1142, %swap3A_1143] {strides = array<i32>} : memref<32x768xf32, #tpu.memory_space<vmem>>, vector<1x16xf32>,
        %swap3A_1145 = vector.shape_cast %swap3A_1144 : vector<1x16xf32> to vector<16xf32>
        %swap3A_1146 = vector.shape_cast %mul3A_1141 : vector<16xf32> to vector<1x16xf32>
        tpu.vector_store %arg8[%swap3A_1142, %swap3A_1143], %swap3A_1146 {strides = array<i32>} : memref<32x768xf32, #tpu.memory_space<vmem>>, vector<1x16xf32>,
        %get3A_1147 = arith.index_cast %scan3A_366 : i32 to index
        %get3A_1148 = arith.constant 736 : index
        %get3A_1149 = tpu.vector_load %arg8[%get3A_1147, %get3A_1148] {strides = array<i32>} : memref<32x768xf32, #tpu.memory_space<vmem>>, vector<1x16xf32>,
        %get3A_1150 = vector.shape_cast %get3A_1149 : vector<1x16xf32> to vector<16xf32>
        %get3A_1151 = arith.index_cast %scan3A_366 : i32 to index
        %get3A_1152 = arith.constant 736 : index
        %get3A_1153 = tpu.vector_load %arg7[%get3A_1151, %get3A_1152] {strides = array<i32>} : memref<32x768xf32, #tpu.memory_space<vmem>>, vector<1x16xf32>,
        %get3A_1154 = vector.shape_cast %get3A_1153 : vector<1x16xf32> to vector<16xf32>
        %add3A_1155 = arith.addf %get3A_1150, %get3A_1154 : vector<16xf32>
        %mul3A_1156 = arith.constant 2.000000e+00 : f32
        %mul3A_1157 = vector.broadcast %mul3A_1156 : f32 to vector<16xf32>
        %mul3A_1158 = arith.mulf %add3A_1155, %mul3A_1157 : vector<16xf32>
        %swap3A_1159 = arith.index_cast %scan3A_366 : i32 to index
        %swap3A_1160 = arith.constant 736 : index
        %swap3A_1161 = tpu.vector_load %arg8[%swap3A_1159, %swap3A_1160] {strides = array<i32>} : memref<32x768xf32, #tpu.memory_space<vmem>>, vector<1x16xf32>,
        %swap3A_1162 = vector.shape_cast %swap3A_1161 : vector<1x16xf32> to vector<16xf32>
        %swap3A_1163 = vector.shape_cast %mul3A_1158 : vector<16xf32> to vector<1x16xf32>
        tpu.vector_store %arg8[%swap3A_1159, %swap3A_1160], %swap3A_1163 {strides = array<i32>} : memref<32x768xf32, #tpu.memory_space<vmem>>, vector<1x16xf32>,
        %get3A_1164 = arith.index_cast %scan3A_366 : i32 to index
        %get3A_1165 = arith.constant 752 : index
        %get3A_1166 = tpu.vector_load %arg8[%get3A_1164, %get3A_1165] {strides = array<i32>} : memref<32x768xf32, #tpu.memory_space<vmem>>, vector<1x16xf32>,
        %get3A_1167 = vector.shape_cast %get3A_1166 : vector<1x16xf32> to vector<16xf32>
        %get3A_1168 = arith.index_cast %scan3A_366 : i32 to index
        %get3A_1169 = arith.constant 752 : index
        %get3A_1170 = tpu.vector_load %arg7[%get3A_1168, %get3A_1169] {strides = array<i32>} : memref<32x768xf32, #tpu.memory_space<vmem>>, vector<1x16xf32>,
        %get3A_1171 = vector.shape_cast %get3A_1170 : vector<1x16xf32> to vector<16xf32>
        %add3A_1172 = arith.addf %get3A_1167, %get3A_1171 : vector<16xf32>
        %mul3A_1173 = arith.constant 2.000000e+00 : f32
        %mul3A_1174 = vector.broadcast %mul3A_1173 : f32 to vector<16xf32>
        %mul3A_1175 = arith.mulf %add3A_1172, %mul3A_1174 : vector<16xf32>
        %swap3A_1176 = arith.index_cast %scan3A_366 : i32 to index
        %swap3A_1177 = arith.constant 752 : index
        %swap3A_1178 = tpu.vector_load %arg8[%swap3A_1176, %swap3A_1177] {strides = array<i32>} : memref<32x768xf32, #tpu.memory_space<vmem>>, vector<1x16xf32>,
        %swap3A_1179 = vector.shape_cast %swap3A_1178 : vector<1x16xf32> to vector<16xf32>
        %swap3A_1180 = vector.shape_cast %mul3A_1175 : vector<16xf32> to vector<1x16xf32>
        tpu.vector_store %arg8[%swap3A_1176, %swap3A_1177], %swap3A_1180 {strides = array<i32>} : memref<32x768xf32, #tpu.memory_space<vmem>>, vector<1x16xf32>,
      }
      %scan3A_194 = arith.constant 32 : i32
      %add3A_195 = arith.addi %mul3A_20, %add3A_181 : i32
      %dma_start3A_196 = arith.constant 0 : i32
      %dma_start3A_197 = tpu.memref_slice %arg5[%add3A_195, %mul3A_22, %dma_start3A_196] : memref<128x512x768xf32, #tpu.memory_space<hbm>> -> memref<1x32x768xf32, #tpu.memory_space<hbm>>
      %dma_start3A_198 = tpu.memref_squeeze %dma_start3A_197 : memref<1x32x768xf32, #tpu.memory_space<hbm>> -> memref<32x768xf32, #tpu.memory_space<hbm>>
      %dma_start3A_199 = arith.constant 0 : i32
      %dma_start3A_200 = tpu.memref_slice %arg5[%add3A_195, %mul3A_22, %dma_start3A_199] : memref<128x512x768xf32, #tpu.memory_space<hbm>> -> memref<1x32x768xf32, #tpu.memory_space<hbm>>
      %dma_start3A_201 = tpu.memref_squeeze %dma_start3A_200 : memref<1x32x768xf32, #tpu.memory_space<hbm>> -> memref<32x768xf32, #tpu.memory_space<hbm>>
      tpu.enqueue_dma source(%arg8 : memref<32x768xf32, #tpu.memory_space<vmem>>) target(%dma_start3A_201 : memref<32x768xf32, #tpu.memory_space<hbm>>) target_semaphore(%arg16 : memref<!tpu.dma_semaphore, #tpu.memory_space<semaphore_mem>>)
      %add3A_202 = arith.constant 4 : i32
      %add3A_203 = arith.addi %add3A_181, %add3A_202 : i32
      %lt3A = arith.constant 64 : i32
      %lt3A_204 = arith.cmpi slt, %add3A_203, %lt3A : i32
      %convert_element_type3A = arith.extui %lt3A_204 : i1 to i32
      %cond3A = arith.constant 0 : i32
      %cond3A_205 = arith.cmpi ne, %convert_element_type3A, %cond3A : i32
      scf.if %cond3A_205 {
        %add3A_366 = arith.constant 4 : i32
        %add3A_367 = arith.addi %add3A_181, %add3A_366 : i32
        %add3A_368 = arith.addi %mul3A_20, %add3A_367 : i32
        %mul3A_369 = arith.constant 512 : i32
        %mul3A_370 = arith.muli %add3A_368, %mul3A_369 : i32
        %add3A_371 = arith.addi %mul3A_370, %mul3A_22 : i32
        %dma_start3A_372 = arith.constant 0 : i32
        %dma_start3A_373 = arith.constant 0 : i32
        %dma_start3A_374 = tpu.memref_slice %arg6[%dma_start3A_372, %dma_start3A_373] : memref<4x32xi32, #tpu.memory_space<vmem>> -> memref<1x32xi32, #tpu.memory_space<vmem>>
        %dma_start3A_375 = tpu.memref_squeeze %dma_start3A_374 : memref<1x32xi32, #tpu.memory_space<vmem>> -> memref<32xi32, #tpu.memory_space<vmem>>
        %dma_start3A_376 = tpu.memref_slice %arg2[%add3A_371] : memref<65536xi32, #tpu.memory_space<hbm>> -> memref<32xi32, #tpu.memory_space<hbm>>
        %dma_start3A_377 = arith.constant 0 : i32
        %dma_start3A_378 = tpu.memref_slice %arg6[%dma_start3A_372, %dma_start3A_377] : memref<4x32xi32, #tpu.memory_space<vmem>> -> memref<1x32xi32, #tpu.memory_space<vmem>>
        %dma_start3A_379 = tpu.memref_squeeze %dma_start3A_378 : memref<1x32xi32, #tpu.memory_space<vmem>> -> memref<32xi32, #tpu.memory_space<vmem>>
        %dma_start3A_380 = tpu.memref_slice %arg2[%add3A_371] : memref<65536xi32, #tpu.memory_space<hbm>> -> memref<32xi32, #tpu.memory_space<hbm>>
        tpu.enqueue_dma source(%dma_start3A_380 : memref<32xi32, #tpu.memory_space<hbm>>) target(%dma_start3A_379 : memref<32xi32, #tpu.memory_space<vmem>>) target_semaphore(%arg20 : memref<!tpu.dma_semaphore, #tpu.memory_space<semaphore_mem>>)
      } else {
      }
      %add3A_206 = arith.constant 4 : i32
      %add3A_207 = arith.addi %add3A_181, %add3A_206 : i32
      %sub3A_208 = arith.constant 1 : i32
      %sub3A_209 = arith.subi %add3A_207, %sub3A_208 : i32
      %ge3A = arith.constant 1 : i32
      %ge3A_210 = arith.cmpi sge, %add3A_181, %ge3A : i32
      %lt3A_211 = arith.constant 64 : i32
      %lt3A_212 = arith.cmpi slt, %sub3A_209, %lt3A_211 : i32
      %and3A_213 = arith.andi %ge3A_210, %lt3A_212 : i1
      %convert_element_type3A_214 = arith.extui %and3A_213 : i1 to i32
      %cond3A_215 = arith.constant 0 : i32
      %cond3A_216 = arith.cmpi ne, %convert_element_type3A_214, %cond3A_215 : i32
      scf.if %cond3A_216 {
        %add3A_366 = arith.addi %mul3A_20, %add3A_181 : i32
        %sub3A_367 = arith.constant 1 : i32
        %sub3A_368 = arith.subi %add3A_366, %sub3A_367 : i32
        %dma_wait3A_369 = arith.constant 0 : i32
        %dma_wait3A_370 = tpu.memref_slice %arg5[%sub3A_368, %mul3A_22, %dma_wait3A_369] : memref<128x512x768xf32, #tpu.memory_space<hbm>> -> memref<1x32x768xf32, #tpu.memory_space<hbm>>
        %dma_wait3A_371 = tpu.memref_squeeze %dma_wait3A_370 : memref<1x32x768xf32, #tpu.memory_space<hbm>> -> memref<32x768xf32, #tpu.memory_space<hbm>>
        %dma_wait3A_372 = arith.constant 0 : i32
        %dma_wait3A_373 = tpu.memref_slice %arg5[%sub3A_368, %mul3A_22, %dma_wait3A_372] : memref<128x512x768xf32, #tpu.memory_space<hbm>> -> memref<1x32x768xf32, #tpu.memory_space<hbm>>
        %dma_wait3A_374 = tpu.memref_squeeze %dma_wait3A_373 : memref<1x32x768xf32, #tpu.memory_space<hbm>> -> memref<32x768xf32, #tpu.memory_space<hbm>>
        tpu.wait_dma2 semaphore(%arg19 : memref<!tpu.dma_semaphore, #tpu.memory_space<semaphore_mem>>) src(%arg11 : memref<32x768xf32, #tpu.memory_space<vmem>>) dst(%dma_wait3A_374 : memref<32x768xf32, #tpu.memory_space<hbm>>)
      } else {
      }
      %lt3A_217 = arith.constant 64 : i32
      %lt3A_218 = arith.cmpi slt, %sub3A_209, %lt3A_217 : i32
      %convert_element_type3A_219 = arith.extui %lt3A_218 : i1 to i32
      %cond3A_220 = arith.constant 0 : i32
      %cond3A_221 = arith.cmpi ne, %convert_element_type3A_219, %cond3A_220 : i32
      scf.if %cond3A_221 {
        %add3A_366 = arith.addi %mul3A_20, %sub3A_209 : i32
        %mul3A_367 = arith.constant 512 : i32
        %mul3A_368 = arith.muli %add3A_366, %mul3A_367 : i32
        %add3A_369 = arith.addi %mul3A_368, %mul3A_22 : i32
        %dma_wait3A_370 = arith.constant 3 : i32
        %dma_wait3A_371 = arith.constant 0 : i32
        %dma_wait3A_372 = tpu.memref_slice %arg6[%dma_wait3A_370, %dma_wait3A_371] : memref<4x32xi32, #tpu.memory_space<vmem>> -> memref<1x32xi32, #tpu.memory_space<vmem>>
        %dma_wait3A_373 = tpu.memref_squeeze %dma_wait3A_372 : memref<1x32xi32, #tpu.memory_space<vmem>> -> memref<32xi32, #tpu.memory_space<vmem>>
        %dma_wait3A_374 = tpu.memref_slice %arg2[%add3A_369] : memref<65536xi32, #tpu.memory_space<hbm>> -> memref<32xi32, #tpu.memory_space<hbm>>
        %dma_wait3A_375 = arith.constant 0 : i32
        %dma_wait3A_376 = tpu.memref_slice %arg6[%dma_wait3A_370, %dma_wait3A_375] : memref<4x32xi32, #tpu.memory_space<vmem>> -> memref<1x32xi32, #tpu.memory_space<vmem>>
        %dma_wait3A_377 = tpu.memref_squeeze %dma_wait3A_376 : memref<1x32xi32, #tpu.memory_space<vmem>> -> memref<32xi32, #tpu.memory_space<vmem>>
        %dma_wait3A_378 = tpu.memref_slice %arg2[%add3A_369] : memref<65536xi32, #tpu.memory_space<hbm>> -> memref<32xi32, #tpu.memory_space<hbm>>
        tpu.wait_dma2 semaphore(%arg23 : memref<!tpu.dma_semaphore, #tpu.memory_space<semaphore_mem>>) src(%dma_wait3A_378 : memref<32xi32, #tpu.memory_space<hbm>>) dst(%dma_wait3A_377 : memref<32xi32, #tpu.memory_space<vmem>>)
        %dma_start3A_379 = arith.constant 3 : i32
        %dma_start3A_380 = arith.constant 0 : i32
        %dma_start3A_381 = tpu.memref_slice %arg6[%dma_start3A_379, %dma_start3A_380] : memref<4x32xi32, #tpu.memory_space<vmem>> -> memref<1x32xi32, #tpu.memory_space<vmem>>
        %dma_start3A_382 = tpu.memref_squeeze %dma_start3A_381 : memref<1x32xi32, #tpu.memory_space<vmem>> -> memref<32xi32, #tpu.memory_space<vmem>>
        %dma_start3A_383 = arith.constant 0 : i32
        %dma_start3A_384 = arith.constant 0 : i32
        %dma_start3A_385 = tpu.memref_slice %arg3[%dma_start3A_383, %dma_start3A_384] : memref<30522x768xf32, #tpu.memory_space<hbm>> -> memref<30522x768xf32, #tpu.memory_space<hbm>>
        tpu.enqueue_indirect_dma source(%dma_start3A_385 : memref<30522x768xf32, #tpu.memory_space<hbm>>) target(%arg11 : memref<32x768xf32, #tpu.memory_space<vmem>>) offsets(%dma_start3A_382 : memref<32xi32, #tpu.memory_space<vmem>>) semaphore(%arg15 : memref<!tpu.dma_semaphore, #tpu.memory_space<semaphore_mem>>)
      } else {
      }
      %mul3A_222 = arith.constant 4 : i32
      %mul3A_223 = arith.muli %scan3A_177, %mul3A_222 : i32
      %add3A_224 = arith.constant 1 : i32
      %add3A_225 = arith.addi %mul3A_223, %add3A_224 : i32
      %dma_wait3A_226 = arith.constant 1 : i32
      %dma_wait3A_227 = arith.constant 0 : i32
      %dma_wait3A_228 = tpu.memref_slice %arg6[%dma_wait3A_226, %dma_wait3A_227] : memref<4x32xi32, #tpu.memory_space<vmem>> -> memref<1x32xi32, #tpu.memory_space<vmem>>
      %dma_wait3A_229 = tpu.memref_squeeze %dma_wait3A_228 : memref<1x32xi32, #tpu.memory_space<vmem>> -> memref<32xi32, #tpu.memory_space<vmem>>
      %dma_wait3A_230 = arith.constant 0 : i32
      %dma_wait3A_231 = arith.constant 0 : i32
      %dma_wait3A_232 = tpu.memref_slice %arg3[%dma_wait3A_230, %dma_wait3A_231] : memref<30522x768xf32, #tpu.memory_space<hbm>> -> memref<30522x768xf32, #tpu.memory_space<hbm>>
      tpu.wait_indirect_dma semaphore(%arg13 : memref<!tpu.dma_semaphore, #tpu.memory_space<semaphore_mem>>) src(%dma_wait3A_232 : memref<30522x768xf32, #tpu.memory_space<hbm>>) dst(%arg9 : memref<32x768xf32, #tpu.memory_space<vmem>>)
      %scan3A_233 = arith.constant 0 : i32
      %scan3A_234 = arith.constant 0 : i32
      %scan3A_235 = arith.constant 32 : i32
      %scan3A_236 = arith.addi %scan3A_234, %scan3A_235 : i32
      %scan3A_237 = arith.constant 1 : i32
      scf.for %scan3A_366 = %scan3A_234 to %scan3A_236 step %scan3A_237  : i32 {
        %get3A = arith.index_cast %scan3A_366 : i32 to index
        %get3A_367 = arith.constant 0 : index
        %get3A_368 = tpu.vector_load %arg9[%get3A, %get3A_367] {strides = array<i32>} : memref<32x768xf32, #tpu.memory_space<vmem>>, vector<1x16xf32>,
        %get3A_369 = vector.shape_cast %get3A_368 : vector<1x16xf32> to vector<16xf32>
        %get3A_370 = arith.index_cast %scan3A_366 : i32 to index
        %get3A_371 = arith.constant 0 : index
        %get3A_372 = tpu.vector_load %arg7[%get3A_370, %get3A_371] {strides = array<i32>} : memref<32x768xf32, #tpu.memory_space<vmem>>, vector<1x16xf32>,
        %get3A_373 = vector.shape_cast %get3A_372 : vector<1x16xf32> to vector<16xf32>
        %add3A_374 = arith.addf %get3A_369, %get3A_373 : vector<16xf32>
        %mul3A_375 = arith.constant 2.000000e+00 : f32
        %mul3A_376 = vector.broadcast %mul3A_375 : f32 to vector<16xf32>
        %mul3A_377 = arith.mulf %add3A_374, %mul3A_376 : vector<16xf32>
        %swap3A = arith.index_cast %scan3A_366 : i32 to index
        %swap3A_378 = arith.constant 0 : index
        %swap3A_379 = tpu.vector_load %arg9[%swap3A, %swap3A_378] {strides = array<i32>} : memref<32x768xf32, #tpu.memory_space<vmem>>, vector<1x16xf32>,
        %swap3A_380 = vector.shape_cast %swap3A_379 : vector<1x16xf32> to vector<16xf32>
        %swap3A_381 = vector.shape_cast %mul3A_377 : vector<16xf32> to vector<1x16xf32>
        tpu.vector_store %arg9[%swap3A, %swap3A_378], %swap3A_381 {strides = array<i32>} : memref<32x768xf32, #tpu.memory_space<vmem>>, vector<1x16xf32>,
        %get3A_382 = arith.index_cast %scan3A_366 : i32 to index
        %get3A_383 = arith.constant 16 : index
        %get3A_384 = tpu.vector_load %arg9[%get3A_382, %get3A_383] {strides = array<i32>} : memref<32x768xf32, #tpu.memory_space<vmem>>, vector<1x16xf32>,
        %get3A_385 = vector.shape_cast %get3A_384 : vector<1x16xf32> to vector<16xf32>
        %get3A_386 = arith.index_cast %scan3A_366 : i32 to index
        %get3A_387 = arith.constant 16 : index
        %get3A_388 = tpu.vector_load %arg7[%get3A_386, %get3A_387] {strides = array<i32>} : memref<32x768xf32, #tpu.memory_space<vmem>>, vector<1x16xf32>,
        %get3A_389 = vector.shape_cast %get3A_388 : vector<1x16xf32> to vector<16xf32>
        %add3A_390 = arith.addf %get3A_385, %get3A_389 : vector<16xf32>
        %mul3A_391 = arith.constant 2.000000e+00 : f32
        %mul3A_392 = vector.broadcast %mul3A_391 : f32 to vector<16xf32>
        %mul3A_393 = arith.mulf %add3A_390, %mul3A_392 : vector<16xf32>
        %swap3A_394 = arith.index_cast %scan3A_366 : i32 to index
        %swap3A_395 = arith.constant 16 : index
        %swap3A_396 = tpu.vector_load %arg9[%swap3A_394, %swap3A_395] {strides = array<i32>} : memref<32x768xf32, #tpu.memory_space<vmem>>, vector<1x16xf32>,
        %swap3A_397 = vector.shape_cast %swap3A_396 : vector<1x16xf32> to vector<16xf32>
        %swap3A_398 = vector.shape_cast %mul3A_393 : vector<16xf32> to vector<1x16xf32>
        tpu.vector_store %arg9[%swap3A_394, %swap3A_395], %swap3A_398 {strides = array<i32>} : memref<32x768xf32, #tpu.memory_space<vmem>>, vector<1x16xf32>,
        %get3A_399 = arith.index_cast %scan3A_366 : i32 to index
        %get3A_400 = arith.constant 32 : index
        %get3A_401 = tpu.vector_load %arg9[%get3A_399, %get3A_400] {strides = array<i32>} : memref<32x768xf32, #tpu.memory_space<vmem>>, vector<1x16xf32>,
        %get3A_402 = vector.shape_cast %get3A_401 : vector<1x16xf32> to vector<16xf32>
        %get3A_403 = arith.index_cast %scan3A_366 : i32 to index
        %get3A_404 = arith.constant 32 : index
        %get3A_405 = tpu.vector_load %arg7[%get3A_403, %get3A_404] {strides = array<i32>} : memref<32x768xf32, #tpu.memory_space<vmem>>, vector<1x16xf32>,
        %get3A_406 = vector.shape_cast %get3A_405 : vector<1x16xf32> to vector<16xf32>
        %add3A_407 = arith.addf %get3A_402, %get3A_406 : vector<16xf32>
        %mul3A_408 = arith.constant 2.000000e+00 : f32
        %mul3A_409 = vector.broadcast %mul3A_408 : f32 to vector<16xf32>
        %mul3A_410 = arith.mulf %add3A_407, %mul3A_409 : vector<16xf32>
        %swap3A_411 = arith.index_cast %scan3A_366 : i32 to index
        %swap3A_412 = arith.constant 32 : index
        %swap3A_413 = tpu.vector_load %arg9[%swap3A_411, %swap3A_412] {strides = array<i32>} : memref<32x768xf32, #tpu.memory_space<vmem>>, vector<1x16xf32>,
        %swap3A_414 = vector.shape_cast %swap3A_413 : vector<1x16xf32> to vector<16xf32>
        %swap3A_415 = vector.shape_cast %mul3A_410 : vector<16xf32> to vector<1x16xf32>
        tpu.vector_store %arg9[%swap3A_411, %swap3A_412], %swap3A_415 {strides = array<i32>} : memref<32x768xf32, #tpu.memory_space<vmem>>, vector<1x16xf32>,
        %get3A_416 = arith.index_cast %scan3A_366 : i32 to index
        %get3A_417 = arith.constant 48 : index
        %get3A_418 = tpu.vector_load %arg9[%get3A_416, %get3A_417] {strides = array<i32>} : memref<32x768xf32, #tpu.memory_space<vmem>>, vector<1x16xf32>,
        %get3A_419 = vector.shape_cast %get3A_418 : vector<1x16xf32> to vector<16xf32>
        %get3A_420 = arith.index_cast %scan3A_366 : i32 to index
        %get3A_421 = arith.constant 48 : index
        %get3A_422 = tpu.vector_load %arg7[%get3A_420, %get3A_421] {strides = array<i32>} : memref<32x768xf32, #tpu.memory_space<vmem>>, vector<1x16xf32>,
        %get3A_423 = vector.shape_cast %get3A_422 : vector<1x16xf32> to vector<16xf32>
        %add3A_424 = arith.addf %get3A_419, %get3A_423 : vector<16xf32>
        %mul3A_425 = arith.constant 2.000000e+00 : f32
        %mul3A_426 = vector.broadcast %mul3A_425 : f32 to vector<16xf32>
        %mul3A_427 = arith.mulf %add3A_424, %mul3A_426 : vector<16xf32>
        %swap3A_428 = arith.index_cast %scan3A_366 : i32 to index
        %swap3A_429 = arith.constant 48 : index
        %swap3A_430 = tpu.vector_load %arg9[%swap3A_428, %swap3A_429] {strides = array<i32>} : memref<32x768xf32, #tpu.memory_space<vmem>>, vector<1x16xf32>,
        %swap3A_431 = vector.shape_cast %swap3A_430 : vector<1x16xf32> to vector<16xf32>
        %swap3A_432 = vector.shape_cast %mul3A_427 : vector<16xf32> to vector<1x16xf32>
        tpu.vector_store %arg9[%swap3A_428, %swap3A_429], %swap3A_432 {strides = array<i32>} : memref<32x768xf32, #tpu.memory_space<vmem>>, vector<1x16xf32>,
        %get3A_433 = arith.index_cast %scan3A_366 : i32 to index
        %get3A_434 = arith.constant 64 : index
        %get3A_435 = tpu.vector_load %arg9[%get3A_433, %get3A_434] {strides = array<i32>} : memref<32x768xf32, #tpu.memory_space<vmem>>, vector<1x16xf32>,
        %get3A_436 = vector.shape_cast %get3A_435 : vector<1x16xf32> to vector<16xf32>
        %get3A_437 = arith.index_cast %scan3A_366 : i32 to index
        %get3A_438 = arith.constant 64 : index
        %get3A_439 = tpu.vector_load %arg7[%get3A_437, %get3A_438] {strides = array<i32>} : memref<32x768xf32, #tpu.memory_space<vmem>>, vector<1x16xf32>,
        %get3A_440 = vector.shape_cast %get3A_439 : vector<1x16xf32> to vector<16xf32>
        %add3A_441 = arith.addf %get3A_436, %get3A_440 : vector<16xf32>
        %mul3A_442 = arith.constant 2.000000e+00 : f32
        %mul3A_443 = vector.broadcast %mul3A_442 : f32 to vector<16xf32>
        %mul3A_444 = arith.mulf %add3A_441, %mul3A_443 : vector<16xf32>
        %swap3A_445 = arith.index_cast %scan3A_366 : i32 to index
        %swap3A_446 = arith.constant 64 : index
        %swap3A_447 = tpu.vector_load %arg9[%swap3A_445, %swap3A_446] {strides = array<i32>} : memref<32x768xf32, #tpu.memory_space<vmem>>, vector<1x16xf32>,
        %swap3A_448 = vector.shape_cast %swap3A_447 : vector<1x16xf32> to vector<16xf32>
        %swap3A_449 = vector.shape_cast %mul3A_444 : vector<16xf32> to vector<1x16xf32>
        tpu.vector_store %arg9[%swap3A_445, %swap3A_446], %swap3A_449 {strides = array<i32>} : memref<32x768xf32, #tpu.memory_space<vmem>>, vector<1x16xf32>,
        %get3A_450 = arith.index_cast %scan3A_366 : i32 to index
        %get3A_451 = arith.constant 80 : index
        %get3A_452 = tpu.vector_load %arg9[%get3A_450, %get3A_451] {strides = array<i32>} : memref<32x768xf32, #tpu.memory_space<vmem>>, vector<1x16xf32>,
        %get3A_453 = vector.shape_cast %get3A_452 : vector<1x16xf32> to vector<16xf32>
        %get3A_454 = arith.index_cast %scan3A_366 : i32 to index
        %get3A_455 = arith.constant 80 : index
        %get3A_456 = tpu.vector_load %arg7[%get3A_454, %get3A_455] {strides = array<i32>} : memref<32x768xf32, #tpu.memory_space<vmem>>, vector<1x16xf32>,
        %get3A_457 = vector.shape_cast %get3A_456 : vector<1x16xf32> to vector<16xf32>
        %add3A_458 = arith.addf %get3A_453, %get3A_457 : vector<16xf32>
        %mul3A_459 = arith.constant 2.000000e+00 : f32
        %mul3A_460 = vector.broadcast %mul3A_459 : f32 to vector<16xf32>
        %mul3A_461 = arith.mulf %add3A_458, %mul3A_460 : vector<16xf32>
        %swap3A_462 = arith.index_cast %scan3A_366 : i32 to index
        %swap3A_463 = arith.constant 80 : index
        %swap3A_464 = tpu.vector_load %arg9[%swap3A_462, %swap3A_463] {strides = array<i32>} : memref<32x768xf32, #tpu.memory_space<vmem>>, vector<1x16xf32>,
        %swap3A_465 = vector.shape_cast %swap3A_464 : vector<1x16xf32> to vector<16xf32>
        %swap3A_466 = vector.shape_cast %mul3A_461 : vector<16xf32> to vector<1x16xf32>
        tpu.vector_store %arg9[%swap3A_462, %swap3A_463], %swap3A_466 {strides = array<i32>} : memref<32x768xf32, #tpu.memory_space<vmem>>, vector<1x16xf32>,
        %get3A_467 = arith.index_cast %scan3A_366 : i32 to index
        %get3A_468 = arith.constant 96 : index
        %get3A_469 = tpu.vector_load %arg9[%get3A_467, %get3A_468] {strides = array<i32>} : memref<32x768xf32, #tpu.memory_space<vmem>>, vector<1x16xf32>,
        %get3A_470 = vector.shape_cast %get3A_469 : vector<1x16xf32> to vector<16xf32>
        %get3A_471 = arith.index_cast %scan3A_366 : i32 to index
        %get3A_472 = arith.constant 96 : index
        %get3A_473 = tpu.vector_load %arg7[%get3A_471, %get3A_472] {strides = array<i32>} : memref<32x768xf32, #tpu.memory_space<vmem>>, vector<1x16xf32>,
        %get3A_474 = vector.shape_cast %get3A_473 : vector<1x16xf32> to vector<16xf32>
        %add3A_475 = arith.addf %get3A_470, %get3A_474 : vector<16xf32>
        %mul3A_476 = arith.constant 2.000000e+00 : f32
        %mul3A_477 = vector.broadcast %mul3A_476 : f32 to vector<16xf32>
        %mul3A_478 = arith.mulf %add3A_475, %mul3A_477 : vector<16xf32>
        %swap3A_479 = arith.index_cast %scan3A_366 : i32 to index
        %swap3A_480 = arith.constant 96 : index
        %swap3A_481 = tpu.vector_load %arg9[%swap3A_479, %swap3A_480] {strides = array<i32>} : memref<32x768xf32, #tpu.memory_space<vmem>>, vector<1x16xf32>,
        %swap3A_482 = vector.shape_cast %swap3A_481 : vector<1x16xf32> to vector<16xf32>
        %swap3A_483 = vector.shape_cast %mul3A_478 : vector<16xf32> to vector<1x16xf32>
        tpu.vector_store %arg9[%swap3A_479, %swap3A_480], %swap3A_483 {strides = array<i32>} : memref<32x768xf32, #tpu.memory_space<vmem>>, vector<1x16xf32>,
        %get3A_484 = arith.index_cast %scan3A_366 : i32 to index
        %get3A_485 = arith.constant 112 : index
        %get3A_486 = tpu.vector_load %arg9[%get3A_484, %get3A_485] {strides = array<i32>} : memref<32x768xf32, #tpu.memory_space<vmem>>, vector<1x16xf32>,
        %get3A_487 = vector.shape_cast %get3A_486 : vector<1x16xf32> to vector<16xf32>
        %get3A_488 = arith.index_cast %scan3A_366 : i32 to index
        %get3A_489 = arith.constant 112 : index
        %get3A_490 = tpu.vector_load %arg7[%get3A_488, %get3A_489] {strides = array<i32>} : memref<32x768xf32, #tpu.memory_space<vmem>>, vector<1x16xf32>,
        %get3A_491 = vector.shape_cast %get3A_490 : vector<1x16xf32> to vector<16xf32>
        %add3A_492 = arith.addf %get3A_487, %get3A_491 : vector<16xf32>
        %mul3A_493 = arith.constant 2.000000e+00 : f32
        %mul3A_494 = vector.broadcast %mul3A_493 : f32 to vector<16xf32>
        %mul3A_495 = arith.mulf %add3A_492, %mul3A_494 : vector<16xf32>
        %swap3A_496 = arith.index_cast %scan3A_366 : i32 to index
        %swap3A_497 = arith.constant 112 : index
        %swap3A_498 = tpu.vector_load %arg9[%swap3A_496, %swap3A_497] {strides = array<i32>} : memref<32x768xf32, #tpu.memory_space<vmem>>, vector<1x16xf32>,
        %swap3A_499 = vector.shape_cast %swap3A_498 : vector<1x16xf32> to vector<16xf32>
        %swap3A_500 = vector.shape_cast %mul3A_495 : vector<16xf32> to vector<1x16xf32>
        tpu.vector_store %arg9[%swap3A_496, %swap3A_497], %swap3A_500 {strides = array<i32>} : memref<32x768xf32, #tpu.memory_space<vmem>>, vector<1x16xf32>,
        %get3A_501 = arith.index_cast %scan3A_366 : i32 to index
        %get3A_502 = arith.constant 128 : index
        %get3A_503 = tpu.vector_load %arg9[%get3A_501, %get3A_502] {strides = array<i32>} : memref<32x768xf32, #tpu.memory_space<vmem>>, vector<1x16xf32>,
        %get3A_504 = vector.shape_cast %get3A_503 : vector<1x16xf32> to vector<16xf32>
        %get3A_505 = arith.index_cast %scan3A_366 : i32 to index
        %get3A_506 = arith.constant 128 : index
        %get3A_507 = tpu.vector_load %arg7[%get3A_505, %get3A_506] {strides = array<i32>} : memref<32x768xf32, #tpu.memory_space<vmem>>, vector<1x16xf32>,
        %get3A_508 = vector.shape_cast %get3A_507 : vector<1x16xf32> to vector<16xf32>
        %add3A_509 = arith.addf %get3A_504, %get3A_508 : vector<16xf32>
        %mul3A_510 = arith.constant 2.000000e+00 : f32
        %mul3A_511 = vector.broadcast %mul3A_510 : f32 to vector<16xf32>
        %mul3A_512 = arith.mulf %add3A_509, %mul3A_511 : vector<16xf32>
        %swap3A_513 = arith.index_cast %scan3A_366 : i32 to index
        %swap3A_514 = arith.constant 128 : index
        %swap3A_515 = tpu.vector_load %arg9[%swap3A_513, %swap3A_514] {strides = array<i32>} : memref<32x768xf32, #tpu.memory_space<vmem>>, vector<1x16xf32>,
        %swap3A_516 = vector.shape_cast %swap3A_515 : vector<1x16xf32> to vector<16xf32>
        %swap3A_517 = vector.shape_cast %mul3A_512 : vector<16xf32> to vector<1x16xf32>
        tpu.vector_store %arg9[%swap3A_513, %swap3A_514], %swap3A_517 {strides = array<i32>} : memref<32x768xf32, #tpu.memory_space<vmem>>, vector<1x16xf32>,
        %get3A_518 = arith.index_cast %scan3A_366 : i32 to index
        %get3A_519 = arith.constant 144 : index
        %get3A_520 = tpu.vector_load %arg9[%get3A_518, %get3A_519] {strides = array<i32>} : memref<32x768xf32, #tpu.memory_space<vmem>>, vector<1x16xf32>,
        %get3A_521 = vector.shape_cast %get3A_520 : vector<1x16xf32> to vector<16xf32>
        %get3A_522 = arith.index_cast %scan3A_366 : i32 to index
        %get3A_523 = arith.constant 144 : index
        %get3A_524 = tpu.vector_load %arg7[%get3A_522, %get3A_523] {strides = array<i32>} : memref<32x768xf32, #tpu.memory_space<vmem>>, vector<1x16xf32>,
        %get3A_525 = vector.shape_cast %get3A_524 : vector<1x16xf32> to vector<16xf32>
        %add3A_526 = arith.addf %get3A_521, %get3A_525 : vector<16xf32>
        %mul3A_527 = arith.constant 2.000000e+00 : f32
        %mul3A_528 = vector.broadcast %mul3A_527 : f32 to vector<16xf32>
        %mul3A_529 = arith.mulf %add3A_526, %mul3A_528 : vector<16xf32>
        %swap3A_530 = arith.index_cast %scan3A_366 : i32 to index
        %swap3A_531 = arith.constant 144 : index
        %swap3A_532 = tpu.vector_load %arg9[%swap3A_530, %swap3A_531] {strides = array<i32>} : memref<32x768xf32, #tpu.memory_space<vmem>>, vector<1x16xf32>,
        %swap3A_533 = vector.shape_cast %swap3A_532 : vector<1x16xf32> to vector<16xf32>
        %swap3A_534 = vector.shape_cast %mul3A_529 : vector<16xf32> to vector<1x16xf32>
        tpu.vector_store %arg9[%swap3A_530, %swap3A_531], %swap3A_534 {strides = array<i32>} : memref<32x768xf32, #tpu.memory_space<vmem>>, vector<1x16xf32>,
        %get3A_535 = arith.index_cast %scan3A_366 : i32 to index
        %get3A_536 = arith.constant 160 : index
        %get3A_537 = tpu.vector_load %arg9[%get3A_535, %get3A_536] {strides = array<i32>} : memref<32x768xf32, #tpu.memory_space<vmem>>, vector<1x16xf32>,
        %get3A_538 = vector.shape_cast %get3A_537 : vector<1x16xf32> to vector<16xf32>
        %get3A_539 = arith.index_cast %scan3A_366 : i32 to index
        %get3A_540 = arith.constant 160 : index
        %get3A_541 = tpu.vector_load %arg7[%get3A_539, %get3A_540] {strides = array<i32>} : memref<32x768xf32, #tpu.memory_space<vmem>>, vector<1x16xf32>,
        %get3A_542 = vector.shape_cast %get3A_541 : vector<1x16xf32> to vector<16xf32>
        %add3A_543 = arith.addf %get3A_538, %get3A_542 : vector<16xf32>
        %mul3A_544 = arith.constant 2.000000e+00 : f32
        %mul3A_545 = vector.broadcast %mul3A_544 : f32 to vector<16xf32>
        %mul3A_546 = arith.mulf %add3A_543, %mul3A_545 : vector<16xf32>
        %swap3A_547 = arith.index_cast %scan3A_366 : i32 to index
        %swap3A_548 = arith.constant 160 : index
        %swap3A_549 = tpu.vector_load %arg9[%swap3A_547, %swap3A_548] {strides = array<i32>} : memref<32x768xf32, #tpu.memory_space<vmem>>, vector<1x16xf32>,
        %swap3A_550 = vector.shape_cast %swap3A_549 : vector<1x16xf32> to vector<16xf32>
        %swap3A_551 = vector.shape_cast %mul3A_546 : vector<16xf32> to vector<1x16xf32>
        tpu.vector_store %arg9[%swap3A_547, %swap3A_548], %swap3A_551 {strides = array<i32>} : memref<32x768xf32, #tpu.memory_space<vmem>>, vector<1x16xf32>,
        %get3A_552 = arith.index_cast %scan3A_366 : i32 to index
        %get3A_553 = arith.constant 176 : index
        %get3A_554 = tpu.vector_load %arg9[%get3A_552, %get3A_553] {strides = array<i32>} : memref<32x768xf32, #tpu.memory_space<vmem>>, vector<1x16xf32>,
        %get3A_555 = vector.shape_cast %get3A_554 : vector<1x16xf32> to vector<16xf32>
        %get3A_556 = arith.index_cast %scan3A_366 : i32 to index
        %get3A_557 = arith.constant 176 : index
        %get3A_558 = tpu.vector_load %arg7[%get3A_556, %get3A_557] {strides = array<i32>} : memref<32x768xf32, #tpu.memory_space<vmem>>, vector<1x16xf32>,
        %get3A_559 = vector.shape_cast %get3A_558 : vector<1x16xf32> to vector<16xf32>
        %add3A_560 = arith.addf %get3A_555, %get3A_559 : vector<16xf32>
        %mul3A_561 = arith.constant 2.000000e+00 : f32
        %mul3A_562 = vector.broadcast %mul3A_561 : f32 to vector<16xf32>
        %mul3A_563 = arith.mulf %add3A_560, %mul3A_562 : vector<16xf32>
        %swap3A_564 = arith.index_cast %scan3A_366 : i32 to index
        %swap3A_565 = arith.constant 176 : index
        %swap3A_566 = tpu.vector_load %arg9[%swap3A_564, %swap3A_565] {strides = array<i32>} : memref<32x768xf32, #tpu.memory_space<vmem>>, vector<1x16xf32>,
        %swap3A_567 = vector.shape_cast %swap3A_566 : vector<1x16xf32> to vector<16xf32>
        %swap3A_568 = vector.shape_cast %mul3A_563 : vector<16xf32> to vector<1x16xf32>
        tpu.vector_store %arg9[%swap3A_564, %swap3A_565], %swap3A_568 {strides = array<i32>} : memref<32x768xf32, #tpu.memory_space<vmem>>, vector<1x16xf32>,
        %get3A_569 = arith.index_cast %scan3A_366 : i32 to index
        %get3A_570 = arith.constant 192 : index
        %get3A_571 = tpu.vector_load %arg9[%get3A_569, %get3A_570] {strides = array<i32>} : memref<32x768xf32, #tpu.memory_space<vmem>>, vector<1x16xf32>,
        %get3A_572 = vector.shape_cast %get3A_571 : vector<1x16xf32> to vector<16xf32>
        %get3A_573 = arith.index_cast %scan3A_366 : i32 to index
        %get3A_574 = arith.constant 192 : index
        %get3A_575 = tpu.vector_load %arg7[%get3A_573, %get3A_574] {strides = array<i32>} : memref<32x768xf32, #tpu.memory_space<vmem>>, vector<1x16xf32>,
        %get3A_576 = vector.shape_cast %get3A_575 : vector<1x16xf32> to vector<16xf32>
        %add3A_577 = arith.addf %get3A_572, %get3A_576 : vector<16xf32>
        %mul3A_578 = arith.constant 2.000000e+00 : f32
        %mul3A_579 = vector.broadcast %mul3A_578 : f32 to vector<16xf32>
        %mul3A_580 = arith.mulf %add3A_577, %mul3A_579 : vector<16xf32>
        %swap3A_581 = arith.index_cast %scan3A_366 : i32 to index
        %swap3A_582 = arith.constant 192 : index
        %swap3A_583 = tpu.vector_load %arg9[%swap3A_581, %swap3A_582] {strides = array<i32>} : memref<32x768xf32, #tpu.memory_space<vmem>>, vector<1x16xf32>,
        %swap3A_584 = vector.shape_cast %swap3A_583 : vector<1x16xf32> to vector<16xf32>
        %swap3A_585 = vector.shape_cast %mul3A_580 : vector<16xf32> to vector<1x16xf32>
        tpu.vector_store %arg9[%swap3A_581, %swap3A_582], %swap3A_585 {strides = array<i32>} : memref<32x768xf32, #tpu.memory_space<vmem>>, vector<1x16xf32>,
        %get3A_586 = arith.index_cast %scan3A_366 : i32 to index
        %get3A_587 = arith.constant 208 : index
        %get3A_588 = tpu.vector_load %arg9[%get3A_586, %get3A_587] {strides = array<i32>} : memref<32x768xf32, #tpu.memory_space<vmem>>, vector<1x16xf32>,
        %get3A_589 = vector.shape_cast %get3A_588 : vector<1x16xf32> to vector<16xf32>
        %get3A_590 = arith.index_cast %scan3A_366 : i32 to index
        %get3A_591 = arith.constant 208 : index
        %get3A_592 = tpu.vector_load %arg7[%get3A_590, %get3A_591] {strides = array<i32>} : memref<32x768xf32, #tpu.memory_space<vmem>>, vector<1x16xf32>,
        %get3A_593 = vector.shape_cast %get3A_592 : vector<1x16xf32> to vector<16xf32>
        %add3A_594 = arith.addf %get3A_589, %get3A_593 : vector<16xf32>
        %mul3A_595 = arith.constant 2.000000e+00 : f32
        %mul3A_596 = vector.broadcast %mul3A_595 : f32 to vector<16xf32>
        %mul3A_597 = arith.mulf %add3A_594, %mul3A_596 : vector<16xf32>
        %swap3A_598 = arith.index_cast %scan3A_366 : i32 to index
        %swap3A_599 = arith.constant 208 : index
        %swap3A_600 = tpu.vector_load %arg9[%swap3A_598, %swap3A_599] {strides = array<i32>} : memref<32x768xf32, #tpu.memory_space<vmem>>, vector<1x16xf32>,
        %swap3A_601 = vector.shape_cast %swap3A_600 : vector<1x16xf32> to vector<16xf32>
        %swap3A_602 = vector.shape_cast %mul3A_597 : vector<16xf32> to vector<1x16xf32>
        tpu.vector_store %arg9[%swap3A_598, %swap3A_599], %swap3A_602 {strides = array<i32>} : memref<32x768xf32, #tpu.memory_space<vmem>>, vector<1x16xf32>,
        %get3A_603 = arith.index_cast %scan3A_366 : i32 to index
        %get3A_604 = arith.constant 224 : index
        %get3A_605 = tpu.vector_load %arg9[%get3A_603, %get3A_604] {strides = array<i32>} : memref<32x768xf32, #tpu.memory_space<vmem>>, vector<1x16xf32>,
        %get3A_606 = vector.shape_cast %get3A_605 : vector<1x16xf32> to vector<16xf32>
        %get3A_607 = arith.index_cast %scan3A_366 : i32 to index
        %get3A_608 = arith.constant 224 : index
        %get3A_609 = tpu.vector_load %arg7[%get3A_607, %get3A_608] {strides = array<i32>} : memref<32x768xf32, #tpu.memory_space<vmem>>, vector<1x16xf32>,
        %get3A_610 = vector.shape_cast %get3A_609 : vector<1x16xf32> to vector<16xf32>
        %add3A_611 = arith.addf %get3A_606, %get3A_610 : vector<16xf32>
        %mul3A_612 = arith.constant 2.000000e+00 : f32
        %mul3A_613 = vector.broadcast %mul3A_612 : f32 to vector<16xf32>
        %mul3A_614 = arith.mulf %add3A_611, %mul3A_613 : vector<16xf32>
        %swap3A_615 = arith.index_cast %scan3A_366 : i32 to index
        %swap3A_616 = arith.constant 224 : index
        %swap3A_617 = tpu.vector_load %arg9[%swap3A_615, %swap3A_616] {strides = array<i32>} : memref<32x768xf32, #tpu.memory_space<vmem>>, vector<1x16xf32>,
        %swap3A_618 = vector.shape_cast %swap3A_617 : vector<1x16xf32> to vector<16xf32>
        %swap3A_619 = vector.shape_cast %mul3A_614 : vector<16xf32> to vector<1x16xf32>
        tpu.vector_store %arg9[%swap3A_615, %swap3A_616], %swap3A_619 {strides = array<i32>} : memref<32x768xf32, #tpu.memory_space<vmem>>, vector<1x16xf32>,
        %get3A_620 = arith.index_cast %scan3A_366 : i32 to index
        %get3A_621 = arith.constant 240 : index
        %get3A_622 = tpu.vector_load %arg9[%get3A_620, %get3A_621] {strides = array<i32>} : memref<32x768xf32, #tpu.memory_space<vmem>>, vector<1x16xf32>,
        %get3A_623 = vector.shape_cast %get3A_622 : vector<1x16xf32> to vector<16xf32>
        %get3A_624 = arith.index_cast %scan3A_366 : i32 to index
        %get3A_625 = arith.constant 240 : index
        %get3A_626 = tpu.vector_load %arg7[%get3A_624, %get3A_625] {strides = array<i32>} : memref<32x768xf32, #tpu.memory_space<vmem>>, vector<1x16xf32>,
        %get3A_627 = vector.shape_cast %get3A_626 : vector<1x16xf32> to vector<16xf32>
        %add3A_628 = arith.addf %get3A_623, %get3A_627 : vector<16xf32>
        %mul3A_629 = arith.constant 2.000000e+00 : f32
        %mul3A_630 = vector.broadcast %mul3A_629 : f32 to vector<16xf32>
        %mul3A_631 = arith.mulf %add3A_628, %mul3A_630 : vector<16xf32>
        %swap3A_632 = arith.index_cast %scan3A_366 : i32 to index
        %swap3A_633 = arith.constant 240 : index
        %swap3A_634 = tpu.vector_load %arg9[%swap3A_632, %swap3A_633] {strides = array<i32>} : memref<32x768xf32, #tpu.memory_space<vmem>>, vector<1x16xf32>,
        %swap3A_635 = vector.shape_cast %swap3A_634 : vector<1x16xf32> to vector<16xf32>
        %swap3A_636 = vector.shape_cast %mul3A_631 : vector<16xf32> to vector<1x16xf32>
        tpu.vector_store %arg9[%swap3A_632, %swap3A_633], %swap3A_636 {strides = array<i32>} : memref<32x768xf32, #tpu.memory_space<vmem>>, vector<1x16xf32>,
        %get3A_637 = arith.index_cast %scan3A_366 : i32 to index
        %get3A_638 = arith.constant 256 : index
        %get3A_639 = tpu.vector_load %arg9[%get3A_637, %get3A_638] {strides = array<i32>} : memref<32x768xf32, #tpu.memory_space<vmem>>, vector<1x16xf32>,
        %get3A_640 = vector.shape_cast %get3A_639 : vector<1x16xf32> to vector<16xf32>
        %get3A_641 = arith.index_cast %scan3A_366 : i32 to index
        %get3A_642 = arith.constant 256 : index
        %get3A_643 = tpu.vector_load %arg7[%get3A_641, %get3A_642] {strides = array<i32>} : memref<32x768xf32, #tpu.memory_space<vmem>>, vector<1x16xf32>,
        %get3A_644 = vector.shape_cast %get3A_643 : vector<1x16xf32> to vector<16xf32>
        %add3A_645 = arith.addf %get3A_640, %get3A_644 : vector<16xf32>
        %mul3A_646 = arith.constant 2.000000e+00 : f32
        %mul3A_647 = vector.broadcast %mul3A_646 : f32 to vector<16xf32>
        %mul3A_648 = arith.mulf %add3A_645, %mul3A_647 : vector<16xf32>
        %swap3A_649 = arith.index_cast %scan3A_366 : i32 to index
        %swap3A_650 = arith.constant 256 : index
        %swap3A_651 = tpu.vector_load %arg9[%swap3A_649, %swap3A_650] {strides = array<i32>} : memref<32x768xf32, #tpu.memory_space<vmem>>, vector<1x16xf32>,
        %swap3A_652 = vector.shape_cast %swap3A_651 : vector<1x16xf32> to vector<16xf32>
        %swap3A_653 = vector.shape_cast %mul3A_648 : vector<16xf32> to vector<1x16xf32>
        tpu.vector_store %arg9[%swap3A_649, %swap3A_650], %swap3A_653 {strides = array<i32>} : memref<32x768xf32, #tpu.memory_space<vmem>>, vector<1x16xf32>,
        %get3A_654 = arith.index_cast %scan3A_366 : i32 to index
        %get3A_655 = arith.constant 272 : index
        %get3A_656 = tpu.vector_load %arg9[%get3A_654, %get3A_655] {strides = array<i32>} : memref<32x768xf32, #tpu.memory_space<vmem>>, vector<1x16xf32>,
        %get3A_657 = vector.shape_cast %get3A_656 : vector<1x16xf32> to vector<16xf32>
        %get3A_658 = arith.index_cast %scan3A_366 : i32 to index
        %get3A_659 = arith.constant 272 : index
        %get3A_660 = tpu.vector_load %arg7[%get3A_658, %get3A_659] {strides = array<i32>} : memref<32x768xf32, #tpu.memory_space<vmem>>, vector<1x16xf32>,
        %get3A_661 = vector.shape_cast %get3A_660 : vector<1x16xf32> to vector<16xf32>
        %add3A_662 = arith.addf %get3A_657, %get3A_661 : vector<16xf32>
        %mul3A_663 = arith.constant 2.000000e+00 : f32
        %mul3A_664 = vector.broadcast %mul3A_663 : f32 to vector<16xf32>
        %mul3A_665 = arith.mulf %add3A_662, %mul3A_664 : vector<16xf32>
        %swap3A_666 = arith.index_cast %scan3A_366 : i32 to index
        %swap3A_667 = arith.constant 272 : index
        %swap3A_668 = tpu.vector_load %arg9[%swap3A_666, %swap3A_667] {strides = array<i32>} : memref<32x768xf32, #tpu.memory_space<vmem>>, vector<1x16xf32>,
        %swap3A_669 = vector.shape_cast %swap3A_668 : vector<1x16xf32> to vector<16xf32>
        %swap3A_670 = vector.shape_cast %mul3A_665 : vector<16xf32> to vector<1x16xf32>
        tpu.vector_store %arg9[%swap3A_666, %swap3A_667], %swap3A_670 {strides = array<i32>} : memref<32x768xf32, #tpu.memory_space<vmem>>, vector<1x16xf32>,
        %get3A_671 = arith.index_cast %scan3A_366 : i32 to index
        %get3A_672 = arith.constant 288 : index
        %get3A_673 = tpu.vector_load %arg9[%get3A_671, %get3A_672] {strides = array<i32>} : memref<32x768xf32, #tpu.memory_space<vmem>>, vector<1x16xf32>,
        %get3A_674 = vector.shape_cast %get3A_673 : vector<1x16xf32> to vector<16xf32>
        %get3A_675 = arith.index_cast %scan3A_366 : i32 to index
        %get3A_676 = arith.constant 288 : index
        %get3A_677 = tpu.vector_load %arg7[%get3A_675, %get3A_676] {strides = array<i32>} : memref<32x768xf32, #tpu.memory_space<vmem>>, vector<1x16xf32>,
        %get3A_678 = vector.shape_cast %get3A_677 : vector<1x16xf32> to vector<16xf32>
        %add3A_679 = arith.addf %get3A_674, %get3A_678 : vector<16xf32>
        %mul3A_680 = arith.constant 2.000000e+00 : f32
        %mul3A_681 = vector.broadcast %mul3A_680 : f32 to vector<16xf32>
        %mul3A_682 = arith.mulf %add3A_679, %mul3A_681 : vector<16xf32>
        %swap3A_683 = arith.index_cast %scan3A_366 : i32 to index
        %swap3A_684 = arith.constant 288 : index
        %swap3A_685 = tpu.vector_load %arg9[%swap3A_683, %swap3A_684] {strides = array<i32>} : memref<32x768xf32, #tpu.memory_space<vmem>>, vector<1x16xf32>,
        %swap3A_686 = vector.shape_cast %swap3A_685 : vector<1x16xf32> to vector<16xf32>
        %swap3A_687 = vector.shape_cast %mul3A_682 : vector<16xf32> to vector<1x16xf32>
        tpu.vector_store %arg9[%swap3A_683, %swap3A_684], %swap3A_687 {strides = array<i32>} : memref<32x768xf32, #tpu.memory_space<vmem>>, vector<1x16xf32>,
        %get3A_688 = arith.index_cast %scan3A_366 : i32 to index
        %get3A_689 = arith.constant 304 : index
        %get3A_690 = tpu.vector_load %arg9[%get3A_688, %get3A_689] {strides = array<i32>} : memref<32x768xf32, #tpu.memory_space<vmem>>, vector<1x16xf32>,
        %get3A_691 = vector.shape_cast %get3A_690 : vector<1x16xf32> to vector<16xf32>
        %get3A_692 = arith.index_cast %scan3A_366 : i32 to index
        %get3A_693 = arith.constant 304 : index
        %get3A_694 = tpu.vector_load %arg7[%get3A_692, %get3A_693] {strides = array<i32>} : memref<32x768xf32, #tpu.memory_space<vmem>>, vector<1x16xf32>,
        %get3A_695 = vector.shape_cast %get3A_694 : vector<1x16xf32> to vector<16xf32>
        %add3A_696 = arith.addf %get3A_691, %get3A_695 : vector<16xf32>
        %mul3A_697 = arith.constant 2.000000e+00 : f32
        %mul3A_698 = vector.broadcast %mul3A_697 : f32 to vector<16xf32>
        %mul3A_699 = arith.mulf %add3A_696, %mul3A_698 : vector<16xf32>
        %swap3A_700 = arith.index_cast %scan3A_366 : i32 to index
        %swap3A_701 = arith.constant 304 : index
        %swap3A_702 = tpu.vector_load %arg9[%swap3A_700, %swap3A_701] {strides = array<i32>} : memref<32x768xf32, #tpu.memory_space<vmem>>, vector<1x16xf32>,
        %swap3A_703 = vector.shape_cast %swap3A_702 : vector<1x16xf32> to vector<16xf32>
        %swap3A_704 = vector.shape_cast %mul3A_699 : vector<16xf32> to vector<1x16xf32>
        tpu.vector_store %arg9[%swap3A_700, %swap3A_701], %swap3A_704 {strides = array<i32>} : memref<32x768xf32, #tpu.memory_space<vmem>>, vector<1x16xf32>,
        %get3A_705 = arith.index_cast %scan3A_366 : i32 to index
        %get3A_706 = arith.constant 320 : index
        %get3A_707 = tpu.vector_load %arg9[%get3A_705, %get3A_706] {strides = array<i32>} : memref<32x768xf32, #tpu.memory_space<vmem>>, vector<1x16xf32>,
        %get3A_708 = vector.shape_cast %get3A_707 : vector<1x16xf32> to vector<16xf32>
        %get3A_709 = arith.index_cast %scan3A_366 : i32 to index
        %get3A_710 = arith.constant 320 : index
        %get3A_711 = tpu.vector_load %arg7[%get3A_709, %get3A_710] {strides = array<i32>} : memref<32x768xf32, #tpu.memory_space<vmem>>, vector<1x16xf32>,
        %get3A_712 = vector.shape_cast %get3A_711 : vector<1x16xf32> to vector<16xf32>
        %add3A_713 = arith.addf %get3A_708, %get3A_712 : vector<16xf32>
        %mul3A_714 = arith.constant 2.000000e+00 : f32
        %mul3A_715 = vector.broadcast %mul3A_714 : f32 to vector<16xf32>
        %mul3A_716 = arith.mulf %add3A_713, %mul3A_715 : vector<16xf32>
        %swap3A_717 = arith.index_cast %scan3A_366 : i32 to index
        %swap3A_718 = arith.constant 320 : index
        %swap3A_719 = tpu.vector_load %arg9[%swap3A_717, %swap3A_718] {strides = array<i32>} : memref<32x768xf32, #tpu.memory_space<vmem>>, vector<1x16xf32>,
        %swap3A_720 = vector.shape_cast %swap3A_719 : vector<1x16xf32> to vector<16xf32>
        %swap3A_721 = vector.shape_cast %mul3A_716 : vector<16xf32> to vector<1x16xf32>
        tpu.vector_store %arg9[%swap3A_717, %swap3A_718], %swap3A_721 {strides = array<i32>} : memref<32x768xf32, #tpu.memory_space<vmem>>, vector<1x16xf32>,
        %get3A_722 = arith.index_cast %scan3A_366 : i32 to index
        %get3A_723 = arith.constant 336 : index
        %get3A_724 = tpu.vector_load %arg9[%get3A_722, %get3A_723] {strides = array<i32>} : memref<32x768xf32, #tpu.memory_space<vmem>>, vector<1x16xf32>,
        %get3A_725 = vector.shape_cast %get3A_724 : vector<1x16xf32> to vector<16xf32>
        %get3A_726 = arith.index_cast %scan3A_366 : i32 to index
        %get3A_727 = arith.constant 336 : index
        %get3A_728 = tpu.vector_load %arg7[%get3A_726, %get3A_727] {strides = array<i32>} : memref<32x768xf32, #tpu.memory_space<vmem>>, vector<1x16xf32>,
        %get3A_729 = vector.shape_cast %get3A_728 : vector<1x16xf32> to vector<16xf32>
        %add3A_730 = arith.addf %get3A_725, %get3A_729 : vector<16xf32>
        %mul3A_731 = arith.constant 2.000000e+00 : f32
        %mul3A_732 = vector.broadcast %mul3A_731 : f32 to vector<16xf32>
        %mul3A_733 = arith.mulf %add3A_730, %mul3A_732 : vector<16xf32>
        %swap3A_734 = arith.index_cast %scan3A_366 : i32 to index
        %swap3A_735 = arith.constant 336 : index
        %swap3A_736 = tpu.vector_load %arg9[%swap3A_734, %swap3A_735] {strides = array<i32>} : memref<32x768xf32, #tpu.memory_space<vmem>>, vector<1x16xf32>,
        %swap3A_737 = vector.shape_cast %swap3A_736 : vector<1x16xf32> to vector<16xf32>
        %swap3A_738 = vector.shape_cast %mul3A_733 : vector<16xf32> to vector<1x16xf32>
        tpu.vector_store %arg9[%swap3A_734, %swap3A_735], %swap3A_738 {strides = array<i32>} : memref<32x768xf32, #tpu.memory_space<vmem>>, vector<1x16xf32>,
        %get3A_739 = arith.index_cast %scan3A_366 : i32 to index
        %get3A_740 = arith.constant 352 : index
        %get3A_741 = tpu.vector_load %arg9[%get3A_739, %get3A_740] {strides = array<i32>} : memref<32x768xf32, #tpu.memory_space<vmem>>, vector<1x16xf32>,
        %get3A_742 = vector.shape_cast %get3A_741 : vector<1x16xf32> to vector<16xf32>
        %get3A_743 = arith.index_cast %scan3A_366 : i32 to index
        %get3A_744 = arith.constant 352 : index
        %get3A_745 = tpu.vector_load %arg7[%get3A_743, %get3A_744] {strides = array<i32>} : memref<32x768xf32, #tpu.memory_space<vmem>>, vector<1x16xf32>,
        %get3A_746 = vector.shape_cast %get3A_745 : vector<1x16xf32> to vector<16xf32>
        %add3A_747 = arith.addf %get3A_742, %get3A_746 : vector<16xf32>
        %mul3A_748 = arith.constant 2.000000e+00 : f32
        %mul3A_749 = vector.broadcast %mul3A_748 : f32 to vector<16xf32>
        %mul3A_750 = arith.mulf %add3A_747, %mul3A_749 : vector<16xf32>
        %swap3A_751 = arith.index_cast %scan3A_366 : i32 to index
        %swap3A_752 = arith.constant 352 : index
        %swap3A_753 = tpu.vector_load %arg9[%swap3A_751, %swap3A_752] {strides = array<i32>} : memref<32x768xf32, #tpu.memory_space<vmem>>, vector<1x16xf32>,
        %swap3A_754 = vector.shape_cast %swap3A_753 : vector<1x16xf32> to vector<16xf32>
        %swap3A_755 = vector.shape_cast %mul3A_750 : vector<16xf32> to vector<1x16xf32>
        tpu.vector_store %arg9[%swap3A_751, %swap3A_752], %swap3A_755 {strides = array<i32>} : memref<32x768xf32, #tpu.memory_space<vmem>>, vector<1x16xf32>,
        %get3A_756 = arith.index_cast %scan3A_366 : i32 to index
        %get3A_757 = arith.constant 368 : index
        %get3A_758 = tpu.vector_load %arg9[%get3A_756, %get3A_757] {strides = array<i32>} : memref<32x768xf32, #tpu.memory_space<vmem>>, vector<1x16xf32>,
        %get3A_759 = vector.shape_cast %get3A_758 : vector<1x16xf32> to vector<16xf32>
        %get3A_760 = arith.index_cast %scan3A_366 : i32 to index
        %get3A_761 = arith.constant 368 : index
        %get3A_762 = tpu.vector_load %arg7[%get3A_760, %get3A_761] {strides = array<i32>} : memref<32x768xf32, #tpu.memory_space<vmem>>, vector<1x16xf32>,
        %get3A_763 = vector.shape_cast %get3A_762 : vector<1x16xf32> to vector<16xf32>
        %add3A_764 = arith.addf %get3A_759, %get3A_763 : vector<16xf32>
        %mul3A_765 = arith.constant 2.000000e+00 : f32
        %mul3A_766 = vector.broadcast %mul3A_765 : f32 to vector<16xf32>
        %mul3A_767 = arith.mulf %add3A_764, %mul3A_766 : vector<16xf32>
        %swap3A_768 = arith.index_cast %scan3A_366 : i32 to index
        %swap3A_769 = arith.constant 368 : index
        %swap3A_770 = tpu.vector_load %arg9[%swap3A_768, %swap3A_769] {strides = array<i32>} : memref<32x768xf32, #tpu.memory_space<vmem>>, vector<1x16xf32>,
        %swap3A_771 = vector.shape_cast %swap3A_770 : vector<1x16xf32> to vector<16xf32>
        %swap3A_772 = vector.shape_cast %mul3A_767 : vector<16xf32> to vector<1x16xf32>
        tpu.vector_store %arg9[%swap3A_768, %swap3A_769], %swap3A_772 {strides = array<i32>} : memref<32x768xf32, #tpu.memory_space<vmem>>, vector<1x16xf32>,
        %get3A_773 = arith.index_cast %scan3A_366 : i32 to index
        %get3A_774 = arith.constant 384 : index
        %get3A_775 = tpu.vector_load %arg9[%get3A_773, %get3A_774] {strides = array<i32>} : memref<32x768xf32, #tpu.memory_space<vmem>>, vector<1x16xf32>,
        %get3A_776 = vector.shape_cast %get3A_775 : vector<1x16xf32> to vector<16xf32>
        %get3A_777 = arith.index_cast %scan3A_366 : i32 to index
        %get3A_778 = arith.constant 384 : index
        %get3A_779 = tpu.vector_load %arg7[%get3A_777, %get3A_778] {strides = array<i32>} : memref<32x768xf32, #tpu.memory_space<vmem>>, vector<1x16xf32>,
        %get3A_780 = vector.shape_cast %get3A_779 : vector<1x16xf32> to vector<16xf32>
        %add3A_781 = arith.addf %get3A_776, %get3A_780 : vector<16xf32>
        %mul3A_782 = arith.constant 2.000000e+00 : f32
        %mul3A_783 = vector.broadcast %mul3A_782 : f32 to vector<16xf32>
        %mul3A_784 = arith.mulf %add3A_781, %mul3A_783 : vector<16xf32>
        %swap3A_785 = arith.index_cast %scan3A_366 : i32 to index
        %swap3A_786 = arith.constant 384 : index
        %swap3A_787 = tpu.vector_load %arg9[%swap3A_785, %swap3A_786] {strides = array<i32>} : memref<32x768xf32, #tpu.memory_space<vmem>>, vector<1x16xf32>,
        %swap3A_788 = vector.shape_cast %swap3A_787 : vector<1x16xf32> to vector<16xf32>
        %swap3A_789 = vector.shape_cast %mul3A_784 : vector<16xf32> to vector<1x16xf32>
        tpu.vector_store %arg9[%swap3A_785, %swap3A_786], %swap3A_789 {strides = array<i32>} : memref<32x768xf32, #tpu.memory_space<vmem>>, vector<1x16xf32>,
        %get3A_790 = arith.index_cast %scan3A_366 : i32 to index
        %get3A_791 = arith.constant 400 : index
        %get3A_792 = tpu.vector_load %arg9[%get3A_790, %get3A_791] {strides = array<i32>} : memref<32x768xf32, #tpu.memory_space<vmem>>, vector<1x16xf32>,
        %get3A_793 = vector.shape_cast %get3A_792 : vector<1x16xf32> to vector<16xf32>
        %get3A_794 = arith.index_cast %scan3A_366 : i32 to index
        %get3A_795 = arith.constant 400 : index
        %get3A_796 = tpu.vector_load %arg7[%get3A_794, %get3A_795] {strides = array<i32>} : memref<32x768xf32, #tpu.memory_space<vmem>>, vector<1x16xf32>,
        %get3A_797 = vector.shape_cast %get3A_796 : vector<1x16xf32> to vector<16xf32>
        %add3A_798 = arith.addf %get3A_793, %get3A_797 : vector<16xf32>
        %mul3A_799 = arith.constant 2.000000e+00 : f32
        %mul3A_800 = vector.broadcast %mul3A_799 : f32 to vector<16xf32>
        %mul3A_801 = arith.mulf %add3A_798, %mul3A_800 : vector<16xf32>
        %swap3A_802 = arith.index_cast %scan3A_366 : i32 to index
        %swap3A_803 = arith.constant 400 : index
        %swap3A_804 = tpu.vector_load %arg9[%swap3A_802, %swap3A_803] {strides = array<i32>} : memref<32x768xf32, #tpu.memory_space<vmem>>, vector<1x16xf32>,
        %swap3A_805 = vector.shape_cast %swap3A_804 : vector<1x16xf32> to vector<16xf32>
        %swap3A_806 = vector.shape_cast %mul3A_801 : vector<16xf32> to vector<1x16xf32>
        tpu.vector_store %arg9[%swap3A_802, %swap3A_803], %swap3A_806 {strides = array<i32>} : memref<32x768xf32, #tpu.memory_space<vmem>>, vector<1x16xf32>,
        %get3A_807 = arith.index_cast %scan3A_366 : i32 to index
        %get3A_808 = arith.constant 416 : index
        %get3A_809 = tpu.vector_load %arg9[%get3A_807, %get3A_808] {strides = array<i32>} : memref<32x768xf32, #tpu.memory_space<vmem>>, vector<1x16xf32>,
        %get3A_810 = vector.shape_cast %get3A_809 : vector<1x16xf32> to vector<16xf32>
        %get3A_811 = arith.index_cast %scan3A_366 : i32 to index
        %get3A_812 = arith.constant 416 : index
        %get3A_813 = tpu.vector_load %arg7[%get3A_811, %get3A_812] {strides = array<i32>} : memref<32x768xf32, #tpu.memory_space<vmem>>, vector<1x16xf32>,
        %get3A_814 = vector.shape_cast %get3A_813 : vector<1x16xf32> to vector<16xf32>
        %add3A_815 = arith.addf %get3A_810, %get3A_814 : vector<16xf32>
        %mul3A_816 = arith.constant 2.000000e+00 : f32
        %mul3A_817 = vector.broadcast %mul3A_816 : f32 to vector<16xf32>
        %mul3A_818 = arith.mulf %add3A_815, %mul3A_817 : vector<16xf32>
        %swap3A_819 = arith.index_cast %scan3A_366 : i32 to index
        %swap3A_820 = arith.constant 416 : index
        %swap3A_821 = tpu.vector_load %arg9[%swap3A_819, %swap3A_820] {strides = array<i32>} : memref<32x768xf32, #tpu.memory_space<vmem>>, vector<1x16xf32>,
        %swap3A_822 = vector.shape_cast %swap3A_821 : vector<1x16xf32> to vector<16xf32>
        %swap3A_823 = vector.shape_cast %mul3A_818 : vector<16xf32> to vector<1x16xf32>
        tpu.vector_store %arg9[%swap3A_819, %swap3A_820], %swap3A_823 {strides = array<i32>} : memref<32x768xf32, #tpu.memory_space<vmem>>, vector<1x16xf32>,
        %get3A_824 = arith.index_cast %scan3A_366 : i32 to index
        %get3A_825 = arith.constant 432 : index
        %get3A_826 = tpu.vector_load %arg9[%get3A_824, %get3A_825] {strides = array<i32>} : memref<32x768xf32, #tpu.memory_space<vmem>>, vector<1x16xf32>,
        %get3A_827 = vector.shape_cast %get3A_826 : vector<1x16xf32> to vector<16xf32>
        %get3A_828 = arith.index_cast %scan3A_366 : i32 to index
        %get3A_829 = arith.constant 432 : index
        %get3A_830 = tpu.vector_load %arg7[%get3A_828, %get3A_829] {strides = array<i32>} : memref<32x768xf32, #tpu.memory_space<vmem>>, vector<1x16xf32>,
        %get3A_831 = vector.shape_cast %get3A_830 : vector<1x16xf32> to vector<16xf32>
        %add3A_832 = arith.addf %get3A_827, %get3A_831 : vector<16xf32>
        %mul3A_833 = arith.constant 2.000000e+00 : f32
        %mul3A_834 = vector.broadcast %mul3A_833 : f32 to vector<16xf32>
        %mul3A_835 = arith.mulf %add3A_832, %mul3A_834 : vector<16xf32>
        %swap3A_836 = arith.index_cast %scan3A_366 : i32 to index
        %swap3A_837 = arith.constant 432 : index
        %swap3A_838 = tpu.vector_load %arg9[%swap3A_836, %swap3A_837] {strides = array<i32>} : memref<32x768xf32, #tpu.memory_space<vmem>>, vector<1x16xf32>,
        %swap3A_839 = vector.shape_cast %swap3A_838 : vector<1x16xf32> to vector<16xf32>
        %swap3A_840 = vector.shape_cast %mul3A_835 : vector<16xf32> to vector<1x16xf32>
        tpu.vector_store %arg9[%swap3A_836, %swap3A_837], %swap3A_840 {strides = array<i32>} : memref<32x768xf32, #tpu.memory_space<vmem>>, vector<1x16xf32>,
        %get3A_841 = arith.index_cast %scan3A_366 : i32 to index
        %get3A_842 = arith.constant 448 : index
        %get3A_843 = tpu.vector_load %arg9[%get3A_841, %get3A_842] {strides = array<i32>} : memref<32x768xf32, #tpu.memory_space<vmem>>, vector<1x16xf32>,
        %get3A_844 = vector.shape_cast %get3A_843 : vector<1x16xf32> to vector<16xf32>
        %get3A_845 = arith.index_cast %scan3A_366 : i32 to index
        %get3A_846 = arith.constant 448 : index
        %get3A_847 = tpu.vector_load %arg7[%get3A_845, %get3A_846] {strides = array<i32>} : memref<32x768xf32, #tpu.memory_space<vmem>>, vector<1x16xf32>,
        %get3A_848 = vector.shape_cast %get3A_847 : vector<1x16xf32> to vector<16xf32>
        %add3A_849 = arith.addf %get3A_844, %get3A_848 : vector<16xf32>
        %mul3A_850 = arith.constant 2.000000e+00 : f32
        %mul3A_851 = vector.broadcast %mul3A_850 : f32 to vector<16xf32>
        %mul3A_852 = arith.mulf %add3A_849, %mul3A_851 : vector<16xf32>
        %swap3A_853 = arith.index_cast %scan3A_366 : i32 to index
        %swap3A_854 = arith.constant 448 : index
        %swap3A_855 = tpu.vector_load %arg9[%swap3A_853, %swap3A_854] {strides = array<i32>} : memref<32x768xf32, #tpu.memory_space<vmem>>, vector<1x16xf32>,
        %swap3A_856 = vector.shape_cast %swap3A_855 : vector<1x16xf32> to vector<16xf32>
        %swap3A_857 = vector.shape_cast %mul3A_852 : vector<16xf32> to vector<1x16xf32>
        tpu.vector_store %arg9[%swap3A_853, %swap3A_854], %swap3A_857 {strides = array<i32>} : memref<32x768xf32, #tpu.memory_space<vmem>>, vector<1x16xf32>,
        %get3A_858 = arith.index_cast %scan3A_366 : i32 to index
        %get3A_859 = arith.constant 464 : index
        %get3A_860 = tpu.vector_load %arg9[%get3A_858, %get3A_859] {strides = array<i32>} : memref<32x768xf32, #tpu.memory_space<vmem>>, vector<1x16xf32>,
        %get3A_861 = vector.shape_cast %get3A_860 : vector<1x16xf32> to vector<16xf32>
        %get3A_862 = arith.index_cast %scan3A_366 : i32 to index
        %get3A_863 = arith.constant 464 : index
        %get3A_864 = tpu.vector_load %arg7[%get3A_862, %get3A_863] {strides = array<i32>} : memref<32x768xf32, #tpu.memory_space<vmem>>, vector<1x16xf32>,
        %get3A_865 = vector.shape_cast %get3A_864 : vector<1x16xf32> to vector<16xf32>
        %add3A_866 = arith.addf %get3A_861, %get3A_865 : vector<16xf32>
        %mul3A_867 = arith.constant 2.000000e+00 : f32
        %mul3A_868 = vector.broadcast %mul3A_867 : f32 to vector<16xf32>
        %mul3A_869 = arith.mulf %add3A_866, %mul3A_868 : vector<16xf32>
        %swap3A_870 = arith.index_cast %scan3A_366 : i32 to index
        %swap3A_871 = arith.constant 464 : index
        %swap3A_872 = tpu.vector_load %arg9[%swap3A_870, %swap3A_871] {strides = array<i32>} : memref<32x768xf32, #tpu.memory_space<vmem>>, vector<1x16xf32>,
        %swap3A_873 = vector.shape_cast %swap3A_872 : vector<1x16xf32> to vector<16xf32>
        %swap3A_874 = vector.shape_cast %mul3A_869 : vector<16xf32> to vector<1x16xf32>
        tpu.vector_store %arg9[%swap3A_870, %swap3A_871], %swap3A_874 {strides = array<i32>} : memref<32x768xf32, #tpu.memory_space<vmem>>, vector<1x16xf32>,
        %get3A_875 = arith.index_cast %scan3A_366 : i32 to index
        %get3A_876 = arith.constant 480 : index
        %get3A_877 = tpu.vector_load %arg9[%get3A_875, %get3A_876] {strides = array<i32>} : memref<32x768xf32, #tpu.memory_space<vmem>>, vector<1x16xf32>,
        %get3A_878 = vector.shape_cast %get3A_877 : vector<1x16xf32> to vector<16xf32>
        %get3A_879 = arith.index_cast %scan3A_366 : i32 to index
        %get3A_880 = arith.constant 480 : index
        %get3A_881 = tpu.vector_load %arg7[%get3A_879, %get3A_880] {strides = array<i32>} : memref<32x768xf32, #tpu.memory_space<vmem>>, vector<1x16xf32>,
        %get3A_882 = vector.shape_cast %get3A_881 : vector<1x16xf32> to vector<16xf32>
        %add3A_883 = arith.addf %get3A_878, %get3A_882 : vector<16xf32>
        %mul3A_884 = arith.constant 2.000000e+00 : f32
        %mul3A_885 = vector.broadcast %mul3A_884 : f32 to vector<16xf32>
        %mul3A_886 = arith.mulf %add3A_883, %mul3A_885 : vector<16xf32>
        %swap3A_887 = arith.index_cast %scan3A_366 : i32 to index
        %swap3A_888 = arith.constant 480 : index
        %swap3A_889 = tpu.vector_load %arg9[%swap3A_887, %swap3A_888] {strides = array<i32>} : memref<32x768xf32, #tpu.memory_space<vmem>>, vector<1x16xf32>,
        %swap3A_890 = vector.shape_cast %swap3A_889 : vector<1x16xf32> to vector<16xf32>
        %swap3A_891 = vector.shape_cast %mul3A_886 : vector<16xf32> to vector<1x16xf32>
        tpu.vector_store %arg9[%swap3A_887, %swap3A_888], %swap3A_891 {strides = array<i32>} : memref<32x768xf32, #tpu.memory_space<vmem>>, vector<1x16xf32>,
        %get3A_892 = arith.index_cast %scan3A_366 : i32 to index
        %get3A_893 = arith.constant 496 : index
        %get3A_894 = tpu.vector_load %arg9[%get3A_892, %get3A_893] {strides = array<i32>} : memref<32x768xf32, #tpu.memory_space<vmem>>, vector<1x16xf32>,
        %get3A_895 = vector.shape_cast %get3A_894 : vector<1x16xf32> to vector<16xf32>
        %get3A_896 = arith.index_cast %scan3A_366 : i32 to index
        %get3A_897 = arith.constant 496 : index
        %get3A_898 = tpu.vector_load %arg7[%get3A_896, %get3A_897] {strides = array<i32>} : memref<32x768xf32, #tpu.memory_space<vmem>>, vector<1x16xf32>,
        %get3A_899 = vector.shape_cast %get3A_898 : vector<1x16xf32> to vector<16xf32>
        %add3A_900 = arith.addf %get3A_895, %get3A_899 : vector<16xf32>
        %mul3A_901 = arith.constant 2.000000e+00 : f32
        %mul3A_902 = vector.broadcast %mul3A_901 : f32 to vector<16xf32>
        %mul3A_903 = arith.mulf %add3A_900, %mul3A_902 : vector<16xf32>
        %swap3A_904 = arith.index_cast %scan3A_366 : i32 to index
        %swap3A_905 = arith.constant 496 : index
        %swap3A_906 = tpu.vector_load %arg9[%swap3A_904, %swap3A_905] {strides = array<i32>} : memref<32x768xf32, #tpu.memory_space<vmem>>, vector<1x16xf32>,
        %swap3A_907 = vector.shape_cast %swap3A_906 : vector<1x16xf32> to vector<16xf32>
        %swap3A_908 = vector.shape_cast %mul3A_903 : vector<16xf32> to vector<1x16xf32>
        tpu.vector_store %arg9[%swap3A_904, %swap3A_905], %swap3A_908 {strides = array<i32>} : memref<32x768xf32, #tpu.memory_space<vmem>>, vector<1x16xf32>,
        %get3A_909 = arith.index_cast %scan3A_366 : i32 to index
        %get3A_910 = arith.constant 512 : index
        %get3A_911 = tpu.vector_load %arg9[%get3A_909, %get3A_910] {strides = array<i32>} : memref<32x768xf32, #tpu.memory_space<vmem>>, vector<1x16xf32>,
        %get3A_912 = vector.shape_cast %get3A_911 : vector<1x16xf32> to vector<16xf32>
        %get3A_913 = arith.index_cast %scan3A_366 : i32 to index
        %get3A_914 = arith.constant 512 : index
        %get3A_915 = tpu.vector_load %arg7[%get3A_913, %get3A_914] {strides = array<i32>} : memref<32x768xf32, #tpu.memory_space<vmem>>, vector<1x16xf32>,
        %get3A_916 = vector.shape_cast %get3A_915 : vector<1x16xf32> to vector<16xf32>
        %add3A_917 = arith.addf %get3A_912, %get3A_916 : vector<16xf32>
        %mul3A_918 = arith.constant 2.000000e+00 : f32
        %mul3A_919 = vector.broadcast %mul3A_918 : f32 to vector<16xf32>
        %mul3A_920 = arith.mulf %add3A_917, %mul3A_919 : vector<16xf32>
        %swap3A_921 = arith.index_cast %scan3A_366 : i32 to index
        %swap3A_922 = arith.constant 512 : index
        %swap3A_923 = tpu.vector_load %arg9[%swap3A_921, %swap3A_922] {strides = array<i32>} : memref<32x768xf32, #tpu.memory_space<vmem>>, vector<1x16xf32>,
        %swap3A_924 = vector.shape_cast %swap3A_923 : vector<1x16xf32> to vector<16xf32>
        %swap3A_925 = vector.shape_cast %mul3A_920 : vector<16xf32> to vector<1x16xf32>
        tpu.vector_store %arg9[%swap3A_921, %swap3A_922], %swap3A_925 {strides = array<i32>} : memref<32x768xf32, #tpu.memory_space<vmem>>, vector<1x16xf32>,
        %get3A_926 = arith.index_cast %scan3A_366 : i32 to index
        %get3A_927 = arith.constant 528 : index
        %get3A_928 = tpu.vector_load %arg9[%get3A_926, %get3A_927] {strides = array<i32>} : memref<32x768xf32, #tpu.memory_space<vmem>>, vector<1x16xf32>,
        %get3A_929 = vector.shape_cast %get3A_928 : vector<1x16xf32> to vector<16xf32>
        %get3A_930 = arith.index_cast %scan3A_366 : i32 to index
        %get3A_931 = arith.constant 528 : index
        %get3A_932 = tpu.vector_load %arg7[%get3A_930, %get3A_931] {strides = array<i32>} : memref<32x768xf32, #tpu.memory_space<vmem>>, vector<1x16xf32>,
        %get3A_933 = vector.shape_cast %get3A_932 : vector<1x16xf32> to vector<16xf32>
        %add3A_934 = arith.addf %get3A_929, %get3A_933 : vector<16xf32>
        %mul3A_935 = arith.constant 2.000000e+00 : f32
        %mul3A_936 = vector.broadcast %mul3A_935 : f32 to vector<16xf32>
        %mul3A_937 = arith.mulf %add3A_934, %mul3A_936 : vector<16xf32>
        %swap3A_938 = arith.index_cast %scan3A_366 : i32 to index
        %swap3A_939 = arith.constant 528 : index
        %swap3A_940 = tpu.vector_load %arg9[%swap3A_938, %swap3A_939] {strides = array<i32>} : memref<32x768xf32, #tpu.memory_space<vmem>>, vector<1x16xf32>,
        %swap3A_941 = vector.shape_cast %swap3A_940 : vector<1x16xf32> to vector<16xf32>
        %swap3A_942 = vector.shape_cast %mul3A_937 : vector<16xf32> to vector<1x16xf32>
        tpu.vector_store %arg9[%swap3A_938, %swap3A_939], %swap3A_942 {strides = array<i32>} : memref<32x768xf32, #tpu.memory_space<vmem>>, vector<1x16xf32>,
        %get3A_943 = arith.index_cast %scan3A_366 : i32 to index
        %get3A_944 = arith.constant 544 : index
        %get3A_945 = tpu.vector_load %arg9[%get3A_943, %get3A_944] {strides = array<i32>} : memref<32x768xf32, #tpu.memory_space<vmem>>, vector<1x16xf32>,
        %get3A_946 = vector.shape_cast %get3A_945 : vector<1x16xf32> to vector<16xf32>
        %get3A_947 = arith.index_cast %scan3A_366 : i32 to index
        %get3A_948 = arith.constant 544 : index
        %get3A_949 = tpu.vector_load %arg7[%get3A_947, %get3A_948] {strides = array<i32>} : memref<32x768xf32, #tpu.memory_space<vmem>>, vector<1x16xf32>,
        %get3A_950 = vector.shape_cast %get3A_949 : vector<1x16xf32> to vector<16xf32>
        %add3A_951 = arith.addf %get3A_946, %get3A_950 : vector<16xf32>
        %mul3A_952 = arith.constant 2.000000e+00 : f32
        %mul3A_953 = vector.broadcast %mul3A_952 : f32 to vector<16xf32>
        %mul3A_954 = arith.mulf %add3A_951, %mul3A_953 : vector<16xf32>
        %swap3A_955 = arith.index_cast %scan3A_366 : i32 to index
        %swap3A_956 = arith.constant 544 : index
        %swap3A_957 = tpu.vector_load %arg9[%swap3A_955, %swap3A_956] {strides = array<i32>} : memref<32x768xf32, #tpu.memory_space<vmem>>, vector<1x16xf32>,
        %swap3A_958 = vector.shape_cast %swap3A_957 : vector<1x16xf32> to vector<16xf32>
        %swap3A_959 = vector.shape_cast %mul3A_954 : vector<16xf32> to vector<1x16xf32>
        tpu.vector_store %arg9[%swap3A_955, %swap3A_956], %swap3A_959 {strides = array<i32>} : memref<32x768xf32, #tpu.memory_space<vmem>>, vector<1x16xf32>,
        %get3A_960 = arith.index_cast %scan3A_366 : i32 to index
        %get3A_961 = arith.constant 560 : index
        %get3A_962 = tpu.vector_load %arg9[%get3A_960, %get3A_961] {strides = array<i32>} : memref<32x768xf32, #tpu.memory_space<vmem>>, vector<1x16xf32>,
        %get3A_963 = vector.shape_cast %get3A_962 : vector<1x16xf32> to vector<16xf32>
        %get3A_964 = arith.index_cast %scan3A_366 : i32 to index
        %get3A_965 = arith.constant 560 : index
        %get3A_966 = tpu.vector_load %arg7[%get3A_964, %get3A_965] {strides = array<i32>} : memref<32x768xf32, #tpu.memory_space<vmem>>, vector<1x16xf32>,
        %get3A_967 = vector.shape_cast %get3A_966 : vector<1x16xf32> to vector<16xf32>
        %add3A_968 = arith.addf %get3A_963, %get3A_967 : vector<16xf32>
        %mul3A_969 = arith.constant 2.000000e+00 : f32
        %mul3A_970 = vector.broadcast %mul3A_969 : f32 to vector<16xf32>
        %mul3A_971 = arith.mulf %add3A_968, %mul3A_970 : vector<16xf32>
        %swap3A_972 = arith.index_cast %scan3A_366 : i32 to index
        %swap3A_973 = arith.constant 560 : index
        %swap3A_974 = tpu.vector_load %arg9[%swap3A_972, %swap3A_973] {strides = array<i32>} : memref<32x768xf32, #tpu.memory_space<vmem>>, vector<1x16xf32>,
        %swap3A_975 = vector.shape_cast %swap3A_974 : vector<1x16xf32> to vector<16xf32>
        %swap3A_976 = vector.shape_cast %mul3A_971 : vector<16xf32> to vector<1x16xf32>
        tpu.vector_store %arg9[%swap3A_972, %swap3A_973], %swap3A_976 {strides = array<i32>} : memref<32x768xf32, #tpu.memory_space<vmem>>, vector<1x16xf32>,
        %get3A_977 = arith.index_cast %scan3A_366 : i32 to index
        %get3A_978 = arith.constant 576 : index
        %get3A_979 = tpu.vector_load %arg9[%get3A_977, %get3A_978] {strides = array<i32>} : memref<32x768xf32, #tpu.memory_space<vmem>>, vector<1x16xf32>,
        %get3A_980 = vector.shape_cast %get3A_979 : vector<1x16xf32> to vector<16xf32>
        %get3A_981 = arith.index_cast %scan3A_366 : i32 to index
        %get3A_982 = arith.constant 576 : index
        %get3A_983 = tpu.vector_load %arg7[%get3A_981, %get3A_982] {strides = array<i32>} : memref<32x768xf32, #tpu.memory_space<vmem>>, vector<1x16xf32>,
        %get3A_984 = vector.shape_cast %get3A_983 : vector<1x16xf32> to vector<16xf32>
        %add3A_985 = arith.addf %get3A_980, %get3A_984 : vector<16xf32>
        %mul3A_986 = arith.constant 2.000000e+00 : f32
        %mul3A_987 = vector.broadcast %mul3A_986 : f32 to vector<16xf32>
        %mul3A_988 = arith.mulf %add3A_985, %mul3A_987 : vector<16xf32>
        %swap3A_989 = arith.index_cast %scan3A_366 : i32 to index
        %swap3A_990 = arith.constant 576 : index
        %swap3A_991 = tpu.vector_load %arg9[%swap3A_989, %swap3A_990] {strides = array<i32>} : memref<32x768xf32, #tpu.memory_space<vmem>>, vector<1x16xf32>,
        %swap3A_992 = vector.shape_cast %swap3A_991 : vector<1x16xf32> to vector<16xf32>
        %swap3A_993 = vector.shape_cast %mul3A_988 : vector<16xf32> to vector<1x16xf32>
        tpu.vector_store %arg9[%swap3A_989, %swap3A_990], %swap3A_993 {strides = array<i32>} : memref<32x768xf32, #tpu.memory_space<vmem>>, vector<1x16xf32>,
        %get3A_994 = arith.index_cast %scan3A_366 : i32 to index
        %get3A_995 = arith.constant 592 : index
        %get3A_996 = tpu.vector_load %arg9[%get3A_994, %get3A_995] {strides = array<i32>} : memref<32x768xf32, #tpu.memory_space<vmem>>, vector<1x16xf32>,
        %get3A_997 = vector.shape_cast %get3A_996 : vector<1x16xf32> to vector<16xf32>
        %get3A_998 = arith.index_cast %scan3A_366 : i32 to index
        %get3A_999 = arith.constant 592 : index
        %get3A_1000 = tpu.vector_load %arg7[%get3A_998, %get3A_999] {strides = array<i32>} : memref<32x768xf32, #tpu.memory_space<vmem>>, vector<1x16xf32>,
        %get3A_1001 = vector.shape_cast %get3A_1000 : vector<1x16xf32> to vector<16xf32>
        %add3A_1002 = arith.addf %get3A_997, %get3A_1001 : vector<16xf32>
        %mul3A_1003 = arith.constant 2.000000e+00 : f32
        %mul3A_1004 = vector.broadcast %mul3A_1003 : f32 to vector<16xf32>
        %mul3A_1005 = arith.mulf %add3A_1002, %mul3A_1004 : vector<16xf32>
        %swap3A_1006 = arith.index_cast %scan3A_366 : i32 to index
        %swap3A_1007 = arith.constant 592 : index
        %swap3A_1008 = tpu.vector_load %arg9[%swap3A_1006, %swap3A_1007] {strides = array<i32>} : memref<32x768xf32, #tpu.memory_space<vmem>>, vector<1x16xf32>,
        %swap3A_1009 = vector.shape_cast %swap3A_1008 : vector<1x16xf32> to vector<16xf32>
        %swap3A_1010 = vector.shape_cast %mul3A_1005 : vector<16xf32> to vector<1x16xf32>
        tpu.vector_store %arg9[%swap3A_1006, %swap3A_1007], %swap3A_1010 {strides = array<i32>} : memref<32x768xf32, #tpu.memory_space<vmem>>, vector<1x16xf32>,
        %get3A_1011 = arith.index_cast %scan3A_366 : i32 to index
        %get3A_1012 = arith.constant 608 : index
        %get3A_1013 = tpu.vector_load %arg9[%get3A_1011, %get3A_1012] {strides = array<i32>} : memref<32x768xf32, #tpu.memory_space<vmem>>, vector<1x16xf32>,
        %get3A_1014 = vector.shape_cast %get3A_1013 : vector<1x16xf32> to vector<16xf32>
        %get3A_1015 = arith.index_cast %scan3A_366 : i32 to index
        %get3A_1016 = arith.constant 608 : index
        %get3A_1017 = tpu.vector_load %arg7[%get3A_1015, %get3A_1016] {strides = array<i32>} : memref<32x768xf32, #tpu.memory_space<vmem>>, vector<1x16xf32>,
        %get3A_1018 = vector.shape_cast %get3A_1017 : vector<1x16xf32> to vector<16xf32>
        %add3A_1019 = arith.addf %get3A_1014, %get3A_1018 : vector<16xf32>
        %mul3A_1020 = arith.constant 2.000000e+00 : f32
        %mul3A_1021 = vector.broadcast %mul3A_1020 : f32 to vector<16xf32>
        %mul3A_1022 = arith.mulf %add3A_1019, %mul3A_1021 : vector<16xf32>
        %swap3A_1023 = arith.index_cast %scan3A_366 : i32 to index
        %swap3A_1024 = arith.constant 608 : index
        %swap3A_1025 = tpu.vector_load %arg9[%swap3A_1023, %swap3A_1024] {strides = array<i32>} : memref<32x768xf32, #tpu.memory_space<vmem>>, vector<1x16xf32>,
        %swap3A_1026 = vector.shape_cast %swap3A_1025 : vector<1x16xf32> to vector<16xf32>
        %swap3A_1027 = vector.shape_cast %mul3A_1022 : vector<16xf32> to vector<1x16xf32>
        tpu.vector_store %arg9[%swap3A_1023, %swap3A_1024], %swap3A_1027 {strides = array<i32>} : memref<32x768xf32, #tpu.memory_space<vmem>>, vector<1x16xf32>,
        %get3A_1028 = arith.index_cast %scan3A_366 : i32 to index
        %get3A_1029 = arith.constant 624 : index
        %get3A_1030 = tpu.vector_load %arg9[%get3A_1028, %get3A_1029] {strides = array<i32>} : memref<32x768xf32, #tpu.memory_space<vmem>>, vector<1x16xf32>,
        %get3A_1031 = vector.shape_cast %get3A_1030 : vector<1x16xf32> to vector<16xf32>
        %get3A_1032 = arith.index_cast %scan3A_366 : i32 to index
        %get3A_1033 = arith.constant 624 : index
        %get3A_1034 = tpu.vector_load %arg7[%get3A_1032, %get3A_1033] {strides = array<i32>} : memref<32x768xf32, #tpu.memory_space<vmem>>, vector<1x16xf32>,
        %get3A_1035 = vector.shape_cast %get3A_1034 : vector<1x16xf32> to vector<16xf32>
        %add3A_1036 = arith.addf %get3A_1031, %get3A_1035 : vector<16xf32>
        %mul3A_1037 = arith.constant 2.000000e+00 : f32
        %mul3A_1038 = vector.broadcast %mul3A_1037 : f32 to vector<16xf32>
        %mul3A_1039 = arith.mulf %add3A_1036, %mul3A_1038 : vector<16xf32>
        %swap3A_1040 = arith.index_cast %scan3A_366 : i32 to index
        %swap3A_1041 = arith.constant 624 : index
        %swap3A_1042 = tpu.vector_load %arg9[%swap3A_1040, %swap3A_1041] {strides = array<i32>} : memref<32x768xf32, #tpu.memory_space<vmem>>, vector<1x16xf32>,
        %swap3A_1043 = vector.shape_cast %swap3A_1042 : vector<1x16xf32> to vector<16xf32>
        %swap3A_1044 = vector.shape_cast %mul3A_1039 : vector<16xf32> to vector<1x16xf32>
        tpu.vector_store %arg9[%swap3A_1040, %swap3A_1041], %swap3A_1044 {strides = array<i32>} : memref<32x768xf32, #tpu.memory_space<vmem>>, vector<1x16xf32>,
        %get3A_1045 = arith.index_cast %scan3A_366 : i32 to index
        %get3A_1046 = arith.constant 640 : index
        %get3A_1047 = tpu.vector_load %arg9[%get3A_1045, %get3A_1046] {strides = array<i32>} : memref<32x768xf32, #tpu.memory_space<vmem>>, vector<1x16xf32>,
        %get3A_1048 = vector.shape_cast %get3A_1047 : vector<1x16xf32> to vector<16xf32>
        %get3A_1049 = arith.index_cast %scan3A_366 : i32 to index
        %get3A_1050 = arith.constant 640 : index
        %get3A_1051 = tpu.vector_load %arg7[%get3A_1049, %get3A_1050] {strides = array<i32>} : memref<32x768xf32, #tpu.memory_space<vmem>>, vector<1x16xf32>,
        %get3A_1052 = vector.shape_cast %get3A_1051 : vector<1x16xf32> to vector<16xf32>
        %add3A_1053 = arith.addf %get3A_1048, %get3A_1052 : vector<16xf32>
        %mul3A_1054 = arith.constant 2.000000e+00 : f32
        %mul3A_1055 = vector.broadcast %mul3A_1054 : f32 to vector<16xf32>
        %mul3A_1056 = arith.mulf %add3A_1053, %mul3A_1055 : vector<16xf32>
        %swap3A_1057 = arith.index_cast %scan3A_366 : i32 to index
        %swap3A_1058 = arith.constant 640 : index
        %swap3A_1059 = tpu.vector_load %arg9[%swap3A_1057, %swap3A_1058] {strides = array<i32>} : memref<32x768xf32, #tpu.memory_space<vmem>>, vector<1x16xf32>,
        %swap3A_1060 = vector.shape_cast %swap3A_1059 : vector<1x16xf32> to vector<16xf32>
        %swap3A_1061 = vector.shape_cast %mul3A_1056 : vector<16xf32> to vector<1x16xf32>
        tpu.vector_store %arg9[%swap3A_1057, %swap3A_1058], %swap3A_1061 {strides = array<i32>} : memref<32x768xf32, #tpu.memory_space<vmem>>, vector<1x16xf32>,
        %get3A_1062 = arith.index_cast %scan3A_366 : i32 to index
        %get3A_1063 = arith.constant 656 : index
        %get3A_1064 = tpu.vector_load %arg9[%get3A_1062, %get3A_1063] {strides = array<i32>} : memref<32x768xf32, #tpu.memory_space<vmem>>, vector<1x16xf32>,
        %get3A_1065 = vector.shape_cast %get3A_1064 : vector<1x16xf32> to vector<16xf32>
        %get3A_1066 = arith.index_cast %scan3A_366 : i32 to index
        %get3A_1067 = arith.constant 656 : index
        %get3A_1068 = tpu.vector_load %arg7[%get3A_1066, %get3A_1067] {strides = array<i32>} : memref<32x768xf32, #tpu.memory_space<vmem>>, vector<1x16xf32>,
        %get3A_1069 = vector.shape_cast %get3A_1068 : vector<1x16xf32> to vector<16xf32>
        %add3A_1070 = arith.addf %get3A_1065, %get3A_1069 : vector<16xf32>
        %mul3A_1071 = arith.constant 2.000000e+00 : f32
        %mul3A_1072 = vector.broadcast %mul3A_1071 : f32 to vector<16xf32>
        %mul3A_1073 = arith.mulf %add3A_1070, %mul3A_1072 : vector<16xf32>
        %swap3A_1074 = arith.index_cast %scan3A_366 : i32 to index
        %swap3A_1075 = arith.constant 656 : index
        %swap3A_1076 = tpu.vector_load %arg9[%swap3A_1074, %swap3A_1075] {strides = array<i32>} : memref<32x768xf32, #tpu.memory_space<vmem>>, vector<1x16xf32>,
        %swap3A_1077 = vector.shape_cast %swap3A_1076 : vector<1x16xf32> to vector<16xf32>
        %swap3A_1078 = vector.shape_cast %mul3A_1073 : vector<16xf32> to vector<1x16xf32>
        tpu.vector_store %arg9[%swap3A_1074, %swap3A_1075], %swap3A_1078 {strides = array<i32>} : memref<32x768xf32, #tpu.memory_space<vmem>>, vector<1x16xf32>,
        %get3A_1079 = arith.index_cast %scan3A_366 : i32 to index
        %get3A_1080 = arith.constant 672 : index
        %get3A_1081 = tpu.vector_load %arg9[%get3A_1079, %get3A_1080] {strides = array<i32>} : memref<32x768xf32, #tpu.memory_space<vmem>>, vector<1x16xf32>,
        %get3A_1082 = vector.shape_cast %get3A_1081 : vector<1x16xf32> to vector<16xf32>
        %get3A_1083 = arith.index_cast %scan3A_366 : i32 to index
        %get3A_1084 = arith.constant 672 : index
        %get3A_1085 = tpu.vector_load %arg7[%get3A_1083, %get3A_1084] {strides = array<i32>} : memref<32x768xf32, #tpu.memory_space<vmem>>, vector<1x16xf32>,
        %get3A_1086 = vector.shape_cast %get3A_1085 : vector<1x16xf32> to vector<16xf32>
        %add3A_1087 = arith.addf %get3A_1082, %get3A_1086 : vector<16xf32>
        %mul3A_1088 = arith.constant 2.000000e+00 : f32
        %mul3A_1089 = vector.broadcast %mul3A_1088 : f32 to vector<16xf32>
        %mul3A_1090 = arith.mulf %add3A_1087, %mul3A_1089 : vector<16xf32>
        %swap3A_1091 = arith.index_cast %scan3A_366 : i32 to index
        %swap3A_1092 = arith.constant 672 : index
        %swap3A_1093 = tpu.vector_load %arg9[%swap3A_1091, %swap3A_1092] {strides = array<i32>} : memref<32x768xf32, #tpu.memory_space<vmem>>, vector<1x16xf32>,
        %swap3A_1094 = vector.shape_cast %swap3A_1093 : vector<1x16xf32> to vector<16xf32>
        %swap3A_1095 = vector.shape_cast %mul3A_1090 : vector<16xf32> to vector<1x16xf32>
        tpu.vector_store %arg9[%swap3A_1091, %swap3A_1092], %swap3A_1095 {strides = array<i32>} : memref<32x768xf32, #tpu.memory_space<vmem>>, vector<1x16xf32>,
        %get3A_1096 = arith.index_cast %scan3A_366 : i32 to index
        %get3A_1097 = arith.constant 688 : index
        %get3A_1098 = tpu.vector_load %arg9[%get3A_1096, %get3A_1097] {strides = array<i32>} : memref<32x768xf32, #tpu.memory_space<vmem>>, vector<1x16xf32>,
        %get3A_1099 = vector.shape_cast %get3A_1098 : vector<1x16xf32> to vector<16xf32>
        %get3A_1100 = arith.index_cast %scan3A_366 : i32 to index
        %get3A_1101 = arith.constant 688 : index
        %get3A_1102 = tpu.vector_load %arg7[%get3A_1100, %get3A_1101] {strides = array<i32>} : memref<32x768xf32, #tpu.memory_space<vmem>>, vector<1x16xf32>,
        %get3A_1103 = vector.shape_cast %get3A_1102 : vector<1x16xf32> to vector<16xf32>
        %add3A_1104 = arith.addf %get3A_1099, %get3A_1103 : vector<16xf32>
        %mul3A_1105 = arith.constant 2.000000e+00 : f32
        %mul3A_1106 = vector.broadcast %mul3A_1105 : f32 to vector<16xf32>
        %mul3A_1107 = arith.mulf %add3A_1104, %mul3A_1106 : vector<16xf32>
        %swap3A_1108 = arith.index_cast %scan3A_366 : i32 to index
        %swap3A_1109 = arith.constant 688 : index
        %swap3A_1110 = tpu.vector_load %arg9[%swap3A_1108, %swap3A_1109] {strides = array<i32>} : memref<32x768xf32, #tpu.memory_space<vmem>>, vector<1x16xf32>,
        %swap3A_1111 = vector.shape_cast %swap3A_1110 : vector<1x16xf32> to vector<16xf32>
        %swap3A_1112 = vector.shape_cast %mul3A_1107 : vector<16xf32> to vector<1x16xf32>
        tpu.vector_store %arg9[%swap3A_1108, %swap3A_1109], %swap3A_1112 {strides = array<i32>} : memref<32x768xf32, #tpu.memory_space<vmem>>, vector<1x16xf32>,
        %get3A_1113 = arith.index_cast %scan3A_366 : i32 to index
        %get3A_1114 = arith.constant 704 : index
        %get3A_1115 = tpu.vector_load %arg9[%get3A_1113, %get3A_1114] {strides = array<i32>} : memref<32x768xf32, #tpu.memory_space<vmem>>, vector<1x16xf32>,
        %get3A_1116 = vector.shape_cast %get3A_1115 : vector<1x16xf32> to vector<16xf32>
        %get3A_1117 = arith.index_cast %scan3A_366 : i32 to index
        %get3A_1118 = arith.constant 704 : index
        %get3A_1119 = tpu.vector_load %arg7[%get3A_1117, %get3A_1118] {strides = array<i32>} : memref<32x768xf32, #tpu.memory_space<vmem>>, vector<1x16xf32>,
        %get3A_1120 = vector.shape_cast %get3A_1119 : vector<1x16xf32> to vector<16xf32>
        %add3A_1121 = arith.addf %get3A_1116, %get3A_1120 : vector<16xf32>
        %mul3A_1122 = arith.constant 2.000000e+00 : f32
        %mul3A_1123 = vector.broadcast %mul3A_1122 : f32 to vector<16xf32>
        %mul3A_1124 = arith.mulf %add3A_1121, %mul3A_1123 : vector<16xf32>
        %swap3A_1125 = arith.index_cast %scan3A_366 : i32 to index
        %swap3A_1126 = arith.constant 704 : index
        %swap3A_1127 = tpu.vector_load %arg9[%swap3A_1125, %swap3A_1126] {strides = array<i32>} : memref<32x768xf32, #tpu.memory_space<vmem>>, vector<1x16xf32>,
        %swap3A_1128 = vector.shape_cast %swap3A_1127 : vector<1x16xf32> to vector<16xf32>
        %swap3A_1129 = vector.shape_cast %mul3A_1124 : vector<16xf32> to vector<1x16xf32>
        tpu.vector_store %arg9[%swap3A_1125, %swap3A_1126], %swap3A_1129 {strides = array<i32>} : memref<32x768xf32, #tpu.memory_space<vmem>>, vector<1x16xf32>,
        %get3A_1130 = arith.index_cast %scan3A_366 : i32 to index
        %get3A_1131 = arith.constant 720 : index
        %get3A_1132 = tpu.vector_load %arg9[%get3A_1130, %get3A_1131] {strides = array<i32>} : memref<32x768xf32, #tpu.memory_space<vmem>>, vector<1x16xf32>,
        %get3A_1133 = vector.shape_cast %get3A_1132 : vector<1x16xf32> to vector<16xf32>
        %get3A_1134 = arith.index_cast %scan3A_366 : i32 to index
        %get3A_1135 = arith.constant 720 : index
        %get3A_1136 = tpu.vector_load %arg7[%get3A_1134, %get3A_1135] {strides = array<i32>} : memref<32x768xf32, #tpu.memory_space<vmem>>, vector<1x16xf32>,
        %get3A_1137 = vector.shape_cast %get3A_1136 : vector<1x16xf32> to vector<16xf32>
        %add3A_1138 = arith.addf %get3A_1133, %get3A_1137 : vector<16xf32>
        %mul3A_1139 = arith.constant 2.000000e+00 : f32
        %mul3A_1140 = vector.broadcast %mul3A_1139 : f32 to vector<16xf32>
        %mul3A_1141 = arith.mulf %add3A_1138, %mul3A_1140 : vector<16xf32>
        %swap3A_1142 = arith.index_cast %scan3A_366 : i32 to index
        %swap3A_1143 = arith.constant 720 : index
        %swap3A_1144 = tpu.vector_load %arg9[%swap3A_1142, %swap3A_1143] {strides = array<i32>} : memref<32x768xf32, #tpu.memory_space<vmem>>, vector<1x16xf32>,
        %swap3A_1145 = vector.shape_cast %swap3A_1144 : vector<1x16xf32> to vector<16xf32>
        %swap3A_1146 = vector.shape_cast %mul3A_1141 : vector<16xf32> to vector<1x16xf32>
        tpu.vector_store %arg9[%swap3A_1142, %swap3A_1143], %swap3A_1146 {strides = array<i32>} : memref<32x768xf32, #tpu.memory_space<vmem>>, vector<1x16xf32>,
        %get3A_1147 = arith.index_cast %scan3A_366 : i32 to index
        %get3A_1148 = arith.constant 736 : index
        %get3A_1149 = tpu.vector_load %arg9[%get3A_1147, %get3A_1148] {strides = array<i32>} : memref<32x768xf32, #tpu.memory_space<vmem>>, vector<1x16xf32>,
        %get3A_1150 = vector.shape_cast %get3A_1149 : vector<1x16xf32> to vector<16xf32>
        %get3A_1151 = arith.index_cast %scan3A_366 : i32 to index
        %get3A_1152 = arith.constant 736 : index
        %get3A_1153 = tpu.vector_load %arg7[%get3A_1151, %get3A_1152] {strides = array<i32>} : memref<32x768xf32, #tpu.memory_space<vmem>>, vector<1x16xf32>,
        %get3A_1154 = vector.shape_cast %get3A_1153 : vector<1x16xf32> to vector<16xf32>
        %add3A_1155 = arith.addf %get3A_1150, %get3A_1154 : vector<16xf32>
        %mul3A_1156 = arith.constant 2.000000e+00 : f32
        %mul3A_1157 = vector.broadcast %mul3A_1156 : f32 to vector<16xf32>
        %mul3A_1158 = arith.mulf %add3A_1155, %mul3A_1157 : vector<16xf32>
        %swap3A_1159 = arith.index_cast %scan3A_366 : i32 to index
        %swap3A_1160 = arith.constant 736 : index
        %swap3A_1161 = tpu.vector_load %arg9[%swap3A_1159, %swap3A_1160] {strides = array<i32>} : memref<32x768xf32, #tpu.memory_space<vmem>>, vector<1x16xf32>,
        %swap3A_1162 = vector.shape_cast %swap3A_1161 : vector<1x16xf32> to vector<16xf32>
        %swap3A_1163 = vector.shape_cast %mul3A_1158 : vector<16xf32> to vector<1x16xf32>
        tpu.vector_store %arg9[%swap3A_1159, %swap3A_1160], %swap3A_1163 {strides = array<i32>} : memref<32x768xf32, #tpu.memory_space<vmem>>, vector<1x16xf32>,
        %get3A_1164 = arith.index_cast %scan3A_366 : i32 to index
        %get3A_1165 = arith.constant 752 : index
        %get3A_1166 = tpu.vector_load %arg9[%get3A_1164, %get3A_1165] {strides = array<i32>} : memref<32x768xf32, #tpu.memory_space<vmem>>, vector<1x16xf32>,
        %get3A_1167 = vector.shape_cast %get3A_1166 : vector<1x16xf32> to vector<16xf32>
        %get3A_1168 = arith.index_cast %scan3A_366 : i32 to index
        %get3A_1169 = arith.constant 752 : index
        %get3A_1170 = tpu.vector_load %arg7[%get3A_1168, %get3A_1169] {strides = array<i32>} : memref<32x768xf32, #tpu.memory_space<vmem>>, vector<1x16xf32>,
        %get3A_1171 = vector.shape_cast %get3A_1170 : vector<1x16xf32> to vector<16xf32>
        %add3A_1172 = arith.addf %get3A_1167, %get3A_1171 : vector<16xf32>
        %mul3A_1173 = arith.constant 2.000000e+00 : f32
        %mul3A_1174 = vector.broadcast %mul3A_1173 : f32 to vector<16xf32>
        %mul3A_1175 = arith.mulf %add3A_1172, %mul3A_1174 : vector<16xf32>
        %swap3A_1176 = arith.index_cast %scan3A_366 : i32 to index
        %swap3A_1177 = arith.constant 752 : index
        %swap3A_1178 = tpu.vector_load %arg9[%swap3A_1176, %swap3A_1177] {strides = array<i32>} : memref<32x768xf32, #tpu.memory_space<vmem>>, vector<1x16xf32>,
        %swap3A_1179 = vector.shape_cast %swap3A_1178 : vector<1x16xf32> to vector<16xf32>
        %swap3A_1180 = vector.shape_cast %mul3A_1175 : vector<16xf32> to vector<1x16xf32>
        tpu.vector_store %arg9[%swap3A_1176, %swap3A_1177], %swap3A_1180 {strides = array<i32>} : memref<32x768xf32, #tpu.memory_space<vmem>>, vector<1x16xf32>,
      }
      %scan3A_238 = arith.constant 32 : i32
      %add3A_239 = arith.addi %mul3A_20, %add3A_225 : i32
      %dma_start3A_240 = arith.constant 0 : i32
      %dma_start3A_241 = tpu.memref_slice %arg5[%add3A_239, %mul3A_22, %dma_start3A_240] : memref<128x512x768xf32, #tpu.memory_space<hbm>> -> memref<1x32x768xf32, #tpu.memory_space<hbm>>
      %dma_start3A_242 = tpu.memref_squeeze %dma_start3A_241 : memref<1x32x768xf32, #tpu.memory_space<hbm>> -> memref<32x768xf32, #tpu.memory_space<hbm>>
      %dma_start3A_243 = arith.constant 0 : i32
      %dma_start3A_244 = tpu.memref_slice %arg5[%add3A_239, %mul3A_22, %dma_start3A_243] : memref<128x512x768xf32, #tpu.memory_space<hbm>> -> memref<1x32x768xf32, #tpu.memory_space<hbm>>
      %dma_start3A_245 = tpu.memref_squeeze %dma_start3A_244 : memref<1x32x768xf32, #tpu.memory_space<hbm>> -> memref<32x768xf32, #tpu.memory_space<hbm>>
      tpu.enqueue_dma source(%arg9 : memref<32x768xf32, #tpu.memory_space<vmem>>) target(%dma_start3A_245 : memref<32x768xf32, #tpu.memory_space<hbm>>) target_semaphore(%arg17 : memref<!tpu.dma_semaphore, #tpu.memory_space<semaphore_mem>>)
      %add3A_246 = arith.constant 4 : i32
      %add3A_247 = arith.addi %add3A_225, %add3A_246 : i32
      %lt3A_248 = arith.constant 64 : i32
      %lt3A_249 = arith.cmpi slt, %add3A_247, %lt3A_248 : i32
      %convert_element_type3A_250 = arith.extui %lt3A_249 : i1 to i32
      %cond3A_251 = arith.constant 0 : i32
      %cond3A_252 = arith.cmpi ne, %convert_element_type3A_250, %cond3A_251 : i32
      scf.if %cond3A_252 {
        %add3A_366 = arith.constant 4 : i32
        %add3A_367 = arith.addi %add3A_225, %add3A_366 : i32
        %add3A_368 = arith.addi %mul3A_20, %add3A_367 : i32
        %mul3A_369 = arith.constant 512 : i32
        %mul3A_370 = arith.muli %add3A_368, %mul3A_369 : i32
        %add3A_371 = arith.addi %mul3A_370, %mul3A_22 : i32
        %dma_start3A_372 = arith.constant 1 : i32
        %dma_start3A_373 = arith.constant 0 : i32
        %dma_start3A_374 = tpu.memref_slice %arg6[%dma_start3A_372, %dma_start3A_373] : memref<4x32xi32, #tpu.memory_space<vmem>> -> memref<1x32xi32, #tpu.memory_space<vmem>>
        %dma_start3A_375 = tpu.memref_squeeze %dma_start3A_374 : memref<1x32xi32, #tpu.memory_space<vmem>> -> memref<32xi32, #tpu.memory_space<vmem>>
        %dma_start3A_376 = tpu.memref_slice %arg2[%add3A_371] : memref<65536xi32, #tpu.memory_space<hbm>> -> memref<32xi32, #tpu.memory_space<hbm>>
        %dma_start3A_377 = arith.constant 0 : i32
        %dma_start3A_378 = tpu.memref_slice %arg6[%dma_start3A_372, %dma_start3A_377] : memref<4x32xi32, #tpu.memory_space<vmem>> -> memref<1x32xi32, #tpu.memory_space<vmem>>
        %dma_start3A_379 = tpu.memref_squeeze %dma_start3A_378 : memref<1x32xi32, #tpu.memory_space<vmem>> -> memref<32xi32, #tpu.memory_space<vmem>>
        %dma_start3A_380 = tpu.memref_slice %arg2[%add3A_371] : memref<65536xi32, #tpu.memory_space<hbm>> -> memref<32xi32, #tpu.memory_space<hbm>>
        tpu.enqueue_dma source(%dma_start3A_380 : memref<32xi32, #tpu.memory_space<hbm>>) target(%dma_start3A_379 : memref<32xi32, #tpu.memory_space<vmem>>) target_semaphore(%arg21 : memref<!tpu.dma_semaphore, #tpu.memory_space<semaphore_mem>>)
      } else {
      }
      %add3A_253 = arith.constant 4 : i32
      %add3A_254 = arith.addi %add3A_225, %add3A_253 : i32
      %sub3A_255 = arith.constant 1 : i32
      %sub3A_256 = arith.subi %add3A_254, %sub3A_255 : i32
      %ge3A_257 = arith.constant 1 : i32
      %ge3A_258 = arith.cmpi sge, %add3A_225, %ge3A_257 : i32
      %lt3A_259 = arith.constant 64 : i32
      %lt3A_260 = arith.cmpi slt, %sub3A_256, %lt3A_259 : i32
      %and3A_261 = arith.andi %ge3A_258, %lt3A_260 : i1
      %convert_element_type3A_262 = arith.extui %and3A_261 : i1 to i32
      %cond3A_263 = arith.constant 0 : i32
      %cond3A_264 = arith.cmpi ne, %convert_element_type3A_262, %cond3A_263 : i32
      scf.if %cond3A_264 {
        %add3A_366 = arith.addi %mul3A_20, %add3A_225 : i32
        %sub3A_367 = arith.constant 1 : i32
        %sub3A_368 = arith.subi %add3A_366, %sub3A_367 : i32
        %dma_wait3A_369 = arith.constant 0 : i32
        %dma_wait3A_370 = tpu.memref_slice %arg5[%sub3A_368, %mul3A_22, %dma_wait3A_369] : memref<128x512x768xf32, #tpu.memory_space<hbm>> -> memref<1x32x768xf32, #tpu.memory_space<hbm>>
        %dma_wait3A_371 = tpu.memref_squeeze %dma_wait3A_370 : memref<1x32x768xf32, #tpu.memory_space<hbm>> -> memref<32x768xf32, #tpu.memory_space<hbm>>
        %dma_wait3A_372 = arith.constant 0 : i32
        %dma_wait3A_373 = tpu.memref_slice %arg5[%sub3A_368, %mul3A_22, %dma_wait3A_372] : memref<128x512x768xf32, #tpu.memory_space<hbm>> -> memref<1x32x768xf32, #tpu.memory_space<hbm>>
        %dma_wait3A_374 = tpu.memref_squeeze %dma_wait3A_373 : memref<1x32x768xf32, #tpu.memory_space<hbm>> -> memref<32x768xf32, #tpu.memory_space<hbm>>
        tpu.wait_dma2 semaphore(%arg16 : memref<!tpu.dma_semaphore, #tpu.memory_space<semaphore_mem>>) src(%arg8 : memref<32x768xf32, #tpu.memory_space<vmem>>) dst(%dma_wait3A_374 : memref<32x768xf32, #tpu.memory_space<hbm>>)
      } else {
      }
      %lt3A_265 = arith.constant 64 : i32
      %lt3A_266 = arith.cmpi slt, %sub3A_256, %lt3A_265 : i32
      %convert_element_type3A_267 = arith.extui %lt3A_266 : i1 to i32
      %cond3A_268 = arith.constant 0 : i32
      %cond3A_269 = arith.cmpi ne, %convert_element_type3A_267, %cond3A_268 : i32
      scf.if %cond3A_269 {
        %add3A_366 = arith.addi %mul3A_20, %sub3A_256 : i32
        %mul3A_367 = arith.constant 512 : i32
        %mul3A_368 = arith.muli %add3A_366, %mul3A_367 : i32
        %add3A_369 = arith.addi %mul3A_368, %mul3A_22 : i32
        %dma_wait3A_370 = arith.constant 0 : i32
        %dma_wait3A_371 = arith.constant 0 : i32
        %dma_wait3A_372 = tpu.memref_slice %arg6[%dma_wait3A_370, %dma_wait3A_371] : memref<4x32xi32, #tpu.memory_space<vmem>> -> memref<1x32xi32, #tpu.memory_space<vmem>>
        %dma_wait3A_373 = tpu.memref_squeeze %dma_wait3A_372 : memref<1x32xi32, #tpu.memory_space<vmem>> -> memref<32xi32, #tpu.memory_space<vmem>>
        %dma_wait3A_374 = tpu.memref_slice %arg2[%add3A_369] : memref<65536xi32, #tpu.memory_space<hbm>> -> memref<32xi32, #tpu.memory_space<hbm>>
        %dma_wait3A_375 = arith.constant 0 : i32
        %dma_wait3A_376 = tpu.memref_slice %arg6[%dma_wait3A_370, %dma_wait3A_375] : memref<4x32xi32, #tpu.memory_space<vmem>> -> memref<1x32xi32, #tpu.memory_space<vmem>>
        %dma_wait3A_377 = tpu.memref_squeeze %dma_wait3A_376 : memref<1x32xi32, #tpu.memory_space<vmem>> -> memref<32xi32, #tpu.memory_space<vmem>>
        %dma_wait3A_378 = tpu.memref_slice %arg2[%add3A_369] : memref<65536xi32, #tpu.memory_space<hbm>> -> memref<32xi32, #tpu.memory_space<hbm>>
        tpu.wait_dma2 semaphore(%arg20 : memref<!tpu.dma_semaphore, #tpu.memory_space<semaphore_mem>>) src(%dma_wait3A_378 : memref<32xi32, #tpu.memory_space<hbm>>) dst(%dma_wait3A_377 : memref<32xi32, #tpu.memory_space<vmem>>)
        %dma_start3A_379 = arith.constant 0 : i32
        %dma_start3A_380 = arith.constant 0 : i32
        %dma_start3A_381 = tpu.memref_slice %arg6[%dma_start3A_379, %dma_start3A_380] : memref<4x32xi32, #tpu.memory_space<vmem>> -> memref<1x32xi32, #tpu.memory_space<vmem>>
        %dma_start3A_382 = tpu.memref_squeeze %dma_start3A_381 : memref<1x32xi32, #tpu.memory_space<vmem>> -> memref<32xi32, #tpu.memory_space<vmem>>
        %dma_start3A_383 = arith.constant 0 : i32
        %dma_start3A_384 = arith.constant 0 : i32
        %dma_start3A_385 = tpu.memref_slice %arg3[%dma_start3A_383, %dma_start3A_384] : memref<30522x768xf32, #tpu.memory_space<hbm>> -> memref<30522x768xf32, #tpu.memory_space<hbm>>
        tpu.enqueue_indirect_dma source(%dma_start3A_385 : memref<30522x768xf32, #tpu.memory_space<hbm>>) target(%arg8 : memref<32x768xf32, #tpu.memory_space<vmem>>) offsets(%dma_start3A_382 : memref<32xi32, #tpu.memory_space<vmem>>) semaphore(%arg12 : memref<!tpu.dma_semaphore, #tpu.memory_space<semaphore_mem>>)
      } else {
      }
      %mul3A_270 = arith.constant 4 : i32
      %mul3A_271 = arith.muli %scan3A_177, %mul3A_270 : i32
      %add3A_272 = arith.constant 2 : i32
      %add3A_273 = arith.addi %mul3A_271, %add3A_272 : i32
      %dma_wait3A_274 = arith.constant 2 : i32
      %dma_wait3A_275 = arith.constant 0 : i32
      %dma_wait3A_276 = tpu.memref_slice %arg6[%dma_wait3A_274, %dma_wait3A_275] : memref<4x32xi32, #tpu.memory_space<vmem>> -> memref<1x32xi32, #tpu.memory_space<vmem>>
      %dma_wait3A_277 = tpu.memref_squeeze %dma_wait3A_276 : memref<1x32xi32, #tpu.memory_space<vmem>> -> memref<32xi32, #tpu.memory_space<vmem>>
      %dma_wait3A_278 = arith.constant 0 : i32
      %dma_wait3A_279 = arith.constant 0 : i32
      %dma_wait3A_280 = tpu.memref_slice %arg3[%dma_wait3A_278, %dma_wait3A_279] : memref<30522x768xf32, #tpu.memory_space<hbm>> -> memref<30522x768xf32, #tpu.memory_space<hbm>>
      tpu.wait_indirect_dma semaphore(%arg14 : memref<!tpu.dma_semaphore, #tpu.memory_space<semaphore_mem>>) src(%dma_wait3A_280 : memref<30522x768xf32, #tpu.memory_space<hbm>>) dst(%arg10 : memref<32x768xf32, #tpu.memory_space<vmem>>)
      %scan3A_281 = arith.constant 0 : i32
      %scan3A_282 = arith.constant 0 : i32
      %scan3A_283 = arith.constant 32 : i32
      %scan3A_284 = arith.addi %scan3A_282, %scan3A_283 : i32
      %scan3A_285 = arith.constant 1 : i32
      scf.for %scan3A_366 = %scan3A_282 to %scan3A_284 step %scan3A_285  : i32 {
        %get3A = arith.index_cast %scan3A_366 : i32 to index
        %get3A_367 = arith.constant 0 : index
        %get3A_368 = tpu.vector_load %arg10[%get3A, %get3A_367] {strides = array<i32>} : memref<32x768xf32, #tpu.memory_space<vmem>>, vector<1x16xf32>,
        %get3A_369 = vector.shape_cast %get3A_368 : vector<1x16xf32> to vector<16xf32>
        %get3A_370 = arith.index_cast %scan3A_366 : i32 to index
        %get3A_371 = arith.constant 0 : index
        %get3A_372 = tpu.vector_load %arg7[%get3A_370, %get3A_371] {strides = array<i32>} : memref<32x768xf32, #tpu.memory_space<vmem>>, vector<1x16xf32>,
        %get3A_373 = vector.shape_cast %get3A_372 : vector<1x16xf32> to vector<16xf32>
        %add3A_374 = arith.addf %get3A_369, %get3A_373 : vector<16xf32>
        %mul3A_375 = arith.constant 2.000000e+00 : f32
        %mul3A_376 = vector.broadcast %mul3A_375 : f32 to vector<16xf32>
        %mul3A_377 = arith.mulf %add3A_374, %mul3A_376 : vector<16xf32>
        %swap3A = arith.index_cast %scan3A_366 : i32 to index
        %swap3A_378 = arith.constant 0 : index
        %swap3A_379 = tpu.vector_load %arg10[%swap3A, %swap3A_378] {strides = array<i32>} : memref<32x768xf32, #tpu.memory_space<vmem>>, vector<1x16xf32>,
        %swap3A_380 = vector.shape_cast %swap3A_379 : vector<1x16xf32> to vector<16xf32>
        %swap3A_381 = vector.shape_cast %mul3A_377 : vector<16xf32> to vector<1x16xf32>
        tpu.vector_store %arg10[%swap3A, %swap3A_378], %swap3A_381 {strides = array<i32>} : memref<32x768xf32, #tpu.memory_space<vmem>>, vector<1x16xf32>,
        %get3A_382 = arith.index_cast %scan3A_366 : i32 to index
        %get3A_383 = arith.constant 16 : index
        %get3A_384 = tpu.vector_load %arg10[%get3A_382, %get3A_383] {strides = array<i32>} : memref<32x768xf32, #tpu.memory_space<vmem>>, vector<1x16xf32>,
        %get3A_385 = vector.shape_cast %get3A_384 : vector<1x16xf32> to vector<16xf32>
        %get3A_386 = arith.index_cast %scan3A_366 : i32 to index
        %get3A_387 = arith.constant 16 : index
        %get3A_388 = tpu.vector_load %arg7[%get3A_386, %get3A_387] {strides = array<i32>} : memref<32x768xf32, #tpu.memory_space<vmem>>, vector<1x16xf32>,
        %get3A_389 = vector.shape_cast %get3A_388 : vector<1x16xf32> to vector<16xf32>
        %add3A_390 = arith.addf %get3A_385, %get3A_389 : vector<16xf32>
        %mul3A_391 = arith.constant 2.000000e+00 : f32
        %mul3A_392 = vector.broadcast %mul3A_391 : f32 to vector<16xf32>
        %mul3A_393 = arith.mulf %add3A_390, %mul3A_392 : vector<16xf32>
        %swap3A_394 = arith.index_cast %scan3A_366 : i32 to index
        %swap3A_395 = arith.constant 16 : index
        %swap3A_396 = tpu.vector_load %arg10[%swap3A_394, %swap3A_395] {strides = array<i32>} : memref<32x768xf32, #tpu.memory_space<vmem>>, vector<1x16xf32>,
        %swap3A_397 = vector.shape_cast %swap3A_396 : vector<1x16xf32> to vector<16xf32>
        %swap3A_398 = vector.shape_cast %mul3A_393 : vector<16xf32> to vector<1x16xf32>
        tpu.vector_store %arg10[%swap3A_394, %swap3A_395], %swap3A_398 {strides = array<i32>} : memref<32x768xf32, #tpu.memory_space<vmem>>, vector<1x16xf32>,
        %get3A_399 = arith.index_cast %scan3A_366 : i32 to index
        %get3A_400 = arith.constant 32 : index
        %get3A_401 = tpu.vector_load %arg10[%get3A_399, %get3A_400] {strides = array<i32>} : memref<32x768xf32, #tpu.memory_space<vmem>>, vector<1x16xf32>,
        %get3A_402 = vector.shape_cast %get3A_401 : vector<1x16xf32> to vector<16xf32>
        %get3A_403 = arith.index_cast %scan3A_366 : i32 to index
        %get3A_404 = arith.constant 32 : index
        %get3A_405 = tpu.vector_load %arg7[%get3A_403, %get3A_404] {strides = array<i32>} : memref<32x768xf32, #tpu.memory_space<vmem>>, vector<1x16xf32>,
        %get3A_406 = vector.shape_cast %get3A_405 : vector<1x16xf32> to vector<16xf32>
        %add3A_407 = arith.addf %get3A_402, %get3A_406 : vector<16xf32>
        %mul3A_408 = arith.constant 2.000000e+00 : f32
        %mul3A_409 = vector.broadcast %mul3A_408 : f32 to vector<16xf32>
        %mul3A_410 = arith.mulf %add3A_407, %mul3A_409 : vector<16xf32>
        %swap3A_411 = arith.index_cast %scan3A_366 : i32 to index
        %swap3A_412 = arith.constant 32 : index
        %swap3A_413 = tpu.vector_load %arg10[%swap3A_411, %swap3A_412] {strides = array<i32>} : memref<32x768xf32, #tpu.memory_space<vmem>>, vector<1x16xf32>,
        %swap3A_414 = vector.shape_cast %swap3A_413 : vector<1x16xf32> to vector<16xf32>
        %swap3A_415 = vector.shape_cast %mul3A_410 : vector<16xf32> to vector<1x16xf32>
        tpu.vector_store %arg10[%swap3A_411, %swap3A_412], %swap3A_415 {strides = array<i32>} : memref<32x768xf32, #tpu.memory_space<vmem>>, vector<1x16xf32>,
        %get3A_416 = arith.index_cast %scan3A_366 : i32 to index
        %get3A_417 = arith.constant 48 : index
        %get3A_418 = tpu.vector_load %arg10[%get3A_416, %get3A_417] {strides = array<i32>} : memref<32x768xf32, #tpu.memory_space<vmem>>, vector<1x16xf32>,
        %get3A_419 = vector.shape_cast %get3A_418 : vector<1x16xf32> to vector<16xf32>
        %get3A_420 = arith.index_cast %scan3A_366 : i32 to index
        %get3A_421 = arith.constant 48 : index
        %get3A_422 = tpu.vector_load %arg7[%get3A_420, %get3A_421] {strides = array<i32>} : memref<32x768xf32, #tpu.memory_space<vmem>>, vector<1x16xf32>,
        %get3A_423 = vector.shape_cast %get3A_422 : vector<1x16xf32> to vector<16xf32>
        %add3A_424 = arith.addf %get3A_419, %get3A_423 : vector<16xf32>
        %mul3A_425 = arith.constant 2.000000e+00 : f32
        %mul3A_426 = vector.broadcast %mul3A_425 : f32 to vector<16xf32>
        %mul3A_427 = arith.mulf %add3A_424, %mul3A_426 : vector<16xf32>
        %swap3A_428 = arith.index_cast %scan3A_366 : i32 to index
        %swap3A_429 = arith.constant 48 : index
        %swap3A_430 = tpu.vector_load %arg10[%swap3A_428, %swap3A_429] {strides = array<i32>} : memref<32x768xf32, #tpu.memory_space<vmem>>, vector<1x16xf32>,
        %swap3A_431 = vector.shape_cast %swap3A_430 : vector<1x16xf32> to vector<16xf32>
        %swap3A_432 = vector.shape_cast %mul3A_427 : vector<16xf32> to vector<1x16xf32>
        tpu.vector_store %arg10[%swap3A_428, %swap3A_429], %swap3A_432 {strides = array<i32>} : memref<32x768xf32, #tpu.memory_space<vmem>>, vector<1x16xf32>,
        %get3A_433 = arith.index_cast %scan3A_366 : i32 to index
        %get3A_434 = arith.constant 64 : index
        %get3A_435 = tpu.vector_load %arg10[%get3A_433, %get3A_434] {strides = array<i32>} : memref<32x768xf32, #tpu.memory_space<vmem>>, vector<1x16xf32>,
        %get3A_436 = vector.shape_cast %get3A_435 : vector<1x16xf32> to vector<16xf32>
        %get3A_437 = arith.index_cast %scan3A_366 : i32 to index
        %get3A_438 = arith.constant 64 : index
        %get3A_439 = tpu.vector_load %arg7[%get3A_437, %get3A_438] {strides = array<i32>} : memref<32x768xf32, #tpu.memory_space<vmem>>, vector<1x16xf32>,
        %get3A_440 = vector.shape_cast %get3A_439 : vector<1x16xf32> to vector<16xf32>
        %add3A_441 = arith.addf %get3A_436, %get3A_440 : vector<16xf32>
        %mul3A_442 = arith.constant 2.000000e+00 : f32
        %mul3A_443 = vector.broadcast %mul3A_442 : f32 to vector<16xf32>
        %mul3A_444 = arith.mulf %add3A_441, %mul3A_443 : vector<16xf32>
        %swap3A_445 = arith.index_cast %scan3A_366 : i32 to index
        %swap3A_446 = arith.constant 64 : index
        %swap3A_447 = tpu.vector_load %arg10[%swap3A_445, %swap3A_446] {strides = array<i32>} : memref<32x768xf32, #tpu.memory_space<vmem>>, vector<1x16xf32>,
        %swap3A_448 = vector.shape_cast %swap3A_447 : vector<1x16xf32> to vector<16xf32>
        %swap3A_449 = vector.shape_cast %mul3A_444 : vector<16xf32> to vector<1x16xf32>
        tpu.vector_store %arg10[%swap3A_445, %swap3A_446], %swap3A_449 {strides = array<i32>} : memref<32x768xf32, #tpu.memory_space<vmem>>, vector<1x16xf32>,
        %get3A_450 = arith.index_cast %scan3A_366 : i32 to index
        %get3A_451 = arith.constant 80 : index
        %get3A_452 = tpu.vector_load %arg10[%get3A_450, %get3A_451] {strides = array<i32>} : memref<32x768xf32, #tpu.memory_space<vmem>>, vector<1x16xf32>,
        %get3A_453 = vector.shape_cast %get3A_452 : vector<1x16xf32> to vector<16xf32>
        %get3A_454 = arith.index_cast %scan3A_366 : i32 to index
        %get3A_455 = arith.constant 80 : index
        %get3A_456 = tpu.vector_load %arg7[%get3A_454, %get3A_455] {strides = array<i32>} : memref<32x768xf32, #tpu.memory_space<vmem>>, vector<1x16xf32>,
        %get3A_457 = vector.shape_cast %get3A_456 : vector<1x16xf32> to vector<16xf32>
        %add3A_458 = arith.addf %get3A_453, %get3A_457 : vector<16xf32>
        %mul3A_459 = arith.constant 2.000000e+00 : f32
        %mul3A_460 = vector.broadcast %mul3A_459 : f32 to vector<16xf32>
        %mul3A_461 = arith.mulf %add3A_458, %mul3A_460 : vector<16xf32>
        %swap3A_462 = arith.index_cast %scan3A_366 : i32 to index
        %swap3A_463 = arith.constant 80 : index
        %swap3A_464 = tpu.vector_load %arg10[%swap3A_462, %swap3A_463] {strides = array<i32>} : memref<32x768xf32, #tpu.memory_space<vmem>>, vector<1x16xf32>,
        %swap3A_465 = vector.shape_cast %swap3A_464 : vector<1x16xf32> to vector<16xf32>
        %swap3A_466 = vector.shape_cast %mul3A_461 : vector<16xf32> to vector<1x16xf32>
        tpu.vector_store %arg10[%swap3A_462, %swap3A_463], %swap3A_466 {strides = array<i32>} : memref<32x768xf32, #tpu.memory_space<vmem>>, vector<1x16xf32>,
        %get3A_467 = arith.index_cast %scan3A_366 : i32 to index
        %get3A_468 = arith.constant 96 : index
        %get3A_469 = tpu.vector_load %arg10[%get3A_467, %get3A_468] {strides = array<i32>} : memref<32x768xf32, #tpu.memory_space<vmem>>, vector<1x16xf32>,
        %get3A_470 = vector.shape_cast %get3A_469 : vector<1x16xf32> to vector<16xf32>
        %get3A_471 = arith.index_cast %scan3A_366 : i32 to index
        %get3A_472 = arith.constant 96 : index
        %get3A_473 = tpu.vector_load %arg7[%get3A_471, %get3A_472] {strides = array<i32>} : memref<32x768xf32, #tpu.memory_space<vmem>>, vector<1x16xf32>,
        %get3A_474 = vector.shape_cast %get3A_473 : vector<1x16xf32> to vector<16xf32>
        %add3A_475 = arith.addf %get3A_470, %get3A_474 : vector<16xf32>
        %mul3A_476 = arith.constant 2.000000e+00 : f32
        %mul3A_477 = vector.broadcast %mul3A_476 : f32 to vector<16xf32>
        %mul3A_478 = arith.mulf %add3A_475, %mul3A_477 : vector<16xf32>
        %swap3A_479 = arith.index_cast %scan3A_366 : i32 to index
        %swap3A_480 = arith.constant 96 : index
        %swap3A_481 = tpu.vector_load %arg10[%swap3A_479, %swap3A_480] {strides = array<i32>} : memref<32x768xf32, #tpu.memory_space<vmem>>, vector<1x16xf32>,
        %swap3A_482 = vector.shape_cast %swap3A_481 : vector<1x16xf32> to vector<16xf32>
        %swap3A_483 = vector.shape_cast %mul3A_478 : vector<16xf32> to vector<1x16xf32>
        tpu.vector_store %arg10[%swap3A_479, %swap3A_480], %swap3A_483 {strides = array<i32>} : memref<32x768xf32, #tpu.memory_space<vmem>>, vector<1x16xf32>,
        %get3A_484 = arith.index_cast %scan3A_366 : i32 to index
        %get3A_485 = arith.constant 112 : index
        %get3A_486 = tpu.vector_load %arg10[%get3A_484, %get3A_485] {strides = array<i32>} : memref<32x768xf32, #tpu.memory_space<vmem>>, vector<1x16xf32>,
        %get3A_487 = vector.shape_cast %get3A_486 : vector<1x16xf32> to vector<16xf32>
        %get3A_488 = arith.index_cast %scan3A_366 : i32 to index
        %get3A_489 = arith.constant 112 : index
        %get3A_490 = tpu.vector_load %arg7[%get3A_488, %get3A_489] {strides = array<i32>} : memref<32x768xf32, #tpu.memory_space<vmem>>, vector<1x16xf32>,
        %get3A_491 = vector.shape_cast %get3A_490 : vector<1x16xf32> to vector<16xf32>
        %add3A_492 = arith.addf %get3A_487, %get3A_491 : vector<16xf32>
        %mul3A_493 = arith.constant 2.000000e+00 : f32
        %mul3A_494 = vector.broadcast %mul3A_493 : f32 to vector<16xf32>
        %mul3A_495 = arith.mulf %add3A_492, %mul3A_494 : vector<16xf32>
        %swap3A_496 = arith.index_cast %scan3A_366 : i32 to index
        %swap3A_497 = arith.constant 112 : index
        %swap3A_498 = tpu.vector_load %arg10[%swap3A_496, %swap3A_497] {strides = array<i32>} : memref<32x768xf32, #tpu.memory_space<vmem>>, vector<1x16xf32>,
        %swap3A_499 = vector.shape_cast %swap3A_498 : vector<1x16xf32> to vector<16xf32>
        %swap3A_500 = vector.shape_cast %mul3A_495 : vector<16xf32> to vector<1x16xf32>
        tpu.vector_store %arg10[%swap3A_496, %swap3A_497], %swap3A_500 {strides = array<i32>} : memref<32x768xf32, #tpu.memory_space<vmem>>, vector<1x16xf32>,
        %get3A_501 = arith.index_cast %scan3A_366 : i32 to index
        %get3A_502 = arith.constant 128 : index
        %get3A_503 = tpu.vector_load %arg10[%get3A_501, %get3A_502] {strides = array<i32>} : memref<32x768xf32, #tpu.memory_space<vmem>>, vector<1x16xf32>,
        %get3A_504 = vector.shape_cast %get3A_503 : vector<1x16xf32> to vector<16xf32>
        %get3A_505 = arith.index_cast %scan3A_366 : i32 to index
        %get3A_506 = arith.constant 128 : index
        %get3A_507 = tpu.vector_load %arg7[%get3A_505, %get3A_506] {strides = array<i32>} : memref<32x768xf32, #tpu.memory_space<vmem>>, vector<1x16xf32>,
        %get3A_508 = vector.shape_cast %get3A_507 : vector<1x16xf32> to vector<16xf32>
        %add3A_509 = arith.addf %get3A_504, %get3A_508 : vector<16xf32>
        %mul3A_510 = arith.constant 2.000000e+00 : f32
        %mul3A_511 = vector.broadcast %mul3A_510 : f32 to vector<16xf32>
        %mul3A_512 = arith.mulf %add3A_509, %mul3A_511 : vector<16xf32>
        %swap3A_513 = arith.index_cast %scan3A_366 : i32 to index
        %swap3A_514 = arith.constant 128 : index
        %swap3A_515 = tpu.vector_load %arg10[%swap3A_513, %swap3A_514] {strides = array<i32>} : memref<32x768xf32, #tpu.memory_space<vmem>>, vector<1x16xf32>,
        %swap3A_516 = vector.shape_cast %swap3A_515 : vector<1x16xf32> to vector<16xf32>
        %swap3A_517 = vector.shape_cast %mul3A_512 : vector<16xf32> to vector<1x16xf32>
        tpu.vector_store %arg10[%swap3A_513, %swap3A_514], %swap3A_517 {strides = array<i32>} : memref<32x768xf32, #tpu.memory_space<vmem>>, vector<1x16xf32>,
        %get3A_518 = arith.index_cast %scan3A_366 : i32 to index
        %get3A_519 = arith.constant 144 : index
        %get3A_520 = tpu.vector_load %arg10[%get3A_518, %get3A_519] {strides = array<i32>} : memref<32x768xf32, #tpu.memory_space<vmem>>, vector<1x16xf32>,
        %get3A_521 = vector.shape_cast %get3A_520 : vector<1x16xf32> to vector<16xf32>
        %get3A_522 = arith.index_cast %scan3A_366 : i32 to index
        %get3A_523 = arith.constant 144 : index
        %get3A_524 = tpu.vector_load %arg7[%get3A_522, %get3A_523] {strides = array<i32>} : memref<32x768xf32, #tpu.memory_space<vmem>>, vector<1x16xf32>,
        %get3A_525 = vector.shape_cast %get3A_524 : vector<1x16xf32> to vector<16xf32>
        %add3A_526 = arith.addf %get3A_521, %get3A_525 : vector<16xf32>
        %mul3A_527 = arith.constant 2.000000e+00 : f32
        %mul3A_528 = vector.broadcast %mul3A_527 : f32 to vector<16xf32>
        %mul3A_529 = arith.mulf %add3A_526, %mul3A_528 : vector<16xf32>
        %swap3A_530 = arith.index_cast %scan3A_366 : i32 to index
        %swap3A_531 = arith.constant 144 : index
        %swap3A_532 = tpu.vector_load %arg10[%swap3A_530, %swap3A_531] {strides = array<i32>} : memref<32x768xf32, #tpu.memory_space<vmem>>, vector<1x16xf32>,
        %swap3A_533 = vector.shape_cast %swap3A_532 : vector<1x16xf32> to vector<16xf32>
        %swap3A_534 = vector.shape_cast %mul3A_529 : vector<16xf32> to vector<1x16xf32>
        tpu.vector_store %arg10[%swap3A_530, %swap3A_531], %swap3A_534 {strides = array<i32>} : memref<32x768xf32, #tpu.memory_space<vmem>>, vector<1x16xf32>,
        %get3A_535 = arith.index_cast %scan3A_366 : i32 to index
        %get3A_536 = arith.constant 160 : index
        %get3A_537 = tpu.vector_load %arg10[%get3A_535, %get3A_536] {strides = array<i32>} : memref<32x768xf32, #tpu.memory_space<vmem>>, vector<1x16xf32>,
        %get3A_538 = vector.shape_cast %get3A_537 : vector<1x16xf32> to vector<16xf32>
        %get3A_539 = arith.index_cast %scan3A_366 : i32 to index
        %get3A_540 = arith.constant 160 : index
        %get3A_541 = tpu.vector_load %arg7[%get3A_539, %get3A_540] {strides = array<i32>} : memref<32x768xf32, #tpu.memory_space<vmem>>, vector<1x16xf32>,
        %get3A_542 = vector.shape_cast %get3A_541 : vector<1x16xf32> to vector<16xf32>
        %add3A_543 = arith.addf %get3A_538, %get3A_542 : vector<16xf32>
        %mul3A_544 = arith.constant 2.000000e+00 : f32
        %mul3A_545 = vector.broadcast %mul3A_544 : f32 to vector<16xf32>
        %mul3A_546 = arith.mulf %add3A_543, %mul3A_545 : vector<16xf32>
        %swap3A_547 = arith.index_cast %scan3A_366 : i32 to index
        %swap3A_548 = arith.constant 160 : index
        %swap3A_549 = tpu.vector_load %arg10[%swap3A_547, %swap3A_548] {strides = array<i32>} : memref<32x768xf32, #tpu.memory_space<vmem>>, vector<1x16xf32>,
        %swap3A_550 = vector.shape_cast %swap3A_549 : vector<1x16xf32> to vector<16xf32>
        %swap3A_551 = vector.shape_cast %mul3A_546 : vector<16xf32> to vector<1x16xf32>
        tpu.vector_store %arg10[%swap3A_547, %swap3A_548], %swap3A_551 {strides = array<i32>} : memref<32x768xf32, #tpu.memory_space<vmem>>, vector<1x16xf32>,
        %get3A_552 = arith.index_cast %scan3A_366 : i32 to index
        %get3A_553 = arith.constant 176 : index
        %get3A_554 = tpu.vector_load %arg10[%get3A_552, %get3A_553] {strides = array<i32>} : memref<32x768xf32, #tpu.memory_space<vmem>>, vector<1x16xf32>,
        %get3A_555 = vector.shape_cast %get3A_554 : vector<1x16xf32> to vector<16xf32>
        %get3A_556 = arith.index_cast %scan3A_366 : i32 to index
        %get3A_557 = arith.constant 176 : index
        %get3A_558 = tpu.vector_load %arg7[%get3A_556, %get3A_557] {strides = array<i32>} : memref<32x768xf32, #tpu.memory_space<vmem>>, vector<1x16xf32>,
        %get3A_559 = vector.shape_cast %get3A_558 : vector<1x16xf32> to vector<16xf32>
        %add3A_560 = arith.addf %get3A_555, %get3A_559 : vector<16xf32>
        %mul3A_561 = arith.constant 2.000000e+00 : f32
        %mul3A_562 = vector.broadcast %mul3A_561 : f32 to vector<16xf32>
        %mul3A_563 = arith.mulf %add3A_560, %mul3A_562 : vector<16xf32>
        %swap3A_564 = arith.index_cast %scan3A_366 : i32 to index
        %swap3A_565 = arith.constant 176 : index
        %swap3A_566 = tpu.vector_load %arg10[%swap3A_564, %swap3A_565] {strides = array<i32>} : memref<32x768xf32, #tpu.memory_space<vmem>>, vector<1x16xf32>,
        %swap3A_567 = vector.shape_cast %swap3A_566 : vector<1x16xf32> to vector<16xf32>
        %swap3A_568 = vector.shape_cast %mul3A_563 : vector<16xf32> to vector<1x16xf32>
        tpu.vector_store %arg10[%swap3A_564, %swap3A_565], %swap3A_568 {strides = array<i32>} : memref<32x768xf32, #tpu.memory_space<vmem>>, vector<1x16xf32>,
        %get3A_569 = arith.index_cast %scan3A_366 : i32 to index
        %get3A_570 = arith.constant 192 : index
        %get3A_571 = tpu.vector_load %arg10[%get3A_569, %get3A_570] {strides = array<i32>} : memref<32x768xf32, #tpu.memory_space<vmem>>, vector<1x16xf32>,
        %get3A_572 = vector.shape_cast %get3A_571 : vector<1x16xf32> to vector<16xf32>
        %get3A_573 = arith.index_cast %scan3A_366 : i32 to index
        %get3A_574 = arith.constant 192 : index
        %get3A_575 = tpu.vector_load %arg7[%get3A_573, %get3A_574] {strides = array<i32>} : memref<32x768xf32, #tpu.memory_space<vmem>>, vector<1x16xf32>,
        %get3A_576 = vector.shape_cast %get3A_575 : vector<1x16xf32> to vector<16xf32>
        %add3A_577 = arith.addf %get3A_572, %get3A_576 : vector<16xf32>
        %mul3A_578 = arith.constant 2.000000e+00 : f32
        %mul3A_579 = vector.broadcast %mul3A_578 : f32 to vector<16xf32>
        %mul3A_580 = arith.mulf %add3A_577, %mul3A_579 : vector<16xf32>
        %swap3A_581 = arith.index_cast %scan3A_366 : i32 to index
        %swap3A_582 = arith.constant 192 : index
        %swap3A_583 = tpu.vector_load %arg10[%swap3A_581, %swap3A_582] {strides = array<i32>} : memref<32x768xf32, #tpu.memory_space<vmem>>, vector<1x16xf32>,
        %swap3A_584 = vector.shape_cast %swap3A_583 : vector<1x16xf32> to vector<16xf32>
        %swap3A_585 = vector.shape_cast %mul3A_580 : vector<16xf32> to vector<1x16xf32>
        tpu.vector_store %arg10[%swap3A_581, %swap3A_582], %swap3A_585 {strides = array<i32>} : memref<32x768xf32, #tpu.memory_space<vmem>>, vector<1x16xf32>,
        %get3A_586 = arith.index_cast %scan3A_366 : i32 to index
        %get3A_587 = arith.constant 208 : index
        %get3A_588 = tpu.vector_load %arg10[%get3A_586, %get3A_587] {strides = array<i32>} : memref<32x768xf32, #tpu.memory_space<vmem>>, vector<1x16xf32>,
        %get3A_589 = vector.shape_cast %get3A_588 : vector<1x16xf32> to vector<16xf32>
        %get3A_590 = arith.index_cast %scan3A_366 : i32 to index
        %get3A_591 = arith.constant 208 : index
        %get3A_592 = tpu.vector_load %arg7[%get3A_590, %get3A_591] {strides = array<i32>} : memref<32x768xf32, #tpu.memory_space<vmem>>, vector<1x16xf32>,
        %get3A_593 = vector.shape_cast %get3A_592 : vector<1x16xf32> to vector<16xf32>
        %add3A_594 = arith.addf %get3A_589, %get3A_593 : vector<16xf32>
        %mul3A_595 = arith.constant 2.000000e+00 : f32
        %mul3A_596 = vector.broadcast %mul3A_595 : f32 to vector<16xf32>
        %mul3A_597 = arith.mulf %add3A_594, %mul3A_596 : vector<16xf32>
        %swap3A_598 = arith.index_cast %scan3A_366 : i32 to index
        %swap3A_599 = arith.constant 208 : index
        %swap3A_600 = tpu.vector_load %arg10[%swap3A_598, %swap3A_599] {strides = array<i32>} : memref<32x768xf32, #tpu.memory_space<vmem>>, vector<1x16xf32>,
        %swap3A_601 = vector.shape_cast %swap3A_600 : vector<1x16xf32> to vector<16xf32>
        %swap3A_602 = vector.shape_cast %mul3A_597 : vector<16xf32> to vector<1x16xf32>
        tpu.vector_store %arg10[%swap3A_598, %swap3A_599], %swap3A_602 {strides = array<i32>} : memref<32x768xf32, #tpu.memory_space<vmem>>, vector<1x16xf32>,
        %get3A_603 = arith.index_cast %scan3A_366 : i32 to index
        %get3A_604 = arith.constant 224 : index
        %get3A_605 = tpu.vector_load %arg10[%get3A_603, %get3A_604] {strides = array<i32>} : memref<32x768xf32, #tpu.memory_space<vmem>>, vector<1x16xf32>,
        %get3A_606 = vector.shape_cast %get3A_605 : vector<1x16xf32> to vector<16xf32>
        %get3A_607 = arith.index_cast %scan3A_366 : i32 to index
        %get3A_608 = arith.constant 224 : index
        %get3A_609 = tpu.vector_load %arg7[%get3A_607, %get3A_608] {strides = array<i32>} : memref<32x768xf32, #tpu.memory_space<vmem>>, vector<1x16xf32>,
        %get3A_610 = vector.shape_cast %get3A_609 : vector<1x16xf32> to vector<16xf32>
        %add3A_611 = arith.addf %get3A_606, %get3A_610 : vector<16xf32>
        %mul3A_612 = arith.constant 2.000000e+00 : f32
        %mul3A_613 = vector.broadcast %mul3A_612 : f32 to vector<16xf32>
        %mul3A_614 = arith.mulf %add3A_611, %mul3A_613 : vector<16xf32>
        %swap3A_615 = arith.index_cast %scan3A_366 : i32 to index
        %swap3A_616 = arith.constant 224 : index
        %swap3A_617 = tpu.vector_load %arg10[%swap3A_615, %swap3A_616] {strides = array<i32>} : memref<32x768xf32, #tpu.memory_space<vmem>>, vector<1x16xf32>,
        %swap3A_618 = vector.shape_cast %swap3A_617 : vector<1x16xf32> to vector<16xf32>
        %swap3A_619 = vector.shape_cast %mul3A_614 : vector<16xf32> to vector<1x16xf32>
        tpu.vector_store %arg10[%swap3A_615, %swap3A_616], %swap3A_619 {strides = array<i32>} : memref<32x768xf32, #tpu.memory_space<vmem>>, vector<1x16xf32>,
        %get3A_620 = arith.index_cast %scan3A_366 : i32 to index
        %get3A_621 = arith.constant 240 : index
        %get3A_622 = tpu.vector_load %arg10[%get3A_620, %get3A_621] {strides = array<i32>} : memref<32x768xf32, #tpu.memory_space<vmem>>, vector<1x16xf32>,
        %get3A_623 = vector.shape_cast %get3A_622 : vector<1x16xf32> to vector<16xf32>
        %get3A_624 = arith.index_cast %scan3A_366 : i32 to index
        %get3A_625 = arith.constant 240 : index
        %get3A_626 = tpu.vector_load %arg7[%get3A_624, %get3A_625] {strides = array<i32>} : memref<32x768xf32, #tpu.memory_space<vmem>>, vector<1x16xf32>,
        %get3A_627 = vector.shape_cast %get3A_626 : vector<1x16xf32> to vector<16xf32>
        %add3A_628 = arith.addf %get3A_623, %get3A_627 : vector<16xf32>
        %mul3A_629 = arith.constant 2.000000e+00 : f32
        %mul3A_630 = vector.broadcast %mul3A_629 : f32 to vector<16xf32>
        %mul3A_631 = arith.mulf %add3A_628, %mul3A_630 : vector<16xf32>
        %swap3A_632 = arith.index_cast %scan3A_366 : i32 to index
        %swap3A_633 = arith.constant 240 : index
        %swap3A_634 = tpu.vector_load %arg10[%swap3A_632, %swap3A_633] {strides = array<i32>} : memref<32x768xf32, #tpu.memory_space<vmem>>, vector<1x16xf32>,
        %swap3A_635 = vector.shape_cast %swap3A_634 : vector<1x16xf32> to vector<16xf32>
        %swap3A_636 = vector.shape_cast %mul3A_631 : vector<16xf32> to vector<1x16xf32>
        tpu.vector_store %arg10[%swap3A_632, %swap3A_633], %swap3A_636 {strides = array<i32>} : memref<32x768xf32, #tpu.memory_space<vmem>>, vector<1x16xf32>,
        %get3A_637 = arith.index_cast %scan3A_366 : i32 to index
        %get3A_638 = arith.constant 256 : index
        %get3A_639 = tpu.vector_load %arg10[%get3A_637, %get3A_638] {strides = array<i32>} : memref<32x768xf32, #tpu.memory_space<vmem>>, vector<1x16xf32>,
        %get3A_640 = vector.shape_cast %get3A_639 : vector<1x16xf32> to vector<16xf32>
        %get3A_641 = arith.index_cast %scan3A_366 : i32 to index
        %get3A_642 = arith.constant 256 : index
        %get3A_643 = tpu.vector_load %arg7[%get3A_641, %get3A_642] {strides = array<i32>} : memref<32x768xf32, #tpu.memory_space<vmem>>, vector<1x16xf32>,
        %get3A_644 = vector.shape_cast %get3A_643 : vector<1x16xf32> to vector<16xf32>
        %add3A_645 = arith.addf %get3A_640, %get3A_644 : vector<16xf32>
        %mul3A_646 = arith.constant 2.000000e+00 : f32
        %mul3A_647 = vector.broadcast %mul3A_646 : f32 to vector<16xf32>
        %mul3A_648 = arith.mulf %add3A_645, %mul3A_647 : vector<16xf32>
        %swap3A_649 = arith.index_cast %scan3A_366 : i32 to index
        %swap3A_650 = arith.constant 256 : index
        %swap3A_651 = tpu.vector_load %arg10[%swap3A_649, %swap3A_650] {strides = array<i32>} : memref<32x768xf32, #tpu.memory_space<vmem>>, vector<1x16xf32>,
        %swap3A_652 = vector.shape_cast %swap3A_651 : vector<1x16xf32> to vector<16xf32>
        %swap3A_653 = vector.shape_cast %mul3A_648 : vector<16xf32> to vector<1x16xf32>
        tpu.vector_store %arg10[%swap3A_649, %swap3A_650], %swap3A_653 {strides = array<i32>} : memref<32x768xf32, #tpu.memory_space<vmem>>, vector<1x16xf32>,
        %get3A_654 = arith.index_cast %scan3A_366 : i32 to index
        %get3A_655 = arith.constant 272 : index
        %get3A_656 = tpu.vector_load %arg10[%get3A_654, %get3A_655] {strides = array<i32>} : memref<32x768xf32, #tpu.memory_space<vmem>>, vector<1x16xf32>,
        %get3A_657 = vector.shape_cast %get3A_656 : vector<1x16xf32> to vector<16xf32>
        %get3A_658 = arith.index_cast %scan3A_366 : i32 to index
        %get3A_659 = arith.constant 272 : index
        %get3A_660 = tpu.vector_load %arg7[%get3A_658, %get3A_659] {strides = array<i32>} : memref<32x768xf32, #tpu.memory_space<vmem>>, vector<1x16xf32>,
        %get3A_661 = vector.shape_cast %get3A_660 : vector<1x16xf32> to vector<16xf32>
        %add3A_662 = arith.addf %get3A_657, %get3A_661 : vector<16xf32>
        %mul3A_663 = arith.constant 2.000000e+00 : f32
        %mul3A_664 = vector.broadcast %mul3A_663 : f32 to vector<16xf32>
        %mul3A_665 = arith.mulf %add3A_662, %mul3A_664 : vector<16xf32>
        %swap3A_666 = arith.index_cast %scan3A_366 : i32 to index
        %swap3A_667 = arith.constant 272 : index
        %swap3A_668 = tpu.vector_load %arg10[%swap3A_666, %swap3A_667] {strides = array<i32>} : memref<32x768xf32, #tpu.memory_space<vmem>>, vector<1x16xf32>,
        %swap3A_669 = vector.shape_cast %swap3A_668 : vector<1x16xf32> to vector<16xf32>
        %swap3A_670 = vector.shape_cast %mul3A_665 : vector<16xf32> to vector<1x16xf32>
        tpu.vector_store %arg10[%swap3A_666, %swap3A_667], %swap3A_670 {strides = array<i32>} : memref<32x768xf32, #tpu.memory_space<vmem>>, vector<1x16xf32>,
        %get3A_671 = arith.index_cast %scan3A_366 : i32 to index
        %get3A_672 = arith.constant 288 : index
        %get3A_673 = tpu.vector_load %arg10[%get3A_671, %get3A_672] {strides = array<i32>} : memref<32x768xf32, #tpu.memory_space<vmem>>, vector<1x16xf32>,
        %get3A_674 = vector.shape_cast %get3A_673 : vector<1x16xf32> to vector<16xf32>
        %get3A_675 = arith.index_cast %scan3A_366 : i32 to index
        %get3A_676 = arith.constant 288 : index
        %get3A_677 = tpu.vector_load %arg7[%get3A_675, %get3A_676] {strides = array<i32>} : memref<32x768xf32, #tpu.memory_space<vmem>>, vector<1x16xf32>,
        %get3A_678 = vector.shape_cast %get3A_677 : vector<1x16xf32> to vector<16xf32>
        %add3A_679 = arith.addf %get3A_674, %get3A_678 : vector<16xf32>
        %mul3A_680 = arith.constant 2.000000e+00 : f32
        %mul3A_681 = vector.broadcast %mul3A_680 : f32 to vector<16xf32>
        %mul3A_682 = arith.mulf %add3A_679, %mul3A_681 : vector<16xf32>
        %swap3A_683 = arith.index_cast %scan3A_366 : i32 to index
        %swap3A_684 = arith.constant 288 : index
        %swap3A_685 = tpu.vector_load %arg10[%swap3A_683, %swap3A_684] {strides = array<i32>} : memref<32x768xf32, #tpu.memory_space<vmem>>, vector<1x16xf32>,
        %swap3A_686 = vector.shape_cast %swap3A_685 : vector<1x16xf32> to vector<16xf32>
        %swap3A_687 = vector.shape_cast %mul3A_682 : vector<16xf32> to vector<1x16xf32>
        tpu.vector_store %arg10[%swap3A_683, %swap3A_684], %swap3A_687 {strides = array<i32>} : memref<32x768xf32, #tpu.memory_space<vmem>>, vector<1x16xf32>,
        %get3A_688 = arith.index_cast %scan3A_366 : i32 to index
        %get3A_689 = arith.constant 304 : index
        %get3A_690 = tpu.vector_load %arg10[%get3A_688, %get3A_689] {strides = array<i32>} : memref<32x768xf32, #tpu.memory_space<vmem>>, vector<1x16xf32>,
        %get3A_691 = vector.shape_cast %get3A_690 : vector<1x16xf32> to vector<16xf32>
        %get3A_692 = arith.index_cast %scan3A_366 : i32 to index
        %get3A_693 = arith.constant 304 : index
        %get3A_694 = tpu.vector_load %arg7[%get3A_692, %get3A_693] {strides = array<i32>} : memref<32x768xf32, #tpu.memory_space<vmem>>, vector<1x16xf32>,
        %get3A_695 = vector.shape_cast %get3A_694 : vector<1x16xf32> to vector<16xf32>
        %add3A_696 = arith.addf %get3A_691, %get3A_695 : vector<16xf32>
        %mul3A_697 = arith.constant 2.000000e+00 : f32
        %mul3A_698 = vector.broadcast %mul3A_697 : f32 to vector<16xf32>
        %mul3A_699 = arith.mulf %add3A_696, %mul3A_698 : vector<16xf32>
        %swap3A_700 = arith.index_cast %scan3A_366 : i32 to index
        %swap3A_701 = arith.constant 304 : index
        %swap3A_702 = tpu.vector_load %arg10[%swap3A_700, %swap3A_701] {strides = array<i32>} : memref<32x768xf32, #tpu.memory_space<vmem>>, vector<1x16xf32>,
        %swap3A_703 = vector.shape_cast %swap3A_702 : vector<1x16xf32> to vector<16xf32>
        %swap3A_704 = vector.shape_cast %mul3A_699 : vector<16xf32> to vector<1x16xf32>
        tpu.vector_store %arg10[%swap3A_700, %swap3A_701], %swap3A_704 {strides = array<i32>} : memref<32x768xf32, #tpu.memory_space<vmem>>, vector<1x16xf32>,
        %get3A_705 = arith.index_cast %scan3A_366 : i32 to index
        %get3A_706 = arith.constant 320 : index
        %get3A_707 = tpu.vector_load %arg10[%get3A_705, %get3A_706] {strides = array<i32>} : memref<32x768xf32, #tpu.memory_space<vmem>>, vector<1x16xf32>,
        %get3A_708 = vector.shape_cast %get3A_707 : vector<1x16xf32> to vector<16xf32>
        %get3A_709 = arith.index_cast %scan3A_366 : i32 to index
        %get3A_710 = arith.constant 320 : index
        %get3A_711 = tpu.vector_load %arg7[%get3A_709, %get3A_710] {strides = array<i32>} : memref<32x768xf32, #tpu.memory_space<vmem>>, vector<1x16xf32>,
        %get3A_712 = vector.shape_cast %get3A_711 : vector<1x16xf32> to vector<16xf32>
        %add3A_713 = arith.addf %get3A_708, %get3A_712 : vector<16xf32>
        %mul3A_714 = arith.constant 2.000000e+00 : f32
        %mul3A_715 = vector.broadcast %mul3A_714 : f32 to vector<16xf32>
        %mul3A_716 = arith.mulf %add3A_713, %mul3A_715 : vector<16xf32>
        %swap3A_717 = arith.index_cast %scan3A_366 : i32 to index
        %swap3A_718 = arith.constant 320 : index
        %swap3A_719 = tpu.vector_load %arg10[%swap3A_717, %swap3A_718] {strides = array<i32>} : memref<32x768xf32, #tpu.memory_space<vmem>>, vector<1x16xf32>,
        %swap3A_720 = vector.shape_cast %swap3A_719 : vector<1x16xf32> to vector<16xf32>
        %swap3A_721 = vector.shape_cast %mul3A_716 : vector<16xf32> to vector<1x16xf32>
        tpu.vector_store %arg10[%swap3A_717, %swap3A_718], %swap3A_721 {strides = array<i32>} : memref<32x768xf32, #tpu.memory_space<vmem>>, vector<1x16xf32>,
        %get3A_722 = arith.index_cast %scan3A_366 : i32 to index
        %get3A_723 = arith.constant 336 : index
        %get3A_724 = tpu.vector_load %arg10[%get3A_722, %get3A_723] {strides = array<i32>} : memref<32x768xf32, #tpu.memory_space<vmem>>, vector<1x16xf32>,
        %get3A_725 = vector.shape_cast %get3A_724 : vector<1x16xf32> to vector<16xf32>
        %get3A_726 = arith.index_cast %scan3A_366 : i32 to index
        %get3A_727 = arith.constant 336 : index
        %get3A_728 = tpu.vector_load %arg7[%get3A_726, %get3A_727] {strides = array<i32>} : memref<32x768xf32, #tpu.memory_space<vmem>>, vector<1x16xf32>,
        %get3A_729 = vector.shape_cast %get3A_728 : vector<1x16xf32> to vector<16xf32>
        %add3A_730 = arith.addf %get3A_725, %get3A_729 : vector<16xf32>
        %mul3A_731 = arith.constant 2.000000e+00 : f32
        %mul3A_732 = vector.broadcast %mul3A_731 : f32 to vector<16xf32>
        %mul3A_733 = arith.mulf %add3A_730, %mul3A_732 : vector<16xf32>
        %swap3A_734 = arith.index_cast %scan3A_366 : i32 to index
        %swap3A_735 = arith.constant 336 : index
        %swap3A_736 = tpu.vector_load %arg10[%swap3A_734, %swap3A_735] {strides = array<i32>} : memref<32x768xf32, #tpu.memory_space<vmem>>, vector<1x16xf32>,
        %swap3A_737 = vector.shape_cast %swap3A_736 : vector<1x16xf32> to vector<16xf32>
        %swap3A_738 = vector.shape_cast %mul3A_733 : vector<16xf32> to vector<1x16xf32>
        tpu.vector_store %arg10[%swap3A_734, %swap3A_735], %swap3A_738 {strides = array<i32>} : memref<32x768xf32, #tpu.memory_space<vmem>>, vector<1x16xf32>,
        %get3A_739 = arith.index_cast %scan3A_366 : i32 to index
        %get3A_740 = arith.constant 352 : index
        %get3A_741 = tpu.vector_load %arg10[%get3A_739, %get3A_740] {strides = array<i32>} : memref<32x768xf32, #tpu.memory_space<vmem>>, vector<1x16xf32>,
        %get3A_742 = vector.shape_cast %get3A_741 : vector<1x16xf32> to vector<16xf32>
        %get3A_743 = arith.index_cast %scan3A_366 : i32 to index
        %get3A_744 = arith.constant 352 : index
        %get3A_745 = tpu.vector_load %arg7[%get3A_743, %get3A_744] {strides = array<i32>} : memref<32x768xf32, #tpu.memory_space<vmem>>, vector<1x16xf32>,
        %get3A_746 = vector.shape_cast %get3A_745 : vector<1x16xf32> to vector<16xf32>
        %add3A_747 = arith.addf %get3A_742, %get3A_746 : vector<16xf32>
        %mul3A_748 = arith.constant 2.000000e+00 : f32
        %mul3A_749 = vector.broadcast %mul3A_748 : f32 to vector<16xf32>
        %mul3A_750 = arith.mulf %add3A_747, %mul3A_749 : vector<16xf32>
        %swap3A_751 = arith.index_cast %scan3A_366 : i32 to index
        %swap3A_752 = arith.constant 352 : index
        %swap3A_753 = tpu.vector_load %arg10[%swap3A_751, %swap3A_752] {strides = array<i32>} : memref<32x768xf32, #tpu.memory_space<vmem>>, vector<1x16xf32>,
        %swap3A_754 = vector.shape_cast %swap3A_753 : vector<1x16xf32> to vector<16xf32>
        %swap3A_755 = vector.shape_cast %mul3A_750 : vector<16xf32> to vector<1x16xf32>
        tpu.vector_store %arg10[%swap3A_751, %swap3A_752], %swap3A_755 {strides = array<i32>} : memref<32x768xf32, #tpu.memory_space<vmem>>, vector<1x16xf32>,
        %get3A_756 = arith.index_cast %scan3A_366 : i32 to index
        %get3A_757 = arith.constant 368 : index
        %get3A_758 = tpu.vector_load %arg10[%get3A_756, %get3A_757] {strides = array<i32>} : memref<32x768xf32, #tpu.memory_space<vmem>>, vector<1x16xf32>,
        %get3A_759 = vector.shape_cast %get3A_758 : vector<1x16xf32> to vector<16xf32>
        %get3A_760 = arith.index_cast %scan3A_366 : i32 to index
        %get3A_761 = arith.constant 368 : index
        %get3A_762 = tpu.vector_load %arg7[%get3A_760, %get3A_761] {strides = array<i32>} : memref<32x768xf32, #tpu.memory_space<vmem>>, vector<1x16xf32>,
        %get3A_763 = vector.shape_cast %get3A_762 : vector<1x16xf32> to vector<16xf32>
        %add3A_764 = arith.addf %get3A_759, %get3A_763 : vector<16xf32>
        %mul3A_765 = arith.constant 2.000000e+00 : f32
        %mul3A_766 = vector.broadcast %mul3A_765 : f32 to vector<16xf32>
        %mul3A_767 = arith.mulf %add3A_764, %mul3A_766 : vector<16xf32>
        %swap3A_768 = arith.index_cast %scan3A_366 : i32 to index
        %swap3A_769 = arith.constant 368 : index
        %swap3A_770 = tpu.vector_load %arg10[%swap3A_768, %swap3A_769] {strides = array<i32>} : memref<32x768xf32, #tpu.memory_space<vmem>>, vector<1x16xf32>,
        %swap3A_771 = vector.shape_cast %swap3A_770 : vector<1x16xf32> to vector<16xf32>
        %swap3A_772 = vector.shape_cast %mul3A_767 : vector<16xf32> to vector<1x16xf32>
        tpu.vector_store %arg10[%swap3A_768, %swap3A_769], %swap3A_772 {strides = array<i32>} : memref<32x768xf32, #tpu.memory_space<vmem>>, vector<1x16xf32>,
        %get3A_773 = arith.index_cast %scan3A_366 : i32 to index
        %get3A_774 = arith.constant 384 : index
        %get3A_775 = tpu.vector_load %arg10[%get3A_773, %get3A_774] {strides = array<i32>} : memref<32x768xf32, #tpu.memory_space<vmem>>, vector<1x16xf32>,
        %get3A_776 = vector.shape_cast %get3A_775 : vector<1x16xf32> to vector<16xf32>
        %get3A_777 = arith.index_cast %scan3A_366 : i32 to index
        %get3A_778 = arith.constant 384 : index
        %get3A_779 = tpu.vector_load %arg7[%get3A_777, %get3A_778] {strides = array<i32>} : memref<32x768xf32, #tpu.memory_space<vmem>>, vector<1x16xf32>,
        %get3A_780 = vector.shape_cast %get3A_779 : vector<1x16xf32> to vector<16xf32>
        %add3A_781 = arith.addf %get3A_776, %get3A_780 : vector<16xf32>
        %mul3A_782 = arith.constant 2.000000e+00 : f32
        %mul3A_783 = vector.broadcast %mul3A_782 : f32 to vector<16xf32>
        %mul3A_784 = arith.mulf %add3A_781, %mul3A_783 : vector<16xf32>
        %swap3A_785 = arith.index_cast %scan3A_366 : i32 to index
        %swap3A_786 = arith.constant 384 : index
        %swap3A_787 = tpu.vector_load %arg10[%swap3A_785, %swap3A_786] {strides = array<i32>} : memref<32x768xf32, #tpu.memory_space<vmem>>, vector<1x16xf32>,
        %swap3A_788 = vector.shape_cast %swap3A_787 : vector<1x16xf32> to vector<16xf32>
        %swap3A_789 = vector.shape_cast %mul3A_784 : vector<16xf32> to vector<1x16xf32>
        tpu.vector_store %arg10[%swap3A_785, %swap3A_786], %swap3A_789 {strides = array<i32>} : memref<32x768xf32, #tpu.memory_space<vmem>>, vector<1x16xf32>,
        %get3A_790 = arith.index_cast %scan3A_366 : i32 to index
        %get3A_791 = arith.constant 400 : index
        %get3A_792 = tpu.vector_load %arg10[%get3A_790, %get3A_791] {strides = array<i32>} : memref<32x768xf32, #tpu.memory_space<vmem>>, vector<1x16xf32>,
        %get3A_793 = vector.shape_cast %get3A_792 : vector<1x16xf32> to vector<16xf32>
        %get3A_794 = arith.index_cast %scan3A_366 : i32 to index
        %get3A_795 = arith.constant 400 : index
        %get3A_796 = tpu.vector_load %arg7[%get3A_794, %get3A_795] {strides = array<i32>} : memref<32x768xf32, #tpu.memory_space<vmem>>, vector<1x16xf32>,
        %get3A_797 = vector.shape_cast %get3A_796 : vector<1x16xf32> to vector<16xf32>
        %add3A_798 = arith.addf %get3A_793, %get3A_797 : vector<16xf32>
        %mul3A_799 = arith.constant 2.000000e+00 : f32
        %mul3A_800 = vector.broadcast %mul3A_799 : f32 to vector<16xf32>
        %mul3A_801 = arith.mulf %add3A_798, %mul3A_800 : vector<16xf32>
        %swap3A_802 = arith.index_cast %scan3A_366 : i32 to index
        %swap3A_803 = arith.constant 400 : index
        %swap3A_804 = tpu.vector_load %arg10[%swap3A_802, %swap3A_803] {strides = array<i32>} : memref<32x768xf32, #tpu.memory_space<vmem>>, vector<1x16xf32>,
        %swap3A_805 = vector.shape_cast %swap3A_804 : vector<1x16xf32> to vector<16xf32>
        %swap3A_806 = vector.shape_cast %mul3A_801 : vector<16xf32> to vector<1x16xf32>
        tpu.vector_store %arg10[%swap3A_802, %swap3A_803], %swap3A_806 {strides = array<i32>} : memref<32x768xf32, #tpu.memory_space<vmem>>, vector<1x16xf32>,
        %get3A_807 = arith.index_cast %scan3A_366 : i32 to index
        %get3A_808 = arith.constant 416 : index
        %get3A_809 = tpu.vector_load %arg10[%get3A_807, %get3A_808] {strides = array<i32>} : memref<32x768xf32, #tpu.memory_space<vmem>>, vector<1x16xf32>,
        %get3A_810 = vector.shape_cast %get3A_809 : vector<1x16xf32> to vector<16xf32>
        %get3A_811 = arith.index_cast %scan3A_366 : i32 to index
        %get3A_812 = arith.constant 416 : index
        %get3A_813 = tpu.vector_load %arg7[%get3A_811, %get3A_812] {strides = array<i32>} : memref<32x768xf32, #tpu.memory_space<vmem>>, vector<1x16xf32>,
        %get3A_814 = vector.shape_cast %get3A_813 : vector<1x16xf32> to vector<16xf32>
        %add3A_815 = arith.addf %get3A_810, %get3A_814 : vector<16xf32>
        %mul3A_816 = arith.constant 2.000000e+00 : f32
        %mul3A_817 = vector.broadcast %mul3A_816 : f32 to vector<16xf32>
        %mul3A_818 = arith.mulf %add3A_815, %mul3A_817 : vector<16xf32>
        %swap3A_819 = arith.index_cast %scan3A_366 : i32 to index
        %swap3A_820 = arith.constant 416 : index
        %swap3A_821 = tpu.vector_load %arg10[%swap3A_819, %swap3A_820] {strides = array<i32>} : memref<32x768xf32, #tpu.memory_space<vmem>>, vector<1x16xf32>,
        %swap3A_822 = vector.shape_cast %swap3A_821 : vector<1x16xf32> to vector<16xf32>
        %swap3A_823 = vector.shape_cast %mul3A_818 : vector<16xf32> to vector<1x16xf32>
        tpu.vector_store %arg10[%swap3A_819, %swap3A_820], %swap3A_823 {strides = array<i32>} : memref<32x768xf32, #tpu.memory_space<vmem>>, vector<1x16xf32>,
        %get3A_824 = arith.index_cast %scan3A_366 : i32 to index
        %get3A_825 = arith.constant 432 : index
        %get3A_826 = tpu.vector_load %arg10[%get3A_824, %get3A_825] {strides = array<i32>} : memref<32x768xf32, #tpu.memory_space<vmem>>, vector<1x16xf32>,
        %get3A_827 = vector.shape_cast %get3A_826 : vector<1x16xf32> to vector<16xf32>
        %get3A_828 = arith.index_cast %scan3A_366 : i32 to index
        %get3A_829 = arith.constant 432 : index
        %get3A_830 = tpu.vector_load %arg7[%get3A_828, %get3A_829] {strides = array<i32>} : memref<32x768xf32, #tpu.memory_space<vmem>>, vector<1x16xf32>,
        %get3A_831 = vector.shape_cast %get3A_830 : vector<1x16xf32> to vector<16xf32>
        %add3A_832 = arith.addf %get3A_827, %get3A_831 : vector<16xf32>
        %mul3A_833 = arith.constant 2.000000e+00 : f32
        %mul3A_834 = vector.broadcast %mul3A_833 : f32 to vector<16xf32>
        %mul3A_835 = arith.mulf %add3A_832, %mul3A_834 : vector<16xf32>
        %swap3A_836 = arith.index_cast %scan3A_366 : i32 to index
        %swap3A_837 = arith.constant 432 : index
        %swap3A_838 = tpu.vector_load %arg10[%swap3A_836, %swap3A_837] {strides = array<i32>} : memref<32x768xf32, #tpu.memory_space<vmem>>, vector<1x16xf32>,
        %swap3A_839 = vector.shape_cast %swap3A_838 : vector<1x16xf32> to vector<16xf32>
        %swap3A_840 = vector.shape_cast %mul3A_835 : vector<16xf32> to vector<1x16xf32>
        tpu.vector_store %arg10[%swap3A_836, %swap3A_837], %swap3A_840 {strides = array<i32>} : memref<32x768xf32, #tpu.memory_space<vmem>>, vector<1x16xf32>,
        %get3A_841 = arith.index_cast %scan3A_366 : i32 to index
        %get3A_842 = arith.constant 448 : index
        %get3A_843 = tpu.vector_load %arg10[%get3A_841, %get3A_842] {strides = array<i32>} : memref<32x768xf32, #tpu.memory_space<vmem>>, vector<1x16xf32>,
        %get3A_844 = vector.shape_cast %get3A_843 : vector<1x16xf32> to vector<16xf32>
        %get3A_845 = arith.index_cast %scan3A_366 : i32 to index
        %get3A_846 = arith.constant 448 : index
        %get3A_847 = tpu.vector_load %arg7[%get3A_845, %get3A_846] {strides = array<i32>} : memref<32x768xf32, #tpu.memory_space<vmem>>, vector<1x16xf32>,
        %get3A_848 = vector.shape_cast %get3A_847 : vector<1x16xf32> to vector<16xf32>
        %add3A_849 = arith.addf %get3A_844, %get3A_848 : vector<16xf32>
        %mul3A_850 = arith.constant 2.000000e+00 : f32
        %mul3A_851 = vector.broadcast %mul3A_850 : f32 to vector<16xf32>
        %mul3A_852 = arith.mulf %add3A_849, %mul3A_851 : vector<16xf32>
        %swap3A_853 = arith.index_cast %scan3A_366 : i32 to index
        %swap3A_854 = arith.constant 448 : index
        %swap3A_855 = tpu.vector_load %arg10[%swap3A_853, %swap3A_854] {strides = array<i32>} : memref<32x768xf32, #tpu.memory_space<vmem>>, vector<1x16xf32>,
        %swap3A_856 = vector.shape_cast %swap3A_855 : vector<1x16xf32> to vector<16xf32>
        %swap3A_857 = vector.shape_cast %mul3A_852 : vector<16xf32> to vector<1x16xf32>
        tpu.vector_store %arg10[%swap3A_853, %swap3A_854], %swap3A_857 {strides = array<i32>} : memref<32x768xf32, #tpu.memory_space<vmem>>, vector<1x16xf32>,
        %get3A_858 = arith.index_cast %scan3A_366 : i32 to index
        %get3A_859 = arith.constant 464 : index
        %get3A_860 = tpu.vector_load %arg10[%get3A_858, %get3A_859] {strides = array<i32>} : memref<32x768xf32, #tpu.memory_space<vmem>>, vector<1x16xf32>,
        %get3A_861 = vector.shape_cast %get3A_860 : vector<1x16xf32> to vector<16xf32>
        %get3A_862 = arith.index_cast %scan3A_366 : i32 to index
        %get3A_863 = arith.constant 464 : index
        %get3A_864 = tpu.vector_load %arg7[%get3A_862, %get3A_863] {strides = array<i32>} : memref<32x768xf32, #tpu.memory_space<vmem>>, vector<1x16xf32>,
        %get3A_865 = vector.shape_cast %get3A_864 : vector<1x16xf32> to vector<16xf32>
        %add3A_866 = arith.addf %get3A_861, %get3A_865 : vector<16xf32>
        %mul3A_867 = arith.constant 2.000000e+00 : f32
        %mul3A_868 = vector.broadcast %mul3A_867 : f32 to vector<16xf32>
        %mul3A_869 = arith.mulf %add3A_866, %mul3A_868 : vector<16xf32>
        %swap3A_870 = arith.index_cast %scan3A_366 : i32 to index
        %swap3A_871 = arith.constant 464 : index
        %swap3A_872 = tpu.vector_load %arg10[%swap3A_870, %swap3A_871] {strides = array<i32>} : memref<32x768xf32, #tpu.memory_space<vmem>>, vector<1x16xf32>,
        %swap3A_873 = vector.shape_cast %swap3A_872 : vector<1x16xf32> to vector<16xf32>
        %swap3A_874 = vector.shape_cast %mul3A_869 : vector<16xf32> to vector<1x16xf32>
        tpu.vector_store %arg10[%swap3A_870, %swap3A_871], %swap3A_874 {strides = array<i32>} : memref<32x768xf32, #tpu.memory_space<vmem>>, vector<1x16xf32>,
        %get3A_875 = arith.index_cast %scan3A_366 : i32 to index
        %get3A_876 = arith.constant 480 : index
        %get3A_877 = tpu.vector_load %arg10[%get3A_875, %get3A_876] {strides = array<i32>} : memref<32x768xf32, #tpu.memory_space<vmem>>, vector<1x16xf32>,
        %get3A_878 = vector.shape_cast %get3A_877 : vector<1x16xf32> to vector<16xf32>
        %get3A_879 = arith.index_cast %scan3A_366 : i32 to index
        %get3A_880 = arith.constant 480 : index
        %get3A_881 = tpu.vector_load %arg7[%get3A_879, %get3A_880] {strides = array<i32>} : memref<32x768xf32, #tpu.memory_space<vmem>>, vector<1x16xf32>,
        %get3A_882 = vector.shape_cast %get3A_881 : vector<1x16xf32> to vector<16xf32>
        %add3A_883 = arith.addf %get3A_878, %get3A_882 : vector<16xf32>
        %mul3A_884 = arith.constant 2.000000e+00 : f32
        %mul3A_885 = vector.broadcast %mul3A_884 : f32 to vector<16xf32>
        %mul3A_886 = arith.mulf %add3A_883, %mul3A_885 : vector<16xf32>
        %swap3A_887 = arith.index_cast %scan3A_366 : i32 to index
        %swap3A_888 = arith.constant 480 : index
        %swap3A_889 = tpu.vector_load %arg10[%swap3A_887, %swap3A_888] {strides = array<i32>} : memref<32x768xf32, #tpu.memory_space<vmem>>, vector<1x16xf32>,
        %swap3A_890 = vector.shape_cast %swap3A_889 : vector<1x16xf32> to vector<16xf32>
        %swap3A_891 = vector.shape_cast %mul3A_886 : vector<16xf32> to vector<1x16xf32>
        tpu.vector_store %arg10[%swap3A_887, %swap3A_888], %swap3A_891 {strides = array<i32>} : memref<32x768xf32, #tpu.memory_space<vmem>>, vector<1x16xf32>,
        %get3A_892 = arith.index_cast %scan3A_366 : i32 to index
        %get3A_893 = arith.constant 496 : index
        %get3A_894 = tpu.vector_load %arg10[%get3A_892, %get3A_893] {strides = array<i32>} : memref<32x768xf32, #tpu.memory_space<vmem>>, vector<1x16xf32>,
        %get3A_895 = vector.shape_cast %get3A_894 : vector<1x16xf32> to vector<16xf32>
        %get3A_896 = arith.index_cast %scan3A_366 : i32 to index
        %get3A_897 = arith.constant 496 : index
        %get3A_898 = tpu.vector_load %arg7[%get3A_896, %get3A_897] {strides = array<i32>} : memref<32x768xf32, #tpu.memory_space<vmem>>, vector<1x16xf32>,
        %get3A_899 = vector.shape_cast %get3A_898 : vector<1x16xf32> to vector<16xf32>
        %add3A_900 = arith.addf %get3A_895, %get3A_899 : vector<16xf32>
        %mul3A_901 = arith.constant 2.000000e+00 : f32
        %mul3A_902 = vector.broadcast %mul3A_901 : f32 to vector<16xf32>
        %mul3A_903 = arith.mulf %add3A_900, %mul3A_902 : vector<16xf32>
        %swap3A_904 = arith.index_cast %scan3A_366 : i32 to index
        %swap3A_905 = arith.constant 496 : index
        %swap3A_906 = tpu.vector_load %arg10[%swap3A_904, %swap3A_905] {strides = array<i32>} : memref<32x768xf32, #tpu.memory_space<vmem>>, vector<1x16xf32>,
        %swap3A_907 = vector.shape_cast %swap3A_906 : vector<1x16xf32> to vector<16xf32>
        %swap3A_908 = vector.shape_cast %mul3A_903 : vector<16xf32> to vector<1x16xf32>
        tpu.vector_store %arg10[%swap3A_904, %swap3A_905], %swap3A_908 {strides = array<i32>} : memref<32x768xf32, #tpu.memory_space<vmem>>, vector<1x16xf32>,
        %get3A_909 = arith.index_cast %scan3A_366 : i32 to index
        %get3A_910 = arith.constant 512 : index
        %get3A_911 = tpu.vector_load %arg10[%get3A_909, %get3A_910] {strides = array<i32>} : memref<32x768xf32, #tpu.memory_space<vmem>>, vector<1x16xf32>,
        %get3A_912 = vector.shape_cast %get3A_911 : vector<1x16xf32> to vector<16xf32>
        %get3A_913 = arith.index_cast %scan3A_366 : i32 to index
        %get3A_914 = arith.constant 512 : index
        %get3A_915 = tpu.vector_load %arg7[%get3A_913, %get3A_914] {strides = array<i32>} : memref<32x768xf32, #tpu.memory_space<vmem>>, vector<1x16xf32>,
        %get3A_916 = vector.shape_cast %get3A_915 : vector<1x16xf32> to vector<16xf32>
        %add3A_917 = arith.addf %get3A_912, %get3A_916 : vector<16xf32>
        %mul3A_918 = arith.constant 2.000000e+00 : f32
        %mul3A_919 = vector.broadcast %mul3A_918 : f32 to vector<16xf32>
        %mul3A_920 = arith.mulf %add3A_917, %mul3A_919 : vector<16xf32>
        %swap3A_921 = arith.index_cast %scan3A_366 : i32 to index
        %swap3A_922 = arith.constant 512 : index
        %swap3A_923 = tpu.vector_load %arg10[%swap3A_921, %swap3A_922] {strides = array<i32>} : memref<32x768xf32, #tpu.memory_space<vmem>>, vector<1x16xf32>,
        %swap3A_924 = vector.shape_cast %swap3A_923 : vector<1x16xf32> to vector<16xf32>
        %swap3A_925 = vector.shape_cast %mul3A_920 : vector<16xf32> to vector<1x16xf32>
        tpu.vector_store %arg10[%swap3A_921, %swap3A_922], %swap3A_925 {strides = array<i32>} : memref<32x768xf32, #tpu.memory_space<vmem>>, vector<1x16xf32>,
        %get3A_926 = arith.index_cast %scan3A_366 : i32 to index
        %get3A_927 = arith.constant 528 : index
        %get3A_928 = tpu.vector_load %arg10[%get3A_926, %get3A_927] {strides = array<i32>} : memref<32x768xf32, #tpu.memory_space<vmem>>, vector<1x16xf32>,
        %get3A_929 = vector.shape_cast %get3A_928 : vector<1x16xf32> to vector<16xf32>
        %get3A_930 = arith.index_cast %scan3A_366 : i32 to index
        %get3A_931 = arith.constant 528 : index
        %get3A_932 = tpu.vector_load %arg7[%get3A_930, %get3A_931] {strides = array<i32>} : memref<32x768xf32, #tpu.memory_space<vmem>>, vector<1x16xf32>,
        %get3A_933 = vector.shape_cast %get3A_932 : vector<1x16xf32> to vector<16xf32>
        %add3A_934 = arith.addf %get3A_929, %get3A_933 : vector<16xf32>
        %mul3A_935 = arith.constant 2.000000e+00 : f32
        %mul3A_936 = vector.broadcast %mul3A_935 : f32 to vector<16xf32>
        %mul3A_937 = arith.mulf %add3A_934, %mul3A_936 : vector<16xf32>
        %swap3A_938 = arith.index_cast %scan3A_366 : i32 to index
        %swap3A_939 = arith.constant 528 : index
        %swap3A_940 = tpu.vector_load %arg10[%swap3A_938, %swap3A_939] {strides = array<i32>} : memref<32x768xf32, #tpu.memory_space<vmem>>, vector<1x16xf32>,
        %swap3A_941 = vector.shape_cast %swap3A_940 : vector<1x16xf32> to vector<16xf32>
        %swap3A_942 = vector.shape_cast %mul3A_937 : vector<16xf32> to vector<1x16xf32>
        tpu.vector_store %arg10[%swap3A_938, %swap3A_939], %swap3A_942 {strides = array<i32>} : memref<32x768xf32, #tpu.memory_space<vmem>>, vector<1x16xf32>,
        %get3A_943 = arith.index_cast %scan3A_366 : i32 to index
        %get3A_944 = arith.constant 544 : index
        %get3A_945 = tpu.vector_load %arg10[%get3A_943, %get3A_944] {strides = array<i32>} : memref<32x768xf32, #tpu.memory_space<vmem>>, vector<1x16xf32>,
        %get3A_946 = vector.shape_cast %get3A_945 : vector<1x16xf32> to vector<16xf32>
        %get3A_947 = arith.index_cast %scan3A_366 : i32 to index
        %get3A_948 = arith.constant 544 : index
        %get3A_949 = tpu.vector_load %arg7[%get3A_947, %get3A_948] {strides = array<i32>} : memref<32x768xf32, #tpu.memory_space<vmem>>, vector<1x16xf32>,
        %get3A_950 = vector.shape_cast %get3A_949 : vector<1x16xf32> to vector<16xf32>
        %add3A_951 = arith.addf %get3A_946, %get3A_950 : vector<16xf32>
        %mul3A_952 = arith.constant 2.000000e+00 : f32
        %mul3A_953 = vector.broadcast %mul3A_952 : f32 to vector<16xf32>
        %mul3A_954 = arith.mulf %add3A_951, %mul3A_953 : vector<16xf32>
        %swap3A_955 = arith.index_cast %scan3A_366 : i32 to index
        %swap3A_956 = arith.constant 544 : index
        %swap3A_957 = tpu.vector_load %arg10[%swap3A_955, %swap3A_956] {strides = array<i32>} : memref<32x768xf32, #tpu.memory_space<vmem>>, vector<1x16xf32>,
        %swap3A_958 = vector.shape_cast %swap3A_957 : vector<1x16xf32> to vector<16xf32>
        %swap3A_959 = vector.shape_cast %mul3A_954 : vector<16xf32> to vector<1x16xf32>
        tpu.vector_store %arg10[%swap3A_955, %swap3A_956], %swap3A_959 {strides = array<i32>} : memref<32x768xf32, #tpu.memory_space<vmem>>, vector<1x16xf32>,
        %get3A_960 = arith.index_cast %scan3A_366 : i32 to index
        %get3A_961 = arith.constant 560 : index
        %get3A_962 = tpu.vector_load %arg10[%get3A_960, %get3A_961] {strides = array<i32>} : memref<32x768xf32, #tpu.memory_space<vmem>>, vector<1x16xf32>,
        %get3A_963 = vector.shape_cast %get3A_962 : vector<1x16xf32> to vector<16xf32>
        %get3A_964 = arith.index_cast %scan3A_366 : i32 to index
        %get3A_965 = arith.constant 560 : index
        %get3A_966 = tpu.vector_load %arg7[%get3A_964, %get3A_965] {strides = array<i32>} : memref<32x768xf32, #tpu.memory_space<vmem>>, vector<1x16xf32>,
        %get3A_967 = vector.shape_cast %get3A_966 : vector<1x16xf32> to vector<16xf32>
        %add3A_968 = arith.addf %get3A_963, %get3A_967 : vector<16xf32>
        %mul3A_969 = arith.constant 2.000000e+00 : f32
        %mul3A_970 = vector.broadcast %mul3A_969 : f32 to vector<16xf32>
        %mul3A_971 = arith.mulf %add3A_968, %mul3A_970 : vector<16xf32>
        %swap3A_972 = arith.index_cast %scan3A_366 : i32 to index
        %swap3A_973 = arith.constant 560 : index
        %swap3A_974 = tpu.vector_load %arg10[%swap3A_972, %swap3A_973] {strides = array<i32>} : memref<32x768xf32, #tpu.memory_space<vmem>>, vector<1x16xf32>,
        %swap3A_975 = vector.shape_cast %swap3A_974 : vector<1x16xf32> to vector<16xf32>
        %swap3A_976 = vector.shape_cast %mul3A_971 : vector<16xf32> to vector<1x16xf32>
        tpu.vector_store %arg10[%swap3A_972, %swap3A_973], %swap3A_976 {strides = array<i32>} : memref<32x768xf32, #tpu.memory_space<vmem>>, vector<1x16xf32>,
        %get3A_977 = arith.index_cast %scan3A_366 : i32 to index
        %get3A_978 = arith.constant 576 : index
        %get3A_979 = tpu.vector_load %arg10[%get3A_977, %get3A_978] {strides = array<i32>} : memref<32x768xf32, #tpu.memory_space<vmem>>, vector<1x16xf32>,
        %get3A_980 = vector.shape_cast %get3A_979 : vector<1x16xf32> to vector<16xf32>
        %get3A_981 = arith.index_cast %scan3A_366 : i32 to index
        %get3A_982 = arith.constant 576 : index
        %get3A_983 = tpu.vector_load %arg7[%get3A_981, %get3A_982] {strides = array<i32>} : memref<32x768xf32, #tpu.memory_space<vmem>>, vector<1x16xf32>,
        %get3A_984 = vector.shape_cast %get3A_983 : vector<1x16xf32> to vector<16xf32>
        %add3A_985 = arith.addf %get3A_980, %get3A_984 : vector<16xf32>
        %mul3A_986 = arith.constant 2.000000e+00 : f32
        %mul3A_987 = vector.broadcast %mul3A_986 : f32 to vector<16xf32>
        %mul3A_988 = arith.mulf %add3A_985, %mul3A_987 : vector<16xf32>
        %swap3A_989 = arith.index_cast %scan3A_366 : i32 to index
        %swap3A_990 = arith.constant 576 : index
        %swap3A_991 = tpu.vector_load %arg10[%swap3A_989, %swap3A_990] {strides = array<i32>} : memref<32x768xf32, #tpu.memory_space<vmem>>, vector<1x16xf32>,
        %swap3A_992 = vector.shape_cast %swap3A_991 : vector<1x16xf32> to vector<16xf32>
        %swap3A_993 = vector.shape_cast %mul3A_988 : vector<16xf32> to vector<1x16xf32>
        tpu.vector_store %arg10[%swap3A_989, %swap3A_990], %swap3A_993 {strides = array<i32>} : memref<32x768xf32, #tpu.memory_space<vmem>>, vector<1x16xf32>,
        %get3A_994 = arith.index_cast %scan3A_366 : i32 to index
        %get3A_995 = arith.constant 592 : index
        %get3A_996 = tpu.vector_load %arg10[%get3A_994, %get3A_995] {strides = array<i32>} : memref<32x768xf32, #tpu.memory_space<vmem>>, vector<1x16xf32>,
        %get3A_997 = vector.shape_cast %get3A_996 : vector<1x16xf32> to vector<16xf32>
        %get3A_998 = arith.index_cast %scan3A_366 : i32 to index
        %get3A_999 = arith.constant 592 : index
        %get3A_1000 = tpu.vector_load %arg7[%get3A_998, %get3A_999] {strides = array<i32>} : memref<32x768xf32, #tpu.memory_space<vmem>>, vector<1x16xf32>,
        %get3A_1001 = vector.shape_cast %get3A_1000 : vector<1x16xf32> to vector<16xf32>
        %add3A_1002 = arith.addf %get3A_997, %get3A_1001 : vector<16xf32>
        %mul3A_1003 = arith.constant 2.000000e+00 : f32
        %mul3A_1004 = vector.broadcast %mul3A_1003 : f32 to vector<16xf32>
        %mul3A_1005 = arith.mulf %add3A_1002, %mul3A_1004 : vector<16xf32>
        %swap3A_1006 = arith.index_cast %scan3A_366 : i32 to index
        %swap3A_1007 = arith.constant 592 : index
        %swap3A_1008 = tpu.vector_load %arg10[%swap3A_1006, %swap3A_1007] {strides = array<i32>} : memref<32x768xf32, #tpu.memory_space<vmem>>, vector<1x16xf32>,
        %swap3A_1009 = vector.shape_cast %swap3A_1008 : vector<1x16xf32> to vector<16xf32>
        %swap3A_1010 = vector.shape_cast %mul3A_1005 : vector<16xf32> to vector<1x16xf32>
        tpu.vector_store %arg10[%swap3A_1006, %swap3A_1007], %swap3A_1010 {strides = array<i32>} : memref<32x768xf32, #tpu.memory_space<vmem>>, vector<1x16xf32>,
        %get3A_1011 = arith.index_cast %scan3A_366 : i32 to index
        %get3A_1012 = arith.constant 608 : index
        %get3A_1013 = tpu.vector_load %arg10[%get3A_1011, %get3A_1012] {strides = array<i32>} : memref<32x768xf32, #tpu.memory_space<vmem>>, vector<1x16xf32>,
        %get3A_1014 = vector.shape_cast %get3A_1013 : vector<1x16xf32> to vector<16xf32>
        %get3A_1015 = arith.index_cast %scan3A_366 : i32 to index
        %get3A_1016 = arith.constant 608 : index
        %get3A_1017 = tpu.vector_load %arg7[%get3A_1015, %get3A_1016] {strides = array<i32>} : memref<32x768xf32, #tpu.memory_space<vmem>>, vector<1x16xf32>,
        %get3A_1018 = vector.shape_cast %get3A_1017 : vector<1x16xf32> to vector<16xf32>
        %add3A_1019 = arith.addf %get3A_1014, %get3A_1018 : vector<16xf32>
        %mul3A_1020 = arith.constant 2.000000e+00 : f32
        %mul3A_1021 = vector.broadcast %mul3A_1020 : f32 to vector<16xf32>
        %mul3A_1022 = arith.mulf %add3A_1019, %mul3A_1021 : vector<16xf32>
        %swap3A_1023 = arith.index_cast %scan3A_366 : i32 to index
        %swap3A_1024 = arith.constant 608 : index
        %swap3A_1025 = tpu.vector_load %arg10[%swap3A_1023, %swap3A_1024] {strides = array<i32>} : memref<32x768xf32, #tpu.memory_space<vmem>>, vector<1x16xf32>,
        %swap3A_1026 = vector.shape_cast %swap3A_1025 : vector<1x16xf32> to vector<16xf32>
        %swap3A_1027 = vector.shape_cast %mul3A_1022 : vector<16xf32> to vector<1x16xf32>
        tpu.vector_store %arg10[%swap3A_1023, %swap3A_1024], %swap3A_1027 {strides = array<i32>} : memref<32x768xf32, #tpu.memory_space<vmem>>, vector<1x16xf32>,
        %get3A_1028 = arith.index_cast %scan3A_366 : i32 to index
        %get3A_1029 = arith.constant 624 : index
        %get3A_1030 = tpu.vector_load %arg10[%get3A_1028, %get3A_1029] {strides = array<i32>} : memref<32x768xf32, #tpu.memory_space<vmem>>, vector<1x16xf32>,
        %get3A_1031 = vector.shape_cast %get3A_1030 : vector<1x16xf32> to vector<16xf32>
        %get3A_1032 = arith.index_cast %scan3A_366 : i32 to index
        %get3A_1033 = arith.constant 624 : index
        %get3A_1034 = tpu.vector_load %arg7[%get3A_1032, %get3A_1033] {strides = array<i32>} : memref<32x768xf32, #tpu.memory_space<vmem>>, vector<1x16xf32>,
        %get3A_1035 = vector.shape_cast %get3A_1034 : vector<1x16xf32> to vector<16xf32>
        %add3A_1036 = arith.addf %get3A_1031, %get3A_1035 : vector<16xf32>
        %mul3A_1037 = arith.constant 2.000000e+00 : f32
        %mul3A_1038 = vector.broadcast %mul3A_1037 : f32 to vector<16xf32>
        %mul3A_1039 = arith.mulf %add3A_1036, %mul3A_1038 : vector<16xf32>
        %swap3A_1040 = arith.index_cast %scan3A_366 : i32 to index
        %swap3A_1041 = arith.constant 624 : index
        %swap3A_1042 = tpu.vector_load %arg10[%swap3A_1040, %swap3A_1041] {strides = array<i32>} : memref<32x768xf32, #tpu.memory_space<vmem>>, vector<1x16xf32>,
        %swap3A_1043 = vector.shape_cast %swap3A_1042 : vector<1x16xf32> to vector<16xf32>
        %swap3A_1044 = vector.shape_cast %mul3A_1039 : vector<16xf32> to vector<1x16xf32>
        tpu.vector_store %arg10[%swap3A_1040, %swap3A_1041], %swap3A_1044 {strides = array<i32>} : memref<32x768xf32, #tpu.memory_space<vmem>>, vector<1x16xf32>,
        %get3A_1045 = arith.index_cast %scan3A_366 : i32 to index
        %get3A_1046 = arith.constant 640 : index
        %get3A_1047 = tpu.vector_load %arg10[%get3A_1045, %get3A_1046] {strides = array<i32>} : memref<32x768xf32, #tpu.memory_space<vmem>>, vector<1x16xf32>,
        %get3A_1048 = vector.shape_cast %get3A_1047 : vector<1x16xf32> to vector<16xf32>
        %get3A_1049 = arith.index_cast %scan3A_366 : i32 to index
        %get3A_1050 = arith.constant 640 : index
        %get3A_1051 = tpu.vector_load %arg7[%get3A_1049, %get3A_1050] {strides = array<i32>} : memref<32x768xf32, #tpu.memory_space<vmem>>, vector<1x16xf32>,
        %get3A_1052 = vector.shape_cast %get3A_1051 : vector<1x16xf32> to vector<16xf32>
        %add3A_1053 = arith.addf %get3A_1048, %get3A_1052 : vector<16xf32>
        %mul3A_1054 = arith.constant 2.000000e+00 : f32
        %mul3A_1055 = vector.broadcast %mul3A_1054 : f32 to vector<16xf32>
        %mul3A_1056 = arith.mulf %add3A_1053, %mul3A_1055 : vector<16xf32>
        %swap3A_1057 = arith.index_cast %scan3A_366 : i32 to index
        %swap3A_1058 = arith.constant 640 : index
        %swap3A_1059 = tpu.vector_load %arg10[%swap3A_1057, %swap3A_1058] {strides = array<i32>} : memref<32x768xf32, #tpu.memory_space<vmem>>, vector<1x16xf32>,
        %swap3A_1060 = vector.shape_cast %swap3A_1059 : vector<1x16xf32> to vector<16xf32>
        %swap3A_1061 = vector.shape_cast %mul3A_1056 : vector<16xf32> to vector<1x16xf32>
        tpu.vector_store %arg10[%swap3A_1057, %swap3A_1058], %swap3A_1061 {strides = array<i32>} : memref<32x768xf32, #tpu.memory_space<vmem>>, vector<1x16xf32>,
        %get3A_1062 = arith.index_cast %scan3A_366 : i32 to index
        %get3A_1063 = arith.constant 656 : index
        %get3A_1064 = tpu.vector_load %arg10[%get3A_1062, %get3A_1063] {strides = array<i32>} : memref<32x768xf32, #tpu.memory_space<vmem>>, vector<1x16xf32>,
        %get3A_1065 = vector.shape_cast %get3A_1064 : vector<1x16xf32> to vector<16xf32>
        %get3A_1066 = arith.index_cast %scan3A_366 : i32 to index
        %get3A_1067 = arith.constant 656 : index
        %get3A_1068 = tpu.vector_load %arg7[%get3A_1066, %get3A_1067] {strides = array<i32>} : memref<32x768xf32, #tpu.memory_space<vmem>>, vector<1x16xf32>,
        %get3A_1069 = vector.shape_cast %get3A_1068 : vector<1x16xf32> to vector<16xf32>
        %add3A_1070 = arith.addf %get3A_1065, %get3A_1069 : vector<16xf32>
        %mul3A_1071 = arith.constant 2.000000e+00 : f32
        %mul3A_1072 = vector.broadcast %mul3A_1071 : f32 to vector<16xf32>
        %mul3A_1073 = arith.mulf %add3A_1070, %mul3A_1072 : vector<16xf32>
        %swap3A_1074 = arith.index_cast %scan3A_366 : i32 to index
        %swap3A_1075 = arith.constant 656 : index
        %swap3A_1076 = tpu.vector_load %arg10[%swap3A_1074, %swap3A_1075] {strides = array<i32>} : memref<32x768xf32, #tpu.memory_space<vmem>>, vector<1x16xf32>,
        %swap3A_1077 = vector.shape_cast %swap3A_1076 : vector<1x16xf32> to vector<16xf32>
        %swap3A_1078 = vector.shape_cast %mul3A_1073 : vector<16xf32> to vector<1x16xf32>
        tpu.vector_store %arg10[%swap3A_1074, %swap3A_1075], %swap3A_1078 {strides = array<i32>} : memref<32x768xf32, #tpu.memory_space<vmem>>, vector<1x16xf32>,
        %get3A_1079 = arith.index_cast %scan3A_366 : i32 to index
        %get3A_1080 = arith.constant 672 : index
        %get3A_1081 = tpu.vector_load %arg10[%get3A_1079, %get3A_1080] {strides = array<i32>} : memref<32x768xf32, #tpu.memory_space<vmem>>, vector<1x16xf32>,
        %get3A_1082 = vector.shape_cast %get3A_1081 : vector<1x16xf32> to vector<16xf32>
        %get3A_1083 = arith.index_cast %scan3A_366 : i32 to index
        %get3A_1084 = arith.constant 672 : index
        %get3A_1085 = tpu.vector_load %arg7[%get3A_1083, %get3A_1084] {strides = array<i32>} : memref<32x768xf32, #tpu.memory_space<vmem>>, vector<1x16xf32>,
        %get3A_1086 = vector.shape_cast %get3A_1085 : vector<1x16xf32> to vector<16xf32>
        %add3A_1087 = arith.addf %get3A_1082, %get3A_1086 : vector<16xf32>
        %mul3A_1088 = arith.constant 2.000000e+00 : f32
        %mul3A_1089 = vector.broadcast %mul3A_1088 : f32 to vector<16xf32>
        %mul3A_1090 = arith.mulf %add3A_1087, %mul3A_1089 : vector<16xf32>
        %swap3A_1091 = arith.index_cast %scan3A_366 : i32 to index
        %swap3A_1092 = arith.constant 672 : index
        %swap3A_1093 = tpu.vector_load %arg10[%swap3A_1091, %swap3A_1092] {strides = array<i32>} : memref<32x768xf32, #tpu.memory_space<vmem>>, vector<1x16xf32>,
        %swap3A_1094 = vector.shape_cast %swap3A_1093 : vector<1x16xf32> to vector<16xf32>
        %swap3A_1095 = vector.shape_cast %mul3A_1090 : vector<16xf32> to vector<1x16xf32>
        tpu.vector_store %arg10[%swap3A_1091, %swap3A_1092], %swap3A_1095 {strides = array<i32>} : memref<32x768xf32, #tpu.memory_space<vmem>>, vector<1x16xf32>,
        %get3A_1096 = arith.index_cast %scan3A_366 : i32 to index
        %get3A_1097 = arith.constant 688 : index
        %get3A_1098 = tpu.vector_load %arg10[%get3A_1096, %get3A_1097] {strides = array<i32>} : memref<32x768xf32, #tpu.memory_space<vmem>>, vector<1x16xf32>,
        %get3A_1099 = vector.shape_cast %get3A_1098 : vector<1x16xf32> to vector<16xf32>
        %get3A_1100 = arith.index_cast %scan3A_366 : i32 to index
        %get3A_1101 = arith.constant 688 : index
        %get3A_1102 = tpu.vector_load %arg7[%get3A_1100, %get3A_1101] {strides = array<i32>} : memref<32x768xf32, #tpu.memory_space<vmem>>, vector<1x16xf32>,
        %get3A_1103 = vector.shape_cast %get3A_1102 : vector<1x16xf32> to vector<16xf32>
        %add3A_1104 = arith.addf %get3A_1099, %get3A_1103 : vector<16xf32>
        %mul3A_1105 = arith.constant 2.000000e+00 : f32
        %mul3A_1106 = vector.broadcast %mul3A_1105 : f32 to vector<16xf32>
        %mul3A_1107 = arith.mulf %add3A_1104, %mul3A_1106 : vector<16xf32>
        %swap3A_1108 = arith.index_cast %scan3A_366 : i32 to index
        %swap3A_1109 = arith.constant 688 : index
        %swap3A_1110 = tpu.vector_load %arg10[%swap3A_1108, %swap3A_1109] {strides = array<i32>} : memref<32x768xf32, #tpu.memory_space<vmem>>, vector<1x16xf32>,
        %swap3A_1111 = vector.shape_cast %swap3A_1110 : vector<1x16xf32> to vector<16xf32>
        %swap3A_1112 = vector.shape_cast %mul3A_1107 : vector<16xf32> to vector<1x16xf32>
        tpu.vector_store %arg10[%swap3A_1108, %swap3A_1109], %swap3A_1112 {strides = array<i32>} : memref<32x768xf32, #tpu.memory_space<vmem>>, vector<1x16xf32>,
        %get3A_1113 = arith.index_cast %scan3A_366 : i32 to index
        %get3A_1114 = arith.constant 704 : index
        %get3A_1115 = tpu.vector_load %arg10[%get3A_1113, %get3A_1114] {strides = array<i32>} : memref<32x768xf32, #tpu.memory_space<vmem>>, vector<1x16xf32>,
        %get3A_1116 = vector.shape_cast %get3A_1115 : vector<1x16xf32> to vector<16xf32>
        %get3A_1117 = arith.index_cast %scan3A_366 : i32 to index
        %get3A_1118 = arith.constant 704 : index
        %get3A_1119 = tpu.vector_load %arg7[%get3A_1117, %get3A_1118] {strides = array<i32>} : memref<32x768xf32, #tpu.memory_space<vmem>>, vector<1x16xf32>,
        %get3A_1120 = vector.shape_cast %get3A_1119 : vector<1x16xf32> to vector<16xf32>
        %add3A_1121 = arith.addf %get3A_1116, %get3A_1120 : vector<16xf32>
        %mul3A_1122 = arith.constant 2.000000e+00 : f32
        %mul3A_1123 = vector.broadcast %mul3A_1122 : f32 to vector<16xf32>
        %mul3A_1124 = arith.mulf %add3A_1121, %mul3A_1123 : vector<16xf32>
        %swap3A_1125 = arith.index_cast %scan3A_366 : i32 to index
        %swap3A_1126 = arith.constant 704 : index
        %swap3A_1127 = tpu.vector_load %arg10[%swap3A_1125, %swap3A_1126] {strides = array<i32>} : memref<32x768xf32, #tpu.memory_space<vmem>>, vector<1x16xf32>,
        %swap3A_1128 = vector.shape_cast %swap3A_1127 : vector<1x16xf32> to vector<16xf32>
        %swap3A_1129 = vector.shape_cast %mul3A_1124 : vector<16xf32> to vector<1x16xf32>
        tpu.vector_store %arg10[%swap3A_1125, %swap3A_1126], %swap3A_1129 {strides = array<i32>} : memref<32x768xf32, #tpu.memory_space<vmem>>, vector<1x16xf32>,
        %get3A_1130 = arith.index_cast %scan3A_366 : i32 to index
        %get3A_1131 = arith.constant 720 : index
        %get3A_1132 = tpu.vector_load %arg10[%get3A_1130, %get3A_1131] {strides = array<i32>} : memref<32x768xf32, #tpu.memory_space<vmem>>, vector<1x16xf32>,
        %get3A_1133 = vector.shape_cast %get3A_1132 : vector<1x16xf32> to vector<16xf32>
        %get3A_1134 = arith.index_cast %scan3A_366 : i32 to index
        %get3A_1135 = arith.constant 720 : index
        %get3A_1136 = tpu.vector_load %arg7[%get3A_1134, %get3A_1135] {strides = array<i32>} : memref<32x768xf32, #tpu.memory_space<vmem>>, vector<1x16xf32>,
        %get3A_1137 = vector.shape_cast %get3A_1136 : vector<1x16xf32> to vector<16xf32>
        %add3A_1138 = arith.addf %get3A_1133, %get3A_1137 : vector<16xf32>
        %mul3A_1139 = arith.constant 2.000000e+00 : f32
        %mul3A_1140 = vector.broadcast %mul3A_1139 : f32 to vector<16xf32>
        %mul3A_1141 = arith.mulf %add3A_1138, %mul3A_1140 : vector<16xf32>
        %swap3A_1142 = arith.index_cast %scan3A_366 : i32 to index
        %swap3A_1143 = arith.constant 720 : index
        %swap3A_1144 = tpu.vector_load %arg10[%swap3A_1142, %swap3A_1143] {strides = array<i32>} : memref<32x768xf32, #tpu.memory_space<vmem>>, vector<1x16xf32>,
        %swap3A_1145 = vector.shape_cast %swap3A_1144 : vector<1x16xf32> to vector<16xf32>
        %swap3A_1146 = vector.shape_cast %mul3A_1141 : vector<16xf32> to vector<1x16xf32>
        tpu.vector_store %arg10[%swap3A_1142, %swap3A_1143], %swap3A_1146 {strides = array<i32>} : memref<32x768xf32, #tpu.memory_space<vmem>>, vector<1x16xf32>,
        %get3A_1147 = arith.index_cast %scan3A_366 : i32 to index
        %get3A_1148 = arith.constant 736 : index
        %get3A_1149 = tpu.vector_load %arg10[%get3A_1147, %get3A_1148] {strides = array<i32>} : memref<32x768xf32, #tpu.memory_space<vmem>>, vector<1x16xf32>,
        %get3A_1150 = vector.shape_cast %get3A_1149 : vector<1x16xf32> to vector<16xf32>
        %get3A_1151 = arith.index_cast %scan3A_366 : i32 to index
        %get3A_1152 = arith.constant 736 : index
        %get3A_1153 = tpu.vector_load %arg7[%get3A_1151, %get3A_1152] {strides = array<i32>} : memref<32x768xf32, #tpu.memory_space<vmem>>, vector<1x16xf32>,
        %get3A_1154 = vector.shape_cast %get3A_1153 : vector<1x16xf32> to vector<16xf32>
        %add3A_1155 = arith.addf %get3A_1150, %get3A_1154 : vector<16xf32>
        %mul3A_1156 = arith.constant 2.000000e+00 : f32
        %mul3A_1157 = vector.broadcast %mul3A_1156 : f32 to vector<16xf32>
        %mul3A_1158 = arith.mulf %add3A_1155, %mul3A_1157 : vector<16xf32>
        %swap3A_1159 = arith.index_cast %scan3A_366 : i32 to index
        %swap3A_1160 = arith.constant 736 : index
        %swap3A_1161 = tpu.vector_load %arg10[%swap3A_1159, %swap3A_1160] {strides = array<i32>} : memref<32x768xf32, #tpu.memory_space<vmem>>, vector<1x16xf32>,
        %swap3A_1162 = vector.shape_cast %swap3A_1161 : vector<1x16xf32> to vector<16xf32>
        %swap3A_1163 = vector.shape_cast %mul3A_1158 : vector<16xf32> to vector<1x16xf32>
        tpu.vector_store %arg10[%swap3A_1159, %swap3A_1160], %swap3A_1163 {strides = array<i32>} : memref<32x768xf32, #tpu.memory_space<vmem>>, vector<1x16xf32>,
        %get3A_1164 = arith.index_cast %scan3A_366 : i32 to index
        %get3A_1165 = arith.constant 752 : index
        %get3A_1166 = tpu.vector_load %arg10[%get3A_1164, %get3A_1165] {strides = array<i32>} : memref<32x768xf32, #tpu.memory_space<vmem>>, vector<1x16xf32>,
        %get3A_1167 = vector.shape_cast %get3A_1166 : vector<1x16xf32> to vector<16xf32>
        %get3A_1168 = arith.index_cast %scan3A_366 : i32 to index
        %get3A_1169 = arith.constant 752 : index
        %get3A_1170 = tpu.vector_load %arg7[%get3A_1168, %get3A_1169] {strides = array<i32>} : memref<32x768xf32, #tpu.memory_space<vmem>>, vector<1x16xf32>,
        %get3A_1171 = vector.shape_cast %get3A_1170 : vector<1x16xf32> to vector<16xf32>
        %add3A_1172 = arith.addf %get3A_1167, %get3A_1171 : vector<16xf32>
        %mul3A_1173 = arith.constant 2.000000e+00 : f32
        %mul3A_1174 = vector.broadcast %mul3A_1173 : f32 to vector<16xf32>
        %mul3A_1175 = arith.mulf %add3A_1172, %mul3A_1174 : vector<16xf32>
        %swap3A_1176 = arith.index_cast %scan3A_366 : i32 to index
        %swap3A_1177 = arith.constant 752 : index
        %swap3A_1178 = tpu.vector_load %arg10[%swap3A_1176, %swap3A_1177] {strides = array<i32>} : memref<32x768xf32, #tpu.memory_space<vmem>>, vector<1x16xf32>,
        %swap3A_1179 = vector.shape_cast %swap3A_1178 : vector<1x16xf32> to vector<16xf32>
        %swap3A_1180 = vector.shape_cast %mul3A_1175 : vector<16xf32> to vector<1x16xf32>
        tpu.vector_store %arg10[%swap3A_1176, %swap3A_1177], %swap3A_1180 {strides = array<i32>} : memref<32x768xf32, #tpu.memory_space<vmem>>, vector<1x16xf32>,
      }
      %scan3A_286 = arith.constant 32 : i32
      %add3A_287 = arith.addi %mul3A_20, %add3A_273 : i32
      %dma_start3A_288 = arith.constant 0 : i32
      %dma_start3A_289 = tpu.memref_slice %arg5[%add3A_287, %mul3A_22, %dma_start3A_288] : memref<128x512x768xf32, #tpu.memory_space<hbm>> -> memref<1x32x768xf32, #tpu.memory_space<hbm>>
      %dma_start3A_290 = tpu.memref_squeeze %dma_start3A_289 : memref<1x32x768xf32, #tpu.memory_space<hbm>> -> memref<32x768xf32, #tpu.memory_space<hbm>>
      %dma_start3A_291 = arith.constant 0 : i32
      %dma_start3A_292 = tpu.memref_slice %arg5[%add3A_287, %mul3A_22, %dma_start3A_291] : memref<128x512x768xf32, #tpu.memory_space<hbm>> -> memref<1x32x768xf32, #tpu.memory_space<hbm>>
      %dma_start3A_293 = tpu.memref_squeeze %dma_start3A_292 : memref<1x32x768xf32, #tpu.memory_space<hbm>> -> memref<32x768xf32, #tpu.memory_space<hbm>>
      tpu.enqueue_dma source(%arg10 : memref<32x768xf32, #tpu.memory_space<vmem>>) target(%dma_start3A_293 : memref<32x768xf32, #tpu.memory_space<hbm>>) target_semaphore(%arg18 : memref<!tpu.dma_semaphore, #tpu.memory_space<semaphore_mem>>)
      %add3A_294 = arith.constant 4 : i32
      %add3A_295 = arith.addi %add3A_273, %add3A_294 : i32
      %lt3A_296 = arith.constant 64 : i32
      %lt3A_297 = arith.cmpi slt, %add3A_295, %lt3A_296 : i32
      %convert_element_type3A_298 = arith.extui %lt3A_297 : i1 to i32
      %cond3A_299 = arith.constant 0 : i32
      %cond3A_300 = arith.cmpi ne, %convert_element_type3A_298, %cond3A_299 : i32
      scf.if %cond3A_300 {
        %add3A_366 = arith.constant 4 : i32
        %add3A_367 = arith.addi %add3A_273, %add3A_366 : i32
        %add3A_368 = arith.addi %mul3A_20, %add3A_367 : i32
        %mul3A_369 = arith.constant 512 : i32
        %mul3A_370 = arith.muli %add3A_368, %mul3A_369 : i32
        %add3A_371 = arith.addi %mul3A_370, %mul3A_22 : i32
        %dma_start3A_372 = arith.constant 2 : i32
        %dma_start3A_373 = arith.constant 0 : i32
        %dma_start3A_374 = tpu.memref_slice %arg6[%dma_start3A_372, %dma_start3A_373] : memref<4x32xi32, #tpu.memory_space<vmem>> -> memref<1x32xi32, #tpu.memory_space<vmem>>
        %dma_start3A_375 = tpu.memref_squeeze %dma_start3A_374 : memref<1x32xi32, #tpu.memory_space<vmem>> -> memref<32xi32, #tpu.memory_space<vmem>>
        %dma_start3A_376 = tpu.memref_slice %arg2[%add3A_371] : memref<65536xi32, #tpu.memory_space<hbm>> -> memref<32xi32, #tpu.memory_space<hbm>>
        %dma_start3A_377 = arith.constant 0 : i32
        %dma_start3A_378 = tpu.memref_slice %arg6[%dma_start3A_372, %dma_start3A_377] : memref<4x32xi32, #tpu.memory_space<vmem>> -> memref<1x32xi32, #tpu.memory_space<vmem>>
        %dma_start3A_379 = tpu.memref_squeeze %dma_start3A_378 : memref<1x32xi32, #tpu.memory_space<vmem>> -> memref<32xi32, #tpu.memory_space<vmem>>
        %dma_start3A_380 = tpu.memref_slice %arg2[%add3A_371] : memref<65536xi32, #tpu.memory_space<hbm>> -> memref<32xi32, #tpu.memory_space<hbm>>
        tpu.enqueue_dma source(%dma_start3A_380 : memref<32xi32, #tpu.memory_space<hbm>>) target(%dma_start3A_379 : memref<32xi32, #tpu.memory_space<vmem>>) target_semaphore(%arg22 : memref<!tpu.dma_semaphore, #tpu.memory_space<semaphore_mem>>)
      } else {
      }
      %add3A_301 = arith.constant 4 : i32
      %add3A_302 = arith.addi %add3A_273, %add3A_301 : i32
      %sub3A_303 = arith.constant 1 : i32
      %sub3A_304 = arith.subi %add3A_302, %sub3A_303 : i32
      %ge3A_305 = arith.constant 1 : i32
      %ge3A_306 = arith.cmpi sge, %add3A_273, %ge3A_305 : i32
      %lt3A_307 = arith.constant 64 : i32
      %lt3A_308 = arith.cmpi slt, %sub3A_304, %lt3A_307 : i32
      %and3A_309 = arith.andi %ge3A_306, %lt3A_308 : i1
      %convert_element_type3A_310 = arith.extui %and3A_309 : i1 to i32
      %cond3A_311 = arith.constant 0 : i32
      %cond3A_312 = arith.cmpi ne, %convert_element_type3A_310, %cond3A_311 : i32
      scf.if %cond3A_312 {
        %add3A_366 = arith.addi %mul3A_20, %add3A_273 : i32
        %sub3A_367 = arith.constant 1 : i32
        %sub3A_368 = arith.subi %add3A_366, %sub3A_367 : i32
        %dma_wait3A_369 = arith.constant 0 : i32
        %dma_wait3A_370 = tpu.memref_slice %arg5[%sub3A_368, %mul3A_22, %dma_wait3A_369] : memref<128x512x768xf32, #tpu.memory_space<hbm>> -> memref<1x32x768xf32, #tpu.memory_space<hbm>>
        %dma_wait3A_371 = tpu.memref_squeeze %dma_wait3A_370 : memref<1x32x768xf32, #tpu.memory_space<hbm>> -> memref<32x768xf32, #tpu.memory_space<hbm>>
        %dma_wait3A_372 = arith.constant 0 : i32
        %dma_wait3A_373 = tpu.memref_slice %arg5[%sub3A_368, %mul3A_22, %dma_wait3A_372] : memref<128x512x768xf32, #tpu.memory_space<hbm>> -> memref<1x32x768xf32, #tpu.memory_space<hbm>>
        %dma_wait3A_374 = tpu.memref_squeeze %dma_wait3A_373 : memref<1x32x768xf32, #tpu.memory_space<hbm>> -> memref<32x768xf32, #tpu.memory_space<hbm>>
        tpu.wait_dma2 semaphore(%arg17 : memref<!tpu.dma_semaphore, #tpu.memory_space<semaphore_mem>>) src(%arg9 : memref<32x768xf32, #tpu.memory_space<vmem>>) dst(%dma_wait3A_374 : memref<32x768xf32, #tpu.memory_space<hbm>>)
      } else {
      }
      %lt3A_313 = arith.constant 64 : i32
      %lt3A_314 = arith.cmpi slt, %sub3A_304, %lt3A_313 : i32
      %convert_element_type3A_315 = arith.extui %lt3A_314 : i1 to i32
      %cond3A_316 = arith.constant 0 : i32
      %cond3A_317 = arith.cmpi ne, %convert_element_type3A_315, %cond3A_316 : i32
      scf.if %cond3A_317 {
        %add3A_366 = arith.addi %mul3A_20, %sub3A_304 : i32
        %mul3A_367 = arith.constant 512 : i32
        %mul3A_368 = arith.muli %add3A_366, %mul3A_367 : i32
        %add3A_369 = arith.addi %mul3A_368, %mul3A_22 : i32
        %dma_wait3A_370 = arith.constant 1 : i32
        %dma_wait3A_371 = arith.constant 0 : i32
        %dma_wait3A_372 = tpu.memref_slice %arg6[%dma_wait3A_370, %dma_wait3A_371] : memref<4x32xi32, #tpu.memory_space<vmem>> -> memref<1x32xi32, #tpu.memory_space<vmem>>
        %dma_wait3A_373 = tpu.memref_squeeze %dma_wait3A_372 : memref<1x32xi32, #tpu.memory_space<vmem>> -> memref<32xi32, #tpu.memory_space<vmem>>
        %dma_wait3A_374 = tpu.memref_slice %arg2[%add3A_369] : memref<65536xi32, #tpu.memory_space<hbm>> -> memref<32xi32, #tpu.memory_space<hbm>>
        %dma_wait3A_375 = arith.constant 0 : i32
        %dma_wait3A_376 = tpu.memref_slice %arg6[%dma_wait3A_370, %dma_wait3A_375] : memref<4x32xi32, #tpu.memory_space<vmem>> -> memref<1x32xi32, #tpu.memory_space<vmem>>
        %dma_wait3A_377 = tpu.memref_squeeze %dma_wait3A_376 : memref<1x32xi32, #tpu.memory_space<vmem>> -> memref<32xi32, #tpu.memory_space<vmem>>
        %dma_wait3A_378 = tpu.memref_slice %arg2[%add3A_369] : memref<65536xi32, #tpu.memory_space<hbm>> -> memref<32xi32, #tpu.memory_space<hbm>>
        tpu.wait_dma2 semaphore(%arg21 : memref<!tpu.dma_semaphore, #tpu.memory_space<semaphore_mem>>) src(%dma_wait3A_378 : memref<32xi32, #tpu.memory_space<hbm>>) dst(%dma_wait3A_377 : memref<32xi32, #tpu.memory_space<vmem>>)
        %dma_start3A_379 = arith.constant 1 : i32
        %dma_start3A_380 = arith.constant 0 : i32
        %dma_start3A_381 = tpu.memref_slice %arg6[%dma_start3A_379, %dma_start3A_380] : memref<4x32xi32, #tpu.memory_space<vmem>> -> memref<1x32xi32, #tpu.memory_space<vmem>>
        %dma_start3A_382 = tpu.memref_squeeze %dma_start3A_381 : memref<1x32xi32, #tpu.memory_space<vmem>> -> memref<32xi32, #tpu.memory_space<vmem>>
        %dma_start3A_383 = arith.constant 0 : i32
        %dma_start3A_384 = arith.constant 0 : i32
        %dma_start3A_385 = tpu.memref_slice %arg3[%dma_start3A_383, %dma_start3A_384] : memref<30522x768xf32, #tpu.memory_space<hbm>> -> memref<30522x768xf32, #tpu.memory_space<hbm>>
        tpu.enqueue_indirect_dma source(%dma_start3A_385 : memref<30522x768xf32, #tpu.memory_space<hbm>>) target(%arg9 : memref<32x768xf32, #tpu.memory_space<vmem>>) offsets(%dma_start3A_382 : memref<32xi32, #tpu.memory_space<vmem>>) semaphore(%arg13 : memref<!tpu.dma_semaphore, #tpu.memory_space<semaphore_mem>>)
      } else {
      }
      %mul3A_318 = arith.constant 4 : i32
      %mul3A_319 = arith.muli %scan3A_177, %mul3A_318 : i32
      %add3A_320 = arith.constant 3 : i32
      %add3A_321 = arith.addi %mul3A_319, %add3A_320 : i32
      %dma_wait3A_322 = arith.constant 3 : i32
      %dma_wait3A_323 = arith.constant 0 : i32
      %dma_wait3A_324 = tpu.memref_slice %arg6[%dma_wait3A_322, %dma_wait3A_323] : memref<4x32xi32, #tpu.memory_space<vmem>> -> memref<1x32xi32, #tpu.memory_space<vmem>>
      %dma_wait3A_325 = tpu.memref_squeeze %dma_wait3A_324 : memref<1x32xi32, #tpu.memory_space<vmem>> -> memref<32xi32, #tpu.memory_space<vmem>>
      %dma_wait3A_326 = arith.constant 0 : i32
      %dma_wait3A_327 = arith.constant 0 : i32
      %dma_wait3A_328 = tpu.memref_slice %arg3[%dma_wait3A_326, %dma_wait3A_327] : memref<30522x768xf32, #tpu.memory_space<hbm>> -> memref<30522x768xf32, #tpu.memory_space<hbm>>
      tpu.wait_indirect_dma semaphore(%arg15 : memref<!tpu.dma_semaphore, #tpu.memory_space<semaphore_mem>>) src(%dma_wait3A_328 : memref<30522x768xf32, #tpu.memory_space<hbm>>) dst(%arg11 : memref<32x768xf32, #tpu.memory_space<vmem>>)
      %scan3A_329 = arith.constant 0 : i32
      %scan3A_330 = arith.constant 0 : i32
      %scan3A_331 = arith.constant 32 : i32
      %scan3A_332 = arith.addi %scan3A_330, %scan3A_331 : i32
      %scan3A_333 = arith.constant 1 : i32
      scf.for %scan3A_366 = %scan3A_330 to %scan3A_332 step %scan3A_333  : i32 {
        %get3A = arith.index_cast %scan3A_366 : i32 to index
        %get3A_367 = arith.constant 0 : index
        %get3A_368 = tpu.vector_load %arg11[%get3A, %get3A_367] {strides = array<i32>} : memref<32x768xf32, #tpu.memory_space<vmem>>, vector<1x16xf32>,
        %get3A_369 = vector.shape_cast %get3A_368 : vector<1x16xf32> to vector<16xf32>
        %get3A_370 = arith.index_cast %scan3A_366 : i32 to index
        %get3A_371 = arith.constant 0 : index
        %get3A_372 = tpu.vector_load %arg7[%get3A_370, %get3A_371] {strides = array<i32>} : memref<32x768xf32, #tpu.memory_space<vmem>>, vector<1x16xf32>,
        %get3A_373 = vector.shape_cast %get3A_372 : vector<1x16xf32> to vector<16xf32>
        %add3A_374 = arith.addf %get3A_369, %get3A_373 : vector<16xf32>
        %mul3A_375 = arith.constant 2.000000e+00 : f32
        %mul3A_376 = vector.broadcast %mul3A_375 : f32 to vector<16xf32>
        %mul3A_377 = arith.mulf %add3A_374, %mul3A_376 : vector<16xf32>
        %swap3A = arith.index_cast %scan3A_366 : i32 to index
        %swap3A_378 = arith.constant 0 : index
        %swap3A_379 = tpu.vector_load %arg11[%swap3A, %swap3A_378] {strides = array<i32>} : memref<32x768xf32, #tpu.memory_space<vmem>>, vector<1x16xf32>,
        %swap3A_380 = vector.shape_cast %swap3A_379 : vector<1x16xf32> to vector<16xf32>
        %swap3A_381 = vector.shape_cast %mul3A_377 : vector<16xf32> to vector<1x16xf32>
        tpu.vector_store %arg11[%swap3A, %swap3A_378], %swap3A_381 {strides = array<i32>} : memref<32x768xf32, #tpu.memory_space<vmem>>, vector<1x16xf32>,
        %get3A_382 = arith.index_cast %scan3A_366 : i32 to index
        %get3A_383 = arith.constant 16 : index
        %get3A_384 = tpu.vector_load %arg11[%get3A_382, %get3A_383] {strides = array<i32>} : memref<32x768xf32, #tpu.memory_space<vmem>>, vector<1x16xf32>,
        %get3A_385 = vector.shape_cast %get3A_384 : vector<1x16xf32> to vector<16xf32>
        %get3A_386 = arith.index_cast %scan3A_366 : i32 to index
        %get3A_387 = arith.constant 16 : index
        %get3A_388 = tpu.vector_load %arg7[%get3A_386, %get3A_387] {strides = array<i32>} : memref<32x768xf32, #tpu.memory_space<vmem>>, vector<1x16xf32>,
        %get3A_389 = vector.shape_cast %get3A_388 : vector<1x16xf32> to vector<16xf32>
        %add3A_390 = arith.addf %get3A_385, %get3A_389 : vector<16xf32>
        %mul3A_391 = arith.constant 2.000000e+00 : f32
        %mul3A_392 = vector.broadcast %mul3A_391 : f32 to vector<16xf32>
        %mul3A_393 = arith.mulf %add3A_390, %mul3A_392 : vector<16xf32>
        %swap3A_394 = arith.index_cast %scan3A_366 : i32 to index
        %swap3A_395 = arith.constant 16 : index
        %swap3A_396 = tpu.vector_load %arg11[%swap3A_394, %swap3A_395] {strides = array<i32>} : memref<32x768xf32, #tpu.memory_space<vmem>>, vector<1x16xf32>,
        %swap3A_397 = vector.shape_cast %swap3A_396 : vector<1x16xf32> to vector<16xf32>
        %swap3A_398 = vector.shape_cast %mul3A_393 : vector<16xf32> to vector<1x16xf32>
        tpu.vector_store %arg11[%swap3A_394, %swap3A_395], %swap3A_398 {strides = array<i32>} : memref<32x768xf32, #tpu.memory_space<vmem>>, vector<1x16xf32>,
        %get3A_399 = arith.index_cast %scan3A_366 : i32 to index
        %get3A_400 = arith.constant 32 : index
        %get3A_401 = tpu.vector_load %arg11[%get3A_399, %get3A_400] {strides = array<i32>} : memref<32x768xf32, #tpu.memory_space<vmem>>, vector<1x16xf32>,
        %get3A_402 = vector.shape_cast %get3A_401 : vector<1x16xf32> to vector<16xf32>
        %get3A_403 = arith.index_cast %scan3A_366 : i32 to index
        %get3A_404 = arith.constant 32 : index
        %get3A_405 = tpu.vector_load %arg7[%get3A_403, %get3A_404] {strides = array<i32>} : memref<32x768xf32, #tpu.memory_space<vmem>>, vector<1x16xf32>,
        %get3A_406 = vector.shape_cast %get3A_405 : vector<1x16xf32> to vector<16xf32>
        %add3A_407 = arith.addf %get3A_402, %get3A_406 : vector<16xf32>
        %mul3A_408 = arith.constant 2.000000e+00 : f32
        %mul3A_409 = vector.broadcast %mul3A_408 : f32 to vector<16xf32>
        %mul3A_410 = arith.mulf %add3A_407, %mul3A_409 : vector<16xf32>
        %swap3A_411 = arith.index_cast %scan3A_366 : i32 to index
        %swap3A_412 = arith.constant 32 : index
        %swap3A_413 = tpu.vector_load %arg11[%swap3A_411, %swap3A_412] {strides = array<i32>} : memref<32x768xf32, #tpu.memory_space<vmem>>, vector<1x16xf32>,
        %swap3A_414 = vector.shape_cast %swap3A_413 : vector<1x16xf32> to vector<16xf32>
        %swap3A_415 = vector.shape_cast %mul3A_410 : vector<16xf32> to vector<1x16xf32>
        tpu.vector_store %arg11[%swap3A_411, %swap3A_412], %swap3A_415 {strides = array<i32>} : memref<32x768xf32, #tpu.memory_space<vmem>>, vector<1x16xf32>,
        %get3A_416 = arith.index_cast %scan3A_366 : i32 to index
        %get3A_417 = arith.constant 48 : index
        %get3A_418 = tpu.vector_load %arg11[%get3A_416, %get3A_417] {strides = array<i32>} : memref<32x768xf32, #tpu.memory_space<vmem>>, vector<1x16xf32>,
        %get3A_419 = vector.shape_cast %get3A_418 : vector<1x16xf32> to vector<16xf32>
        %get3A_420 = arith.index_cast %scan3A_366 : i32 to index
        %get3A_421 = arith.constant 48 : index
        %get3A_422 = tpu.vector_load %arg7[%get3A_420, %get3A_421] {strides = array<i32>} : memref<32x768xf32, #tpu.memory_space<vmem>>, vector<1x16xf32>,
        %get3A_423 = vector.shape_cast %get3A_422 : vector<1x16xf32> to vector<16xf32>
        %add3A_424 = arith.addf %get3A_419, %get3A_423 : vector<16xf32>
        %mul3A_425 = arith.constant 2.000000e+00 : f32
        %mul3A_426 = vector.broadcast %mul3A_425 : f32 to vector<16xf32>
        %mul3A_427 = arith.mulf %add3A_424, %mul3A_426 : vector<16xf32>
        %swap3A_428 = arith.index_cast %scan3A_366 : i32 to index
        %swap3A_429 = arith.constant 48 : index
        %swap3A_430 = tpu.vector_load %arg11[%swap3A_428, %swap3A_429] {strides = array<i32>} : memref<32x768xf32, #tpu.memory_space<vmem>>, vector<1x16xf32>,
        %swap3A_431 = vector.shape_cast %swap3A_430 : vector<1x16xf32> to vector<16xf32>
        %swap3A_432 = vector.shape_cast %mul3A_427 : vector<16xf32> to vector<1x16xf32>
        tpu.vector_store %arg11[%swap3A_428, %swap3A_429], %swap3A_432 {strides = array<i32>} : memref<32x768xf32, #tpu.memory_space<vmem>>, vector<1x16xf32>,
        %get3A_433 = arith.index_cast %scan3A_366 : i32 to index
        %get3A_434 = arith.constant 64 : index
        %get3A_435 = tpu.vector_load %arg11[%get3A_433, %get3A_434] {strides = array<i32>} : memref<32x768xf32, #tpu.memory_space<vmem>>, vector<1x16xf32>,
        %get3A_436 = vector.shape_cast %get3A_435 : vector<1x16xf32> to vector<16xf32>
        %get3A_437 = arith.index_cast %scan3A_366 : i32 to index
        %get3A_438 = arith.constant 64 : index
        %get3A_439 = tpu.vector_load %arg7[%get3A_437, %get3A_438] {strides = array<i32>} : memref<32x768xf32, #tpu.memory_space<vmem>>, vector<1x16xf32>,
        %get3A_440 = vector.shape_cast %get3A_439 : vector<1x16xf32> to vector<16xf32>
        %add3A_441 = arith.addf %get3A_436, %get3A_440 : vector<16xf32>
        %mul3A_442 = arith.constant 2.000000e+00 : f32
        %mul3A_443 = vector.broadcast %mul3A_442 : f32 to vector<16xf32>
        %mul3A_444 = arith.mulf %add3A_441, %mul3A_443 : vector<16xf32>
        %swap3A_445 = arith.index_cast %scan3A_366 : i32 to index
        %swap3A_446 = arith.constant 64 : index
        %swap3A_447 = tpu.vector_load %arg11[%swap3A_445, %swap3A_446] {strides = array<i32>} : memref<32x768xf32, #tpu.memory_space<vmem>>, vector<1x16xf32>,
        %swap3A_448 = vector.shape_cast %swap3A_447 : vector<1x16xf32> to vector<16xf32>
        %swap3A_449 = vector.shape_cast %mul3A_444 : vector<16xf32> to vector<1x16xf32>
        tpu.vector_store %arg11[%swap3A_445, %swap3A_446], %swap3A_449 {strides = array<i32>} : memref<32x768xf32, #tpu.memory_space<vmem>>, vector<1x16xf32>,
        %get3A_450 = arith.index_cast %scan3A_366 : i32 to index
        %get3A_451 = arith.constant 80 : index
        %get3A_452 = tpu.vector_load %arg11[%get3A_450, %get3A_451] {strides = array<i32>} : memref<32x768xf32, #tpu.memory_space<vmem>>, vector<1x16xf32>,
        %get3A_453 = vector.shape_cast %get3A_452 : vector<1x16xf32> to vector<16xf32>
        %get3A_454 = arith.index_cast %scan3A_366 : i32 to index
        %get3A_455 = arith.constant 80 : index
        %get3A_456 = tpu.vector_load %arg7[%get3A_454, %get3A_455] {strides = array<i32>} : memref<32x768xf32, #tpu.memory_space<vmem>>, vector<1x16xf32>,
        %get3A_457 = vector.shape_cast %get3A_456 : vector<1x16xf32> to vector<16xf32>
        %add3A_458 = arith.addf %get3A_453, %get3A_457 : vector<16xf32>
        %mul3A_459 = arith.constant 2.000000e+00 : f32
        %mul3A_460 = vector.broadcast %mul3A_459 : f32 to vector<16xf32>
        %mul3A_461 = arith.mulf %add3A_458, %mul3A_460 : vector<16xf32>
        %swap3A_462 = arith.index_cast %scan3A_366 : i32 to index
        %swap3A_463 = arith.constant 80 : index
        %swap3A_464 = tpu.vector_load %arg11[%swap3A_462, %swap3A_463] {strides = array<i32>} : memref<32x768xf32, #tpu.memory_space<vmem>>, vector<1x16xf32>,
        %swap3A_465 = vector.shape_cast %swap3A_464 : vector<1x16xf32> to vector<16xf32>
        %swap3A_466 = vector.shape_cast %mul3A_461 : vector<16xf32> to vector<1x16xf32>
        tpu.vector_store %arg11[%swap3A_462, %swap3A_463], %swap3A_466 {strides = array<i32>} : memref<32x768xf32, #tpu.memory_space<vmem>>, vector<1x16xf32>,
        %get3A_467 = arith.index_cast %scan3A_366 : i32 to index
        %get3A_468 = arith.constant 96 : index
        %get3A_469 = tpu.vector_load %arg11[%get3A_467, %get3A_468] {strides = array<i32>} : memref<32x768xf32, #tpu.memory_space<vmem>>, vector<1x16xf32>,
        %get3A_470 = vector.shape_cast %get3A_469 : vector<1x16xf32> to vector<16xf32>
        %get3A_471 = arith.index_cast %scan3A_366 : i32 to index
        %get3A_472 = arith.constant 96 : index
        %get3A_473 = tpu.vector_load %arg7[%get3A_471, %get3A_472] {strides = array<i32>} : memref<32x768xf32, #tpu.memory_space<vmem>>, vector<1x16xf32>,
        %get3A_474 = vector.shape_cast %get3A_473 : vector<1x16xf32> to vector<16xf32>
        %add3A_475 = arith.addf %get3A_470, %get3A_474 : vector<16xf32>
        %mul3A_476 = arith.constant 2.000000e+00 : f32
        %mul3A_477 = vector.broadcast %mul3A_476 : f32 to vector<16xf32>
        %mul3A_478 = arith.mulf %add3A_475, %mul3A_477 : vector<16xf32>
        %swap3A_479 = arith.index_cast %scan3A_366 : i32 to index
        %swap3A_480 = arith.constant 96 : index
        %swap3A_481 = tpu.vector_load %arg11[%swap3A_479, %swap3A_480] {strides = array<i32>} : memref<32x768xf32, #tpu.memory_space<vmem>>, vector<1x16xf32>,
        %swap3A_482 = vector.shape_cast %swap3A_481 : vector<1x16xf32> to vector<16xf32>
        %swap3A_483 = vector.shape_cast %mul3A_478 : vector<16xf32> to vector<1x16xf32>
        tpu.vector_store %arg11[%swap3A_479, %swap3A_480], %swap3A_483 {strides = array<i32>} : memref<32x768xf32, #tpu.memory_space<vmem>>, vector<1x16xf32>,
        %get3A_484 = arith.index_cast %scan3A_366 : i32 to index
        %get3A_485 = arith.constant 112 : index
        %get3A_486 = tpu.vector_load %arg11[%get3A_484, %get3A_485] {strides = array<i32>} : memref<32x768xf32, #tpu.memory_space<vmem>>, vector<1x16xf32>,
        %get3A_487 = vector.shape_cast %get3A_486 : vector<1x16xf32> to vector<16xf32>
        %get3A_488 = arith.index_cast %scan3A_366 : i32 to index
        %get3A_489 = arith.constant 112 : index
        %get3A_490 = tpu.vector_load %arg7[%get3A_488, %get3A_489] {strides = array<i32>} : memref<32x768xf32, #tpu.memory_space<vmem>>, vector<1x16xf32>,
        %get3A_491 = vector.shape_cast %get3A_490 : vector<1x16xf32> to vector<16xf32>
        %add3A_492 = arith.addf %get3A_487, %get3A_491 : vector<16xf32>
        %mul3A_493 = arith.constant 2.000000e+00 : f32
        %mul3A_494 = vector.broadcast %mul3A_493 : f32 to vector<16xf32>
        %mul3A_495 = arith.mulf %add3A_492, %mul3A_494 : vector<16xf32>
        %swap3A_496 = arith.index_cast %scan3A_366 : i32 to index
        %swap3A_497 = arith.constant 112 : index
        %swap3A_498 = tpu.vector_load %arg11[%swap3A_496, %swap3A_497] {strides = array<i32>} : memref<32x768xf32, #tpu.memory_space<vmem>>, vector<1x16xf32>,
        %swap3A_499 = vector.shape_cast %swap3A_498 : vector<1x16xf32> to vector<16xf32>
        %swap3A_500 = vector.shape_cast %mul3A_495 : vector<16xf32> to vector<1x16xf32>
        tpu.vector_store %arg11[%swap3A_496, %swap3A_497], %swap3A_500 {strides = array<i32>} : memref<32x768xf32, #tpu.memory_space<vmem>>, vector<1x16xf32>,
        %get3A_501 = arith.index_cast %scan3A_366 : i32 to index
        %get3A_502 = arith.constant 128 : index
        %get3A_503 = tpu.vector_load %arg11[%get3A_501, %get3A_502] {strides = array<i32>} : memref<32x768xf32, #tpu.memory_space<vmem>>, vector<1x16xf32>,
        %get3A_504 = vector.shape_cast %get3A_503 : vector<1x16xf32> to vector<16xf32>
        %get3A_505 = arith.index_cast %scan3A_366 : i32 to index
        %get3A_506 = arith.constant 128 : index
        %get3A_507 = tpu.vector_load %arg7[%get3A_505, %get3A_506] {strides = array<i32>} : memref<32x768xf32, #tpu.memory_space<vmem>>, vector<1x16xf32>,
        %get3A_508 = vector.shape_cast %get3A_507 : vector<1x16xf32> to vector<16xf32>
        %add3A_509 = arith.addf %get3A_504, %get3A_508 : vector<16xf32>
        %mul3A_510 = arith.constant 2.000000e+00 : f32
        %mul3A_511 = vector.broadcast %mul3A_510 : f32 to vector<16xf32>
        %mul3A_512 = arith.mulf %add3A_509, %mul3A_511 : vector<16xf32>
        %swap3A_513 = arith.index_cast %scan3A_366 : i32 to index
        %swap3A_514 = arith.constant 128 : index
        %swap3A_515 = tpu.vector_load %arg11[%swap3A_513, %swap3A_514] {strides = array<i32>} : memref<32x768xf32, #tpu.memory_space<vmem>>, vector<1x16xf32>,
        %swap3A_516 = vector.shape_cast %swap3A_515 : vector<1x16xf32> to vector<16xf32>
        %swap3A_517 = vector.shape_cast %mul3A_512 : vector<16xf32> to vector<1x16xf32>
        tpu.vector_store %arg11[%swap3A_513, %swap3A_514], %swap3A_517 {strides = array<i32>} : memref<32x768xf32, #tpu.memory_space<vmem>>, vector<1x16xf32>,
        %get3A_518 = arith.index_cast %scan3A_366 : i32 to index
        %get3A_519 = arith.constant 144 : index
        %get3A_520 = tpu.vector_load %arg11[%get3A_518, %get3A_519] {strides = array<i32>} : memref<32x768xf32, #tpu.memory_space<vmem>>, vector<1x16xf32>,
        %get3A_521 = vector.shape_cast %get3A_520 : vector<1x16xf32> to vector<16xf32>
        %get3A_522 = arith.index_cast %scan3A_366 : i32 to index
        %get3A_523 = arith.constant 144 : index
        %get3A_524 = tpu.vector_load %arg7[%get3A_522, %get3A_523] {strides = array<i32>} : memref<32x768xf32, #tpu.memory_space<vmem>>, vector<1x16xf32>,
        %get3A_525 = vector.shape_cast %get3A_524 : vector<1x16xf32> to vector<16xf32>
        %add3A_526 = arith.addf %get3A_521, %get3A_525 : vector<16xf32>
        %mul3A_527 = arith.constant 2.000000e+00 : f32
        %mul3A_528 = vector.broadcast %mul3A_527 : f32 to vector<16xf32>
        %mul3A_529 = arith.mulf %add3A_526, %mul3A_528 : vector<16xf32>
        %swap3A_530 = arith.index_cast %scan3A_366 : i32 to index
        %swap3A_531 = arith.constant 144 : index
        %swap3A_532 = tpu.vector_load %arg11[%swap3A_530, %swap3A_531] {strides = array<i32>} : memref<32x768xf32, #tpu.memory_space<vmem>>, vector<1x16xf32>,
        %swap3A_533 = vector.shape_cast %swap3A_532 : vector<1x16xf32> to vector<16xf32>
        %swap3A_534 = vector.shape_cast %mul3A_529 : vector<16xf32> to vector<1x16xf32>
        tpu.vector_store %arg11[%swap3A_530, %swap3A_531], %swap3A_534 {strides = array<i32>} : memref<32x768xf32, #tpu.memory_space<vmem>>, vector<1x16xf32>,
        %get3A_535 = arith.index_cast %scan3A_366 : i32 to index
        %get3A_536 = arith.constant 160 : index
        %get3A_537 = tpu.vector_load %arg11[%get3A_535, %get3A_536] {strides = array<i32>} : memref<32x768xf32, #tpu.memory_space<vmem>>, vector<1x16xf32>,
        %get3A_538 = vector.shape_cast %get3A_537 : vector<1x16xf32> to vector<16xf32>
        %get3A_539 = arith.index_cast %scan3A_366 : i32 to index
        %get3A_540 = arith.constant 160 : index
        %get3A_541 = tpu.vector_load %arg7[%get3A_539, %get3A_540] {strides = array<i32>} : memref<32x768xf32, #tpu.memory_space<vmem>>, vector<1x16xf32>,
        %get3A_542 = vector.shape_cast %get3A_541 : vector<1x16xf32> to vector<16xf32>
        %add3A_543 = arith.addf %get3A_538, %get3A_542 : vector<16xf32>
        %mul3A_544 = arith.constant 2.000000e+00 : f32
        %mul3A_545 = vector.broadcast %mul3A_544 : f32 to vector<16xf32>
        %mul3A_546 = arith.mulf %add3A_543, %mul3A_545 : vector<16xf32>
        %swap3A_547 = arith.index_cast %scan3A_366 : i32 to index
        %swap3A_548 = arith.constant 160 : index
        %swap3A_549 = tpu.vector_load %arg11[%swap3A_547, %swap3A_548] {strides = array<i32>} : memref<32x768xf32, #tpu.memory_space<vmem>>, vector<1x16xf32>,
        %swap3A_550 = vector.shape_cast %swap3A_549 : vector<1x16xf32> to vector<16xf32>
        %swap3A_551 = vector.shape_cast %mul3A_546 : vector<16xf32> to vector<1x16xf32>
        tpu.vector_store %arg11[%swap3A_547, %swap3A_548], %swap3A_551 {strides = array<i32>} : memref<32x768xf32, #tpu.memory_space<vmem>>, vector<1x16xf32>,
        %get3A_552 = arith.index_cast %scan3A_366 : i32 to index
        %get3A_553 = arith.constant 176 : index
        %get3A_554 = tpu.vector_load %arg11[%get3A_552, %get3A_553] {strides = array<i32>} : memref<32x768xf32, #tpu.memory_space<vmem>>, vector<1x16xf32>,
        %get3A_555 = vector.shape_cast %get3A_554 : vector<1x16xf32> to vector<16xf32>
        %get3A_556 = arith.index_cast %scan3A_366 : i32 to index
        %get3A_557 = arith.constant 176 : index
        %get3A_558 = tpu.vector_load %arg7[%get3A_556, %get3A_557] {strides = array<i32>} : memref<32x768xf32, #tpu.memory_space<vmem>>, vector<1x16xf32>,
        %get3A_559 = vector.shape_cast %get3A_558 : vector<1x16xf32> to vector<16xf32>
        %add3A_560 = arith.addf %get3A_555, %get3A_559 : vector<16xf32>
        %mul3A_561 = arith.constant 2.000000e+00 : f32
        %mul3A_562 = vector.broadcast %mul3A_561 : f32 to vector<16xf32>
        %mul3A_563 = arith.mulf %add3A_560, %mul3A_562 : vector<16xf32>
        %swap3A_564 = arith.index_cast %scan3A_366 : i32 to index
        %swap3A_565 = arith.constant 176 : index
        %swap3A_566 = tpu.vector_load %arg11[%swap3A_564, %swap3A_565] {strides = array<i32>} : memref<32x768xf32, #tpu.memory_space<vmem>>, vector<1x16xf32>,
        %swap3A_567 = vector.shape_cast %swap3A_566 : vector<1x16xf32> to vector<16xf32>
        %swap3A_568 = vector.shape_cast %mul3A_563 : vector<16xf32> to vector<1x16xf32>
        tpu.vector_store %arg11[%swap3A_564, %swap3A_565], %swap3A_568 {strides = array<i32>} : memref<32x768xf32, #tpu.memory_space<vmem>>, vector<1x16xf32>,
        %get3A_569 = arith.index_cast %scan3A_366 : i32 to index
        %get3A_570 = arith.constant 192 : index
        %get3A_571 = tpu.vector_load %arg11[%get3A_569, %get3A_570] {strides = array<i32>} : memref<32x768xf32, #tpu.memory_space<vmem>>, vector<1x16xf32>,
        %get3A_572 = vector.shape_cast %get3A_571 : vector<1x16xf32> to vector<16xf32>
        %get3A_573 = arith.index_cast %scan3A_366 : i32 to index
        %get3A_574 = arith.constant 192 : index
        %get3A_575 = tpu.vector_load %arg7[%get3A_573, %get3A_574] {strides = array<i32>} : memref<32x768xf32, #tpu.memory_space<vmem>>, vector<1x16xf32>,
        %get3A_576 = vector.shape_cast %get3A_575 : vector<1x16xf32> to vector<16xf32>
        %add3A_577 = arith.addf %get3A_572, %get3A_576 : vector<16xf32>
        %mul3A_578 = arith.constant 2.000000e+00 : f32
        %mul3A_579 = vector.broadcast %mul3A_578 : f32 to vector<16xf32>
        %mul3A_580 = arith.mulf %add3A_577, %mul3A_579 : vector<16xf32>
        %swap3A_581 = arith.index_cast %scan3A_366 : i32 to index
        %swap3A_582 = arith.constant 192 : index
        %swap3A_583 = tpu.vector_load %arg11[%swap3A_581, %swap3A_582] {strides = array<i32>} : memref<32x768xf32, #tpu.memory_space<vmem>>, vector<1x16xf32>,
        %swap3A_584 = vector.shape_cast %swap3A_583 : vector<1x16xf32> to vector<16xf32>
        %swap3A_585 = vector.shape_cast %mul3A_580 : vector<16xf32> to vector<1x16xf32>
        tpu.vector_store %arg11[%swap3A_581, %swap3A_582], %swap3A_585 {strides = array<i32>} : memref<32x768xf32, #tpu.memory_space<vmem>>, vector<1x16xf32>,
        %get3A_586 = arith.index_cast %scan3A_366 : i32 to index
        %get3A_587 = arith.constant 208 : index
        %get3A_588 = tpu.vector_load %arg11[%get3A_586, %get3A_587] {strides = array<i32>} : memref<32x768xf32, #tpu.memory_space<vmem>>, vector<1x16xf32>,
        %get3A_589 = vector.shape_cast %get3A_588 : vector<1x16xf32> to vector<16xf32>
        %get3A_590 = arith.index_cast %scan3A_366 : i32 to index
        %get3A_591 = arith.constant 208 : index
        %get3A_592 = tpu.vector_load %arg7[%get3A_590, %get3A_591] {strides = array<i32>} : memref<32x768xf32, #tpu.memory_space<vmem>>, vector<1x16xf32>,
        %get3A_593 = vector.shape_cast %get3A_592 : vector<1x16xf32> to vector<16xf32>
        %add3A_594 = arith.addf %get3A_589, %get3A_593 : vector<16xf32>
        %mul3A_595 = arith.constant 2.000000e+00 : f32
        %mul3A_596 = vector.broadcast %mul3A_595 : f32 to vector<16xf32>
        %mul3A_597 = arith.mulf %add3A_594, %mul3A_596 : vector<16xf32>
        %swap3A_598 = arith.index_cast %scan3A_366 : i32 to index
        %swap3A_599 = arith.constant 208 : index
        %swap3A_600 = tpu.vector_load %arg11[%swap3A_598, %swap3A_599] {strides = array<i32>} : memref<32x768xf32, #tpu.memory_space<vmem>>, vector<1x16xf32>,
        %swap3A_601 = vector.shape_cast %swap3A_600 : vector<1x16xf32> to vector<16xf32>
        %swap3A_602 = vector.shape_cast %mul3A_597 : vector<16xf32> to vector<1x16xf32>
        tpu.vector_store %arg11[%swap3A_598, %swap3A_599], %swap3A_602 {strides = array<i32>} : memref<32x768xf32, #tpu.memory_space<vmem>>, vector<1x16xf32>,
        %get3A_603 = arith.index_cast %scan3A_366 : i32 to index
        %get3A_604 = arith.constant 224 : index
        %get3A_605 = tpu.vector_load %arg11[%get3A_603, %get3A_604] {strides = array<i32>} : memref<32x768xf32, #tpu.memory_space<vmem>>, vector<1x16xf32>,
        %get3A_606 = vector.shape_cast %get3A_605 : vector<1x16xf32> to vector<16xf32>
        %get3A_607 = arith.index_cast %scan3A_366 : i32 to index
        %get3A_608 = arith.constant 224 : index
        %get3A_609 = tpu.vector_load %arg7[%get3A_607, %get3A_608] {strides = array<i32>} : memref<32x768xf32, #tpu.memory_space<vmem>>, vector<1x16xf32>,
        %get3A_610 = vector.shape_cast %get3A_609 : vector<1x16xf32> to vector<16xf32>
        %add3A_611 = arith.addf %get3A_606, %get3A_610 : vector<16xf32>
        %mul3A_612 = arith.constant 2.000000e+00 : f32
        %mul3A_613 = vector.broadcast %mul3A_612 : f32 to vector<16xf32>
        %mul3A_614 = arith.mulf %add3A_611, %mul3A_613 : vector<16xf32>
        %swap3A_615 = arith.index_cast %scan3A_366 : i32 to index
        %swap3A_616 = arith.constant 224 : index
        %swap3A_617 = tpu.vector_load %arg11[%swap3A_615, %swap3A_616] {strides = array<i32>} : memref<32x768xf32, #tpu.memory_space<vmem>>, vector<1x16xf32>,
        %swap3A_618 = vector.shape_cast %swap3A_617 : vector<1x16xf32> to vector<16xf32>
        %swap3A_619 = vector.shape_cast %mul3A_614 : vector<16xf32> to vector<1x16xf32>
        tpu.vector_store %arg11[%swap3A_615, %swap3A_616], %swap3A_619 {strides = array<i32>} : memref<32x768xf32, #tpu.memory_space<vmem>>, vector<1x16xf32>,
        %get3A_620 = arith.index_cast %scan3A_366 : i32 to index
        %get3A_621 = arith.constant 240 : index
        %get3A_622 = tpu.vector_load %arg11[%get3A_620, %get3A_621] {strides = array<i32>} : memref<32x768xf32, #tpu.memory_space<vmem>>, vector<1x16xf32>,
        %get3A_623 = vector.shape_cast %get3A_622 : vector<1x16xf32> to vector<16xf32>
        %get3A_624 = arith.index_cast %scan3A_366 : i32 to index
        %get3A_625 = arith.constant 240 : index
        %get3A_626 = tpu.vector_load %arg7[%get3A_624, %get3A_625] {strides = array<i32>} : memref<32x768xf32, #tpu.memory_space<vmem>>, vector<1x16xf32>,
        %get3A_627 = vector.shape_cast %get3A_626 : vector<1x16xf32> to vector<16xf32>
        %add3A_628 = arith.addf %get3A_623, %get3A_627 : vector<16xf32>
        %mul3A_629 = arith.constant 2.000000e+00 : f32
        %mul3A_630 = vector.broadcast %mul3A_629 : f32 to vector<16xf32>
        %mul3A_631 = arith.mulf %add3A_628, %mul3A_630 : vector<16xf32>
        %swap3A_632 = arith.index_cast %scan3A_366 : i32 to index
        %swap3A_633 = arith.constant 240 : index
        %swap3A_634 = tpu.vector_load %arg11[%swap3A_632, %swap3A_633] {strides = array<i32>} : memref<32x768xf32, #tpu.memory_space<vmem>>, vector<1x16xf32>,
        %swap3A_635 = vector.shape_cast %swap3A_634 : vector<1x16xf32> to vector<16xf32>
        %swap3A_636 = vector.shape_cast %mul3A_631 : vector<16xf32> to vector<1x16xf32>
        tpu.vector_store %arg11[%swap3A_632, %swap3A_633], %swap3A_636 {strides = array<i32>} : memref<32x768xf32, #tpu.memory_space<vmem>>, vector<1x16xf32>,
        %get3A_637 = arith.index_cast %scan3A_366 : i32 to index
        %get3A_638 = arith.constant 256 : index
        %get3A_639 = tpu.vector_load %arg11[%get3A_637, %get3A_638] {strides = array<i32>} : memref<32x768xf32, #tpu.memory_space<vmem>>, vector<1x16xf32>,
        %get3A_640 = vector.shape_cast %get3A_639 : vector<1x16xf32> to vector<16xf32>
        %get3A_641 = arith.index_cast %scan3A_366 : i32 to index
        %get3A_642 = arith.constant 256 : index
        %get3A_643 = tpu.vector_load %arg7[%get3A_641, %get3A_642] {strides = array<i32>} : memref<32x768xf32, #tpu.memory_space<vmem>>, vector<1x16xf32>,
        %get3A_644 = vector.shape_cast %get3A_643 : vector<1x16xf32> to vector<16xf32>
        %add3A_645 = arith.addf %get3A_640, %get3A_644 : vector<16xf32>
        %mul3A_646 = arith.constant 2.000000e+00 : f32
        %mul3A_647 = vector.broadcast %mul3A_646 : f32 to vector<16xf32>
        %mul3A_648 = arith.mulf %add3A_645, %mul3A_647 : vector<16xf32>
        %swap3A_649 = arith.index_cast %scan3A_366 : i32 to index
        %swap3A_650 = arith.constant 256 : index
        %swap3A_651 = tpu.vector_load %arg11[%swap3A_649, %swap3A_650] {strides = array<i32>} : memref<32x768xf32, #tpu.memory_space<vmem>>, vector<1x16xf32>,
        %swap3A_652 = vector.shape_cast %swap3A_651 : vector<1x16xf32> to vector<16xf32>
        %swap3A_653 = vector.shape_cast %mul3A_648 : vector<16xf32> to vector<1x16xf32>
        tpu.vector_store %arg11[%swap3A_649, %swap3A_650], %swap3A_653 {strides = array<i32>} : memref<32x768xf32, #tpu.memory_space<vmem>>, vector<1x16xf32>,
        %get3A_654 = arith.index_cast %scan3A_366 : i32 to index
        %get3A_655 = arith.constant 272 : index
        %get3A_656 = tpu.vector_load %arg11[%get3A_654, %get3A_655] {strides = array<i32>} : memref<32x768xf32, #tpu.memory_space<vmem>>, vector<1x16xf32>,
        %get3A_657 = vector.shape_cast %get3A_656 : vector<1x16xf32> to vector<16xf32>
        %get3A_658 = arith.index_cast %scan3A_366 : i32 to index
        %get3A_659 = arith.constant 272 : index
        %get3A_660 = tpu.vector_load %arg7[%get3A_658, %get3A_659] {strides = array<i32>} : memref<32x768xf32, #tpu.memory_space<vmem>>, vector<1x16xf32>,
        %get3A_661 = vector.shape_cast %get3A_660 : vector<1x16xf32> to vector<16xf32>
        %add3A_662 = arith.addf %get3A_657, %get3A_661 : vector<16xf32>
        %mul3A_663 = arith.constant 2.000000e+00 : f32
        %mul3A_664 = vector.broadcast %mul3A_663 : f32 to vector<16xf32>
        %mul3A_665 = arith.mulf %add3A_662, %mul3A_664 : vector<16xf32>
        %swap3A_666 = arith.index_cast %scan3A_366 : i32 to index
        %swap3A_667 = arith.constant 272 : index
        %swap3A_668 = tpu.vector_load %arg11[%swap3A_666, %swap3A_667] {strides = array<i32>} : memref<32x768xf32, #tpu.memory_space<vmem>>, vector<1x16xf32>,
        %swap3A_669 = vector.shape_cast %swap3A_668 : vector<1x16xf32> to vector<16xf32>
        %swap3A_670 = vector.shape_cast %mul3A_665 : vector<16xf32> to vector<1x16xf32>
        tpu.vector_store %arg11[%swap3A_666, %swap3A_667], %swap3A_670 {strides = array<i32>} : memref<32x768xf32, #tpu.memory_space<vmem>>, vector<1x16xf32>,
        %get3A_671 = arith.index_cast %scan3A_366 : i32 to index
        %get3A_672 = arith.constant 288 : index
        %get3A_673 = tpu.vector_load %arg11[%get3A_671, %get3A_672] {strides = array<i32>} : memref<32x768xf32, #tpu.memory_space<vmem>>, vector<1x16xf32>,
        %get3A_674 = vector.shape_cast %get3A_673 : vector<1x16xf32> to vector<16xf32>
        %get3A_675 = arith.index_cast %scan3A_366 : i32 to index
        %get3A_676 = arith.constant 288 : index
        %get3A_677 = tpu.vector_load %arg7[%get3A_675, %get3A_676] {strides = array<i32>} : memref<32x768xf32, #tpu.memory_space<vmem>>, vector<1x16xf32>,
        %get3A_678 = vector.shape_cast %get3A_677 : vector<1x16xf32> to vector<16xf32>
        %add3A_679 = arith.addf %get3A_674, %get3A_678 : vector<16xf32>
        %mul3A_680 = arith.constant 2.000000e+00 : f32
        %mul3A_681 = vector.broadcast %mul3A_680 : f32 to vector<16xf32>
        %mul3A_682 = arith.mulf %add3A_679, %mul3A_681 : vector<16xf32>
        %swap3A_683 = arith.index_cast %scan3A_366 : i32 to index
        %swap3A_684 = arith.constant 288 : index
        %swap3A_685 = tpu.vector_load %arg11[%swap3A_683, %swap3A_684] {strides = array<i32>} : memref<32x768xf32, #tpu.memory_space<vmem>>, vector<1x16xf32>,
        %swap3A_686 = vector.shape_cast %swap3A_685 : vector<1x16xf32> to vector<16xf32>
        %swap3A_687 = vector.shape_cast %mul3A_682 : vector<16xf32> to vector<1x16xf32>
        tpu.vector_store %arg11[%swap3A_683, %swap3A_684], %swap3A_687 {strides = array<i32>} : memref<32x768xf32, #tpu.memory_space<vmem>>, vector<1x16xf32>,
        %get3A_688 = arith.index_cast %scan3A_366 : i32 to index
        %get3A_689 = arith.constant 304 : index
        %get3A_690 = tpu.vector_load %arg11[%get3A_688, %get3A_689] {strides = array<i32>} : memref<32x768xf32, #tpu.memory_space<vmem>>, vector<1x16xf32>,
        %get3A_691 = vector.shape_cast %get3A_690 : vector<1x16xf32> to vector<16xf32>
        %get3A_692 = arith.index_cast %scan3A_366 : i32 to index
        %get3A_693 = arith.constant 304 : index
        %get3A_694 = tpu.vector_load %arg7[%get3A_692, %get3A_693] {strides = array<i32>} : memref<32x768xf32, #tpu.memory_space<vmem>>, vector<1x16xf32>,
        %get3A_695 = vector.shape_cast %get3A_694 : vector<1x16xf32> to vector<16xf32>
        %add3A_696 = arith.addf %get3A_691, %get3A_695 : vector<16xf32>
        %mul3A_697 = arith.constant 2.000000e+00 : f32
        %mul3A_698 = vector.broadcast %mul3A_697 : f32 to vector<16xf32>
        %mul3A_699 = arith.mulf %add3A_696, %mul3A_698 : vector<16xf32>
        %swap3A_700 = arith.index_cast %scan3A_366 : i32 to index
        %swap3A_701 = arith.constant 304 : index
        %swap3A_702 = tpu.vector_load %arg11[%swap3A_700, %swap3A_701] {strides = array<i32>} : memref<32x768xf32, #tpu.memory_space<vmem>>, vector<1x16xf32>,
        %swap3A_703 = vector.shape_cast %swap3A_702 : vector<1x16xf32> to vector<16xf32>
        %swap3A_704 = vector.shape_cast %mul3A_699 : vector<16xf32> to vector<1x16xf32>
        tpu.vector_store %arg11[%swap3A_700, %swap3A_701], %swap3A_704 {strides = array<i32>} : memref<32x768xf32, #tpu.memory_space<vmem>>, vector<1x16xf32>,
        %get3A_705 = arith.index_cast %scan3A_366 : i32 to index
        %get3A_706 = arith.constant 320 : index
        %get3A_707 = tpu.vector_load %arg11[%get3A_705, %get3A_706] {strides = array<i32>} : memref<32x768xf32, #tpu.memory_space<vmem>>, vector<1x16xf32>,
        %get3A_708 = vector.shape_cast %get3A_707 : vector<1x16xf32> to vector<16xf32>
        %get3A_709 = arith.index_cast %scan3A_366 : i32 to index
        %get3A_710 = arith.constant 320 : index
        %get3A_711 = tpu.vector_load %arg7[%get3A_709, %get3A_710] {strides = array<i32>} : memref<32x768xf32, #tpu.memory_space<vmem>>, vector<1x16xf32>,
        %get3A_712 = vector.shape_cast %get3A_711 : vector<1x16xf32> to vector<16xf32>
        %add3A_713 = arith.addf %get3A_708, %get3A_712 : vector<16xf32>
        %mul3A_714 = arith.constant 2.000000e+00 : f32
        %mul3A_715 = vector.broadcast %mul3A_714 : f32 to vector<16xf32>
        %mul3A_716 = arith.mulf %add3A_713, %mul3A_715 : vector<16xf32>
        %swap3A_717 = arith.index_cast %scan3A_366 : i32 to index
        %swap3A_718 = arith.constant 320 : index
        %swap3A_719 = tpu.vector_load %arg11[%swap3A_717, %swap3A_718] {strides = array<i32>} : memref<32x768xf32, #tpu.memory_space<vmem>>, vector<1x16xf32>,
        %swap3A_720 = vector.shape_cast %swap3A_719 : vector<1x16xf32> to vector<16xf32>
        %swap3A_721 = vector.shape_cast %mul3A_716 : vector<16xf32> to vector<1x16xf32>
        tpu.vector_store %arg11[%swap3A_717, %swap3A_718], %swap3A_721 {strides = array<i32>} : memref<32x768xf32, #tpu.memory_space<vmem>>, vector<1x16xf32>,
        %get3A_722 = arith.index_cast %scan3A_366 : i32 to index
        %get3A_723 = arith.constant 336 : index
        %get3A_724 = tpu.vector_load %arg11[%get3A_722, %get3A_723] {strides = array<i32>} : memref<32x768xf32, #tpu.memory_space<vmem>>, vector<1x16xf32>,
        %get3A_725 = vector.shape_cast %get3A_724 : vector<1x16xf32> to vector<16xf32>
        %get3A_726 = arith.index_cast %scan3A_366 : i32 to index
        %get3A_727 = arith.constant 336 : index
        %get3A_728 = tpu.vector_load %arg7[%get3A_726, %get3A_727] {strides = array<i32>} : memref<32x768xf32, #tpu.memory_space<vmem>>, vector<1x16xf32>,
        %get3A_729 = vector.shape_cast %get3A_728 : vector<1x16xf32> to vector<16xf32>
        %add3A_730 = arith.addf %get3A_725, %get3A_729 : vector<16xf32>
        %mul3A_731 = arith.constant 2.000000e+00 : f32
        %mul3A_732 = vector.broadcast %mul3A_731 : f32 to vector<16xf32>
        %mul3A_733 = arith.mulf %add3A_730, %mul3A_732 : vector<16xf32>
        %swap3A_734 = arith.index_cast %scan3A_366 : i32 to index
        %swap3A_735 = arith.constant 336 : index
        %swap3A_736 = tpu.vector_load %arg11[%swap3A_734, %swap3A_735] {strides = array<i32>} : memref<32x768xf32, #tpu.memory_space<vmem>>, vector<1x16xf32>,
        %swap3A_737 = vector.shape_cast %swap3A_736 : vector<1x16xf32> to vector<16xf32>
        %swap3A_738 = vector.shape_cast %mul3A_733 : vector<16xf32> to vector<1x16xf32>
        tpu.vector_store %arg11[%swap3A_734, %swap3A_735], %swap3A_738 {strides = array<i32>} : memref<32x768xf32, #tpu.memory_space<vmem>>, vector<1x16xf32>,
        %get3A_739 = arith.index_cast %scan3A_366 : i32 to index
        %get3A_740 = arith.constant 352 : index
        %get3A_741 = tpu.vector_load %arg11[%get3A_739, %get3A_740] {strides = array<i32>} : memref<32x768xf32, #tpu.memory_space<vmem>>, vector<1x16xf32>,
        %get3A_742 = vector.shape_cast %get3A_741 : vector<1x16xf32> to vector<16xf32>
        %get3A_743 = arith.index_cast %scan3A_366 : i32 to index
        %get3A_744 = arith.constant 352 : index
        %get3A_745 = tpu.vector_load %arg7[%get3A_743, %get3A_744] {strides = array<i32>} : memref<32x768xf32, #tpu.memory_space<vmem>>, vector<1x16xf32>,
        %get3A_746 = vector.shape_cast %get3A_745 : vector<1x16xf32> to vector<16xf32>
        %add3A_747 = arith.addf %get3A_742, %get3A_746 : vector<16xf32>
        %mul3A_748 = arith.constant 2.000000e+00 : f32
        %mul3A_749 = vector.broadcast %mul3A_748 : f32 to vector<16xf32>
        %mul3A_750 = arith.mulf %add3A_747, %mul3A_749 : vector<16xf32>
        %swap3A_751 = arith.index_cast %scan3A_366 : i32 to index
        %swap3A_752 = arith.constant 352 : index
        %swap3A_753 = tpu.vector_load %arg11[%swap3A_751, %swap3A_752] {strides = array<i32>} : memref<32x768xf32, #tpu.memory_space<vmem>>, vector<1x16xf32>,
        %swap3A_754 = vector.shape_cast %swap3A_753 : vector<1x16xf32> to vector<16xf32>
        %swap3A_755 = vector.shape_cast %mul3A_750 : vector<16xf32> to vector<1x16xf32>
        tpu.vector_store %arg11[%swap3A_751, %swap3A_752], %swap3A_755 {strides = array<i32>} : memref<32x768xf32, #tpu.memory_space<vmem>>, vector<1x16xf32>,
        %get3A_756 = arith.index_cast %scan3A_366 : i32 to index
        %get3A_757 = arith.constant 368 : index
        %get3A_758 = tpu.vector_load %arg11[%get3A_756, %get3A_757] {strides = array<i32>} : memref<32x768xf32, #tpu.memory_space<vmem>>, vector<1x16xf32>,
        %get3A_759 = vector.shape_cast %get3A_758 : vector<1x16xf32> to vector<16xf32>
        %get3A_760 = arith.index_cast %scan3A_366 : i32 to index
        %get3A_761 = arith.constant 368 : index
        %get3A_762 = tpu.vector_load %arg7[%get3A_760, %get3A_761] {strides = array<i32>} : memref<32x768xf32, #tpu.memory_space<vmem>>, vector<1x16xf32>,
        %get3A_763 = vector.shape_cast %get3A_762 : vector<1x16xf32> to vector<16xf32>
        %add3A_764 = arith.addf %get3A_759, %get3A_763 : vector<16xf32>
        %mul3A_765 = arith.constant 2.000000e+00 : f32
        %mul3A_766 = vector.broadcast %mul3A_765 : f32 to vector<16xf32>
        %mul3A_767 = arith.mulf %add3A_764, %mul3A_766 : vector<16xf32>
        %swap3A_768 = arith.index_cast %scan3A_366 : i32 to index
        %swap3A_769 = arith.constant 368 : index
        %swap3A_770 = tpu.vector_load %arg11[%swap3A_768, %swap3A_769] {strides = array<i32>} : memref<32x768xf32, #tpu.memory_space<vmem>>, vector<1x16xf32>,
        %swap3A_771 = vector.shape_cast %swap3A_770 : vector<1x16xf32> to vector<16xf32>
        %swap3A_772 = vector.shape_cast %mul3A_767 : vector<16xf32> to vector<1x16xf32>
        tpu.vector_store %arg11[%swap3A_768, %swap3A_769], %swap3A_772 {strides = array<i32>} : memref<32x768xf32, #tpu.memory_space<vmem>>, vector<1x16xf32>,
        %get3A_773 = arith.index_cast %scan3A_366 : i32 to index
        %get3A_774 = arith.constant 384 : index
        %get3A_775 = tpu.vector_load %arg11[%get3A_773, %get3A_774] {strides = array<i32>} : memref<32x768xf32, #tpu.memory_space<vmem>>, vector<1x16xf32>,
        %get3A_776 = vector.shape_cast %get3A_775 : vector<1x16xf32> to vector<16xf32>
        %get3A_777 = arith.index_cast %scan3A_366 : i32 to index
        %get3A_778 = arith.constant 384 : index
        %get3A_779 = tpu.vector_load %arg7[%get3A_777, %get3A_778] {strides = array<i32>} : memref<32x768xf32, #tpu.memory_space<vmem>>, vector<1x16xf32>,
        %get3A_780 = vector.shape_cast %get3A_779 : vector<1x16xf32> to vector<16xf32>
        %add3A_781 = arith.addf %get3A_776, %get3A_780 : vector<16xf32>
        %mul3A_782 = arith.constant 2.000000e+00 : f32
        %mul3A_783 = vector.broadcast %mul3A_782 : f32 to vector<16xf32>
        %mul3A_784 = arith.mulf %add3A_781, %mul3A_783 : vector<16xf32>
        %swap3A_785 = arith.index_cast %scan3A_366 : i32 to index
        %swap3A_786 = arith.constant 384 : index
        %swap3A_787 = tpu.vector_load %arg11[%swap3A_785, %swap3A_786] {strides = array<i32>} : memref<32x768xf32, #tpu.memory_space<vmem>>, vector<1x16xf32>,
        %swap3A_788 = vector.shape_cast %swap3A_787 : vector<1x16xf32> to vector<16xf32>
        %swap3A_789 = vector.shape_cast %mul3A_784 : vector<16xf32> to vector<1x16xf32>
        tpu.vector_store %arg11[%swap3A_785, %swap3A_786], %swap3A_789 {strides = array<i32>} : memref<32x768xf32, #tpu.memory_space<vmem>>, vector<1x16xf32>,
        %get3A_790 = arith.index_cast %scan3A_366 : i32 to index
        %get3A_791 = arith.constant 400 : index
        %get3A_792 = tpu.vector_load %arg11[%get3A_790, %get3A_791] {strides = array<i32>} : memref<32x768xf32, #tpu.memory_space<vmem>>, vector<1x16xf32>,
        %get3A_793 = vector.shape_cast %get3A_792 : vector<1x16xf32> to vector<16xf32>
        %get3A_794 = arith.index_cast %scan3A_366 : i32 to index
        %get3A_795 = arith.constant 400 : index
        %get3A_796 = tpu.vector_load %arg7[%get3A_794, %get3A_795] {strides = array<i32>} : memref<32x768xf32, #tpu.memory_space<vmem>>, vector<1x16xf32>,
        %get3A_797 = vector.shape_cast %get3A_796 : vector<1x16xf32> to vector<16xf32>
        %add3A_798 = arith.addf %get3A_793, %get3A_797 : vector<16xf32>
        %mul3A_799 = arith.constant 2.000000e+00 : f32
        %mul3A_800 = vector.broadcast %mul3A_799 : f32 to vector<16xf32>
        %mul3A_801 = arith.mulf %add3A_798, %mul3A_800 : vector<16xf32>
        %swap3A_802 = arith.index_cast %scan3A_366 : i32 to index
        %swap3A_803 = arith.constant 400 : index
        %swap3A_804 = tpu.vector_load %arg11[%swap3A_802, %swap3A_803] {strides = array<i32>} : memref<32x768xf32, #tpu.memory_space<vmem>>, vector<1x16xf32>,
        %swap3A_805 = vector.shape_cast %swap3A_804 : vector<1x16xf32> to vector<16xf32>
        %swap3A_806 = vector.shape_cast %mul3A_801 : vector<16xf32> to vector<1x16xf32>
        tpu.vector_store %arg11[%swap3A_802, %swap3A_803], %swap3A_806 {strides = array<i32>} : memref<32x768xf32, #tpu.memory_space<vmem>>, vector<1x16xf32>,
        %get3A_807 = arith.index_cast %scan3A_366 : i32 to index
        %get3A_808 = arith.constant 416 : index
        %get3A_809 = tpu.vector_load %arg11[%get3A_807, %get3A_808] {strides = array<i32>} : memref<32x768xf32, #tpu.memory_space<vmem>>, vector<1x16xf32>,
        %get3A_810 = vector.shape_cast %get3A_809 : vector<1x16xf32> to vector<16xf32>
        %get3A_811 = arith.index_cast %scan3A_366 : i32 to index
        %get3A_812 = arith.constant 416 : index
        %get3A_813 = tpu.vector_load %arg7[%get3A_811, %get3A_812] {strides = array<i32>} : memref<32x768xf32, #tpu.memory_space<vmem>>, vector<1x16xf32>,
        %get3A_814 = vector.shape_cast %get3A_813 : vector<1x16xf32> to vector<16xf32>
        %add3A_815 = arith.addf %get3A_810, %get3A_814 : vector<16xf32>
        %mul3A_816 = arith.constant 2.000000e+00 : f32
        %mul3A_817 = vector.broadcast %mul3A_816 : f32 to vector<16xf32>
        %mul3A_818 = arith.mulf %add3A_815, %mul3A_817 : vector<16xf32>
        %swap3A_819 = arith.index_cast %scan3A_366 : i32 to index
        %swap3A_820 = arith.constant 416 : index
        %swap3A_821 = tpu.vector_load %arg11[%swap3A_819, %swap3A_820] {strides = array<i32>} : memref<32x768xf32, #tpu.memory_space<vmem>>, vector<1x16xf32>,
        %swap3A_822 = vector.shape_cast %swap3A_821 : vector<1x16xf32> to vector<16xf32>
        %swap3A_823 = vector.shape_cast %mul3A_818 : vector<16xf32> to vector<1x16xf32>
        tpu.vector_store %arg11[%swap3A_819, %swap3A_820], %swap3A_823 {strides = array<i32>} : memref<32x768xf32, #tpu.memory_space<vmem>>, vector<1x16xf32>,
        %get3A_824 = arith.index_cast %scan3A_366 : i32 to index
        %get3A_825 = arith.constant 432 : index
        %get3A_826 = tpu.vector_load %arg11[%get3A_824, %get3A_825] {strides = array<i32>} : memref<32x768xf32, #tpu.memory_space<vmem>>, vector<1x16xf32>,
        %get3A_827 = vector.shape_cast %get3A_826 : vector<1x16xf32> to vector<16xf32>
        %get3A_828 = arith.index_cast %scan3A_366 : i32 to index
        %get3A_829 = arith.constant 432 : index
        %get3A_830 = tpu.vector_load %arg7[%get3A_828, %get3A_829] {strides = array<i32>} : memref<32x768xf32, #tpu.memory_space<vmem>>, vector<1x16xf32>,
        %get3A_831 = vector.shape_cast %get3A_830 : vector<1x16xf32> to vector<16xf32>
        %add3A_832 = arith.addf %get3A_827, %get3A_831 : vector<16xf32>
        %mul3A_833 = arith.constant 2.000000e+00 : f32
        %mul3A_834 = vector.broadcast %mul3A_833 : f32 to vector<16xf32>
        %mul3A_835 = arith.mulf %add3A_832, %mul3A_834 : vector<16xf32>
        %swap3A_836 = arith.index_cast %scan3A_366 : i32 to index
        %swap3A_837 = arith.constant 432 : index
        %swap3A_838 = tpu.vector_load %arg11[%swap3A_836, %swap3A_837] {strides = array<i32>} : memref<32x768xf32, #tpu.memory_space<vmem>>, vector<1x16xf32>,
        %swap3A_839 = vector.shape_cast %swap3A_838 : vector<1x16xf32> to vector<16xf32>
        %swap3A_840 = vector.shape_cast %mul3A_835 : vector<16xf32> to vector<1x16xf32>
        tpu.vector_store %arg11[%swap3A_836, %swap3A_837], %swap3A_840 {strides = array<i32>} : memref<32x768xf32, #tpu.memory_space<vmem>>, vector<1x16xf32>,
        %get3A_841 = arith.index_cast %scan3A_366 : i32 to index
        %get3A_842 = arith.constant 448 : index
        %get3A_843 = tpu.vector_load %arg11[%get3A_841, %get3A_842] {strides = array<i32>} : memref<32x768xf32, #tpu.memory_space<vmem>>, vector<1x16xf32>,
        %get3A_844 = vector.shape_cast %get3A_843 : vector<1x16xf32> to vector<16xf32>
        %get3A_845 = arith.index_cast %scan3A_366 : i32 to index
        %get3A_846 = arith.constant 448 : index
        %get3A_847 = tpu.vector_load %arg7[%get3A_845, %get3A_846] {strides = array<i32>} : memref<32x768xf32, #tpu.memory_space<vmem>>, vector<1x16xf32>,
        %get3A_848 = vector.shape_cast %get3A_847 : vector<1x16xf32> to vector<16xf32>
        %add3A_849 = arith.addf %get3A_844, %get3A_848 : vector<16xf32>
        %mul3A_850 = arith.constant 2.000000e+00 : f32
        %mul3A_851 = vector.broadcast %mul3A_850 : f32 to vector<16xf32>
        %mul3A_852 = arith.mulf %add3A_849, %mul3A_851 : vector<16xf32>
        %swap3A_853 = arith.index_cast %scan3A_366 : i32 to index
        %swap3A_854 = arith.constant 448 : index
        %swap3A_855 = tpu.vector_load %arg11[%swap3A_853, %swap3A_854] {strides = array<i32>} : memref<32x768xf32, #tpu.memory_space<vmem>>, vector<1x16xf32>,
        %swap3A_856 = vector.shape_cast %swap3A_855 : vector<1x16xf32> to vector<16xf32>
        %swap3A_857 = vector.shape_cast %mul3A_852 : vector<16xf32> to vector<1x16xf32>
        tpu.vector_store %arg11[%swap3A_853, %swap3A_854], %swap3A_857 {strides = array<i32>} : memref<32x768xf32, #tpu.memory_space<vmem>>, vector<1x16xf32>,
        %get3A_858 = arith.index_cast %scan3A_366 : i32 to index
        %get3A_859 = arith.constant 464 : index
        %get3A_860 = tpu.vector_load %arg11[%get3A_858, %get3A_859] {strides = array<i32>} : memref<32x768xf32, #tpu.memory_space<vmem>>, vector<1x16xf32>,
        %get3A_861 = vector.shape_cast %get3A_860 : vector<1x16xf32> to vector<16xf32>
        %get3A_862 = arith.index_cast %scan3A_366 : i32 to index
        %get3A_863 = arith.constant 464 : index
        %get3A_864 = tpu.vector_load %arg7[%get3A_862, %get3A_863] {strides = array<i32>} : memref<32x768xf32, #tpu.memory_space<vmem>>, vector<1x16xf32>,
        %get3A_865 = vector.shape_cast %get3A_864 : vector<1x16xf32> to vector<16xf32>
        %add3A_866 = arith.addf %get3A_861, %get3A_865 : vector<16xf32>
        %mul3A_867 = arith.constant 2.000000e+00 : f32
        %mul3A_868 = vector.broadcast %mul3A_867 : f32 to vector<16xf32>
        %mul3A_869 = arith.mulf %add3A_866, %mul3A_868 : vector<16xf32>
        %swap3A_870 = arith.index_cast %scan3A_366 : i32 to index
        %swap3A_871 = arith.constant 464 : index
        %swap3A_872 = tpu.vector_load %arg11[%swap3A_870, %swap3A_871] {strides = array<i32>} : memref<32x768xf32, #tpu.memory_space<vmem>>, vector<1x16xf32>,
        %swap3A_873 = vector.shape_cast %swap3A_872 : vector<1x16xf32> to vector<16xf32>
        %swap3A_874 = vector.shape_cast %mul3A_869 : vector<16xf32> to vector<1x16xf32>
        tpu.vector_store %arg11[%swap3A_870, %swap3A_871], %swap3A_874 {strides = array<i32>} : memref<32x768xf32, #tpu.memory_space<vmem>>, vector<1x16xf32>,
        %get3A_875 = arith.index_cast %scan3A_366 : i32 to index
        %get3A_876 = arith.constant 480 : index
        %get3A_877 = tpu.vector_load %arg11[%get3A_875, %get3A_876] {strides = array<i32>} : memref<32x768xf32, #tpu.memory_space<vmem>>, vector<1x16xf32>,
        %get3A_878 = vector.shape_cast %get3A_877 : vector<1x16xf32> to vector<16xf32>
        %get3A_879 = arith.index_cast %scan3A_366 : i32 to index
        %get3A_880 = arith.constant 480 : index
        %get3A_881 = tpu.vector_load %arg7[%get3A_879, %get3A_880] {strides = array<i32>} : memref<32x768xf32, #tpu.memory_space<vmem>>, vector<1x16xf32>,
        %get3A_882 = vector.shape_cast %get3A_881 : vector<1x16xf32> to vector<16xf32>
        %add3A_883 = arith.addf %get3A_878, %get3A_882 : vector<16xf32>
        %mul3A_884 = arith.constant 2.000000e+00 : f32
        %mul3A_885 = vector.broadcast %mul3A_884 : f32 to vector<16xf32>
        %mul3A_886 = arith.mulf %add3A_883, %mul3A_885 : vector<16xf32>
        %swap3A_887 = arith.index_cast %scan3A_366 : i32 to index
        %swap3A_888 = arith.constant 480 : index
        %swap3A_889 = tpu.vector_load %arg11[%swap3A_887, %swap3A_888] {strides = array<i32>} : memref<32x768xf32, #tpu.memory_space<vmem>>, vector<1x16xf32>,
        %swap3A_890 = vector.shape_cast %swap3A_889 : vector<1x16xf32> to vector<16xf32>
        %swap3A_891 = vector.shape_cast %mul3A_886 : vector<16xf32> to vector<1x16xf32>
        tpu.vector_store %arg11[%swap3A_887, %swap3A_888], %swap3A_891 {strides = array<i32>} : memref<32x768xf32, #tpu.memory_space<vmem>>, vector<1x16xf32>,
        %get3A_892 = arith.index_cast %scan3A_366 : i32 to index
        %get3A_893 = arith.constant 496 : index
        %get3A_894 = tpu.vector_load %arg11[%get3A_892, %get3A_893] {strides = array<i32>} : memref<32x768xf32, #tpu.memory_space<vmem>>, vector<1x16xf32>,
        %get3A_895 = vector.shape_cast %get3A_894 : vector<1x16xf32> to vector<16xf32>
        %get3A_896 = arith.index_cast %scan3A_366 : i32 to index
        %get3A_897 = arith.constant 496 : index
        %get3A_898 = tpu.vector_load %arg7[%get3A_896, %get3A_897] {strides = array<i32>} : memref<32x768xf32, #tpu.memory_space<vmem>>, vector<1x16xf32>,
        %get3A_899 = vector.shape_cast %get3A_898 : vector<1x16xf32> to vector<16xf32>
        %add3A_900 = arith.addf %get3A_895, %get3A_899 : vector<16xf32>
        %mul3A_901 = arith.constant 2.000000e+00 : f32
        %mul3A_902 = vector.broadcast %mul3A_901 : f32 to vector<16xf32>
        %mul3A_903 = arith.mulf %add3A_900, %mul3A_902 : vector<16xf32>
        %swap3A_904 = arith.index_cast %scan3A_366 : i32 to index
        %swap3A_905 = arith.constant 496 : index
        %swap3A_906 = tpu.vector_load %arg11[%swap3A_904, %swap3A_905] {strides = array<i32>} : memref<32x768xf32, #tpu.memory_space<vmem>>, vector<1x16xf32>,
        %swap3A_907 = vector.shape_cast %swap3A_906 : vector<1x16xf32> to vector<16xf32>
        %swap3A_908 = vector.shape_cast %mul3A_903 : vector<16xf32> to vector<1x16xf32>
        tpu.vector_store %arg11[%swap3A_904, %swap3A_905], %swap3A_908 {strides = array<i32>} : memref<32x768xf32, #tpu.memory_space<vmem>>, vector<1x16xf32>,
        %get3A_909 = arith.index_cast %scan3A_366 : i32 to index
        %get3A_910 = arith.constant 512 : index
        %get3A_911 = tpu.vector_load %arg11[%get3A_909, %get3A_910] {strides = array<i32>} : memref<32x768xf32, #tpu.memory_space<vmem>>, vector<1x16xf32>,
        %get3A_912 = vector.shape_cast %get3A_911 : vector<1x16xf32> to vector<16xf32>
        %get3A_913 = arith.index_cast %scan3A_366 : i32 to index
        %get3A_914 = arith.constant 512 : index
        %get3A_915 = tpu.vector_load %arg7[%get3A_913, %get3A_914] {strides = array<i32>} : memref<32x768xf32, #tpu.memory_space<vmem>>, vector<1x16xf32>,
        %get3A_916 = vector.shape_cast %get3A_915 : vector<1x16xf32> to vector<16xf32>
        %add3A_917 = arith.addf %get3A_912, %get3A_916 : vector<16xf32>
        %mul3A_918 = arith.constant 2.000000e+00 : f32
        %mul3A_919 = vector.broadcast %mul3A_918 : f32 to vector<16xf32>
        %mul3A_920 = arith.mulf %add3A_917, %mul3A_919 : vector<16xf32>
        %swap3A_921 = arith.index_cast %scan3A_366 : i32 to index
        %swap3A_922 = arith.constant 512 : index
        %swap3A_923 = tpu.vector_load %arg11[%swap3A_921, %swap3A_922] {strides = array<i32>} : memref<32x768xf32, #tpu.memory_space<vmem>>, vector<1x16xf32>,
        %swap3A_924 = vector.shape_cast %swap3A_923 : vector<1x16xf32> to vector<16xf32>
        %swap3A_925 = vector.shape_cast %mul3A_920 : vector<16xf32> to vector<1x16xf32>
        tpu.vector_store %arg11[%swap3A_921, %swap3A_922], %swap3A_925 {strides = array<i32>} : memref<32x768xf32, #tpu.memory_space<vmem>>, vector<1x16xf32>,
        %get3A_926 = arith.index_cast %scan3A_366 : i32 to index
        %get3A_927 = arith.constant 528 : index
        %get3A_928 = tpu.vector_load %arg11[%get3A_926, %get3A_927] {strides = array<i32>} : memref<32x768xf32, #tpu.memory_space<vmem>>, vector<1x16xf32>,
        %get3A_929 = vector.shape_cast %get3A_928 : vector<1x16xf32> to vector<16xf32>
        %get3A_930 = arith.index_cast %scan3A_366 : i32 to index
        %get3A_931 = arith.constant 528 : index
        %get3A_932 = tpu.vector_load %arg7[%get3A_930, %get3A_931] {strides = array<i32>} : memref<32x768xf32, #tpu.memory_space<vmem>>, vector<1x16xf32>,
        %get3A_933 = vector.shape_cast %get3A_932 : vector<1x16xf32> to vector<16xf32>
        %add3A_934 = arith.addf %get3A_929, %get3A_933 : vector<16xf32>
        %mul3A_935 = arith.constant 2.000000e+00 : f32
        %mul3A_936 = vector.broadcast %mul3A_935 : f32 to vector<16xf32>
        %mul3A_937 = arith.mulf %add3A_934, %mul3A_936 : vector<16xf32>
        %swap3A_938 = arith.index_cast %scan3A_366 : i32 to index
        %swap3A_939 = arith.constant 528 : index
        %swap3A_940 = tpu.vector_load %arg11[%swap3A_938, %swap3A_939] {strides = array<i32>} : memref<32x768xf32, #tpu.memory_space<vmem>>, vector<1x16xf32>,
        %swap3A_941 = vector.shape_cast %swap3A_940 : vector<1x16xf32> to vector<16xf32>
        %swap3A_942 = vector.shape_cast %mul3A_937 : vector<16xf32> to vector<1x16xf32>
        tpu.vector_store %arg11[%swap3A_938, %swap3A_939], %swap3A_942 {strides = array<i32>} : memref<32x768xf32, #tpu.memory_space<vmem>>, vector<1x16xf32>,
        %get3A_943 = arith.index_cast %scan3A_366 : i32 to index
        %get3A_944 = arith.constant 544 : index
        %get3A_945 = tpu.vector_load %arg11[%get3A_943, %get3A_944] {strides = array<i32>} : memref<32x768xf32, #tpu.memory_space<vmem>>, vector<1x16xf32>,
        %get3A_946 = vector.shape_cast %get3A_945 : vector<1x16xf32> to vector<16xf32>
        %get3A_947 = arith.index_cast %scan3A_366 : i32 to index
        %get3A_948 = arith.constant 544 : index
        %get3A_949 = tpu.vector_load %arg7[%get3A_947, %get3A_948] {strides = array<i32>} : memref<32x768xf32, #tpu.memory_space<vmem>>, vector<1x16xf32>,
        %get3A_950 = vector.shape_cast %get3A_949 : vector<1x16xf32> to vector<16xf32>
        %add3A_951 = arith.addf %get3A_946, %get3A_950 : vector<16xf32>
        %mul3A_952 = arith.constant 2.000000e+00 : f32
        %mul3A_953 = vector.broadcast %mul3A_952 : f32 to vector<16xf32>
        %mul3A_954 = arith.mulf %add3A_951, %mul3A_953 : vector<16xf32>
        %swap3A_955 = arith.index_cast %scan3A_366 : i32 to index
        %swap3A_956 = arith.constant 544 : index
        %swap3A_957 = tpu.vector_load %arg11[%swap3A_955, %swap3A_956] {strides = array<i32>} : memref<32x768xf32, #tpu.memory_space<vmem>>, vector<1x16xf32>,
        %swap3A_958 = vector.shape_cast %swap3A_957 : vector<1x16xf32> to vector<16xf32>
        %swap3A_959 = vector.shape_cast %mul3A_954 : vector<16xf32> to vector<1x16xf32>
        tpu.vector_store %arg11[%swap3A_955, %swap3A_956], %swap3A_959 {strides = array<i32>} : memref<32x768xf32, #tpu.memory_space<vmem>>, vector<1x16xf32>,
        %get3A_960 = arith.index_cast %scan3A_366 : i32 to index
        %get3A_961 = arith.constant 560 : index
        %get3A_962 = tpu.vector_load %arg11[%get3A_960, %get3A_961] {strides = array<i32>} : memref<32x768xf32, #tpu.memory_space<vmem>>, vector<1x16xf32>,
        %get3A_963 = vector.shape_cast %get3A_962 : vector<1x16xf32> to vector<16xf32>
        %get3A_964 = arith.index_cast %scan3A_366 : i32 to index
        %get3A_965 = arith.constant 560 : index
        %get3A_966 = tpu.vector_load %arg7[%get3A_964, %get3A_965] {strides = array<i32>} : memref<32x768xf32, #tpu.memory_space<vmem>>, vector<1x16xf32>,
        %get3A_967 = vector.shape_cast %get3A_966 : vector<1x16xf32> to vector<16xf32>
        %add3A_968 = arith.addf %get3A_963, %get3A_967 : vector<16xf32>
        %mul3A_969 = arith.constant 2.000000e+00 : f32
        %mul3A_970 = vector.broadcast %mul3A_969 : f32 to vector<16xf32>
        %mul3A_971 = arith.mulf %add3A_968, %mul3A_970 : vector<16xf32>
        %swap3A_972 = arith.index_cast %scan3A_366 : i32 to index
        %swap3A_973 = arith.constant 560 : index
        %swap3A_974 = tpu.vector_load %arg11[%swap3A_972, %swap3A_973] {strides = array<i32>} : memref<32x768xf32, #tpu.memory_space<vmem>>, vector<1x16xf32>,
        %swap3A_975 = vector.shape_cast %swap3A_974 : vector<1x16xf32> to vector<16xf32>
        %swap3A_976 = vector.shape_cast %mul3A_971 : vector<16xf32> to vector<1x16xf32>
        tpu.vector_store %arg11[%swap3A_972, %swap3A_973], %swap3A_976 {strides = array<i32>} : memref<32x768xf32, #tpu.memory_space<vmem>>, vector<1x16xf32>,
        %get3A_977 = arith.index_cast %scan3A_366 : i32 to index
        %get3A_978 = arith.constant 576 : index
        %get3A_979 = tpu.vector_load %arg11[%get3A_977, %get3A_978] {strides = array<i32>} : memref<32x768xf32, #tpu.memory_space<vmem>>, vector<1x16xf32>,
        %get3A_980 = vector.shape_cast %get3A_979 : vector<1x16xf32> to vector<16xf32>
        %get3A_981 = arith.index_cast %scan3A_366 : i32 to index
        %get3A_982 = arith.constant 576 : index
        %get3A_983 = tpu.vector_load %arg7[%get3A_981, %get3A_982] {strides = array<i32>} : memref<32x768xf32, #tpu.memory_space<vmem>>, vector<1x16xf32>,
        %get3A_984 = vector.shape_cast %get3A_983 : vector<1x16xf32> to vector<16xf32>
        %add3A_985 = arith.addf %get3A_980, %get3A_984 : vector<16xf32>
        %mul3A_986 = arith.constant 2.000000e+00 : f32
        %mul3A_987 = vector.broadcast %mul3A_986 : f32 to vector<16xf32>
        %mul3A_988 = arith.mulf %add3A_985, %mul3A_987 : vector<16xf32>
        %swap3A_989 = arith.index_cast %scan3A_366 : i32 to index
        %swap3A_990 = arith.constant 576 : index
        %swap3A_991 = tpu.vector_load %arg11[%swap3A_989, %swap3A_990] {strides = array<i32>} : memref<32x768xf32, #tpu.memory_space<vmem>>, vector<1x16xf32>,
        %swap3A_992 = vector.shape_cast %swap3A_991 : vector<1x16xf32> to vector<16xf32>
        %swap3A_993 = vector.shape_cast %mul3A_988 : vector<16xf32> to vector<1x16xf32>
        tpu.vector_store %arg11[%swap3A_989, %swap3A_990], %swap3A_993 {strides = array<i32>} : memref<32x768xf32, #tpu.memory_space<vmem>>, vector<1x16xf32>,
        %get3A_994 = arith.index_cast %scan3A_366 : i32 to index
        %get3A_995 = arith.constant 592 : index
        %get3A_996 = tpu.vector_load %arg11[%get3A_994, %get3A_995] {strides = array<i32>} : memref<32x768xf32, #tpu.memory_space<vmem>>, vector<1x16xf32>,
        %get3A_997 = vector.shape_cast %get3A_996 : vector<1x16xf32> to vector<16xf32>
        %get3A_998 = arith.index_cast %scan3A_366 : i32 to index
        %get3A_999 = arith.constant 592 : index
        %get3A_1000 = tpu.vector_load %arg7[%get3A_998, %get3A_999] {strides = array<i32>} : memref<32x768xf32, #tpu.memory_space<vmem>>, vector<1x16xf32>,
        %get3A_1001 = vector.shape_cast %get3A_1000 : vector<1x16xf32> to vector<16xf32>
        %add3A_1002 = arith.addf %get3A_997, %get3A_1001 : vector<16xf32>
        %mul3A_1003 = arith.constant 2.000000e+00 : f32
        %mul3A_1004 = vector.broadcast %mul3A_1003 : f32 to vector<16xf32>
        %mul3A_1005 = arith.mulf %add3A_1002, %mul3A_1004 : vector<16xf32>
        %swap3A_1006 = arith.index_cast %scan3A_366 : i32 to index
        %swap3A_1007 = arith.constant 592 : index
        %swap3A_1008 = tpu.vector_load %arg11[%swap3A_1006, %swap3A_1007] {strides = array<i32>} : memref<32x768xf32, #tpu.memory_space<vmem>>, vector<1x16xf32>,
        %swap3A_1009 = vector.shape_cast %swap3A_1008 : vector<1x16xf32> to vector<16xf32>
        %swap3A_1010 = vector.shape_cast %mul3A_1005 : vector<16xf32> to vector<1x16xf32>
        tpu.vector_store %arg11[%swap3A_1006, %swap3A_1007], %swap3A_1010 {strides = array<i32>} : memref<32x768xf32, #tpu.memory_space<vmem>>, vector<1x16xf32>,
        %get3A_1011 = arith.index_cast %scan3A_366 : i32 to index
        %get3A_1012 = arith.constant 608 : index
        %get3A_1013 = tpu.vector_load %arg11[%get3A_1011, %get3A_1012] {strides = array<i32>} : memref<32x768xf32, #tpu.memory_space<vmem>>, vector<1x16xf32>,
        %get3A_1014 = vector.shape_cast %get3A_1013 : vector<1x16xf32> to vector<16xf32>
        %get3A_1015 = arith.index_cast %scan3A_366 : i32 to index
        %get3A_1016 = arith.constant 608 : index
        %get3A_1017 = tpu.vector_load %arg7[%get3A_1015, %get3A_1016] {strides = array<i32>} : memref<32x768xf32, #tpu.memory_space<vmem>>, vector<1x16xf32>,
        %get3A_1018 = vector.shape_cast %get3A_1017 : vector<1x16xf32> to vector<16xf32>
        %add3A_1019 = arith.addf %get3A_1014, %get3A_1018 : vector<16xf32>
        %mul3A_1020 = arith.constant 2.000000e+00 : f32
        %mul3A_1021 = vector.broadcast %mul3A_1020 : f32 to vector<16xf32>
        %mul3A_1022 = arith.mulf %add3A_1019, %mul3A_1021 : vector<16xf32>
        %swap3A_1023 = arith.index_cast %scan3A_366 : i32 to index
        %swap3A_1024 = arith.constant 608 : index
        %swap3A_1025 = tpu.vector_load %arg11[%swap3A_1023, %swap3A_1024] {strides = array<i32>} : memref<32x768xf32, #tpu.memory_space<vmem>>, vector<1x16xf32>,
        %swap3A_1026 = vector.shape_cast %swap3A_1025 : vector<1x16xf32> to vector<16xf32>
        %swap3A_1027 = vector.shape_cast %mul3A_1022 : vector<16xf32> to vector<1x16xf32>
        tpu.vector_store %arg11[%swap3A_1023, %swap3A_1024], %swap3A_1027 {strides = array<i32>} : memref<32x768xf32, #tpu.memory_space<vmem>>, vector<1x16xf32>,
        %get3A_1028 = arith.index_cast %scan3A_366 : i32 to index
        %get3A_1029 = arith.constant 624 : index
        %get3A_1030 = tpu.vector_load %arg11[%get3A_1028, %get3A_1029] {strides = array<i32>} : memref<32x768xf32, #tpu.memory_space<vmem>>, vector<1x16xf32>,
        %get3A_1031 = vector.shape_cast %get3A_1030 : vector<1x16xf32> to vector<16xf32>
        %get3A_1032 = arith.index_cast %scan3A_366 : i32 to index
        %get3A_1033 = arith.constant 624 : index
        %get3A_1034 = tpu.vector_load %arg7[%get3A_1032, %get3A_1033] {strides = array<i32>} : memref<32x768xf32, #tpu.memory_space<vmem>>, vector<1x16xf32>,
        %get3A_1035 = vector.shape_cast %get3A_1034 : vector<1x16xf32> to vector<16xf32>
        %add3A_1036 = arith.addf %get3A_1031, %get3A_1035 : vector<16xf32>
        %mul3A_1037 = arith.constant 2.000000e+00 : f32
        %mul3A_1038 = vector.broadcast %mul3A_1037 : f32 to vector<16xf32>
        %mul3A_1039 = arith.mulf %add3A_1036, %mul3A_1038 : vector<16xf32>
        %swap3A_1040 = arith.index_cast %scan3A_366 : i32 to index
        %swap3A_1041 = arith.constant 624 : index
        %swap3A_1042 = tpu.vector_load %arg11[%swap3A_1040, %swap3A_1041] {strides = array<i32>} : memref<32x768xf32, #tpu.memory_space<vmem>>, vector<1x16xf32>,
        %swap3A_1043 = vector.shape_cast %swap3A_1042 : vector<1x16xf32> to vector<16xf32>
        %swap3A_1044 = vector.shape_cast %mul3A_1039 : vector<16xf32> to vector<1x16xf32>
        tpu.vector_store %arg11[%swap3A_1040, %swap3A_1041], %swap3A_1044 {strides = array<i32>} : memref<32x768xf32, #tpu.memory_space<vmem>>, vector<1x16xf32>,
        %get3A_1045 = arith.index_cast %scan3A_366 : i32 to index
        %get3A_1046 = arith.constant 640 : index
        %get3A_1047 = tpu.vector_load %arg11[%get3A_1045, %get3A_1046] {strides = array<i32>} : memref<32x768xf32, #tpu.memory_space<vmem>>, vector<1x16xf32>,
        %get3A_1048 = vector.shape_cast %get3A_1047 : vector<1x16xf32> to vector<16xf32>
        %get3A_1049 = arith.index_cast %scan3A_366 : i32 to index
        %get3A_1050 = arith.constant 640 : index
        %get3A_1051 = tpu.vector_load %arg7[%get3A_1049, %get3A_1050] {strides = array<i32>} : memref<32x768xf32, #tpu.memory_space<vmem>>, vector<1x16xf32>,
        %get3A_1052 = vector.shape_cast %get3A_1051 : vector<1x16xf32> to vector<16xf32>
        %add3A_1053 = arith.addf %get3A_1048, %get3A_1052 : vector<16xf32>
        %mul3A_1054 = arith.constant 2.000000e+00 : f32
        %mul3A_1055 = vector.broadcast %mul3A_1054 : f32 to vector<16xf32>
        %mul3A_1056 = arith.mulf %add3A_1053, %mul3A_1055 : vector<16xf32>
        %swap3A_1057 = arith.index_cast %scan3A_366 : i32 to index
        %swap3A_1058 = arith.constant 640 : index
        %swap3A_1059 = tpu.vector_load %arg11[%swap3A_1057, %swap3A_1058] {strides = array<i32>} : memref<32x768xf32, #tpu.memory_space<vmem>>, vector<1x16xf32>,
        %swap3A_1060 = vector.shape_cast %swap3A_1059 : vector<1x16xf32> to vector<16xf32>
        %swap3A_1061 = vector.shape_cast %mul3A_1056 : vector<16xf32> to vector<1x16xf32>
        tpu.vector_store %arg11[%swap3A_1057, %swap3A_1058], %swap3A_1061 {strides = array<i32>} : memref<32x768xf32, #tpu.memory_space<vmem>>, vector<1x16xf32>,
        %get3A_1062 = arith.index_cast %scan3A_366 : i32 to index
        %get3A_1063 = arith.constant 656 : index
        %get3A_1064 = tpu.vector_load %arg11[%get3A_1062, %get3A_1063] {strides = array<i32>} : memref<32x768xf32, #tpu.memory_space<vmem>>, vector<1x16xf32>,
        %get3A_1065 = vector.shape_cast %get3A_1064 : vector<1x16xf32> to vector<16xf32>
        %get3A_1066 = arith.index_cast %scan3A_366 : i32 to index
        %get3A_1067 = arith.constant 656 : index
        %get3A_1068 = tpu.vector_load %arg7[%get3A_1066, %get3A_1067] {strides = array<i32>} : memref<32x768xf32, #tpu.memory_space<vmem>>, vector<1x16xf32>,
        %get3A_1069 = vector.shape_cast %get3A_1068 : vector<1x16xf32> to vector<16xf32>
        %add3A_1070 = arith.addf %get3A_1065, %get3A_1069 : vector<16xf32>
        %mul3A_1071 = arith.constant 2.000000e+00 : f32
        %mul3A_1072 = vector.broadcast %mul3A_1071 : f32 to vector<16xf32>
        %mul3A_1073 = arith.mulf %add3A_1070, %mul3A_1072 : vector<16xf32>
        %swap3A_1074 = arith.index_cast %scan3A_366 : i32 to index
        %swap3A_1075 = arith.constant 656 : index
        %swap3A_1076 = tpu.vector_load %arg11[%swap3A_1074, %swap3A_1075] {strides = array<i32>} : memref<32x768xf32, #tpu.memory_space<vmem>>, vector<1x16xf32>,
        %swap3A_1077 = vector.shape_cast %swap3A_1076 : vector<1x16xf32> to vector<16xf32>
        %swap3A_1078 = vector.shape_cast %mul3A_1073 : vector<16xf32> to vector<1x16xf32>
        tpu.vector_store %arg11[%swap3A_1074, %swap3A_1075], %swap3A_1078 {strides = array<i32>} : memref<32x768xf32, #tpu.memory_space<vmem>>, vector<1x16xf32>,
        %get3A_1079 = arith.index_cast %scan3A_366 : i32 to index
        %get3A_1080 = arith.constant 672 : index
        %get3A_1081 = tpu.vector_load %arg11[%get3A_1079, %get3A_1080] {strides = array<i32>} : memref<32x768xf32, #tpu.memory_space<vmem>>, vector<1x16xf32>,
        %get3A_1082 = vector.shape_cast %get3A_1081 : vector<1x16xf32> to vector<16xf32>
        %get3A_1083 = arith.index_cast %scan3A_366 : i32 to index
        %get3A_1084 = arith.constant 672 : index
        %get3A_1085 = tpu.vector_load %arg7[%get3A_1083, %get3A_1084] {strides = array<i32>} : memref<32x768xf32, #tpu.memory_space<vmem>>, vector<1x16xf32>,
        %get3A_1086 = vector.shape_cast %get3A_1085 : vector<1x16xf32> to vector<16xf32>
        %add3A_1087 = arith.addf %get3A_1082, %get3A_1086 : vector<16xf32>
        %mul3A_1088 = arith.constant 2.000000e+00 : f32
        %mul3A_1089 = vector.broadcast %mul3A_1088 : f32 to vector<16xf32>
        %mul3A_1090 = arith.mulf %add3A_1087, %mul3A_1089 : vector<16xf32>
        %swap3A_1091 = arith.index_cast %scan3A_366 : i32 to index
        %swap3A_1092 = arith.constant 672 : index
        %swap3A_1093 = tpu.vector_load %arg11[%swap3A_1091, %swap3A_1092] {strides = array<i32>} : memref<32x768xf32, #tpu.memory_space<vmem>>, vector<1x16xf32>,
        %swap3A_1094 = vector.shape_cast %swap3A_1093 : vector<1x16xf32> to vector<16xf32>
        %swap3A_1095 = vector.shape_cast %mul3A_1090 : vector<16xf32> to vector<1x16xf32>
        tpu.vector_store %arg11[%swap3A_1091, %swap3A_1092], %swap3A_1095 {strides = array<i32>} : memref<32x768xf32, #tpu.memory_space<vmem>>, vector<1x16xf32>,
        %get3A_1096 = arith.index_cast %scan3A_366 : i32 to index
        %get3A_1097 = arith.constant 688 : index
        %get3A_1098 = tpu.vector_load %arg11[%get3A_1096, %get3A_1097] {strides = array<i32>} : memref<32x768xf32, #tpu.memory_space<vmem>>, vector<1x16xf32>,
        %get3A_1099 = vector.shape_cast %get3A_1098 : vector<1x16xf32> to vector<16xf32>
        %get3A_1100 = arith.index_cast %scan3A_366 : i32 to index
        %get3A_1101 = arith.constant 688 : index
        %get3A_1102 = tpu.vector_load %arg7[%get3A_1100, %get3A_1101] {strides = array<i32>} : memref<32x768xf32, #tpu.memory_space<vmem>>, vector<1x16xf32>,
        %get3A_1103 = vector.shape_cast %get3A_1102 : vector<1x16xf32> to vector<16xf32>
        %add3A_1104 = arith.addf %get3A_1099, %get3A_1103 : vector<16xf32>
        %mul3A_1105 = arith.constant 2.000000e+00 : f32
        %mul3A_1106 = vector.broadcast %mul3A_1105 : f32 to vector<16xf32>
        %mul3A_1107 = arith.mulf %add3A_1104, %mul3A_1106 : vector<16xf32>
        %swap3A_1108 = arith.index_cast %scan3A_366 : i32 to index
        %swap3A_1109 = arith.constant 688 : index
        %swap3A_1110 = tpu.vector_load %arg11[%swap3A_1108, %swap3A_1109] {strides = array<i32>} : memref<32x768xf32, #tpu.memory_space<vmem>>, vector<1x16xf32>,
        %swap3A_1111 = vector.shape_cast %swap3A_1110 : vector<1x16xf32> to vector<16xf32>
        %swap3A_1112 = vector.shape_cast %mul3A_1107 : vector<16xf32> to vector<1x16xf32>
        tpu.vector_store %arg11[%swap3A_1108, %swap3A_1109], %swap3A_1112 {strides = array<i32>} : memref<32x768xf32, #tpu.memory_space<vmem>>, vector<1x16xf32>,
        %get3A_1113 = arith.index_cast %scan3A_366 : i32 to index
        %get3A_1114 = arith.constant 704 : index
        %get3A_1115 = tpu.vector_load %arg11[%get3A_1113, %get3A_1114] {strides = array<i32>} : memref<32x768xf32, #tpu.memory_space<vmem>>, vector<1x16xf32>,
        %get3A_1116 = vector.shape_cast %get3A_1115 : vector<1x16xf32> to vector<16xf32>
        %get3A_1117 = arith.index_cast %scan3A_366 : i32 to index
        %get3A_1118 = arith.constant 704 : index
        %get3A_1119 = tpu.vector_load %arg7[%get3A_1117, %get3A_1118] {strides = array<i32>} : memref<32x768xf32, #tpu.memory_space<vmem>>, vector<1x16xf32>,
        %get3A_1120 = vector.shape_cast %get3A_1119 : vector<1x16xf32> to vector<16xf32>
        %add3A_1121 = arith.addf %get3A_1116, %get3A_1120 : vector<16xf32>
        %mul3A_1122 = arith.constant 2.000000e+00 : f32
        %mul3A_1123 = vector.broadcast %mul3A_1122 : f32 to vector<16xf32>
        %mul3A_1124 = arith.mulf %add3A_1121, %mul3A_1123 : vector<16xf32>
        %swap3A_1125 = arith.index_cast %scan3A_366 : i32 to index
        %swap3A_1126 = arith.constant 704 : index
        %swap3A_1127 = tpu.vector_load %arg11[%swap3A_1125, %swap3A_1126] {strides = array<i32>} : memref<32x768xf32, #tpu.memory_space<vmem>>, vector<1x16xf32>,
        %swap3A_1128 = vector.shape_cast %swap3A_1127 : vector<1x16xf32> to vector<16xf32>
        %swap3A_1129 = vector.shape_cast %mul3A_1124 : vector<16xf32> to vector<1x16xf32>
        tpu.vector_store %arg11[%swap3A_1125, %swap3A_1126], %swap3A_1129 {strides = array<i32>} : memref<32x768xf32, #tpu.memory_space<vmem>>, vector<1x16xf32>,
        %get3A_1130 = arith.index_cast %scan3A_366 : i32 to index
        %get3A_1131 = arith.constant 720 : index
        %get3A_1132 = tpu.vector_load %arg11[%get3A_1130, %get3A_1131] {strides = array<i32>} : memref<32x768xf32, #tpu.memory_space<vmem>>, vector<1x16xf32>,
        %get3A_1133 = vector.shape_cast %get3A_1132 : vector<1x16xf32> to vector<16xf32>
        %get3A_1134 = arith.index_cast %scan3A_366 : i32 to index
        %get3A_1135 = arith.constant 720 : index
        %get3A_1136 = tpu.vector_load %arg7[%get3A_1134, %get3A_1135] {strides = array<i32>} : memref<32x768xf32, #tpu.memory_space<vmem>>, vector<1x16xf32>,
        %get3A_1137 = vector.shape_cast %get3A_1136 : vector<1x16xf32> to vector<16xf32>
        %add3A_1138 = arith.addf %get3A_1133, %get3A_1137 : vector<16xf32>
        %mul3A_1139 = arith.constant 2.000000e+00 : f32
        %mul3A_1140 = vector.broadcast %mul3A_1139 : f32 to vector<16xf32>
        %mul3A_1141 = arith.mulf %add3A_1138, %mul3A_1140 : vector<16xf32>
        %swap3A_1142 = arith.index_cast %scan3A_366 : i32 to index
        %swap3A_1143 = arith.constant 720 : index
        %swap3A_1144 = tpu.vector_load %arg11[%swap3A_1142, %swap3A_1143] {strides = array<i32>} : memref<32x768xf32, #tpu.memory_space<vmem>>, vector<1x16xf32>,
        %swap3A_1145 = vector.shape_cast %swap3A_1144 : vector<1x16xf32> to vector<16xf32>
        %swap3A_1146 = vector.shape_cast %mul3A_1141 : vector<16xf32> to vector<1x16xf32>
        tpu.vector_store %arg11[%swap3A_1142, %swap3A_1143], %swap3A_1146 {strides = array<i32>} : memref<32x768xf32, #tpu.memory_space<vmem>>, vector<1x16xf32>,
        %get3A_1147 = arith.index_cast %scan3A_366 : i32 to index
        %get3A_1148 = arith.constant 736 : index
        %get3A_1149 = tpu.vector_load %arg11[%get3A_1147, %get3A_1148] {strides = array<i32>} : memref<32x768xf32, #tpu.memory_space<vmem>>, vector<1x16xf32>,
        %get3A_1150 = vector.shape_cast %get3A_1149 : vector<1x16xf32> to vector<16xf32>
        %get3A_1151 = arith.index_cast %scan3A_366 : i32 to index
        %get3A_1152 = arith.constant 736 : index
        %get3A_1153 = tpu.vector_load %arg7[%get3A_1151, %get3A_1152] {strides = array<i32>} : memref<32x768xf32, #tpu.memory_space<vmem>>, vector<1x16xf32>,
        %get3A_1154 = vector.shape_cast %get3A_1153 : vector<1x16xf32> to vector<16xf32>
        %add3A_1155 = arith.addf %get3A_1150, %get3A_1154 : vector<16xf32>
        %mul3A_1156 = arith.constant 2.000000e+00 : f32
        %mul3A_1157 = vector.broadcast %mul3A_1156 : f32 to vector<16xf32>
        %mul3A_1158 = arith.mulf %add3A_1155, %mul3A_1157 : vector<16xf32>
        %swap3A_1159 = arith.index_cast %scan3A_366 : i32 to index
        %swap3A_1160 = arith.constant 736 : index
        %swap3A_1161 = tpu.vector_load %arg11[%swap3A_1159, %swap3A_1160] {strides = array<i32>} : memref<32x768xf32, #tpu.memory_space<vmem>>, vector<1x16xf32>,
        %swap3A_1162 = vector.shape_cast %swap3A_1161 : vector<1x16xf32> to vector<16xf32>
        %swap3A_1163 = vector.shape_cast %mul3A_1158 : vector<16xf32> to vector<1x16xf32>
        tpu.vector_store %arg11[%swap3A_1159, %swap3A_1160], %swap3A_1163 {strides = array<i32>} : memref<32x768xf32, #tpu.memory_space<vmem>>, vector<1x16xf32>,
        %get3A_1164 = arith.index_cast %scan3A_366 : i32 to index
        %get3A_1165 = arith.constant 752 : index
        %get3A_1166 = tpu.vector_load %arg11[%get3A_1164, %get3A_1165] {strides = array<i32>} : memref<32x768xf32, #tpu.memory_space<vmem>>, vector<1x16xf32>,
        %get3A_1167 = vector.shape_cast %get3A_1166 : vector<1x16xf32> to vector<16xf32>
        %get3A_1168 = arith.index_cast %scan3A_366 : i32 to index
        %get3A_1169 = arith.constant 752 : index
        %get3A_1170 = tpu.vector_load %arg7[%get3A_1168, %get3A_1169] {strides = array<i32>} : memref<32x768xf32, #tpu.memory_space<vmem>>, vector<1x16xf32>,
        %get3A_1171 = vector.shape_cast %get3A_1170 : vector<1x16xf32> to vector<16xf32>
        %add3A_1172 = arith.addf %get3A_1167, %get3A_1171 : vector<16xf32>
        %mul3A_1173 = arith.constant 2.000000e+00 : f32
        %mul3A_1174 = vector.broadcast %mul3A_1173 : f32 to vector<16xf32>
        %mul3A_1175 = arith.mulf %add3A_1172, %mul3A_1174 : vector<16xf32>
        %swap3A_1176 = arith.index_cast %scan3A_366 : i32 to index
        %swap3A_1177 = arith.constant 752 : index
        %swap3A_1178 = tpu.vector_load %arg11[%swap3A_1176, %swap3A_1177] {strides = array<i32>} : memref<32x768xf32, #tpu.memory_space<vmem>>, vector<1x16xf32>,
        %swap3A_1179 = vector.shape_cast %swap3A_1178 : vector<1x16xf32> to vector<16xf32>
        %swap3A_1180 = vector.shape_cast %mul3A_1175 : vector<16xf32> to vector<1x16xf32>
        tpu.vector_store %arg11[%swap3A_1176, %swap3A_1177], %swap3A_1180 {strides = array<i32>} : memref<32x768xf32, #tpu.memory_space<vmem>>, vector<1x16xf32>,
      }
      %scan3A_334 = arith.constant 32 : i32
      %add3A_335 = arith.addi %mul3A_20, %add3A_321 : i32
      %dma_start3A_336 = arith.constant 0 : i32
      %dma_start3A_337 = tpu.memref_slice %arg5[%add3A_335, %mul3A_22, %dma_start3A_336] : memref<128x512x768xf32, #tpu.memory_space<hbm>> -> memref<1x32x768xf32, #tpu.memory_space<hbm>>
      %dma_start3A_338 = tpu.memref_squeeze %dma_start3A_337 : memref<1x32x768xf32, #tpu.memory_space<hbm>> -> memref<32x768xf32, #tpu.memory_space<hbm>>
      %dma_start3A_339 = arith.constant 0 : i32
      %dma_start3A_340 = tpu.memref_slice %arg5[%add3A_335, %mul3A_22, %dma_start3A_339] : memref<128x512x768xf32, #tpu.memory_space<hbm>> -> memref<1x32x768xf32, #tpu.memory_space<hbm>>
      %dma_start3A_341 = tpu.memref_squeeze %dma_start3A_340 : memref<1x32x768xf32, #tpu.memory_space<hbm>> -> memref<32x768xf32, #tpu.memory_space<hbm>>
      tpu.enqueue_dma source(%arg11 : memref<32x768xf32, #tpu.memory_space<vmem>>) target(%dma_start3A_341 : memref<32x768xf32, #tpu.memory_space<hbm>>) target_semaphore(%arg19 : memref<!tpu.dma_semaphore, #tpu.memory_space<semaphore_mem>>)
      %add3A_342 = arith.constant 4 : i32
      %add3A_343 = arith.addi %add3A_321, %add3A_342 : i32
      %lt3A_344 = arith.constant 64 : i32
      %lt3A_345 = arith.cmpi slt, %add3A_343, %lt3A_344 : i32
      %convert_element_type3A_346 = arith.extui %lt3A_345 : i1 to i32
      %cond3A_347 = arith.constant 0 : i32
      %cond3A_348 = arith.cmpi ne, %convert_element_type3A_346, %cond3A_347 : i32
      scf.if %cond3A_348 {
        %add3A_366 = arith.constant 4 : i32
        %add3A_367 = arith.addi %add3A_321, %add3A_366 : i32
        %add3A_368 = arith.addi %mul3A_20, %add3A_367 : i32
        %mul3A_369 = arith.constant 512 : i32
        %mul3A_370 = arith.muli %add3A_368, %mul3A_369 : i32
        %add3A_371 = arith.addi %mul3A_370, %mul3A_22 : i32
        %dma_start3A_372 = arith.constant 3 : i32
        %dma_start3A_373 = arith.constant 0 : i32
        %dma_start3A_374 = tpu.memref_slice %arg6[%dma_start3A_372, %dma_start3A_373] : memref<4x32xi32, #tpu.memory_space<vmem>> -> memref<1x32xi32, #tpu.memory_space<vmem>>
        %dma_start3A_375 = tpu.memref_squeeze %dma_start3A_374 : memref<1x32xi32, #tpu.memory_space<vmem>> -> memref<32xi32, #tpu.memory_space<vmem>>
        %dma_start3A_376 = tpu.memref_slice %arg2[%add3A_371] : memref<65536xi32, #tpu.memory_space<hbm>> -> memref<32xi32, #tpu.memory_space<hbm>>
        %dma_start3A_377 = arith.constant 0 : i32
        %dma_start3A_378 = tpu.memref_slice %arg6[%dma_start3A_372, %dma_start3A_377] : memref<4x32xi32, #tpu.memory_space<vmem>> -> memref<1x32xi32, #tpu.memory_space<vmem>>
        %dma_start3A_379 = tpu.memref_squeeze %dma_start3A_378 : memref<1x32xi32, #tpu.memory_space<vmem>> -> memref<32xi32, #tpu.memory_space<vmem>>
        %dma_start3A_380 = tpu.memref_slice %arg2[%add3A_371] : memref<65536xi32, #tpu.memory_space<hbm>> -> memref<32xi32, #tpu.memory_space<hbm>>
        tpu.enqueue_dma source(%dma_start3A_380 : memref<32xi32, #tpu.memory_space<hbm>>) target(%dma_start3A_379 : memref<32xi32, #tpu.memory_space<vmem>>) target_semaphore(%arg23 : memref<!tpu.dma_semaphore, #tpu.memory_space<semaphore_mem>>)
      } else {
      }
      %add3A_349 = arith.constant 4 : i32
      %add3A_350 = arith.addi %add3A_321, %add3A_349 : i32
      %sub3A_351 = arith.constant 1 : i32
      %sub3A_352 = arith.subi %add3A_350, %sub3A_351 : i32
      %ge3A_353 = arith.constant 1 : i32
      %ge3A_354 = arith.cmpi sge, %add3A_321, %ge3A_353 : i32
      %lt3A_355 = arith.constant 64 : i32
      %lt3A_356 = arith.cmpi slt, %sub3A_352, %lt3A_355 : i32
      %and3A_357 = arith.andi %ge3A_354, %lt3A_356 : i1
      %convert_element_type3A_358 = arith.extui %and3A_357 : i1 to i32
      %cond3A_359 = arith.constant 0 : i32
      %cond3A_360 = arith.cmpi ne, %convert_element_type3A_358, %cond3A_359 : i32
      scf.if %cond3A_360 {
        %add3A_366 = arith.addi %mul3A_20, %add3A_321 : i32
        %sub3A_367 = arith.constant 1 : i32
        %sub3A_368 = arith.subi %add3A_366, %sub3A_367 : i32
        %dma_wait3A_369 = arith.constant 0 : i32
        %dma_wait3A_370 = tpu.memref_slice %arg5[%sub3A_368, %mul3A_22, %dma_wait3A_369] : memref<128x512x768xf32, #tpu.memory_space<hbm>> -> memref<1x32x768xf32, #tpu.memory_space<hbm>>
        %dma_wait3A_371 = tpu.memref_squeeze %dma_wait3A_370 : memref<1x32x768xf32, #tpu.memory_space<hbm>> -> memref<32x768xf32, #tpu.memory_space<hbm>>
        %dma_wait3A_372 = arith.constant 0 : i32
        %dma_wait3A_373 = tpu.memref_slice %arg5[%sub3A_368, %mul3A_22, %dma_wait3A_372] : memref<128x512x768xf32, #tpu.memory_space<hbm>> -> memref<1x32x768xf32, #tpu.memory_space<hbm>>
        %dma_wait3A_374 = tpu.memref_squeeze %dma_wait3A_373 : memref<1x32x768xf32, #tpu.memory_space<hbm>> -> memref<32x768xf32, #tpu.memory_space<hbm>>
        tpu.wait_dma2 semaphore(%arg18 : memref<!tpu.dma_semaphore, #tpu.memory_space<semaphore_mem>>) src(%arg10 : memref<32x768xf32, #tpu.memory_space<vmem>>) dst(%dma_wait3A_374 : memref<32x768xf32, #tpu.memory_space<hbm>>)
      } else {
      }
      %lt3A_361 = arith.constant 64 : i32
      %lt3A_362 = arith.cmpi slt, %sub3A_352, %lt3A_361 : i32
      %convert_element_type3A_363 = arith.extui %lt3A_362 : i1 to i32
      %cond3A_364 = arith.constant 0 : i32
      %cond3A_365 = arith.cmpi ne, %convert_element_type3A_363, %cond3A_364 : i32
      scf.if %cond3A_365 {
        %add3A_366 = arith.addi %mul3A_20, %sub3A_352 : i32
        %mul3A_367 = arith.constant 512 : i32
        %mul3A_368 = arith.muli %add3A_366, %mul3A_367 : i32
        %add3A_369 = arith.addi %mul3A_368, %mul3A_22 : i32
        %dma_wait3A_370 = arith.constant 2 : i32
        %dma_wait3A_371 = arith.constant 0 : i32
        %dma_wait3A_372 = tpu.memref_slice %arg6[%dma_wait3A_370, %dma_wait3A_371] : memref<4x32xi32, #tpu.memory_space<vmem>> -> memref<1x32xi32, #tpu.memory_space<vmem>>
        %dma_wait3A_373 = tpu.memref_squeeze %dma_wait3A_372 : memref<1x32xi32, #tpu.memory_space<vmem>> -> memref<32xi32, #tpu.memory_space<vmem>>
        %dma_wait3A_374 = tpu.memref_slice %arg2[%add3A_369] : memref<65536xi32, #tpu.memory_space<hbm>> -> memref<32xi32, #tpu.memory_space<hbm>>
        %dma_wait3A_375 = arith.constant 0 : i32
        %dma_wait3A_376 = tpu.memref_slice %arg6[%dma_wait3A_370, %dma_wait3A_375] : memref<4x32xi32, #tpu.memory_space<vmem>> -> memref<1x32xi32, #tpu.memory_space<vmem>>
        %dma_wait3A_377 = tpu.memref_squeeze %dma_wait3A_376 : memref<1x32xi32, #tpu.memory_space<vmem>> -> memref<32xi32, #tpu.memory_space<vmem>>
        %dma_wait3A_378 = tpu.memref_slice %arg2[%add3A_369] : memref<65536xi32, #tpu.memory_space<hbm>> -> memref<32xi32, #tpu.memory_space<hbm>>
        tpu.wait_dma2 semaphore(%arg22 : memref<!tpu.dma_semaphore, #tpu.memory_space<semaphore_mem>>) src(%dma_wait3A_378 : memref<32xi32, #tpu.memory_space<hbm>>) dst(%dma_wait3A_377 : memref<32xi32, #tpu.memory_space<vmem>>)
        %dma_start3A_379 = arith.constant 2 : i32
        %dma_start3A_380 = arith.constant 0 : i32
        %dma_start3A_381 = tpu.memref_slice %arg6[%dma_start3A_379, %dma_start3A_380] : memref<4x32xi32, #tpu.memory_space<vmem>> -> memref<1x32xi32, #tpu.memory_space<vmem>>
        %dma_start3A_382 = tpu.memref_squeeze %dma_start3A_381 : memref<1x32xi32, #tpu.memory_space<vmem>> -> memref<32xi32, #tpu.memory_space<vmem>>
        %dma_start3A_383 = arith.constant 0 : i32
        %dma_start3A_384 = arith.constant 0 : i32
        %dma_start3A_385 = tpu.memref_slice %arg3[%dma_start3A_383, %dma_start3A_384] : memref<30522x768xf32, #tpu.memory_space<hbm>> -> memref<30522x768xf32, #tpu.memory_space<hbm>>
        tpu.enqueue_indirect_dma source(%dma_start3A_385 : memref<30522x768xf32, #tpu.memory_space<hbm>>) target(%arg10 : memref<32x768xf32, #tpu.memory_space<vmem>>) offsets(%dma_start3A_382 : memref<32xi32, #tpu.memory_space<vmem>>) semaphore(%arg14 : memref<!tpu.dma_semaphore, #tpu.memory_space<semaphore_mem>>)
      } else {
      }
    }
    %scan3A_144 = arith.constant 16 : i32
    %add3A_145 = arith.constant 60 : i32
    %add3A_146 = arith.addi %mul3A_20, %add3A_145 : i32
    %dma_wait3A_147 = arith.constant 0 : i32
    %dma_wait3A_148 = tpu.memref_slice %arg5[%add3A_146, %mul3A_22, %dma_wait3A_147] : memref<128x512x768xf32, #tpu.memory_space<hbm>> -> memref<1x32x768xf32, #tpu.memory_space<hbm>>
    %dma_wait3A_149 = tpu.memref_squeeze %dma_wait3A_148 : memref<1x32x768xf32, #tpu.memory_space<hbm>> -> memref<32x768xf32, #tpu.memory_space<hbm>>
    %dma_wait3A_150 = arith.constant 0 : i32
    %dma_wait3A_151 = tpu.memref_slice %arg5[%add3A_146, %mul3A_22, %dma_wait3A_150] : memref<128x512x768xf32, #tpu.memory_space<hbm>> -> memref<1x32x768xf32, #tpu.memory_space<hbm>>
    %dma_wait3A_152 = tpu.memref_squeeze %dma_wait3A_151 : memref<1x32x768xf32, #tpu.memory_space<hbm>> -> memref<32x768xf32, #tpu.memory_space<hbm>>
    tpu.wait_dma2 semaphore(%arg16 : memref<!tpu.dma_semaphore, #tpu.memory_space<semaphore_mem>>) src(%arg8 : memref<32x768xf32, #tpu.memory_space<vmem>>) dst(%dma_wait3A_152 : memref<32x768xf32, #tpu.memory_space<hbm>>)
    %add3A_153 = arith.constant 61 : i32
    %add3A_154 = arith.addi %mul3A_20, %add3A_153 : i32
    %dma_wait3A_155 = arith.constant 0 : i32
    %dma_wait3A_156 = tpu.memref_slice %arg5[%add3A_154, %mul3A_22, %dma_wait3A_155] : memref<128x512x768xf32, #tpu.memory_space<hbm>> -> memref<1x32x768xf32, #tpu.memory_space<hbm>>
    %dma_wait3A_157 = tpu.memref_squeeze %dma_wait3A_156 : memref<1x32x768xf32, #tpu.memory_space<hbm>> -> memref<32x768xf32, #tpu.memory_space<hbm>>
    %dma_wait3A_158 = arith.constant 0 : i32
    %dma_wait3A_159 = tpu.memref_slice %arg5[%add3A_154, %mul3A_22, %dma_wait3A_158] : memref<128x512x768xf32, #tpu.memory_space<hbm>> -> memref<1x32x768xf32, #tpu.memory_space<hbm>>
    %dma_wait3A_160 = tpu.memref_squeeze %dma_wait3A_159 : memref<1x32x768xf32, #tpu.memory_space<hbm>> -> memref<32x768xf32, #tpu.memory_space<hbm>>
    tpu.wait_dma2 semaphore(%arg17 : memref<!tpu.dma_semaphore, #tpu.memory_space<semaphore_mem>>) src(%arg9 : memref<32x768xf32, #tpu.memory_space<vmem>>) dst(%dma_wait3A_160 : memref<32x768xf32, #tpu.memory_space<hbm>>)
    %add3A_161 = arith.constant 62 : i32
    %add3A_162 = arith.addi %mul3A_20, %add3A_161 : i32
    %dma_wait3A_163 = arith.constant 0 : i32
    %dma_wait3A_164 = tpu.memref_slice %arg5[%add3A_162, %mul3A_22, %dma_wait3A_163] : memref<128x512x768xf32, #tpu.memory_space<hbm>> -> memref<1x32x768xf32, #tpu.memory_space<hbm>>
    %dma_wait3A_165 = tpu.memref_squeeze %dma_wait3A_164 : memref<1x32x768xf32, #tpu.memory_space<hbm>> -> memref<32x768xf32, #tpu.memory_space<hbm>>
    %dma_wait3A_166 = arith.constant 0 : i32
    %dma_wait3A_167 = tpu.memref_slice %arg5[%add3A_162, %mul3A_22, %dma_wait3A_166] : memref<128x512x768xf32, #tpu.memory_space<hbm>> -> memref<1x32x768xf32, #tpu.memory_space<hbm>>
    %dma_wait3A_168 = tpu.memref_squeeze %dma_wait3A_167 : memref<1x32x768xf32, #tpu.memory_space<hbm>> -> memref<32x768xf32, #tpu.memory_space<hbm>>
    tpu.wait_dma2 semaphore(%arg18 : memref<!tpu.dma_semaphore, #tpu.memory_space<semaphore_mem>>) src(%arg10 : memref<32x768xf32, #tpu.memory_space<vmem>>) dst(%dma_wait3A_168 : memref<32x768xf32, #tpu.memory_space<hbm>>)
    %add3A_169 = arith.constant 63 : i32
    %add3A_170 = arith.addi %mul3A_20, %add3A_169 : i32
    %dma_wait3A_171 = arith.constant 0 : i32
    %dma_wait3A_172 = tpu.memref_slice %arg5[%add3A_170, %mul3A_22, %dma_wait3A_171] : memref<128x512x768xf32, #tpu.memory_space<hbm>> -> memref<1x32x768xf32, #tpu.memory_space<hbm>>
    %dma_wait3A_173 = tpu.memref_squeeze %dma_wait3A_172 : memref<1x32x768xf32, #tpu.memory_space<hbm>> -> memref<32x768xf32, #tpu.memory_space<hbm>>
    %dma_wait3A_174 = arith.constant 0 : i32
    %dma_wait3A_175 = tpu.memref_slice %arg5[%add3A_170, %mul3A_22, %dma_wait3A_174] : memref<128x512x768xf32, #tpu.memory_space<hbm>> -> memref<1x32x768xf32, #tpu.memory_space<hbm>>
    %dma_wait3A_176 = tpu.memref_squeeze %dma_wait3A_175 : memref<1x32x768xf32, #tpu.memory_space<hbm>> -> memref<32x768xf32, #tpu.memory_space<hbm>>
    tpu.wait_dma2 semaphore(%arg19 : memref<!tpu.dma_semaphore, #tpu.memory_space<semaphore_mem>>) src(%arg11 : memref<32x768xf32, #tpu.memory_space<vmem>>) dst(%dma_wait3A_176 : memref<32x768xf32, #tpu.memory_space<hbm>>)
    return
  }
}

</mosaic_0001>

<sc_bundles>
// kernel: _embed.3.cloned.1.call-start
scs
__scs_entry_jumppad:
0x0: {  	(pc) =	sbr.rel $0x88, $3  }
0x1: {  	(tag) =	ssettag $0x0;
	lr =	simm.s32 $0x1  }
0x2: {  	[smem:$0x3F9E] =	sst lr;
	_ =	strace $0xD0000000  }
0x3: {  	_ = 	snop  }
0x4: {  	_ = 	snop  }
0x5: {  	_ = 	snop  }
0x6: {  	_ = 	snop  }
0x7: {  	_ = 	snop  }
__scs_overlays_trampoline_lowered:
0x8: {  	[smem:$0x3FAD] =	sst s0  }
0x9: {  	[smem:$0x3FAE] =	sst s1  }
0xa: {  	[smem:$0x3FAF] =	sst s2  }
0xb: {  	[smem:$0x3FB0] =	sst s3  }
0xc: {  	[smem:$0x3FB1] =	sst s4  }
0xd: {  	[smem:$0x3FB2] =	sst s5  }
0xe: {  	[smem:$0x3FB3] =	sst s6  }
0xf: {  	[smem:$0x3FB4] =	sst s7  }
0x10: {  	[smem:$0x3FB5] =	sst s8  }
0x11: {  	[smem:$0x3FB6] =	sst s9;
	s0 =	simm.s32 @!p0 $0x0  }
0x12: {  	s1 =	sld [smem:$0x3F9C];
	s0 =	simm.s32 @p0 $0x1  }
0x13: {  	[smem:$0x3FB7] =	sst s0;
	s0 =	simm.s32 @!p1 $0x0  }
0x14: {  	s2 =	sld [smem:$0x3F9B];
	s0 =	simm.s32 @p1 $0x1  }
0x15: {  	[smem:$0x3FB8] =	sst s0;
	s0 =	simm.s32 @!p2 $0x0  }
0x16: {  	s3 =	sld [smem:$0x3FDB];
	s0 =	simm.s32 @p2 $0x1  }
0x17: {  	s4 =	simm.s32 $0x1BF5;
	[smem:$0x3FBA] =	sst s0  }
0x18: {  	s0 =	sld [smem:$0x3F9D];
	_ =	swait.ge [sflag:s4], $0x0  }
0x19: {  	s7 =	sld [smem:$0x3F9E]  }
0x1a: {  	s8 =	sadd.s32 $0xFFFFE003, lr  }
0x1b: {  	s9 =	sadd.s32 $0xFFFFFEF7, lr;
	s5 =	simm.s32 $0xFFFFFFFF;
	p2 =	slt.u32 s8, $0xFFFFF086  }
0x1c: {  	p1 =	slt.u32 s9, $0xF7A;
	s5 =	simm.s32 @!p2 $0x0  }
0x1d: {  	s5 =	simm.s32 @p1 $0x1;
	p0 =	seq.s32 s7, s2  }
0x1e: {  	s7 =	smul.u32 @!p0 $0xF7A, s2;
	p2 =	seq.s32 @!p0 s5, $0x0  }
0x1f: {  	s9 =	smul.u32 $0xF7A, s1;
	s8 =	simm.s32 @!p0 $0x1BF5;
	p2 =	por !p2, p0  }
0x20: {  	[sflag:s8] =	ssyncset.s32 @!p0 $0xFFFFF086;
	s6 =	sadd.s32 @!p0 s3, s7;
	s7 =	simm.s32 @!p0 $0x108  }
0x21: {  	s3 =	sadd.s32 s3, s9;
	s6 =	sadd.s32 @!p0 $0x88, s6;
	s7 =	simm.s32 @p2 $0x1082  }
0x22: {  	[simem:s7], [sflag:s8] =	dma.local @!p0 [hbm:s6], $0xF7A  }
0x23: {  	s9 =	sor.u32 $0xD0000000, s2;
	s6 =	simm.s32 $0x108;
	_ =	swait.ge @!p0 [sflag:s8], $0x0  }
0x24: {  	s3 =	sadd.s32 $0x88, s3;
	s6 =	simm.s32 @!p1 $0x1082;
	[sflag:s4] =	ssyncset.s32 $0xFFFFF086  }
0x25: {  	[simem:s6], [sflag:s4] =	dma.local [hbm:s3], $0xF7A  }
0x26: {  	[smem:$0x3F9E] =	sst s1;
	(tag) =	ssettag s2;
	_ =	strace s9  }
0x27: {  	s1 =	sld [smem:$0x3FAE]  }
0x28: {  	s2 =	sld [smem:$0x3FAF]  }
0x29: {  	s4 =	sld [smem:$0x3FB1]  }
0x2a: {  	p0 =	seq.s32 s5, $0x0;
	s5 =	sld [smem:$0x3FB2]  }
0x2b: {  	s6 =	sld [smem:$0x3FB3]  }
0x2c: {  	s7 =	sld [smem:$0x3FB4]  }
0x2d: {  	s3 =	simm.s32 $0x108;
	s8 =	sld [smem:$0x3FB5]  }
0x2e: {  	s3 =	simm.s32 @!p0 $0x1082;
	s9 =	sld [smem:$0x3FB6]  }
0x2f: {  	lr =	sadd.s32 s0, s3;
	s0 =	sld [smem:$0x3FAD]  }
0x30: {  	s3 =	sld [smem:$0x3FB0]  }
0x31: {  	[smem:$0x3FB9] =	sst s10  }
0x32: {  	s10 =	sld [smem:$0x3FB7];
	_ =	sdelay $0x3  }
0x33: {  	p0 =	seq.s32 s10, $0x1;
	s10 =	sld [smem:$0x3FB9];
	_ =	sdelay $0x3  }
0x34: {  	[smem:$0x3FB9] =	sst s10  }
0x35: {  	s10 =	sld [smem:$0x3FB8];
	_ =	sdelay $0x3  }
0x36: {  	p1 =	seq.s32 s10, $0x1;
	s10 =	sld [smem:$0x3FB9];
	_ =	sdelay $0x3  }
0x37: {  	[smem:$0x3FB9] =	sst s10  }
0x38: {  	s10 =	sld [smem:$0x3FBA]  }
0x39: {  	_ = 	snop;
	(pc) =	sbr.ind lr, $3  }
0x3a: {  	_ = 	snop  }
0x3b: {  	_ = 	snop  }
0x3c: {  	p2 =	seq.s32 s10, $0x1;
	s10 =	sld [smem:$0x3FB9]  }
0x3d: {  	_ =	shalt  }
0x3e: {  	_ =	shalt  }
0x3f: {  	_ =	shalt  }
0x40: {  	_ =	shalt  }
0x41: {  	_ =	shalt  }
0x42: {  	_ =	shalt  }
0x43: {  	_ =	shalt  }
0x44: {  	_ =	shalt  }
0x45: {  	_ =	shalt  }
0x46: {  	_ =	shalt  }
0x47: {  	_ =	shalt  }
0x48: {  	_ =	shalt  }
0x49: {  	_ =	shalt  }
0x4a: {  	_ =	shalt  }
0x4b: {  	_ =	shalt  }
0x4c: {  	_ =	shalt  }
0x4d: {  	_ =	shalt  }
0x4e: {  	_ =	shalt  }
0x4f: {  	_ =	shalt  }
0x50: {  	_ =	shalt  }
0x51: {  	_ =	shalt  }
0x52: {  	_ =	shalt  }
0x53: {  	_ =	shalt  }
0x54: {  	_ =	shalt  }
0x55: {  	_ =	shalt  }
0x56: {  	_ =	shalt  }
0x57: {  	_ =	shalt  }
0x58: {  	_ =	shalt  }
0x59: {  	_ =	shalt  }
0x5a: {  	_ =	shalt  }
0x5b: {  	_ =	shalt  }
0x5c: {  	_ =	shalt  }
0x5d: {  	_ =	shalt  }
0x5e: {  	_ =	shalt  }
0x5f: {  	_ =	shalt  }
0x60: {  	_ =	shalt  }
0x61: {  	_ =	shalt  }
0x62: {  	_ =	shalt  }
0x63: {  	_ =	shalt  }
0x64: {  	_ =	shalt  }
0x65: {  	_ =	shalt  }
0x66: {  	_ =	shalt  }
0x67: {  	_ =	shalt  }
0x68: {  	_ =	shalt  }
0x69: {  	_ =	shalt  }
0x6a: {  	_ =	shalt  }
0x6b: {  	_ =	shalt  }
0x6c: {  	_ =	shalt  }
0x6d: {  	_ =	shalt  }
0x6e: {  	_ =	shalt  }
0x6f: {  	_ =	shalt  }
0x70: {  	_ =	shalt  }
0x71: {  	_ =	shalt  }
0x72: {  	_ =	shalt  }
0x73: {  	_ =	shalt  }
0x74: {  	_ =	shalt  }
0x75: {  	_ =	shalt  }
0x76: {  	_ =	shalt  }
0x77: {  	_ =	shalt  }
0x78: {  	_ =	shalt  }
0x79: {  	_ =	shalt  }
0x7a: {  	_ =	shalt  }
0x7b: {  	_ =	shalt  }
0x7c: {  	_ =	shalt  }
0x7d: {  	_ =	shalt  }
0x7e: {  	_ =	shalt  }
0x7f: {  	_ =	shalt  }
0x80: {  	_ =	shalt  }
0x81: {  	_ =	shalt  }
0x82: {  	_ =	shalt  }
0x83: {  	_ =	shalt  }
0x84: {  	_ =	shalt  }
0x85: {  	_ =	shalt  }
0x86: {  	_ =	shalt  }
0x87: {  	_ =	shalt  }
.Lfunc_end0:
.L_simem_size_0:
called_computation_lowered:
.L_overlay_start_0:
0x88: {  	s2 =	sld [smem:$0x3FD9]  }
0x89: {  	s3 =	sld [smem:$0x3FFE];
	_ =	sdelay $0x1  }
0x8a: {  	s1 =	srdreg.scid  }
0x8b: {  	s0 =	sand.u32 $0x1, s1  }
0x8c: {  	s18 =	sshll.u32 s0, $0xA;
	s2 =	sadd.s32 s3, s2  }
0x8d: {  	s2 =	sadd.s32 s2, s18  }
0x8e: {  	[smem:$0x3FC5] =	sst s2  }
0x8f: {  	_ = 	snop  }
0x90: {  	s2 =	sld [smem:$0x3FC9]  }
0x91: {  	s19 =	sld [smem:$0x3FC8]  }
0x92: {  	s4 =	sld [smem:$0x3FC7]  }
0x93: {  	s5 =	sld [smem:$0x3FD0];
	(tm) =	ssettm $0x1  }
0x94: {  	s6 =	sld [smem:$0x3FFB];
	_ =	sdelay $0x3  }
0x95: {  	_ =	strace s6  }
0x96: {  	s6 =	sld [smem:$0x3FFC];
	_ =	sdelay $0x3  }
0x97: {  	_ =	strace s6  }
0x98: {  	s6 =	sld [smem:$0x3FFD];
	_ =	sdelay $0x3  }
0x99: {  	_ =	strace s6  }
0x9a: {  	_ =	strace $0x8FFFFFFF  }
0x9b: {  	s20 =	sld [smem:$0x3FDB];
	_ =	sdelay $0x1  }
0x9c: {  	s7 =	simm.s32 $_scs_section_size  }
0x9d: {  	s8 =	simm.s32 $_size__tile_overlayer_lowered;
	s9 =	simm.s32 $_tile_overlayer_lowered  }
0x9e: {  	s23 =	simm.s32 $0x1BFF;
	s22 =	sshll.u32 s9, $0x1;
	s6 =	sadd.s32 s7, s20  }
0x9f: {  	s10 =	simm.s32 $0x0;
	s21 =	sshll.u32 s8, $0x1;
	s8 =	sadd.s32 s22, s6  }
0xa0: {  	[timem:s10], [sflag:s23] =	dma.local [hbm:s8], s21  }
0xa1: {  	_ =	swait.ge [sflag:s23], s21  }
0xa2: {  	s7 =	ssub.s32 $0x0, s21;
	[sflag:s23] =	ssyncset.done $0x0  }
0xa3: {  	[sflag:s23] =	ssyncadd.s32 s7;
	_ =	sdelay $0x1  }
0xa4: {  	s24 =	simm.s32 $0x1B8B  }
0xa5: {  	_ =	swait.ge [sflag:s24], $0x1  }
0xa6: {  	[sflag:s24] =	ssyncset.done $0x0  }
0xa7: {  	s25 =	simm.s32 $0x1B8E;
	[sflag:s24] =	ssyncadd.s32 $0xFFFFFFFF  }
0xa8: {  	s26 =	simm.s32 $execute0_lowered;
	[smem:$0x3FD2] =	sst s25  }
0xa9: {  	s7 =	sshll.u32 s26, $0x1;
	_ =	strace $0x80000046;
	[dreg:$0x1] =	wrdreg $0xFFFFFFFF  }
0xaa: {  	s28 =	simm.s32 $_size_execute0_lowered;
	s6 =	sadd.s32 s6, s7;
	[dreg:$0x0] =	wrdreg $0x0  }
0xab: {  	s7 =	sshll.u32 s28, $0x1;
	[dreg:$0x2] =	wrdreg s6  }
0xac: {  	[dreg:$0x3] =	wrdreg s7  }
0xad: {  	[dreg:$0x4] =	wrdreg $0xC0  }
0xae: {  	_ =	task [dreg:s10], $0x5FFFF  }
0xaf: {  	[dreg:$0x1] =	wrdreg $0xFFFFFFFF  }
0xb0: {  	[dreg:$0x0] =	wrdreg $0x60  }
0xb1: {  	[dreg:$0x2] =	wrdreg s2  }
0xb2: {  	[dreg:$0x3] =	wrdreg s19  }
0xb3: {  	[dreg:$0x4] =	wrdreg s4  }
0xb4: {  	[dreg:$0x5] =	wrdreg s5  }
0xb5: {  	[dreg:$0x6] =	wrdreg $0x9  }
0xb6: {  	_ =	task.clear_ibuf [dreg:s10], $0x7FFFF;
	_ =	strace $0x90000046  }
0xb7: {  	s29 =	simm.s32 $0x9;
	_ =	strace $0x80000048  }
0xb8: {  	_ =	swait.ge [sflag:s29], $0x1  }
0xb9: {  	[sflag:s29] =	ssyncadd.s32 $0xFFFFFFFF  }
0xba: {  	_ =	strace $0x90000048  }
0xbb: {  	_ =	sfence  }
0xbc: {  	s30 =	sld [smem:$0x0];
	_ =	sdelay $0x2  }
0xbd: {  	s31 =	sshll.u32 s1, $0xD;
	s1 =	sshrl.u32 s1, $0x2  }
0xbe: {  	s3 =	sand.u32 $0x4000, s31;
	s1 =	sadd.s32 s1, s30  }
0xbf: {  	s0 =	sor.u32 s3, s0;
	s1 =	sshll.u32 s1, $0x11  }
0xc0: {  	s0 =	sor.u32 s1, s0  }
0xc1: {  	s0 =	sadd.s32 $0x8F2B, s0  }
0xc2: {  	[sflag:s0] =	ssyncadd.remote.s32 $0x1  }
0xc3: {  	_ =	sfence.sel $0xFFFF  }
0xc4: {  	[dreg:$0x0] =	wrdreg $0xFFFFFFFF;
	(pc) =	sbr.abs _section_cstart, $3  }
0xc5: {  	[dreg:$0x1] =	wrdreg $0xFFFFFFFF  }
0xc6: {  	_ =	task.clear_ibuf [dreg:s10], $0x2FFFF;
	_ =	strace $0x9FFFFFFF  }
0xc7: {  	(tm) =	ssettm $0x7FFFFFFF  }
tec
execute0_lowered:
.L_overlay_start_1:
0x0: {  	(tag) =	ssettag $0x1  }
0x1: {  	s1 =	rddreg [dreg:$0x0]  }
0x2: {  	s3 =	rddreg [dreg:$0x1]  }
0x3: {  	s0 =	rddreg [dreg:$0x2];
	s7 =	stileid.u32  }
0x4: {  	s4 =	rddreg [dreg:$0x3];
	s2 =	srdreg.scid;
	s31 =	simm.s32 $0xB  }
0x5: {  	s29 =	simm.s32 $0x4;
	s30 =	simm.s32 $0x7;
	s5 =	sshll.u32 s7, $0x1  }
0x6: {  	s2 =	sand.u32 $0x1, s2;
	s8 =	sshrl.u32 s7, $0x3;
	s14 =	sadd.s32 $0x100, s3  }
0x7: {  	s15 =	sadd.s32 $0x200, s3;
	s6 =	sand.u32 $0xE, s5;
	s5 =	simm.s32 $0x0  }
0x8: {  	s9 =	sshll.u32 s8, $0xF;
	s21 =	sor.u32 s2, s6;
	[smem:$0x7FF] =	sst s5  }
0x9: {  	s2 =	ssub.s32 $0x2, s2;
	s6 =	sshll.u32 s21, $0x5;
	s7 =	smul.u32 $0x6000, s21  }
0xa: {  	_ =	strace $0x80000047;
	s10 =	sshrl.u32 s2, $0x1;
	s21 =	simm.s32 $0x12200  }
0xb: {  	s9 =	sor.u32 s9, s6;
	s2 =	ssub.s32 s2, s10;
	s10 =	simm.s32 $0x8  }
0xc: {  	s9 =	sshrl.u32 s9, $0x3;
	s22 =	sshrl.u32 s7, $0x3;
	s28 =	smax.u32 s2, $0x1  }
0xd: {  	s2 =	simm.s32 $0xC;
	s0 =	sadd.s32 s0, s22;
	[dreg:$0xb] =	wrdreg s28  }
0xe: {  	s11 =	sadd.s32 s1, s9;
	s9 =	sshll.u32 s8, $0x6;
	[dreg:$0x6] =	wrdreg s0  }
0xf: {  	s8 =	simm.s32 $0x0;
	s23 =	sadd.s32 $0x40, s11;
	[dreg:$0x5] =	wrdreg s11  }
.Ltmp0:
0x10: {  	s24 =	sadd.s32 $0x80, s11;
	[dreg:$0x7] =	wrdreg s23;
	(pc) =	sbr.rel .LBB2_1-.Ltmp0, $4  }
0x11: {  	s25 =	sadd.s32 $0xC0, s11;
	s16 =	sor.u32 $0x4, s9;
	[dreg:$0x8] =	wrdreg s24  }
0x12: {  	v2 =	vlaneseq.u32;
	s17 =	sor.u32 $0x5, s9;
	s26 =	sor.u32 $0x7, s9;
	[dreg:$0x9] =	wrdreg s25  }
0x13: {  	vm0 =	vmmov $0xffff;
	v1 =	vshrl.u32 v2, $0x3;
	s18 =	sor.u32 $0x6, s9;
	[dreg:$0xa] =	wrdreg s26;
	s26 =	simm.s32 $0x1  }
0x14: {  	v0 =	vand.u32 $0x7, v2;
	v2 =	vor.u32 $0x8, v2;
	v1 =	vmul.u32 $0x8, v1;
	s25 =	simm.s32 $0x18200;
	s23 =	simm.s32 $0x2;
	s24 =	simm.s32 $0x3  }
.LBB2_14:
0x15: {  	s0 =	simm.s32 $0x5  }
0x16: {  	_ =	swait.ge [sflag:s0], $0x6000  }
0x17: {  	[sflag:s0] =	ssyncset.done $0x0  }
0x18: {  	s22 =	simm.s32 $0x6;
	[sflag:s0] =	ssyncadd.s32 $0xFFFFA000  }
0x19: {  	_ =	swait.ge [sflag:s22], $0x6000  }
0x1a: {  	[sflag:s22] =	ssyncset.done $0x0  }
0x1b: {  	[sflag:s22] =	ssyncadd.s32 $0xFFFFA000  }
0x1c: {  	_ =	swait.ge [sflag:s30], $0x6000  }
0x1d: {  	[sflag:s30] =	ssyncset.done $0x0  }
0x1e: {  	[sflag:s30] =	ssyncadd.s32 $0xFFFFA000  }
0x1f: {  	_ =	swait.ge [sflag:s10], $0x6000  }
0x20: {  	s8 =	rddreg [dreg:$0xc]  }
0x21: {  	s28 =	rddreg [dreg:$0xb];
	s8 =	sadd.s32 $0x1, s8  }
0x22: {  	p0 =	sne.s32 s8, s28  }
.Ltmp1:
0x23: {  	_ = 	snop;
	(pc) =	sbr.rel @!p0 .LBB2_15-.Ltmp1, $3  }
0x24: {  	_ =	sdelay $0x1  }
0x25: {  	[sflag:s10] =	ssyncset.done $0x0  }
0x26: {  	[sflag:s10] =	ssyncadd.s32 $0xFFFFA000  }
.LBB2_1:
0x27: {  	[dreg:$0xc] =	wrdreg s8  }
0x28: {  	s0 =	rddreg [dreg:$0x6];
	s11 =	simm.s32 $0x200;
	s12 =	simm.s32 $0xD  }
0x29: {  	[tilespmem:s11], [sflag:$0xD] =	stream.linear.gather [hbm4b:s0+s5], $0x6000, $0x38;
	[tilespmem:$0x1E200] =	vst v63  }
0x2a: {  	_ =	swait.ge [sflag:s12], $0x6000  }
0x2b: {  	[sflag:s12] =	ssyncset.done $0x0  }
0x2c: {  	s13 =	rddreg [dreg:$0x5];
	[sflag:s12] =	ssyncadd.s32 $0xFFFFA000  }
0x2d: {  	[tilespmem:s5], [sflag:$0x9] =	stream.linear.gather [hbm4b:s13+s5], $0x20, $0x38;
	[tilespmem:$0x1E200] =	vst v63  }
0x2e: {  	s20 =	simm.s32 $0x80;
	s19 =	rddreg [dreg:$0x7]  }
0x2f: {  	[tilespmem:s20], [sflag:$0xA] =	stream.linear.gather [hbm4b:s19+s5], $0x20, $0x38;
	[tilespmem:$0x1E200] =	vst v63  }
0x30: {  	s28 =	simm.s32 $0x100;
	s22 =	rddreg [dreg:$0x8]  }
0x31: {  	[tilespmem:s28], [sflag:$0xB] =	stream.linear.gather [hbm4b:s22+s5], $0x20, $0x38;
	[tilespmem:$0x1E200] =	vst v63  }
0x32: {  	s11 =	rddreg [dreg:$0x9];
	s12 =	simm.s32 $0x180;
	s13 =	simm.s32 $0x9  }
0x33: {  	[tilespmem:s12], [sflag:$0xC] =	stream.linear.gather [hbm4b:s11+s5], $0x20, $0x38;
	[tilespmem:$0x1E200] =	vst v63  }
0x34: {  	_ =	swait.ge [sflag:s13], $0x20  }
0x35: {  	[sflag:s13] =	ssyncset.done $0x0  }
0x36: {  	[sflag:s13] =	ssyncadd.s32 $0xFFFFFFE0  }
0x37: {  	v3 =	vld [tilespmem:$0x0];
	_ =	sdelay $0x4  }
0x38: {  	v4 =	vshrl.u32 v3, $0x3  }
0x39: {  	v4 =	vmul.u32 $0x30, v4  }
0x3a: {  	v3 =	vand.u32 $0x7, v3  }
0x3b: {  	v3 =	vor.u32 v3, v4  }
0x3c: {  	v4 =	vperm.xlane v3, v0;
	_ =	sdelay $0x1  }
0x3d: {  	v4 =	vadd.s32 v1, v4;
	_ =	sdelay $0x3  }
0x3e: {  	s19 =	simm.s32 $0x6200;
	v3 =	vperm.xlane v3, v2  }
0x3f: {  	[tilespmem:s19], [sflag:$0x1] =	stream.indirect_vreg.gather [hbm4b:s3+s5], $0x80, v4, vm0, $0xb8;
	[tilespmem:$0x1E200] =	vst v63  }
0x40: {  	s20 =	simm.s32 $0x6A00;
	v3 =	vadd.s32 v1, v3  }
0x41: {  	[tilespmem:s20], [sflag:$0x1] =	stream.indirect_vreg.gather [hbm4b:s14+s5], $0x80, v4, vm0, $0xb8;
	[tilespmem:$0x1E200] =	vst v63  }
0x42: {  	s22 =	simm.s32 $0x7200  }
0x43: {  	[tilespmem:s22], [sflag:$0x1] =	stream.indirect_vreg.gather [hbm4b:s15+s5], $0x80, v4, vm0, $0xb8;
	[tilespmem:$0x1E200] =	vst v63  }
0x44: {  	s28 =	simm.s32 $0x7A00  }
0x45: {  	[tilespmem:s28], [sflag:$0x1] =	stream.indirect_vreg.gather [hbm4b:s3+s5], $0x80, v3, vm0, $0xb8;
	[tilespmem:$0x1E200] =	vst v63  }
0x46: {  	s8 =	simm.s32 $0x8200  }
0x47: {  	[tilespmem:s8], [sflag:$0x1] =	stream.indirect_vreg.gather [hbm4b:s14+s5], $0x80, v3, vm0, $0xb8;
	[tilespmem:$0x1E200] =	vst v63  }
0x48: {  	s11 =	simm.s32 $0x8A00  }
0x49: {  	[tilespmem:s11], [sflag:$0x1] =	stream.indirect_vreg.gather [hbm4b:s15+s5], $0x80, v3, vm0, $0xb8;
	[tilespmem:$0x1E200] =	vst v63  }
0x4a: {  	v3 =	vld [tilespmem:$0x10];
	_ =	sdelay $0x4  }
0x4b: {  	v59 =	vshrl.u32 v3, $0x3  }
0x4c: {  	v4 =	vmul.u32 $0x30, v59  }
0x4d: {  	v3 =	vand.u32 $0x7, v3  }
0x4e: {  	v3 =	vor.u32 v3, v4  }
0x4f: {  	v4 =	vperm.xlane v3, v0;
	_ =	sdelay $0x1  }
0x50: {  	v4 =	vadd.s32 v1, v4;
	_ =	sdelay $0x3  }
0x51: {  	s12 =	simm.s32 $0x9200;
	v3 =	vperm.xlane v3, v2  }
0x52: {  	[tilespmem:s12], [sflag:$0x1] =	stream.indirect_vreg.gather [hbm4b:s3+s5], $0x80, v4, vm0, $0xb8;
	[tilespmem:$0x1E200] =	vst v63  }
0x53: {  	s13 =	simm.s32 $0x9A00;
	v3 =	vadd.s32 v1, v3  }
0x54: {  	[tilespmem:s13], [sflag:$0x1] =	stream.indirect_vreg.gather [hbm4b:s14+s5], $0x80, v4, vm0, $0xb8;
	[tilespmem:$0x1E200] =	vst v63  }
0x55: {  	s19 =	simm.s32 $0xA200  }
0x56: {  	[tilespmem:s19], [sflag:$0x1] =	stream.indirect_vreg.gather [hbm4b:s15+s5], $0x80, v4, vm0, $0xb8;
	[tilespmem:$0x1E200] =	vst v63  }
0x57: {  	s20 =	simm.s32 $0xAA00  }
0x58: {  	[tilespmem:s20], [sflag:$0x1] =	stream.indirect_vreg.gather [hbm4b:s3+s5], $0x80, v3, vm0, $0xb8;
	[tilespmem:$0x1E200] =	vst v63  }
0x59: {  	s22 =	simm.s32 $0xB200  }
0x5a: {  	[tilespmem:s22], [sflag:$0x1] =	stream.indirect_vreg.gather [hbm4b:s14+s5], $0x80, v3, vm0, $0xb8;
	[tilespmem:$0x1E200] =	vst v63  }
0x5b: {  	s28 =	simm.s32 $0xBA00;
	s8 =	simm.s32 $0xA  }
0x5c: {  	[tilespmem:s28], [sflag:$0x1] =	stream.indirect_vreg.gather [hbm4b:s15+s5], $0x80, v3, vm0, $0xb8;
	[tilespmem:$0x1E200] =	vst v63  }
0x5d: {  	_ =	swait.ge [sflag:s8], $0x20  }
0x5e: {  	[sflag:s8] =	ssyncset.done $0x0  }
0x5f: {  	[sflag:s8] =	ssyncadd.s32 $0xFFFFFFE0  }
0x60: {  	v3 =	vld [tilespmem:$0x80];
	_ =	sdelay $0x4  }
0x61: {  	v60 =	vshrl.u32 v3, $0x3  }
0x62: {  	v4 =	vmul.u32 $0x30, v60  }
0x63: {  	v3 =	vand.u32 $0x7, v3  }
0x64: {  	v3 =	vor.u32 v3, v4  }
0x65: {  	v4 =	vperm.xlane v3, v0;
	_ =	sdelay $0x1  }
0x66: {  	v4 =	vadd.s32 v1, v4;
	_ =	sdelay $0x3  }
0x67: {  	s11 =	simm.s32 $0xC200;
	v3 =	vperm.xlane v3, v2  }
0x68: {  	[tilespmem:s11], [sflag:$0x2] =	stream.indirect_vreg.gather [hbm4b:s3+s5], $0x80, v4, vm0, $0xb8;
	[tilespmem:$0x1E200] =	vst v63  }
0x69: {  	s12 =	simm.s32 $0xCA00;
	v3 =	vadd.s32 v1, v3  }
0x6a: {  	[tilespmem:s12], [sflag:$0x2] =	stream.indirect_vreg.gather [hbm4b:s14+s5], $0x80, v4, vm0, $0xb8;
	[tilespmem:$0x1E200] =	vst v63  }
0x6b: {  	s13 =	simm.s32 $0xD200  }
0x6c: {  	[tilespmem:s13], [sflag:$0x2] =	stream.indirect_vreg.gather [hbm4b:s15+s5], $0x80, v4, vm0, $0xb8;
	[tilespmem:$0x1E200] =	vst v63  }
0x6d: {  	s19 =	simm.s32 $0xDA00  }
0x6e: {  	[tilespmem:s19], [sflag:$0x2] =	stream.indirect_vreg.gather [hbm4b:s3+s5], $0x80, v3, vm0, $0xb8;
	[tilespmem:$0x1E200] =	vst v63  }
0x6f: {  	s20 =	simm.s32 $0xE200  }
0x70: {  	[tilespmem:s20], [sflag:$0x2] =	stream.indirect_vreg.gather [hbm4b:s14+s5], $0x80, v3, vm0, $0xb8;
	[tilespmem:$0x1E200] =	vst v63  }
0x71: {  	s22 =	simm.s32 $0xEA00  }
0x72: {  	[tilespmem:s22], [sflag:$0x2] =	stream.indirect_vreg.gather [hbm4b:s15+s5], $0x80, v3, vm0, $0xb8;
	[tilespmem:$0x1E200] =	vst v63  }
0x73: {  	v3 =	vld [tilespmem:$0x90];
	_ =	sdelay $0x4  }
0x74: {  	v61 =	vshrl.u32 v3, $0x3  }
0x75: {  	v4 =	vmul.u32 $0x30, v61  }
0x76: {  	v3 =	vand.u32 $0x7, v3  }
0x77: {  	v3 =	vor.u32 v3, v4  }
0x78: {  	v4 =	vperm.xlane v3, v0;
	_ =	sdelay $0x1  }
0x79: {  	v4 =	vadd.s32 v1, v4;
	_ =	sdelay $0x3  }
0x7a: {  	s28 =	simm.s32 $0xF200;
	v3 =	vperm.xlane v3, v2  }
0x7b: {  	[tilespmem:s28], [sflag:$0x2] =	stream.indirect_vreg.gather [hbm4b:s3+s5], $0x80, v4, vm0, $0xb8;
	[tilespmem:$0x1E200] =	vst v63  }
0x7c: {  	s8 =	simm.s32 $0xFA00;
	v3 =	vadd.s32 v1, v3  }
0x7d: {  	[tilespmem:s8], [sflag:$0x2] =	stream.indirect_vreg.gather [hbm4b:s14+s5], $0x80, v4, vm0, $0xb8;
	[tilespmem:$0x1E200] =	vst v63  }
0x7e: {  	s11 =	simm.s32 $0x10200  }
0x7f: {  	[tilespmem:s11], [sflag:$0x2] =	stream.indirect_vreg.gather [hbm4b:s15+s5], $0x80, v4, vm0, $0xb8;
	[tilespmem:$0x1E200] =	vst v63  }
0x80: {  	s12 =	simm.s32 $0x10A00  }
0x81: {  	[tilespmem:s12], [sflag:$0x2] =	stream.indirect_vreg.gather [hbm4b:s3+s5], $0x80, v3, vm0, $0xb8;
	[tilespmem:$0x1E200] =	vst v63  }
0x82: {  	s13 =	simm.s32 $0x11200  }
0x83: {  	[tilespmem:s13], [sflag:$0x2] =	stream.indirect_vreg.gather [hbm4b:s14+s5], $0x80, v3, vm0, $0xb8;
	[tilespmem:$0x1E200] =	vst v63  }
0x84: {  	s19 =	simm.s32 $0x11A00  }
0x85: {  	[tilespmem:s19], [sflag:$0x2] =	stream.indirect_vreg.gather [hbm4b:s15+s5], $0x80, v3, vm0, $0xb8;
	[tilespmem:$0x1E200] =	vst v63  }
0x86: {  	_ =	swait.ge [sflag:s31], $0x20  }
0x87: {  	[sflag:s31] =	ssyncset.done $0x0  }
0x88: {  	[sflag:s31] =	ssyncadd.s32 $0xFFFFFFE0  }
0x89: {  	v3 =	vld [tilespmem:$0x100];
	_ =	sdelay $0x4  }
0x8a: {  	v62 =	vshrl.u32 v3, $0x3  }
0x8b: {  	v4 =	vmul.u32 $0x30, v62  }
0x8c: {  	v3 =	vand.u32 $0x7, v3  }
0x8d: {  	v3 =	vor.u32 v3, v4  }
0x8e: {  	v4 =	vperm.xlane v3, v0;
	_ =	sdelay $0x1  }
0x8f: {  	v4 =	vadd.s32 v1, v4;
	_ =	sdelay $0x3  }
0x90: {  	v3 =	vperm.xlane v3, v2  }
0x91: {  	[tilespmem:s21], [sflag:$0x3] =	stream.indirect_vreg.gather [hbm4b:s3+s5], $0x80, v4, vm0, $0xb8;
	[tilespmem:$0x1E200] =	vst v63  }
0x92: {  	s20 =	simm.s32 $0x12A00;
	v3 =	vadd.s32 v1, v3  }
0x93: {  	[tilespmem:s20], [sflag:$0x3] =	stream.indirect_vreg.gather [hbm4b:s14+s5], $0x80, v4, vm0, $0xb8;
	[tilespmem:$0x1E200] =	vst v63  }
0x94: {  	s22 =	simm.s32 $0x13200  }
0x95: {  	[tilespmem:s22], [sflag:$0x3] =	stream.indirect_vreg.gather [hbm4b:s15+s5], $0x80, v4, vm0, $0xb8;
	[tilespmem:$0x1E200] =	vst v63  }
0x96: {  	s28 =	simm.s32 $0x13A00  }
0x97: {  	[tilespmem:s28], [sflag:$0x3] =	stream.indirect_vreg.gather [hbm4b:s3+s5], $0x80, v3, vm0, $0xb8;
	[tilespmem:$0x1E200] =	vst v63  }
0x98: {  	s8 =	simm.s32 $0x14200  }
0x99: {  	[tilespmem:s8], [sflag:$0x3] =	stream.indirect_vreg.gather [hbm4b:s14+s5], $0x80, v3, vm0, $0xb8;
	[tilespmem:$0x1E200] =	vst v63  }
0x9a: {  	s11 =	simm.s32 $0x14A00  }
0x9b: {  	[tilespmem:s11], [sflag:$0x3] =	stream.indirect_vreg.gather [hbm4b:s15+s5], $0x80, v3, vm0, $0xb8;
	[tilespmem:$0x1E200] =	vst v63  }
0x9c: {  	v3 =	vld [tilespmem:$0x110];
	_ =	sdelay $0x4  }
0x9d: {  	v63 =	vshrl.u32 v3, $0x3  }
0x9e: {  	v4 =	vmul.u32 $0x30, v63  }
0x9f: {  	v3 =	vand.u32 $0x7, v3  }
0xa0: {  	v3 =	vor.u32 v3, v4  }
0xa1: {  	v4 =	vperm.xlane v3, v0;
	_ =	sdelay $0x1  }
0xa2: {  	v4 =	vadd.s32 v1, v4;
	_ =	sdelay $0x3  }
0xa3: {  	s12 =	simm.s32 $0x15200;
	v3 =	vperm.xlane v3, v2  }
0xa4: {  	[tilespmem:s12], [sflag:$0x3] =	stream.indirect_vreg.gather [hbm4b:s3+s5], $0x80, v4, vm0, $0xb8;
	[tilespmem:$0x1E200] =	vst v63  }
0xa5: {  	s13 =	simm.s32 $0x15A00;
	v3 =	vadd.s32 v1, v3  }
0xa6: {  	[tilespmem:s13], [sflag:$0x3] =	stream.indirect_vreg.gather [hbm4b:s14+s5], $0x80, v4, vm0, $0xb8;
	[tilespmem:$0x1E200] =	vst v63  }
0xa7: {  	s19 =	simm.s32 $0x16200  }
0xa8: {  	[tilespmem:s19], [sflag:$0x3] =	stream.indirect_vreg.gather [hbm4b:s15+s5], $0x80, v4, vm0, $0xb8;
	[tilespmem:$0x1E200] =	vst v63  }
0xa9: {  	s20 =	simm.s32 $0x16A00  }
0xaa: {  	[tilespmem:s20], [sflag:$0x3] =	stream.indirect_vreg.gather [hbm4b:s3+s5], $0x80, v3, vm0, $0xb8;
	[tilespmem:$0x1E200] =	vst v63  }
0xab: {  	s22 =	simm.s32 $0x17200  }
0xac: {  	[tilespmem:s22], [sflag:$0x3] =	stream.indirect_vreg.gather [hbm4b:s14+s5], $0x80, v3, vm0, $0xb8;
	[tilespmem:$0x1E200] =	vst v63  }
0xad: {  	s28 =	simm.s32 $0x17A00;
	s11 =	simm.s32 $0x0  }
0xae: {  	[tilespmem:s28], [sflag:$0x3] =	stream.indirect_vreg.gather [hbm4b:s15+s5], $0x80, v3, vm0, $0xb8;
	[tilespmem:$0x1E200] =	vst v63  }
.LBB2_2:
0xaf: {  	s12 =	simm.s32 $0x0  }
0xb0: {  	_ =	swait.ge [sflag:s26], $0x6000;
	s8 =	simm.s32 $0x0;
	s12 =	smul.u32 $0x1800, s12  }
0xb1: {  	[sflag:s26] =	ssyncset.done $0x0;
	s13 =	sand.u32 $0x380, s8  }
0xb2: {  	[sflag:s26] =	ssyncadd.s32 $0xFFFFA000;
	s13 =	sor.u32 s13, s12  }
0xb3: {  	v5 =	vld [tilespmem:s13+$0x200]  }
0xb4: {  	v25 =	vld [tilespmem:s13+$0x210]  }
0xb5: {  	v26 =	vld [tilespmem:s13+$0x220]  }
0xb6: {  	v27 =	vld [tilespmem:s13+$0x230]  }
0xb7: {  	v28 =	vld [tilespmem:s13+$0x240]  }
0xb8: {  	v29 =	vld [tilespmem:s13+$0x250]  }
0xb9: {  	v30 =	vld [tilespmem:s13+$0x260]  }
0xba: {  	v31 =	vld [tilespmem:s13+$0x270]  }
0xbb: {  	v32 =	vld [tilespmem:s13+$0x600]  }
0xbc: {  	v33 =	vld [tilespmem:s13+$0x610]  }
0xbd: {  	v34 =	vld [tilespmem:s13+$0x620]  }
0xbe: {  	v35 =	vld [tilespmem:s13+$0x630]  }
0xbf: {  	v36 =	vld [tilespmem:s13+$0x640]  }
0xc0: {  	v37 =	vld [tilespmem:s13+$0x650]  }
0xc1: {  	v38 =	vld [tilespmem:s13+$0x660]  }
0xc2: {  	v39 =	vld [tilespmem:s13+$0x670]  }
0xc3: {  	v40 =	vld [tilespmem:s13+$0xA00]  }
0xc4: {  	v41 =	vld [tilespmem:s13+$0xA10]  }
0xc5: {  	v42 =	vld [tilespmem:s13+$0xA20]  }
0xc6: {  	v43 =	vld [tilespmem:s13+$0xA30]  }
0xc7: {  	v44 =	vld [tilespmem:s13+$0xA40]  }
0xc8: {  	v45 =	vld [tilespmem:s13+$0xA50]  }
0xc9: {  	v46 =	vld [tilespmem:s13+$0xA60]  }
0xca: {  	v47 =	vld [tilespmem:s13+$0xA70]  }
0xcb: {  	v48 =	vld [tilespmem:s13+$0xE00]  }
0xcc: {  	v49 =	vld [tilespmem:s13+$0xE10]  }
0xcd: {  	v24 =	vld [tilespmem:s13+$0xE20]  }
0xce: {  	v23 =	vld [tilespmem:s13+$0xE30]  }
0xcf: {  	v22 =	vld [tilespmem:s13+$0xE40]  }
0xd0: {  	v21 =	vld [tilespmem:s13+$0xE50]  }
0xd1: {  	v20 =	vld [tilespmem:s13+$0xE60]  }
0xd2: {  	v19 =	vld [tilespmem:s13+$0xE70]  }
0xd3: {  	v18 =	vld [tilespmem:s13+$0x1200]  }
0xd4: {  	v17 =	vld [tilespmem:s13+$0x1210]  }
0xd5: {  	v16 =	vld [tilespmem:s13+$0x1220]  }
0xd6: {  	v15 =	vld [tilespmem:s13+$0x1230]  }
0xd7: {  	v14 =	vld [tilespmem:s13+$0x1240]  }
0xd8: {  	v13 =	vld [tilespmem:s13+$0x1250]  }
0xd9: {  	v12 =	vld [tilespmem:s13+$0x1260]  }
0xda: {  	v11 =	vld [tilespmem:s13+$0x1270]  }
0xdb: {  	v10 =	vld [tilespmem:s13+$0x1600]  }
0xdc: {  	v9 =	vld [tilespmem:s13+$0x1610]  }
0xdd: {  	v8 =	vld [tilespmem:s13+$0x1620]  }
0xde: {  	v7 =	vld [tilespmem:s13+$0x1630]  }
0xdf: {  	v6 =	vld [tilespmem:s13+$0x1640]  }
0xe0: {  	v4 =	vld [tilespmem:s13+$0x1650]  }
0xe1: {  	v50 =	vld [tilespmem:s13+$0x6200]  }
0xe2: {  	v51 =	vld [tilespmem:s13+$0x6210]  }
0xe3: {  	v52 =	vld [tilespmem:s13+$0x6220]  }
0xe4: {  	v53 =	vld [tilespmem:s13+$0x6230]  }
0xe5: {  	v54 =	vld [tilespmem:s13+$0x6240]  }
0xe6: {  	v62 =	vld [tilespmem:s13+$0x6250]  }
0xe7: {  	v63 =	vld [tilespmem:s13+$0x6260]  }
0xe8: {  	v56 =	vld [tilespmem:s13+$0x6270];
	v5 =	vadd.f32 v5, v50;
	v25 =	vadd.f32 v25, v51  }
0xe9: {  	v57 =	vld [tilespmem:s13+$0x6600];
	v26 =	vadd.f32 v26, v52;
	v27 =	vadd.f32 v27, v53  }
0xea: {  	v60 =	vld [tilespmem:s13+$0x6610];
	v28 =	vadd.f32 v28, v54;
	v55 =	vadd.f32 v5, v5  }
0xeb: {  	v3 =	vld [tilespmem:s13+$0x1660];
	v59 =	vadd.f32 v29, v62;
	v25 =	vadd.f32 v25, v25  }
0xec: {  	v62 =	vadd.f32 v30, v63;
	v51 =	vld [tilespmem:s13+$0x6620];
	v26 =	vadd.f32 v26, v26;
	[tilespmem:s13+$0x6200] =	vst v55  }
0xed: {  	v50 =	vadd.f32 v31, v56;
	v56 =	vld [tilespmem:s13+$0x6630];
	v58 =	vadd.f32 v27, v27;
	[tilespmem:s13+$0x6210] =	vst v25  }
0xee: {  	v54 =	vadd.f32 v32, v57;
	v57 =	vld [tilespmem:s13+$0x6640];
	v61 =	vadd.f32 v28, v28;
	[tilespmem:s13+$0x6220] =	vst v26  }
0xef: {  	v29 =	vadd.f32 v33, v60;
	v60 =	vld [tilespmem:s13+$0x6A10];
	v63 =	vadd.f32 v59, v59;
	[tilespmem:s13+$0x6230] =	vst v58  }
0xf0: {  	v53 =	vld [tilespmem:s13+$0x6E20];
	v52 =	vadd.f32 v62, v62;
	[tilespmem:s13+$0x6240] =	vst v61  }
0xf1: {  	v5 =	vld [tilespmem:s13+$0x1670];
	v28 =	vadd.f32 v54, v54;
	[tilespmem:s13+$0x6250] =	vst v63  }
0xf2: {  	v59 =	vld [tilespmem:s13+$0x6650];
	v29 =	vadd.f32 v29, v29;
	[tilespmem:s13+$0x6260] =	vst v52;
	v30 =	vadd.f32 v34, v51  }
0xf3: {  	v62 =	vld [tilespmem:s13+$0x6A20];
	v55 =	vadd.f32 v50, v50;
	[tilespmem:s13+$0x6600] =	vst v28;
	v27 =	vadd.f32 v35, v56  }
0xf4: {  	v54 =	vld [tilespmem:s13+$0x6E30];
	[tilespmem:s13+$0x6610] =	vst v29;
	v26 =	vadd.f32 v36, v57;
	v30 =	vadd.f32 v30, v30  }
0xf5: {  	v61 =	vld [tilespmem:s13+$0x6660];
	v28 =	vadd.f32 v41, v60;
	[tilespmem:s13+$0x6270] =	vst v55;
	v27 =	vadd.f32 v27, v27  }
0xf6: {  	v63 =	vld [tilespmem:s13+$0x6670];
	v24 =	vadd.f32 v24, v53;
	v26 =	vadd.f32 v26, v26;
	[tilespmem:s13+$0x6620] =	vst v30  }
0xf7: {  	v58 =	vld [tilespmem:s13+$0x6A00];
	v31 =	vadd.f32 v37, v59;
	v28 =	vadd.f32 v28, v28;
	[tilespmem:s13+$0x6630] =	vst v27  }
0xf8: {  	v36 =	vld [tilespmem:s13+$0x6A30];
	v29 =	vadd.f32 v42, v62;
	v24 =	vadd.f32 v24, v24;
	[tilespmem:s13+$0x6640] =	vst v26  }
0xf9: {  	v56 =	vld [tilespmem:s13+$0x6E50];
	v23 =	vadd.f32 v23, v54;
	v31 =	vadd.f32 v31, v31;
	[tilespmem:s13+$0x6A10] =	vst v28  }
0xfa: {  	v57 =	vld [tilespmem:s13+$0x6E60];
	v32 =	vadd.f32 v38, v61;
	v29 =	vadd.f32 v29, v29;
	[tilespmem:s13+$0x6E20] =	vst v24  }
0xfb: {  	v55 =	vld [tilespmem:s13+$0x6E40];
	v33 =	vadd.f32 v39, v63;
	v23 =	vadd.f32 v23, v23;
	[tilespmem:s13+$0x6650] =	vst v31  }
0xfc: {  	v37 =	vld [tilespmem:s13+$0x6A40];
	v25 =	vadd.f32 v40, v58;
	v32 =	vadd.f32 v32, v32;
	[tilespmem:s13+$0x6A20] =	vst v29  }
0xfd: {  	v50 =	vld [tilespmem:s13+$0x6A70];
	v30 =	vadd.f32 v43, v36;
	v33 =	vadd.f32 v33, v33;
	[tilespmem:s13+$0x6E30] =	vst v23  }
0xfe: {  	v51 =	vld [tilespmem:s13+$0x6E00];
	v21 =	vadd.f32 v21, v56;
	v25 =	vadd.f32 v25, v25;
	[tilespmem:s13+$0x6660] =	vst v32  }
0xff: {  	v52 =	vld [tilespmem:s13+$0x6E10];
	v20 =	vadd.f32 v20, v57;
	v30 =	vadd.f32 v30, v30;
	[tilespmem:s13+$0x6670] =	vst v33  }
0x100: {  	v38 =	vld [tilespmem:s13+$0x6A50];
	v22 =	vadd.f32 v22, v55;
	v21 =	vadd.f32 v21, v21;
	[tilespmem:s13+$0x6A00] =	vst v25  }
0x101: {  	v58 =	vld [tilespmem:s13+$0x6E70];
	v27 =	vadd.f32 v44, v37;
	v20 =	vadd.f32 v20, v20;
	[tilespmem:s13+$0x6A30] =	vst v30  }
0x102: {  	v39 =	vld [tilespmem:s13+$0x6A60];
	v32 =	vadd.f32 v47, v50;
	v22 =	vadd.f32 v22, v22;
	[tilespmem:s13+$0x6E50] =	vst v21  }
0x103: {  	v60 =	vld [tilespmem:s13+$0x7210];
	v33 =	vadd.f32 v48, v51;
	v27 =	vadd.f32 v27, v27;
	[tilespmem:s13+$0x6E60] =	vst v20  }
0x104: {  	v59 =	vld [tilespmem:s13+$0x7200];
	v25 =	vadd.f32 v49, v52;
	v32 =	vadd.f32 v32, v32;
	[tilespmem:s13+$0x6E40] =	vst v22  }
0x105: {  	v61 =	vld [tilespmem:s13+$0x7220];
	v26 =	vadd.f32 v45, v38;
	v33 =	vadd.f32 v33, v33;
	[tilespmem:s13+$0x6A40] =	vst v27  }
0x106: {  	v62 =	vld [tilespmem:s13+$0x7230];
	v19 =	vadd.f32 v19, v58;
	v25 =	vadd.f32 v25, v25;
	[tilespmem:s13+$0x6A70] =	vst v32  }
0x107: {  	v23 =	vld [tilespmem:s13+$0x7240];
	v31 =	vadd.f32 v46, v39;
	v26 =	vadd.f32 v26, v26;
	[tilespmem:s13+$0x6E00] =	vst v33  }
0x108: {  	v20 =	vadd.f32 v17, v60;
	v22 =	vld [tilespmem:s13+$0x7250];
	v19 =	vadd.f32 v19, v19;
	[tilespmem:s13+$0x6E10] =	vst v25  }
0x109: {  	v63 =	vadd.f32 v18, v59;
	v21 =	vld [tilespmem:s13+$0x7260];
	v31 =	vadd.f32 v31, v31;
	[tilespmem:s13+$0x6A50] =	vst v26  }
0x10a: {  	v18 =	vld [tilespmem:s13+$0x7270];
	v20 =	vadd.f32 v20, v20;
	[tilespmem:s13+$0x6E70] =	vst v19;
	v19 =	vadd.f32 v16, v61  }
0x10b: {  	v15 =	vadd.f32 v15, v62;
	v17 =	vld [tilespmem:s13+$0x7600];
	[tilespmem:s13+$0x6A60] =	vst v31;
	v26 =	vadd.f32 v63, v63  }
0x10c: {  	v23 =	vadd.f32 v14, v23;
	v16 =	vld [tilespmem:s13+$0x7610];
	[tilespmem:s13+$0x7210] =	vst v20;
	v19 =	vadd.f32 v19, v19  }
0x10d: {  	v14 =	vld [tilespmem:s13+$0x7620];
	v20 =	vadd.f32 v15, v15;
	[tilespmem:s13+$0x7200] =	vst v26;
	v15 =	vadd.f32 v13, v22  }
0x10e: {  	s12 =	simm.s32 $0x1;
	v13 =	vadd.f32 v12, v21;
	v12 =	vld [tilespmem:s13+$0x7630];
	[tilespmem:s13+$0x7220] =	vst v19;
	v19 =	vadd.f32 v23, v23  }
.LBB2_3:
0x10f: {  	s20 =	sshrl.u32 s12, $0x3;
	p0 =	sne.s32 s12, $0x1F;
	[tilespmem:s13+$0x7230] =	vst v20;
	v15 =	vadd.f32 v15, v15;
	v11 =	vadd.f32 v11, v18;
	v18 =	vld [tilespmem:s13+$0x7640]  }
0x110: {  	s8 =	sadd.s32 $0x80, s8;
	s20 =	smul.u32 $0x1800, s20;
	[tilespmem:s13+$0x7240] =	vst v19;
	v13 =	vadd.f32 v13, v13;
	v10 =	vadd.f32 v10, v17;
	v17 =	vld [tilespmem:s13+$0x7650]  }
0x111: {  	s22 =	sand.u32 $0x380, s8;
	[tilespmem:s13+$0x7250] =	vst v15;
	v11 =	vadd.f32 v11, v11;
	v9 =	vadd.f32 v9, v16;
	v15 =	vld [tilespmem:s13+$0x7660]  }
0x112: {  	s20 =	sor.u32 s22, s20;
	[tilespmem:s13+$0x7260] =	vst v13;
	v10 =	vadd.f32 v10, v10;
	v8 =	vadd.f32 v8, v14;
	v13 =	vld [tilespmem:s13+$0x7670]  }
0x113: {  	v42 =	vld [tilespmem:s20+$0x200];
	[tilespmem:s13+$0x7270] =	vst v11;
	v9 =	vadd.f32 v9, v9;
	v7 =	vadd.f32 v7, v12  }
0x114: {  	v43 =	vld [tilespmem:s20+$0x210];
	[tilespmem:s13+$0x7600] =	vst v10;
	v8 =	vadd.f32 v8, v8;
	v6 =	vadd.f32 v6, v18  }
0x115: {  	v44 =	vld [tilespmem:s20+$0x220];
	[tilespmem:s13+$0x7610] =	vst v9;
	v7 =	vadd.f32 v7, v7;
	v4 =	vadd.f32 v4, v17  }
0x116: {  	v45 =	vld [tilespmem:s20+$0x230];
	[tilespmem:s13+$0x7620] =	vst v8;
	v6 =	vadd.f32 v6, v6;
	v3 =	vadd.f32 v3, v15  }
0x117: {  	v46 =	vld [tilespmem:s20+$0x240];
	[tilespmem:s13+$0x7630] =	vst v7;
	v4 =	vadd.f32 v4, v4;
	v5 =	vadd.f32 v5, v13  }
0x118: {  	v47 =	vld [tilespmem:s20+$0x250];
	[tilespmem:s13+$0x7640] =	vst v6;
	v3 =	vadd.f32 v3, v3  }
0x119: {  	v48 =	vld [tilespmem:s20+$0x260];
	[tilespmem:s13+$0x7650] =	vst v4;
	v4 =	vadd.f32 v5, v5  }
0x11a: {  	v49 =	vld [tilespmem:s20+$0x270];
	[tilespmem:s13+$0x7660] =	vst v3  }
0x11b: {  	v50 =	vld [tilespmem:s20+$0x600];
	[tilespmem:s13+$0x7670] =	vst v4;
	s13 =	smov.u32 s20  }
0x11c: {  	v41 =	vld [tilespmem:s13+$0x610]  }
0x11d: {  	v40 =	vld [tilespmem:s13+$0x620]  }
0x11e: {  	v39 =	vld [tilespmem:s13+$0x630]  }
0x11f: {  	v38 =	vld [tilespmem:s13+$0x640]  }
0x120: {  	v37 =	vld [tilespmem:s13+$0x650]  }
0x121: {  	v36 =	vld [tilespmem:s13+$0x660]  }
0x122: {  	v35 =	vld [tilespmem:s13+$0x670]  }
0x123: {  	v34 =	vld [tilespmem:s13+$0xA00]  }
0x124: {  	v33 =	vld [tilespmem:s13+$0xA10]  }
0x125: {  	v32 =	vld [tilespmem:s13+$0xA20]  }
0x126: {  	v31 =	vld [tilespmem:s13+$0xA30]  }
0x127: {  	v30 =	vld [tilespmem:s13+$0xA40]  }
0x128: {  	v29 =	vld [tilespmem:s13+$0xA50]  }
0x129: {  	v28 =	vld [tilespmem:s13+$0xA60]  }
0x12a: {  	v27 =	vld [tilespmem:s13+$0xA70]  }
0x12b: {  	v26 =	vld [tilespmem:s13+$0xE00]  }
0x12c: {  	v25 =	vld [tilespmem:s13+$0xE10]  }
0x12d: {  	v24 =	vld [tilespmem:s13+$0xE20]  }
0x12e: {  	v23 =	vld [tilespmem:s13+$0xE30]  }
0x12f: {  	v22 =	vld [tilespmem:s13+$0xE40]  }
0x130: {  	v21 =	vld [tilespmem:s13+$0xE50]  }
0x131: {  	v20 =	vld [tilespmem:s13+$0xE60]  }
0x132: {  	v19 =	vld [tilespmem:s13+$0xE70]  }
0x133: {  	v18 =	vld [tilespmem:s13+$0x1200]  }
0x134: {  	v17 =	vld [tilespmem:s13+$0x1210]  }
0x135: {  	v16 =	vld [tilespmem:s13+$0x1220]  }
0x136: {  	v15 =	vld [tilespmem:s13+$0x1230]  }
0x137: {  	v14 =	vld [tilespmem:s13+$0x1240]  }
0x138: {  	v13 =	vld [tilespmem:s13+$0x1250]  }
0x139: {  	v12 =	vld [tilespmem:s13+$0x1260]  }
0x13a: {  	v11 =	vld [tilespmem:s13+$0x1270]  }
0x13b: {  	v10 =	vld [tilespmem:s13+$0x1600]  }
0x13c: {  	v9 =	vld [tilespmem:s13+$0x1610]  }
0x13d: {  	v8 =	vld [tilespmem:s13+$0x1620]  }
0x13e: {  	v7 =	vld [tilespmem:s13+$0x1630]  }
0x13f: {  	v6 =	vld [tilespmem:s13+$0x1640]  }
0x140: {  	v4 =	vld [tilespmem:s13+$0x1650]  }
0x141: {  	v3 =	vld [tilespmem:s13+$0x1660]  }
0x142: {  	v5 =	vld [tilespmem:s13+$0x1670]  }
0x143: {  	v51 =	vld [tilespmem:s13+$0x6200]  }
0x144: {  	v52 =	vld [tilespmem:s13+$0x6210]  }
0x145: {  	v53 =	vld [tilespmem:s13+$0x6220]  }
0x146: {  	v54 =	vld [tilespmem:s13+$0x6230]  }
0x147: {  	v55 =	vld [tilespmem:s13+$0x6240]  }
0x148: {  	v42 =	vadd.f32 v42, v51;
	v51 =	vld [tilespmem:s13+$0x6250]  }
0x149: {  	v43 =	vadd.f32 v43, v52;
	v52 =	vld [tilespmem:s13+$0x6260]  }
0x14a: {  	v42 =	vadd.f32 v42, v42;
	v44 =	vadd.f32 v44, v53;
	v53 =	vld [tilespmem:s13+$0x6270]  }
0x14b: {  	v43 =	vadd.f32 v43, v43;
	v45 =	vadd.f32 v45, v54;
	v54 =	vld [tilespmem:s13+$0x6600]  }
0x14c: {  	[tilespmem:s13+$0x6200] =	vst v42;
	v42 =	vadd.f32 v44, v44;
	v44 =	vadd.f32 v46, v55;
	v46 =	vld [tilespmem:s13+$0x6610]  }
0x14d: {  	[tilespmem:s13+$0x6210] =	vst v43;
	v43 =	vadd.f32 v45, v45;
	v45 =	vadd.f32 v47, v51;
	v47 =	vld [tilespmem:s13+$0x6620]  }
0x14e: {  	[tilespmem:s13+$0x6220] =	vst v42;
	v42 =	vadd.f32 v44, v44;
	v44 =	vadd.f32 v48, v52;
	v48 =	vld [tilespmem:s13+$0x6630]  }
0x14f: {  	[tilespmem:s13+$0x6230] =	vst v43;
	v43 =	vadd.f32 v45, v45;
	v45 =	vadd.f32 v49, v53;
	v49 =	vld [tilespmem:s13+$0x6640]  }
0x150: {  	[tilespmem:s13+$0x6240] =	vst v42;
	v42 =	vadd.f32 v44, v44;
	v44 =	vadd.f32 v50, v54;
	v50 =	vld [tilespmem:s13+$0x6650]  }
0x151: {  	[tilespmem:s13+$0x6250] =	vst v43;
	v43 =	vadd.f32 v45, v45;
	v41 =	vadd.f32 v41, v46;
	v45 =	vld [tilespmem:s13+$0x6660]  }
0x152: {  	[tilespmem:s13+$0x6260] =	vst v42;
	v42 =	vadd.f32 v44, v44;
	v40 =	vadd.f32 v40, v47;
	v44 =	vld [tilespmem:s13+$0x6670]  }
0x153: {  	[tilespmem:s13+$0x6270] =	vst v43;
	v41 =	vadd.f32 v41, v41;
	v39 =	vadd.f32 v39, v48;
	v43 =	vld [tilespmem:s13+$0x6A00]  }
0x154: {  	[tilespmem:s13+$0x6600] =	vst v42;
	v40 =	vadd.f32 v40, v40;
	v38 =	vadd.f32 v38, v49;
	v42 =	vld [tilespmem:s13+$0x6A10]  }
0x155: {  	[tilespmem:s13+$0x6610] =	vst v41;
	v39 =	vadd.f32 v39, v39;
	v37 =	vadd.f32 v37, v50;
	v41 =	vld [tilespmem:s13+$0x6A20]  }
0x156: {  	[tilespmem:s13+$0x6620] =	vst v40;
	v38 =	vadd.f32 v38, v38;
	v36 =	vadd.f32 v36, v45;
	v40 =	vld [tilespmem:s13+$0x6A30]  }
0x157: {  	[tilespmem:s13+$0x6630] =	vst v39;
	v37 =	vadd.f32 v37, v37;
	v35 =	vadd.f32 v35, v44;
	v39 =	vld [tilespmem:s13+$0x6A40]  }
0x158: {  	[tilespmem:s13+$0x6640] =	vst v38;
	v36 =	vadd.f32 v36, v36;
	v34 =	vadd.f32 v34, v43;
	v38 =	vld [tilespmem:s13+$0x6A50]  }
0x159: {  	[tilespmem:s13+$0x6650] =	vst v37;
	v35 =	vadd.f32 v35, v35;
	v33 =	vadd.f32 v33, v42;
	v37 =	vld [tilespmem:s13+$0x6A60]  }
0x15a: {  	[tilespmem:s13+$0x6660] =	vst v36;
	v34 =	vadd.f32 v34, v34;
	v32 =	vadd.f32 v32, v41;
	v36 =	vld [tilespmem:s13+$0x6A70]  }
0x15b: {  	[tilespmem:s13+$0x6670] =	vst v35;
	v33 =	vadd.f32 v33, v33;
	v31 =	vadd.f32 v31, v40;
	v35 =	vld [tilespmem:s13+$0x6E00]  }
0x15c: {  	[tilespmem:s13+$0x6A00] =	vst v34;
	v32 =	vadd.f32 v32, v32;
	v30 =	vadd.f32 v30, v39;
	v34 =	vld [tilespmem:s13+$0x6E10]  }
0x15d: {  	[tilespmem:s13+$0x6A10] =	vst v33;
	v31 =	vadd.f32 v31, v31;
	v29 =	vadd.f32 v29, v38;
	v33 =	vld [tilespmem:s13+$0x6E20]  }
0x15e: {  	[tilespmem:s13+$0x6A20] =	vst v32;
	v30 =	vadd.f32 v30, v30;
	v28 =	vadd.f32 v28, v37;
	v32 =	vld [tilespmem:s13+$0x6E30]  }
0x15f: {  	[tilespmem:s13+$0x6A30] =	vst v31;
	v29 =	vadd.f32 v29, v29;
	v27 =	vadd.f32 v27, v36;
	v31 =	vld [tilespmem:s13+$0x6E40]  }
0x160: {  	[tilespmem:s13+$0x6A40] =	vst v30;
	v28 =	vadd.f32 v28, v28;
	v26 =	vadd.f32 v26, v35;
	v30 =	vld [tilespmem:s13+$0x6E50]  }
0x161: {  	[tilespmem:s13+$0x6A50] =	vst v29;
	v27 =	vadd.f32 v27, v27;
	v25 =	vadd.f32 v25, v34;
	v29 =	vld [tilespmem:s13+$0x6E60]  }
0x162: {  	[tilespmem:s13+$0x6A60] =	vst v28;
	v26 =	vadd.f32 v26, v26;
	v24 =	vadd.f32 v24, v33;
	v28 =	vld [tilespmem:s13+$0x6E70]  }
0x163: {  	[tilespmem:s13+$0x6A70] =	vst v27;
	v25 =	vadd.f32 v25, v25;
	v23 =	vadd.f32 v23, v32;
	v27 =	vld [tilespmem:s13+$0x7200]  }
0x164: {  	[tilespmem:s13+$0x6E00] =	vst v26;
	v24 =	vadd.f32 v24, v24;
	v22 =	vadd.f32 v22, v31;
	v26 =	vld [tilespmem:s13+$0x7210]  }
0x165: {  	[tilespmem:s13+$0x6E10] =	vst v25;
	v23 =	vadd.f32 v23, v23;
	v21 =	vadd.f32 v21, v30;
	v25 =	vld [tilespmem:s13+$0x7220]  }
0x166: {  	[tilespmem:s13+$0x6E20] =	vst v24;
	v22 =	vadd.f32 v22, v22;
	v20 =	vadd.f32 v20, v29;
	v24 =	vld [tilespmem:s13+$0x7230]  }
0x167: {  	[tilespmem:s13+$0x6E30] =	vst v23;
	v21 =	vadd.f32 v21, v21;
	v19 =	vadd.f32 v19, v28;
	v23 =	vld [tilespmem:s13+$0x7240]  }
0x168: {  	[tilespmem:s13+$0x6E40] =	vst v22;
	v20 =	vadd.f32 v20, v20;
	v18 =	vadd.f32 v18, v27;
	v22 =	vld [tilespmem:s13+$0x7250]  }
0x169: {  	[tilespmem:s13+$0x6E50] =	vst v21;
	v19 =	vadd.f32 v19, v19;
	v17 =	vadd.f32 v17, v26;
	v21 =	vld [tilespmem:s13+$0x7260]  }
.Ltmp2:
0x16a: {  	[tilespmem:s13+$0x6E60] =	vst v20;
	v20 =	vadd.f32 v18, v18;
	v16 =	vadd.f32 v16, v25;
	v18 =	vld [tilespmem:s13+$0x7270];
	(pc) =	sbr.rel @p0 .LBB2_3-.Ltmp2, $4  }
0x16b: {  	[tilespmem:s13+$0x6E70] =	vst v19;
	v19 =	vadd.f32 v17, v17;
	v15 =	vadd.f32 v15, v24;
	v17 =	vld [tilespmem:s13+$0x7600]  }
0x16c: {  	[tilespmem:s13+$0x7200] =	vst v20;
	v24 =	vadd.f32 v16, v16;
	v23 =	vadd.f32 v14, v23;
	v16 =	vld [tilespmem:s13+$0x7610]  }
0x16d: {  	[tilespmem:s13+$0x7210] =	vst v19;
	v20 =	vadd.f32 v15, v15;
	v15 =	vadd.f32 v13, v22;
	v14 =	vld [tilespmem:s13+$0x7620]  }
0x16e: {  	s12 =	sadd.s32 $0x1, s12;
	[tilespmem:s13+$0x7220] =	vst v24;
	v19 =	vadd.f32 v23, v23;
	v13 =	vadd.f32 v12, v21;
	v12 =	vld [tilespmem:s13+$0x7630]  }
0x16f: {  	[tilespmem:s13+$0x7230] =	vst v20;
	v59 =	vld [tilespmem:s13+$0x7640];
	v15 =	vadd.f32 v15, v15;
	v11 =	vadd.f32 v11, v18  }
0x170: {  	v60 =	vld [tilespmem:s13+$0x7650];
	[tilespmem:s13+$0x7240] =	vst v19;
	v13 =	vadd.f32 v13, v13;
	v10 =	vadd.f32 v10, v17  }
0x171: {  	v61 =	vld [tilespmem:s13+$0x7660];
	[tilespmem:s13+$0x7250] =	vst v15;
	v11 =	vadd.f32 v11, v11;
	v9 =	vadd.f32 v9, v16  }
0x172: {  	v62 =	vld [tilespmem:s13+$0x7670];
	[tilespmem:s13+$0x7260] =	vst v13;
	v10 =	vadd.f32 v10, v10;
	v8 =	vadd.f32 v8, v14  }
0x173: {  	[tilespmem:s13+$0x7270] =	vst v11;
	v9 =	vadd.f32 v9, v9;
	v7 =	vadd.f32 v7, v12  }
0x174: {  	[tilespmem:s13+$0x7600] =	vst v10;
	v8 =	vadd.f32 v8, v8;
	v6 =	vadd.f32 v6, v59  }
0x175: {  	s12 =	sshll.u32 s11, $0x2;
	v4 =	vadd.f32 v4, v60;
	[tilespmem:s13+$0x7610] =	vst v9;
	v7 =	vadd.f32 v7, v7  }
0x176: {  	s8 =	sadd.s32 s9, s12;
	v3 =	vadd.f32 v3, v61;
	[tilespmem:s13+$0x7620] =	vst v8;
	v6 =	vadd.f32 v6, v6  }
0x177: {  	s8 =	smul.u32 $0x60000, s8;
	v5 =	vadd.f32 v5, v62;
	v4 =	vadd.f32 v4, v4;
	[tilespmem:s13+$0x7630] =	vst v7  }
0x178: {  	v3 =	vadd.f32 v3, v3;
	[tilespmem:s13+$0x7640] =	vst v6  }
0x179: {  	s8 =	sor.u32 s7, s8;
	v63 =	vadd.f32 v5, v5;
	[tilespmem:s13+$0x7650] =	vst v4  }
0x17a: {  	s8 =	sshrl.u32 s8, $0x3;
	[tilespmem:s13+$0x7660] =	vst v3  }
0x17b: {  	s0 =	simm.s32 $0x6200;
	p0 =	seq.s32 s11, $0xF;
	s8 =	sadd.s32 s4, s8;
	[tilespmem:s13+$0x7670] =	vst v63  }
0x17c: {  	[hbm4b:s8+s5] =	stream.linear.scatter [tilespmem:s0], [sflag:$0x5], $0x6000, $0x38;
	[tilespmem:$0x1E200] =	vst v63  }
0x17d: {  	p1 =	seq.s32 @!p0 s11, $0x0;
	s8 =	sadd.s32 @!p0 s12, s16  }
0x17e: {  	p1 =	por p0, !p1;
	s8 =	sshll.u32 @!p0 s8, $0x9  }
.Ltmp3:
0x17f: {  	s8 =	sor.u32 @!p0 s6, s8;
	(pc) =	sbr.rel @!p1 .LBB2_6-.Ltmp3, $4  }
0x180: {  	s8 =	sshrl.u32 @!p0 s8, $0x3  }
0x181: {  	s13 =	simm.s32 @!p0 $0x0;
	s8 =	sadd.s32 @!p0 s1, s8  }
0x182: {  	[tilespmem:s13], [sflag:$0x9] =	stream.linear.gather @!p0 [hbm4b:s8+s13], $0x20, $0x38;
	[tilespmem:$0x1E200] =	vst v63  }
0x183: {  	s13 =	sor.u32 @!p0 $0x3, s12  }
0x184: {  	_ =	swait.ge [sflag:s10], $0x6000  }
0x185: {  	[sflag:s10] =	ssyncset.done $0x0  }
0x186: {  	s13 =	simm.s32 @p0 $0x3F;
	[sflag:s10] =	ssyncadd.s32 $0xFFFFA000  }
.LBB2_6:
0x187: {  	_ =	swait.ge [sflag:s2], $0x20  }
0x188: {  	[sflag:s2] =	ssyncset.done $0x0  }
0x189: {  	[sflag:s2] =	ssyncadd.s32 $0xFFFFFFE0  }
0x18a: {  	v3 =	vld [tilespmem:$0x180];
	_ =	sdelay $0x4  }
0x18b: {  	v4 =	vshrl.u32 v3, $0x3  }
0x18c: {  	v4 =	vmul.u32 $0x30, v4  }
0x18d: {  	v3 =	vand.u32 $0x7, v3  }
0x18e: {  	v3 =	vor.u32 v3, v4  }
0x18f: {  	v4 =	vperm.xlane v3, v0;
	_ =	sdelay $0x1  }
0x190: {  	v4 =	vadd.s32 v1, v4;
	_ =	sdelay $0x3  }
0x191: {  	s20 =	simm.s32 $0x0;
	v3 =	vperm.xlane v3, v2  }
0x192: {  	[tilespmem:s25], [sflag:$0x4] =	stream.indirect_vreg.gather [hbm4b:s3+s20], $0x80, v4, vm0, $0xb8;
	[tilespmem:$0x1E200] =	vst v63  }
0x193: {  	s0 =	simm.s32 $0x18A00;
	v3 =	vadd.s32 v1, v3  }
0x194: {  	[tilespmem:s0], [sflag:$0x4] =	stream.indirect_vreg.gather [hbm4b:s14+s20], $0x80, v4, vm0, $0xb8;
	[tilespmem:$0x1E200] =	vst v63  }
0x195: {  	s22 =	simm.s32 $0x19200  }
0x196: {  	[tilespmem:s22], [sflag:$0x4] =	stream.indirect_vreg.gather [hbm4b:s15+s20], $0x80, v4, vm0, $0xb8;
	[tilespmem:$0x1E200] =	vst v63  }
0x197: {  	s28 =	simm.s32 $0x19A00  }
0x198: {  	[tilespmem:s28], [sflag:$0x4] =	stream.indirect_vreg.gather [hbm4b:s3+s20], $0x80, v3, vm0, $0xb8;
	[tilespmem:$0x1E200] =	vst v63  }
0x199: {  	s8 =	simm.s32 $0x1A200  }
0x19a: {  	[tilespmem:s8], [sflag:$0x4] =	stream.indirect_vreg.gather [hbm4b:s14+s20], $0x80, v3, vm0, $0xb8;
	[tilespmem:$0x1E200] =	vst v63  }
0x19b: {  	s19 =	simm.s32 $0x1AA00  }
0x19c: {  	[tilespmem:s19], [sflag:$0x4] =	stream.indirect_vreg.gather [hbm4b:s15+s20], $0x80, v3, vm0, $0xb8;
	[tilespmem:$0x1E200] =	vst v63  }
0x19d: {  	v3 =	vld [tilespmem:$0x190];
	_ =	sdelay $0x4  }
0x19e: {  	v4 =	vshrl.u32 v3, $0x3  }
0x19f: {  	v4 =	vmul.u32 $0x30, v4  }
0x1a0: {  	v3 =	vand.u32 $0x7, v3  }
0x1a1: {  	v3 =	vor.u32 v3, v4  }
0x1a2: {  	v4 =	vperm.xlane v3, v0;
	_ =	sdelay $0x1  }
0x1a3: {  	v4 =	vadd.s32 v1, v4;
	_ =	sdelay $0x3  }
0x1a4: {  	s22 =	simm.s32 $0x1B200;
	v3 =	vperm.xlane v3, v2  }
0x1a5: {  	[tilespmem:s22], [sflag:$0x4] =	stream.indirect_vreg.gather [hbm4b:s3+s20], $0x80, v4, vm0, $0xb8;
	[tilespmem:$0x1E200] =	vst v63  }
0x1a6: {  	s28 =	simm.s32 $0x1BA00;
	v3 =	vadd.s32 v1, v3  }
0x1a7: {  	[tilespmem:s28], [sflag:$0x4] =	stream.indirect_vreg.gather [hbm4b:s14+s20], $0x80, v4, vm0, $0xb8;
	[tilespmem:$0x1E200] =	vst v63  }
0x1a8: {  	s8 =	simm.s32 $0x1C200  }
0x1a9: {  	[tilespmem:s8], [sflag:$0x4] =	stream.indirect_vreg.gather [hbm4b:s15+s20], $0x80, v4, vm0, $0xb8;
	[tilespmem:$0x1E200] =	vst v63  }
0x1aa: {  	s19 =	simm.s32 $0x1CA00  }
0x1ab: {  	[tilespmem:s19], [sflag:$0x4] =	stream.indirect_vreg.gather [hbm4b:s3+s20], $0x80, v3, vm0, $0xb8;
	[tilespmem:$0x1E200] =	vst v63  }
0x1ac: {  	s22 =	simm.s32 $0x1D200  }
0x1ad: {  	[tilespmem:s22], [sflag:$0x4] =	stream.indirect_vreg.gather [hbm4b:s14+s20], $0x80, v3, vm0, $0xb8;
	[tilespmem:$0x1E200] =	vst v63  }
0x1ae: {  	s28 =	simm.s32 $0x1DA00;
	s8 =	simm.s32 $0x0  }
0x1af: {  	[tilespmem:s28], [sflag:$0x4] =	stream.indirect_vreg.gather [hbm4b:s15+s20], $0x80, v3, vm0, $0xb8;
	[tilespmem:$0x1E200] =	vst v63  }
0x1b0: {  	s8 =	smul.u32 $0x1800, s8;
	_ =	swait.ge [sflag:s23], $0x6000  }
0x1b1: {  	s22 =	sand.u32 $0x380, s20;
	[sflag:s23] =	ssyncset.done $0x0  }
0x1b2: {  	s8 =	sor.u32 s22, s8;
	[sflag:s23] =	ssyncadd.s32 $0xFFFFA000  }
0x1b3: {  	v5 =	vld [tilespmem:s8+$0x200]  }
0x1b4: {  	v25 =	vld [tilespmem:s8+$0x210]  }
0x1b5: {  	v26 =	vld [tilespmem:s8+$0x220]  }
0x1b6: {  	v27 =	vld [tilespmem:s8+$0x230]  }
0x1b7: {  	v28 =	vld [tilespmem:s8+$0x240]  }
0x1b8: {  	v29 =	vld [tilespmem:s8+$0x250]  }
0x1b9: {  	v30 =	vld [tilespmem:s8+$0x260]  }
0x1ba: {  	v31 =	vld [tilespmem:s8+$0x270]  }
0x1bb: {  	v32 =	vld [tilespmem:s8+$0x600]  }
0x1bc: {  	v33 =	vld [tilespmem:s8+$0x610]  }
0x1bd: {  	v34 =	vld [tilespmem:s8+$0x620]  }
0x1be: {  	v35 =	vld [tilespmem:s8+$0x630]  }
0x1bf: {  	v36 =	vld [tilespmem:s8+$0x640]  }
0x1c0: {  	v37 =	vld [tilespmem:s8+$0x650]  }
0x1c1: {  	v38 =	vld [tilespmem:s8+$0x660]  }
0x1c2: {  	v39 =	vld [tilespmem:s8+$0x670]  }
0x1c3: {  	v40 =	vld [tilespmem:s8+$0xA00]  }
0x1c4: {  	v41 =	vld [tilespmem:s8+$0xA10]  }
0x1c5: {  	v42 =	vld [tilespmem:s8+$0xA20]  }
0x1c6: {  	v43 =	vld [tilespmem:s8+$0xA30]  }
0x1c7: {  	v44 =	vld [tilespmem:s8+$0xA40]  }
0x1c8: {  	v45 =	vld [tilespmem:s8+$0xA50]  }
0x1c9: {  	v46 =	vld [tilespmem:s8+$0xA60]  }
0x1ca: {  	v47 =	vld [tilespmem:s8+$0xA70]  }
0x1cb: {  	v48 =	vld [tilespmem:s8+$0xE00]  }
0x1cc: {  	v49 =	vld [tilespmem:s8+$0xE10]  }
0x1cd: {  	v24 =	vld [tilespmem:s8+$0xE20]  }
0x1ce: {  	v23 =	vld [tilespmem:s8+$0xE30]  }
0x1cf: {  	v22 =	vld [tilespmem:s8+$0xE40]  }
0x1d0: {  	v21 =	vld [tilespmem:s8+$0xE50]  }
0x1d1: {  	v20 =	vld [tilespmem:s8+$0xE60]  }
0x1d2: {  	v19 =	vld [tilespmem:s8+$0xE70]  }
0x1d3: {  	v18 =	vld [tilespmem:s8+$0x1200]  }
0x1d4: {  	v17 =	vld [tilespmem:s8+$0x1210]  }
0x1d5: {  	v16 =	vld [tilespmem:s8+$0x1220]  }
0x1d6: {  	v15 =	vld [tilespmem:s8+$0x1230]  }
0x1d7: {  	v14 =	vld [tilespmem:s8+$0x1240]  }
0x1d8: {  	v13 =	vld [tilespmem:s8+$0x1250]  }
0x1d9: {  	v12 =	vld [tilespmem:s8+$0x1260]  }
0x1da: {  	v11 =	vld [tilespmem:s8+$0x1270]  }
0x1db: {  	v10 =	vld [tilespmem:s8+$0x1600]  }
0x1dc: {  	v9 =	vld [tilespmem:s8+$0x1610]  }
0x1dd: {  	v8 =	vld [tilespmem:s8+$0x1620]  }
0x1de: {  	v7 =	vld [tilespmem:s8+$0x1630]  }
0x1df: {  	v6 =	vld [tilespmem:s8+$0x1640]  }
0x1e0: {  	v4 =	vld [tilespmem:s8+$0x1650]  }
0x1e1: {  	v50 =	vld [tilespmem:s8+$0xC200]  }
0x1e2: {  	v51 =	vld [tilespmem:s8+$0xC210]  }
0x1e3: {  	v52 =	vld [tilespmem:s8+$0xC220]  }
0x1e4: {  	v53 =	vld [tilespmem:s8+$0xC230]  }
0x1e5: {  	v54 =	vld [tilespmem:s8+$0xC240]  }
0x1e6: {  	v62 =	vld [tilespmem:s8+$0xC250]  }
0x1e7: {  	v63 =	vld [tilespmem:s8+$0xC260]  }
0x1e8: {  	v56 =	vld [tilespmem:s8+$0xC270];
	v5 =	vadd.f32 v5, v50;
	v25 =	vadd.f32 v25, v51  }
0x1e9: {  	v57 =	vld [tilespmem:s8+$0xC600];
	v26 =	vadd.f32 v26, v52;
	v27 =	vadd.f32 v27, v53  }
0x1ea: {  	v60 =	vld [tilespmem:s8+$0xC610];
	v28 =	vadd.f32 v28, v54;
	v55 =	vadd.f32 v5, v5  }
0x1eb: {  	v3 =	vld [tilespmem:s8+$0x1660];
	v59 =	vadd.f32 v29, v62;
	v25 =	vadd.f32 v25, v25  }
0x1ec: {  	v62 =	vadd.f32 v30, v63;
	v51 =	vld [tilespmem:s8+$0xC620];
	v26 =	vadd.f32 v26, v26;
	[tilespmem:s8+$0xC200] =	vst v55  }
0x1ed: {  	v50 =	vadd.f32 v31, v56;
	v56 =	vld [tilespmem:s8+$0xC630];
	v58 =	vadd.f32 v27, v27;
	[tilespmem:s8+$0xC210] =	vst v25  }
0x1ee: {  	v54 =	vadd.f32 v32, v57;
	v57 =	vld [tilespmem:s8+$0xC640];
	v61 =	vadd.f32 v28, v28;
	[tilespmem:s8+$0xC220] =	vst v26  }
0x1ef: {  	v29 =	vadd.f32 v33, v60;
	v60 =	vld [tilespmem:s8+$0xCA10];
	v63 =	vadd.f32 v59, v59;
	[tilespmem:s8+$0xC230] =	vst v58  }
0x1f0: {  	v53 =	vld [tilespmem:s8+$0xCE20];
	v52 =	vadd.f32 v62, v62;
	[tilespmem:s8+$0xC240] =	vst v61  }
0x1f1: {  	v5 =	vld [tilespmem:s8+$0x1670];
	v28 =	vadd.f32 v54, v54;
	[tilespmem:s8+$0xC250] =	vst v63  }
0x1f2: {  	v59 =	vld [tilespmem:s8+$0xC650];
	v29 =	vadd.f32 v29, v29;
	[tilespmem:s8+$0xC260] =	vst v52;
	v30 =	vadd.f32 v34, v51  }
0x1f3: {  	v62 =	vld [tilespmem:s8+$0xCA20];
	v55 =	vadd.f32 v50, v50;
	[tilespmem:s8+$0xC600] =	vst v28;
	v27 =	vadd.f32 v35, v56  }
0x1f4: {  	v54 =	vld [tilespmem:s8+$0xCE30];
	[tilespmem:s8+$0xC610] =	vst v29;
	v26 =	vadd.f32 v36, v57;
	v30 =	vadd.f32 v30, v30  }
0x1f5: {  	v61 =	vld [tilespmem:s8+$0xC660];
	v28 =	vadd.f32 v41, v60;
	[tilespmem:s8+$0xC270] =	vst v55;
	v27 =	vadd.f32 v27, v27  }
0x1f6: {  	v63 =	vld [tilespmem:s8+$0xC670];
	v24 =	vadd.f32 v24, v53;
	v26 =	vadd.f32 v26, v26;
	[tilespmem:s8+$0xC620] =	vst v30  }
0x1f7: {  	v58 =	vld [tilespmem:s8+$0xCA00];
	v31 =	vadd.f32 v37, v59;
	v28 =	vadd.f32 v28, v28;
	[tilespmem:s8+$0xC630] =	vst v27  }
0x1f8: {  	v36 =	vld [tilespmem:s8+$0xCA30];
	v29 =	vadd.f32 v42, v62;
	v24 =	vadd.f32 v24, v24;
	[tilespmem:s8+$0xC640] =	vst v26  }
0x1f9: {  	v56 =	vld [tilespmem:s8+$0xCE50];
	v23 =	vadd.f32 v23, v54;
	v31 =	vadd.f32 v31, v31;
	[tilespmem:s8+$0xCA10] =	vst v28  }
0x1fa: {  	v57 =	vld [tilespmem:s8+$0xCE60];
	v32 =	vadd.f32 v38, v61;
	v29 =	vadd.f32 v29, v29;
	[tilespmem:s8+$0xCE20] =	vst v24  }
0x1fb: {  	v55 =	vld [tilespmem:s8+$0xCE40];
	v33 =	vadd.f32 v39, v63;
	v23 =	vadd.f32 v23, v23;
	[tilespmem:s8+$0xC650] =	vst v31  }
0x1fc: {  	v37 =	vld [tilespmem:s8+$0xCA40];
	v25 =	vadd.f32 v40, v58;
	v32 =	vadd.f32 v32, v32;
	[tilespmem:s8+$0xCA20] =	vst v29  }
0x1fd: {  	v50 =	vld [tilespmem:s8+$0xCA70];
	v30 =	vadd.f32 v43, v36;
	v33 =	vadd.f32 v33, v33;
	[tilespmem:s8+$0xCE30] =	vst v23  }
0x1fe: {  	v51 =	vld [tilespmem:s8+$0xCE00];
	v21 =	vadd.f32 v21, v56;
	v25 =	vadd.f32 v25, v25;
	[tilespmem:s8+$0xC660] =	vst v32  }
0x1ff: {  	v52 =	vld [tilespmem:s8+$0xCE10];
	v20 =	vadd.f32 v20, v57;
	v30 =	vadd.f32 v30, v30;
	[tilespmem:s8+$0xC670] =	vst v33  }
0x200: {  	v38 =	vld [tilespmem:s8+$0xCA50];
	v22 =	vadd.f32 v22, v55;
	v21 =	vadd.f32 v21, v21;
	[tilespmem:s8+$0xCA00] =	vst v25  }
0x201: {  	v58 =	vld [tilespmem:s8+$0xCE70];
	v27 =	vadd.f32 v44, v37;
	v20 =	vadd.f32 v20, v20;
	[tilespmem:s8+$0xCA30] =	vst v30  }
0x202: {  	v39 =	vld [tilespmem:s8+$0xCA60];
	v32 =	vadd.f32 v47, v50;
	v22 =	vadd.f32 v22, v22;
	[tilespmem:s8+$0xCE50] =	vst v21  }
0x203: {  	v60 =	vld [tilespmem:s8+$0xD210];
	v33 =	vadd.f32 v48, v51;
	v27 =	vadd.f32 v27, v27;
	[tilespmem:s8+$0xCE60] =	vst v20  }
0x204: {  	v59 =	vld [tilespmem:s8+$0xD200];
	v25 =	vadd.f32 v49, v52;
	v32 =	vadd.f32 v32, v32;
	[tilespmem:s8+$0xCE40] =	vst v22  }
0x205: {  	v61 =	vld [tilespmem:s8+$0xD220];
	v26 =	vadd.f32 v45, v38;
	v33 =	vadd.f32 v33, v33;
	[tilespmem:s8+$0xCA40] =	vst v27  }
0x206: {  	v62 =	vld [tilespmem:s8+$0xD230];
	v19 =	vadd.f32 v19, v58;
	v25 =	vadd.f32 v25, v25;
	[tilespmem:s8+$0xCA70] =	vst v32  }
0x207: {  	v23 =	vld [tilespmem:s8+$0xD240];
	v31 =	vadd.f32 v46, v39;
	v26 =	vadd.f32 v26, v26;
	[tilespmem:s8+$0xCE00] =	vst v33  }
0x208: {  	v20 =	vadd.f32 v17, v60;
	v22 =	vld [tilespmem:s8+$0xD250];
	v19 =	vadd.f32 v19, v19;
	[tilespmem:s8+$0xCE10] =	vst v25  }
0x209: {  	v63 =	vadd.f32 v18, v59;
	v21 =	vld [tilespmem:s8+$0xD260];
	v31 =	vadd.f32 v31, v31;
	[tilespmem:s8+$0xCA50] =	vst v26  }
0x20a: {  	v18 =	vld [tilespmem:s8+$0xD270];
	v20 =	vadd.f32 v20, v20;
	[tilespmem:s8+$0xCE70] =	vst v19;
	v19 =	vadd.f32 v16, v61  }
0x20b: {  	v15 =	vadd.f32 v15, v62;
	v17 =	vld [tilespmem:s8+$0xD600];
	[tilespmem:s8+$0xCA60] =	vst v31;
	v26 =	vadd.f32 v63, v63  }
0x20c: {  	v23 =	vadd.f32 v14, v23;
	v16 =	vld [tilespmem:s8+$0xD610];
	[tilespmem:s8+$0xD210] =	vst v20;
	v19 =	vadd.f32 v19, v19  }
0x20d: {  	v14 =	vld [tilespmem:s8+$0xD620];
	v20 =	vadd.f32 v15, v15;
	[tilespmem:s8+$0xD200] =	vst v26;
	v15 =	vadd.f32 v13, v22  }
0x20e: {  	s22 =	simm.s32 $0x1;
	v13 =	vadd.f32 v12, v21;
	v12 =	vld [tilespmem:s8+$0xD630];
	[tilespmem:s8+$0xD220] =	vst v19;
	v19 =	vadd.f32 v23, v23  }
.LBB2_7:
0x20f: {  	s28 =	sshrl.u32 s22, $0x3;
	p1 =	sne.s32 s22, $0x1F;
	[tilespmem:s8+$0xD230] =	vst v20;
	v15 =	vadd.f32 v15, v15;
	v11 =	vadd.f32 v11, v18;
	v18 =	vld [tilespmem:s8+$0xD640]  }
0x210: {  	s20 =	sadd.s32 $0x80, s20;
	s28 =	smul.u32 $0x1800, s28;
	[tilespmem:s8+$0xD240] =	vst v19;
	v13 =	vadd.f32 v13, v13;
	v10 =	vadd.f32 v10, v17;
	v17 =	vld [tilespmem:s8+$0xD650]  }
0x211: {  	s0 =	sand.u32 $0x380, s20;
	[tilespmem:s8+$0xD250] =	vst v15;
	v11 =	vadd.f32 v11, v11;
	v9 =	vadd.f32 v9, v16;
	v15 =	vld [tilespmem:s8+$0xD660]  }
0x212: {  	s0 =	sor.u32 s0, s28;
	[tilespmem:s8+$0xD260] =	vst v13;
	v10 =	vadd.f32 v10, v10;
	v8 =	vadd.f32 v8, v14;
	v13 =	vld [tilespmem:s8+$0xD670]  }
0x213: {  	v42 =	vld [tilespmem:s0+$0x200];
	[tilespmem:s8+$0xD270] =	vst v11;
	v9 =	vadd.f32 v9, v9;
	v7 =	vadd.f32 v7, v12  }
0x214: {  	v43 =	vld [tilespmem:s0+$0x210];
	[tilespmem:s8+$0xD600] =	vst v10;
	v8 =	vadd.f32 v8, v8;
	v6 =	vadd.f32 v6, v18  }
0x215: {  	v44 =	vld [tilespmem:s0+$0x220];
	[tilespmem:s8+$0xD610] =	vst v9;
	v7 =	vadd.f32 v7, v7;
	v4 =	vadd.f32 v4, v17  }
0x216: {  	v45 =	vld [tilespmem:s0+$0x230];
	[tilespmem:s8+$0xD620] =	vst v8;
	v6 =	vadd.f32 v6, v6;
	v3 =	vadd.f32 v3, v15  }
0x217: {  	v46 =	vld [tilespmem:s0+$0x240];
	[tilespmem:s8+$0xD630] =	vst v7;
	v4 =	vadd.f32 v4, v4;
	v5 =	vadd.f32 v5, v13  }
0x218: {  	v47 =	vld [tilespmem:s0+$0x250];
	[tilespmem:s8+$0xD640] =	vst v6;
	v3 =	vadd.f32 v3, v3  }
0x219: {  	v48 =	vld [tilespmem:s0+$0x260];
	[tilespmem:s8+$0xD650] =	vst v4;
	v4 =	vadd.f32 v5, v5  }
0x21a: {  	v49 =	vld [tilespmem:s0+$0x270];
	[tilespmem:s8+$0xD660] =	vst v3  }
0x21b: {  	v50 =	vld [tilespmem:s0+$0x600];
	[tilespmem:s8+$0xD670] =	vst v4;
	s8 =	smov.u32 s0  }
0x21c: {  	v41 =	vld [tilespmem:s8+$0x610]  }
0x21d: {  	v40 =	vld [tilespmem:s8+$0x620]  }
0x21e: {  	v39 =	vld [tilespmem:s8+$0x630]  }
0x21f: {  	v38 =	vld [tilespmem:s8+$0x640]  }
0x220: {  	v37 =	vld [tilespmem:s8+$0x650]  }
0x221: {  	v36 =	vld [tilespmem:s8+$0x660]  }
0x222: {  	v35 =	vld [tilespmem:s8+$0x670]  }
0x223: {  	v34 =	vld [tilespmem:s8+$0xA00]  }
0x224: {  	v33 =	vld [tilespmem:s8+$0xA10]  }
0x225: {  	v32 =	vld [tilespmem:s8+$0xA20]  }
0x226: {  	v31 =	vld [tilespmem:s8+$0xA30]  }
0x227: {  	v30 =	vld [tilespmem:s8+$0xA40]  }
0x228: {  	v29 =	vld [tilespmem:s8+$0xA50]  }
0x229: {  	v28 =	vld [tilespmem:s8+$0xA60]  }
0x22a: {  	v27 =	vld [tilespmem:s8+$0xA70]  }
0x22b: {  	v26 =	vld [tilespmem:s8+$0xE00]  }
0x22c: {  	v25 =	vld [tilespmem:s8+$0xE10]  }
0x22d: {  	v24 =	vld [tilespmem:s8+$0xE20]  }
0x22e: {  	v23 =	vld [tilespmem:s8+$0xE30]  }
0x22f: {  	v22 =	vld [tilespmem:s8+$0xE40]  }
0x230: {  	v21 =	vld [tilespmem:s8+$0xE50]  }
0x231: {  	v20 =	vld [tilespmem:s8+$0xE60]  }
0x232: {  	v19 =	vld [tilespmem:s8+$0xE70]  }
0x233: {  	v18 =	vld [tilespmem:s8+$0x1200]  }
0x234: {  	v17 =	vld [tilespmem:s8+$0x1210]  }
0x235: {  	v16 =	vld [tilespmem:s8+$0x1220]  }
0x236: {  	v15 =	vld [tilespmem:s8+$0x1230]  }
0x237: {  	v14 =	vld [tilespmem:s8+$0x1240]  }
0x238: {  	v13 =	vld [tilespmem:s8+$0x1250]  }
0x239: {  	v12 =	vld [tilespmem:s8+$0x1260]  }
0x23a: {  	v11 =	vld [tilespmem:s8+$0x1270]  }
0x23b: {  	v10 =	vld [tilespmem:s8+$0x1600]  }
0x23c: {  	v9 =	vld [tilespmem:s8+$0x1610]  }
0x23d: {  	v8 =	vld [tilespmem:s8+$0x1620]  }
0x23e: {  	v7 =	vld [tilespmem:s8+$0x1630]  }
0x23f: {  	v6 =	vld [tilespmem:s8+$0x1640]  }
0x240: {  	v4 =	vld [tilespmem:s8+$0x1650]  }
0x241: {  	v3 =	vld [tilespmem:s8+$0x1660]  }
0x242: {  	v5 =	vld [tilespmem:s8+$0x1670]  }
0x243: {  	v51 =	vld [tilespmem:s8+$0xC200]  }
0x244: {  	v52 =	vld [tilespmem:s8+$0xC210]  }
0x245: {  	v53 =	vld [tilespmem:s8+$0xC220]  }
0x246: {  	v54 =	vld [tilespmem:s8+$0xC230]  }
0x247: {  	v55 =	vld [tilespmem:s8+$0xC240]  }
0x248: {  	v42 =	vadd.f32 v42, v51;
	v51 =	vld [tilespmem:s8+$0xC250]  }
0x249: {  	v43 =	vadd.f32 v43, v52;
	v52 =	vld [tilespmem:s8+$0xC260]  }
0x24a: {  	v42 =	vadd.f32 v42, v42;
	v44 =	vadd.f32 v44, v53;
	v53 =	vld [tilespmem:s8+$0xC270]  }
0x24b: {  	v43 =	vadd.f32 v43, v43;
	v45 =	vadd.f32 v45, v54;
	v54 =	vld [tilespmem:s8+$0xC600]  }
0x24c: {  	[tilespmem:s8+$0xC200] =	vst v42;
	v42 =	vadd.f32 v44, v44;
	v44 =	vadd.f32 v46, v55;
	v46 =	vld [tilespmem:s8+$0xC610]  }
0x24d: {  	[tilespmem:s8+$0xC210] =	vst v43;
	v43 =	vadd.f32 v45, v45;
	v45 =	vadd.f32 v47, v51;
	v47 =	vld [tilespmem:s8+$0xC620]  }
0x24e: {  	[tilespmem:s8+$0xC220] =	vst v42;
	v42 =	vadd.f32 v44, v44;
	v44 =	vadd.f32 v48, v52;
	v48 =	vld [tilespmem:s8+$0xC630]  }
0x24f: {  	[tilespmem:s8+$0xC230] =	vst v43;
	v43 =	vadd.f32 v45, v45;
	v45 =	vadd.f32 v49, v53;
	v49 =	vld [tilespmem:s8+$0xC640]  }
0x250: {  	[tilespmem:s8+$0xC240] =	vst v42;
	v42 =	vadd.f32 v44, v44;
	v44 =	vadd.f32 v50, v54;
	v50 =	vld [tilespmem:s8+$0xC650]  }
0x251: {  	[tilespmem:s8+$0xC250] =	vst v43;
	v43 =	vadd.f32 v45, v45;
	v41 =	vadd.f32 v41, v46;
	v45 =	vld [tilespmem:s8+$0xC660]  }
0x252: {  	[tilespmem:s8+$0xC260] =	vst v42;
	v42 =	vadd.f32 v44, v44;
	v40 =	vadd.f32 v40, v47;
	v44 =	vld [tilespmem:s8+$0xC670]  }
0x253: {  	[tilespmem:s8+$0xC270] =	vst v43;
	v41 =	vadd.f32 v41, v41;
	v39 =	vadd.f32 v39, v48;
	v43 =	vld [tilespmem:s8+$0xCA00]  }
0x254: {  	[tilespmem:s8+$0xC600] =	vst v42;
	v40 =	vadd.f32 v40, v40;
	v38 =	vadd.f32 v38, v49;
	v42 =	vld [tilespmem:s8+$0xCA10]  }
0x255: {  	[tilespmem:s8+$0xC610] =	vst v41;
	v39 =	vadd.f32 v39, v39;
	v37 =	vadd.f32 v37, v50;
	v41 =	vld [tilespmem:s8+$0xCA20]  }
0x256: {  	[tilespmem:s8+$0xC620] =	vst v40;
	v38 =	vadd.f32 v38, v38;
	v36 =	vadd.f32 v36, v45;
	v40 =	vld [tilespmem:s8+$0xCA30]  }
0x257: {  	[tilespmem:s8+$0xC630] =	vst v39;
	v37 =	vadd.f32 v37, v37;
	v35 =	vadd.f32 v35, v44;
	v39 =	vld [tilespmem:s8+$0xCA40]  }
0x258: {  	[tilespmem:s8+$0xC640] =	vst v38;
	v36 =	vadd.f32 v36, v36;
	v34 =	vadd.f32 v34, v43;
	v38 =	vld [tilespmem:s8+$0xCA50]  }
0x259: {  	[tilespmem:s8+$0xC650] =	vst v37;
	v35 =	vadd.f32 v35, v35;
	v33 =	vadd.f32 v33, v42;
	v37 =	vld [tilespmem:s8+$0xCA60]  }
0x25a: {  	[tilespmem:s8+$0xC660] =	vst v36;
	v34 =	vadd.f32 v34, v34;
	v32 =	vadd.f32 v32, v41;
	v36 =	vld [tilespmem:s8+$0xCA70]  }
0x25b: {  	[tilespmem:s8+$0xC670] =	vst v35;
	v33 =	vadd.f32 v33, v33;
	v31 =	vadd.f32 v31, v40;
	v35 =	vld [tilespmem:s8+$0xCE00]  }
0x25c: {  	[tilespmem:s8+$0xCA00] =	vst v34;
	v32 =	vadd.f32 v32, v32;
	v30 =	vadd.f32 v30, v39;
	v34 =	vld [tilespmem:s8+$0xCE10]  }
0x25d: {  	[tilespmem:s8+$0xCA10] =	vst v33;
	v31 =	vadd.f32 v31, v31;
	v29 =	vadd.f32 v29, v38;
	v33 =	vld [tilespmem:s8+$0xCE20]  }
0x25e: {  	[tilespmem:s8+$0xCA20] =	vst v32;
	v30 =	vadd.f32 v30, v30;
	v28 =	vadd.f32 v28, v37;
	v32 =	vld [tilespmem:s8+$0xCE30]  }
0x25f: {  	[tilespmem:s8+$0xCA30] =	vst v31;
	v29 =	vadd.f32 v29, v29;
	v27 =	vadd.f32 v27, v36;
	v31 =	vld [tilespmem:s8+$0xCE40]  }
0x260: {  	[tilespmem:s8+$0xCA40] =	vst v30;
	v28 =	vadd.f32 v28, v28;
	v26 =	vadd.f32 v26, v35;
	v30 =	vld [tilespmem:s8+$0xCE50]  }
0x261: {  	[tilespmem:s8+$0xCA50] =	vst v29;
	v27 =	vadd.f32 v27, v27;
	v25 =	vadd.f32 v25, v34;
	v29 =	vld [tilespmem:s8+$0xCE60]  }
0x262: {  	[tilespmem:s8+$0xCA60] =	vst v28;
	v26 =	vadd.f32 v26, v26;
	v24 =	vadd.f32 v24, v33;
	v28 =	vld [tilespmem:s8+$0xCE70]  }
0x263: {  	[tilespmem:s8+$0xCA70] =	vst v27;
	v25 =	vadd.f32 v25, v25;
	v23 =	vadd.f32 v23, v32;
	v27 =	vld [tilespmem:s8+$0xD200]  }
0x264: {  	[tilespmem:s8+$0xCE00] =	vst v26;
	v24 =	vadd.f32 v24, v24;
	v22 =	vadd.f32 v22, v31;
	v26 =	vld [tilespmem:s8+$0xD210]  }
0x265: {  	[tilespmem:s8+$0xCE10] =	vst v25;
	v23 =	vadd.f32 v23, v23;
	v21 =	vadd.f32 v21, v30;
	v25 =	vld [tilespmem:s8+$0xD220]  }
0x266: {  	[tilespmem:s8+$0xCE20] =	vst v24;
	v22 =	vadd.f32 v22, v22;
	v20 =	vadd.f32 v20, v29;
	v24 =	vld [tilespmem:s8+$0xD230]  }
0x267: {  	[tilespmem:s8+$0xCE30] =	vst v23;
	v21 =	vadd.f32 v21, v21;
	v19 =	vadd.f32 v19, v28;
	v23 =	vld [tilespmem:s8+$0xD240]  }
0x268: {  	[tilespmem:s8+$0xCE40] =	vst v22;
	v20 =	vadd.f32 v20, v20;
	v18 =	vadd.f32 v18, v27;
	v22 =	vld [tilespmem:s8+$0xD250]  }
0x269: {  	[tilespmem:s8+$0xCE50] =	vst v21;
	v19 =	vadd.f32 v19, v19;
	v17 =	vadd.f32 v17, v26;
	v21 =	vld [tilespmem:s8+$0xD260]  }
.Ltmp4:
0x26a: {  	[tilespmem:s8+$0xCE60] =	vst v20;
	v20 =	vadd.f32 v18, v18;
	v16 =	vadd.f32 v16, v25;
	v18 =	vld [tilespmem:s8+$0xD270];
	(pc) =	sbr.rel @p1 .LBB2_7-.Ltmp4, $4  }
0x26b: {  	[tilespmem:s8+$0xCE70] =	vst v19;
	v19 =	vadd.f32 v17, v17;
	v15 =	vadd.f32 v15, v24;
	v17 =	vld [tilespmem:s8+$0xD600]  }
0x26c: {  	[tilespmem:s8+$0xD200] =	vst v20;
	v24 =	vadd.f32 v16, v16;
	v23 =	vadd.f32 v14, v23;
	v16 =	vld [tilespmem:s8+$0xD610]  }
0x26d: {  	[tilespmem:s8+$0xD210] =	vst v19;
	v20 =	vadd.f32 v15, v15;
	v15 =	vadd.f32 v13, v22;
	v14 =	vld [tilespmem:s8+$0xD620]  }
0x26e: {  	s22 =	sadd.s32 $0x1, s22;
	[tilespmem:s8+$0xD220] =	vst v24;
	v19 =	vadd.f32 v23, v23;
	v13 =	vadd.f32 v12, v21;
	v12 =	vld [tilespmem:s8+$0xD630]  }
0x26f: {  	[tilespmem:s8+$0xD230] =	vst v20;
	v20 =	vld [tilespmem:s8+$0xD640];
	v15 =	vadd.f32 v15, v15;
	v11 =	vadd.f32 v11, v18  }
0x270: {  	[tilespmem:s8+$0xD240] =	vst v19;
	v19 =	vld [tilespmem:s8+$0xD650];
	v13 =	vadd.f32 v13, v13;
	v10 =	vadd.f32 v10, v17  }
0x271: {  	[tilespmem:s8+$0xD250] =	vst v15;
	v15 =	vld [tilespmem:s8+$0xD660];
	v11 =	vadd.f32 v11, v11;
	v9 =	vadd.f32 v9, v16  }
0x272: {  	[tilespmem:s8+$0xD260] =	vst v13;
	v10 =	vadd.f32 v10, v10;
	v8 =	vadd.f32 v8, v14;
	v13 =	vld [tilespmem:s8+$0xD670]  }
0x273: {  	[tilespmem:s8+$0xD270] =	vst v11;
	v9 =	vadd.f32 v9, v9;
	v7 =	vadd.f32 v7, v12  }
0x274: {  	[tilespmem:s8+$0xD600] =	vst v10;
	v8 =	vadd.f32 v8, v8;
	v6 =	vadd.f32 v6, v20  }
0x275: {  	s0 =	sadd.s32 s12, s9;
	[tilespmem:s8+$0xD610] =	vst v9;
	v7 =	vadd.f32 v7, v7;
	v4 =	vadd.f32 v4, v19  }
0x276: {  	s0 =	smul.u32 $0x60000, s0;
	[tilespmem:s8+$0xD620] =	vst v8;
	v6 =	vadd.f32 v6, v6;
	v3 =	vadd.f32 v3, v15  }
0x277: {  	[tilespmem:s8+$0xD630] =	vst v7;
	v4 =	vadd.f32 v4, v4;
	v5 =	vadd.f32 v5, v13  }
0x278: {  	s20 =	sadd.s32 s7, s0;
	[tilespmem:s8+$0xD640] =	vst v6;
	v3 =	vadd.f32 v3, v3  }
0x279: {  	s0 =	sadd.s32 $0x60000, s20;
	[tilespmem:s8+$0xD650] =	vst v4;
	v4 =	vadd.f32 v5, v5  }
0x27a: {  	s0 =	sshrl.u32 s0, $0x3;
	[tilespmem:s8+$0xD660] =	vst v3  }
0x27b: {  	s22 =	simm.s32 $0xC200;
	s0 =	sadd.s32 s4, s0;
	[tilespmem:s8+$0xD670] =	vst v4  }
0x27c: {  	[hbm4b:s0+s5] =	stream.linear.scatter [tilespmem:s22], [sflag:$0x6], $0x6000, $0x38;
	[tilespmem:$0x1E200] =	vst v63  }
0x27d: {  	s0 =	sadd.s32 @!p0 s12, s17  }
0x27e: {  	s0 =	sshll.u32 @!p0 s0, $0x9  }
0x27f: {  	s0 =	sor.u32 @!p0 s6, s0  }
0x280: {  	s0 =	sshrl.u32 @!p0 s0, $0x3  }
0x281: {  	s8 =	simm.s32 @!p0 $0x0;
	s22 =	simm.s32 @!p0 $0x80;
	s0 =	sadd.s32 @!p0 s1, s0  }
0x282: {  	[tilespmem:s22], [sflag:$0xA] =	stream.linear.gather @!p0 [hbm4b:s0+s8], $0x20, $0x38;
	[tilespmem:$0x1E200] =	vst v63  }
0x283: {  	s0 =	simm.s32 @!p0 $0x5  }
0x284: {  	_ =	swait.ge @!p0 [sflag:s0], $0x6000  }
0x285: {  	[sflag:s0] =	ssyncset.done @!p0 $0x0  }
0x286: {  	[sflag:s0] =	ssyncadd.s32 @!p0 $0xFFFFA000;
	s0 =	simm.s32 @!p0 $0x9  }
0x287: {  	_ =	swait.ge @!p0 [sflag:s0], $0x20  }
0x288: {  	[sflag:s0] =	ssyncset.done @!p0 $0x0  }
0x289: {  	[sflag:s0] =	ssyncadd.s32 @!p0 $0xFFFFFFE0  }
0x28a: {  	v3 =	vld @!p0 [tilespmem:$0x0];
	_ =	sdelay $0x4  }
0x28b: {  	v4 =	vshrl.u32 @!p0 v3, $0x3  }
0x28c: {  	v4 =	vmul.u32 @!p0 $0x30, v4  }
0x28d: {  	v5 =	vlaneseq.u32 @!p0;
	v3 =	vand.u32 @!p0 $0x7, v3  }
0x28e: {  	v6 =	vshrl.u32 @!p0 v5, $0x3;
	v3 =	vor.u32 @!p0 v3, v4;
	v4 =	vand.u32 @!p0 $0x7, v5  }
0x28f: {  	v6 =	vmul.u32 @!p0 $0x8, v6;
	v7 =	vperm.xlane @!p0 v3, v4;
	_ =	sdelay $0x1  }
0x290: {  	v7 =	vadd.s32 @!p0 v6, v7;
	_ =	sdelay $0x2  }
0x291: {  	v5 =	vor.u32 @!p0 $0x8, v5  }
0x292: {  	vm1 =	vmmov @!p0 $0xffff;
	s0 =	simm.s32 @!p0 $0x6200;
	v3 =	vperm.xlane @!p0 v3, v5  }
0x293: {  	[tilespmem:s0], [sflag:$0x1] =	stream.indirect_vreg.gather @!p0 [hbm4b:s3+s8], $0x80, v7, vm1, $0xb8;
	[tilespmem:$0x1E200] =	vst v63  }
0x294: {  	v3 =	vadd.s32 @!p0 v6, v3;
	s0 =	simm.s32 @!p0 $0x6A00  }
0x295: {  	[tilespmem:s0], [sflag:$0x1] =	stream.indirect_vreg.gather @!p0 [hbm4b:s14+s8], $0x80, v7, vm1, $0xb8;
	[tilespmem:$0x1E200] =	vst v63  }
0x296: {  	s0 =	simm.s32 @!p0 $0x7200  }
0x297: {  	[tilespmem:s0], [sflag:$0x1] =	stream.indirect_vreg.gather @!p0 [hbm4b:s15+s8], $0x80, v7, vm1, $0xb8;
	[tilespmem:$0x1E200] =	vst v63  }
0x298: {  	s0 =	simm.s32 @!p0 $0x7A00  }
0x299: {  	[tilespmem:s0], [sflag:$0x1] =	stream.indirect_vreg.gather @!p0 [hbm4b:s3+s8], $0x80, v3, vm1, $0xb8;
	[tilespmem:$0x1E200] =	vst v63  }
0x29a: {  	s0 =	simm.s32 @!p0 $0x8200  }
0x29b: {  	[tilespmem:s0], [sflag:$0x1] =	stream.indirect_vreg.gather @!p0 [hbm4b:s14+s8], $0x80, v3, vm1, $0xb8;
	[tilespmem:$0x1E200] =	vst v63  }
0x29c: {  	s0 =	simm.s32 @!p0 $0x8A00  }
0x29d: {  	[tilespmem:s0], [sflag:$0x1] =	stream.indirect_vreg.gather @!p0 [hbm4b:s15+s8], $0x80, v3, vm1, $0xb8;
	[tilespmem:$0x1E200] =	vst v63  }
0x29e: {  	v3 =	vld @!p0 [tilespmem:$0x10];
	_ =	sdelay $0x4  }
0x29f: {  	v7 =	vshrl.u32 @!p0 v3, $0x3  }
0x2a0: {  	v7 =	vmul.u32 @!p0 $0x30, v7  }
0x2a1: {  	v3 =	vand.u32 @!p0 $0x7, v3  }
0x2a2: {  	v3 =	vor.u32 @!p0 v3, v7  }
0x2a3: {  	v4 =	vperm.xlane @!p0 v3, v4;
	_ =	sdelay $0x1  }
0x2a4: {  	v4 =	vadd.s32 @!p0 v6, v4;
	_ =	sdelay $0x3  }
0x2a5: {  	s0 =	simm.s32 @!p0 $0x9200;
	v3 =	vperm.xlane @!p0 v3, v5  }
0x2a6: {  	[tilespmem:s0], [sflag:$0x1] =	stream.indirect_vreg.gather @!p0 [hbm4b:s3+s8], $0x80, v4, vm1, $0xb8;
	[tilespmem:$0x1E200] =	vst v63  }
0x2a7: {  	v3 =	vadd.s32 @!p0 v6, v3;
	s0 =	simm.s32 @!p0 $0x9A00  }
0x2a8: {  	[tilespmem:s0], [sflag:$0x1] =	stream.indirect_vreg.gather @!p0 [hbm4b:s14+s8], $0x80, v4, vm1, $0xb8;
	[tilespmem:$0x1E200] =	vst v63  }
0x2a9: {  	s0 =	simm.s32 @!p0 $0xA200  }
0x2aa: {  	[tilespmem:s0], [sflag:$0x1] =	stream.indirect_vreg.gather @!p0 [hbm4b:s15+s8], $0x80, v4, vm1, $0xb8;
	[tilespmem:$0x1E200] =	vst v63  }
0x2ab: {  	s0 =	simm.s32 @!p0 $0xAA00  }
0x2ac: {  	[tilespmem:s0], [sflag:$0x1] =	stream.indirect_vreg.gather @!p0 [hbm4b:s3+s8], $0x80, v3, vm1, $0xb8;
	[tilespmem:$0x1E200] =	vst v63  }
0x2ad: {  	s0 =	simm.s32 @!p0 $0xB200  }
0x2ae: {  	[tilespmem:s0], [sflag:$0x1] =	stream.indirect_vreg.gather @!p0 [hbm4b:s14+s8], $0x80, v3, vm1, $0xb8;
	[tilespmem:$0x1E200] =	vst v63  }
0x2af: {  	s0 =	simm.s32 @!p0 $0xBA00  }
0x2b0: {  	[tilespmem:s0], [sflag:$0x1] =	stream.indirect_vreg.gather @!p0 [hbm4b:s15+s8], $0x80, v3, vm1, $0xb8;
	[tilespmem:$0x1E200] =	vst v63  }
0x2b1: {  	s8 =	simm.s32 $0x0  }
0x2b2: {  	s22 =	simm.s32 $0x0;
	_ =	swait.ge [sflag:s24], $0x6000;
	s0 =	smul.u32 $0x1800, s8  }
0x2b3: {  	s19 =	sand.u32 $0x380, s22;
	[sflag:s24] =	ssyncset.done $0x0  }
0x2b4: {  	[sflag:s24] =	ssyncadd.s32 $0xFFFFA000;
	s8 =	sor.u32 s19, s0  }
0x2b5: {  	v5 =	vld [tilespmem:s8+$0x200]  }
0x2b6: {  	v25 =	vld [tilespmem:s8+$0x210]  }
0x2b7: {  	v26 =	vld [tilespmem:s8+$0x220]  }
0x2b8: {  	v27 =	vld [tilespmem:s8+$0x230]  }
0x2b9: {  	v28 =	vld [tilespmem:s8+$0x240]  }
0x2ba: {  	v29 =	vld [tilespmem:s8+$0x250]  }
0x2bb: {  	v30 =	vld [tilespmem:s8+$0x260]  }
0x2bc: {  	v31 =	vld [tilespmem:s8+$0x270]  }
0x2bd: {  	v32 =	vld [tilespmem:s8+$0x600]  }
0x2be: {  	v33 =	vld [tilespmem:s8+$0x610]  }
0x2bf: {  	v34 =	vld [tilespmem:s8+$0x620]  }
0x2c0: {  	v35 =	vld [tilespmem:s8+$0x630]  }
0x2c1: {  	v36 =	vld [tilespmem:s8+$0x640]  }
0x2c2: {  	v37 =	vld [tilespmem:s8+$0x650]  }
0x2c3: {  	v38 =	vld [tilespmem:s8+$0x660]  }
0x2c4: {  	v39 =	vld [tilespmem:s8+$0x670]  }
0x2c5: {  	v40 =	vld [tilespmem:s8+$0xA00]  }
0x2c6: {  	v41 =	vld [tilespmem:s8+$0xA10]  }
0x2c7: {  	v42 =	vld [tilespmem:s8+$0xA20]  }
0x2c8: {  	v43 =	vld [tilespmem:s8+$0xA30]  }
0x2c9: {  	v44 =	vld [tilespmem:s8+$0xA40]  }
0x2ca: {  	v45 =	vld [tilespmem:s8+$0xA50]  }
0x2cb: {  	v46 =	vld [tilespmem:s8+$0xA60]  }
0x2cc: {  	v47 =	vld [tilespmem:s8+$0xA70]  }
0x2cd: {  	v48 =	vld [tilespmem:s8+$0xE00]  }
0x2ce: {  	v49 =	vld [tilespmem:s8+$0xE10]  }
0x2cf: {  	v24 =	vld [tilespmem:s8+$0xE20]  }
0x2d0: {  	v23 =	vld [tilespmem:s8+$0xE30]  }
0x2d1: {  	v22 =	vld [tilespmem:s8+$0xE40]  }
0x2d2: {  	v21 =	vld [tilespmem:s8+$0xE50]  }
0x2d3: {  	v20 =	vld [tilespmem:s8+$0xE60]  }
0x2d4: {  	v19 =	vld [tilespmem:s8+$0xE70]  }
0x2d5: {  	v18 =	vld [tilespmem:s8+$0x1200]  }
0x2d6: {  	v17 =	vld [tilespmem:s8+$0x1210]  }
0x2d7: {  	v16 =	vld [tilespmem:s8+$0x1220]  }
0x2d8: {  	v15 =	vld [tilespmem:s8+$0x1230]  }
0x2d9: {  	v14 =	vld [tilespmem:s8+$0x1240]  }
0x2da: {  	v13 =	vld [tilespmem:s8+$0x1250]  }
0x2db: {  	v12 =	vld [tilespmem:s8+$0x1260]  }
0x2dc: {  	v11 =	vld [tilespmem:s8+$0x1270]  }
0x2dd: {  	v10 =	vld [tilespmem:s8+$0x1600]  }
0x2de: {  	v9 =	vld [tilespmem:s8+$0x1610]  }
0x2df: {  	v8 =	vld [tilespmem:s8+$0x1620]  }
0x2e0: {  	v7 =	vld [tilespmem:s8+$0x1630]  }
0x2e1: {  	v6 =	vld [tilespmem:s8+$0x1640]  }
0x2e2: {  	v4 =	vld [tilespmem:s8+$0x1650]  }
0x2e3: {  	v50 =	vld [tilespmem:s8+$0x12200]  }
0x2e4: {  	v51 =	vld [tilespmem:s8+$0x12210]  }
0x2e5: {  	v52 =	vld [tilespmem:s8+$0x12220]  }
0x2e6: {  	v53 =	vld [tilespmem:s8+$0x12230]  }
0x2e7: {  	v54 =	vld [tilespmem:s8+$0x12240]  }
0x2e8: {  	v62 =	vld [tilespmem:s8+$0x12250]  }
0x2e9: {  	v63 =	vld [tilespmem:s8+$0x12260]  }
0x2ea: {  	v56 =	vld [tilespmem:s8+$0x12270];
	v5 =	vadd.f32 v5, v50;
	v25 =	vadd.f32 v25, v51  }
0x2eb: {  	v57 =	vld [tilespmem:s8+$0x12600];
	v26 =	vadd.f32 v26, v52;
	v27 =	vadd.f32 v27, v53  }
0x2ec: {  	v60 =	vld [tilespmem:s8+$0x12610];
	v28 =	vadd.f32 v28, v54;
	v55 =	vadd.f32 v5, v5  }
0x2ed: {  	v3 =	vld [tilespmem:s8+$0x1660];
	v59 =	vadd.f32 v29, v62;
	v25 =	vadd.f32 v25, v25  }
0x2ee: {  	v62 =	vadd.f32 v30, v63;
	v51 =	vld [tilespmem:s8+$0x12620];
	v26 =	vadd.f32 v26, v26;
	[tilespmem:s8+$0x12200] =	vst v55  }
0x2ef: {  	v50 =	vadd.f32 v31, v56;
	v56 =	vld [tilespmem:s8+$0x12630];
	v58 =	vadd.f32 v27, v27;
	[tilespmem:s8+$0x12210] =	vst v25  }
0x2f0: {  	v54 =	vadd.f32 v32, v57;
	v57 =	vld [tilespmem:s8+$0x12640];
	v61 =	vadd.f32 v28, v28;
	[tilespmem:s8+$0x12220] =	vst v26  }
0x2f1: {  	v29 =	vadd.f32 v33, v60;
	v60 =	vld [tilespmem:s8+$0x12A10];
	v63 =	vadd.f32 v59, v59;
	[tilespmem:s8+$0x12230] =	vst v58  }
0x2f2: {  	v53 =	vld [tilespmem:s8+$0x12E20];
	v52 =	vadd.f32 v62, v62;
	[tilespmem:s8+$0x12240] =	vst v61  }
0x2f3: {  	v5 =	vld [tilespmem:s8+$0x1670];
	v28 =	vadd.f32 v54, v54;
	[tilespmem:s8+$0x12250] =	vst v63  }
0x2f4: {  	v59 =	vld [tilespmem:s8+$0x12650];
	v29 =	vadd.f32 v29, v29;
	[tilespmem:s8+$0x12260] =	vst v52;
	v30 =	vadd.f32 v34, v51  }
0x2f5: {  	v62 =	vld [tilespmem:s8+$0x12A20];
	v55 =	vadd.f32 v50, v50;
	[tilespmem:s8+$0x12600] =	vst v28;
	v27 =	vadd.f32 v35, v56  }
0x2f6: {  	v54 =	vld [tilespmem:s8+$0x12E30];
	[tilespmem:s8+$0x12610] =	vst v29;
	v26 =	vadd.f32 v36, v57;
	v30 =	vadd.f32 v30, v30  }
0x2f7: {  	v61 =	vld [tilespmem:s8+$0x12660];
	v28 =	vadd.f32 v41, v60;
	[tilespmem:s8+$0x12270] =	vst v55;
	v27 =	vadd.f32 v27, v27  }
0x2f8: {  	v63 =	vld [tilespmem:s8+$0x12670];
	v24 =	vadd.f32 v24, v53;
	v26 =	vadd.f32 v26, v26;
	[tilespmem:s8+$0x12620] =	vst v30  }
0x2f9: {  	v58 =	vld [tilespmem:s8+$0x12A00];
	v31 =	vadd.f32 v37, v59;
	v28 =	vadd.f32 v28, v28;
	[tilespmem:s8+$0x12630] =	vst v27  }
0x2fa: {  	v36 =	vld [tilespmem:s8+$0x12A30];
	v29 =	vadd.f32 v42, v62;
	v24 =	vadd.f32 v24, v24;
	[tilespmem:s8+$0x12640] =	vst v26  }
0x2fb: {  	v56 =	vld [tilespmem:s8+$0x12E50];
	v23 =	vadd.f32 v23, v54;
	v31 =	vadd.f32 v31, v31;
	[tilespmem:s8+$0x12A10] =	vst v28  }
0x2fc: {  	v57 =	vld [tilespmem:s8+$0x12E60];
	v32 =	vadd.f32 v38, v61;
	v29 =	vadd.f32 v29, v29;
	[tilespmem:s8+$0x12E20] =	vst v24  }
0x2fd: {  	v55 =	vld [tilespmem:s8+$0x12E40];
	v33 =	vadd.f32 v39, v63;
	v23 =	vadd.f32 v23, v23;
	[tilespmem:s8+$0x12650] =	vst v31  }
0x2fe: {  	v37 =	vld [tilespmem:s8+$0x12A40];
	v25 =	vadd.f32 v40, v58;
	v32 =	vadd.f32 v32, v32;
	[tilespmem:s8+$0x12A20] =	vst v29  }
0x2ff: {  	v50 =	vld [tilespmem:s8+$0x12A70];
	v30 =	vadd.f32 v43, v36;
	v33 =	vadd.f32 v33, v33;
	[tilespmem:s8+$0x12E30] =	vst v23  }
0x300: {  	v51 =	vld [tilespmem:s8+$0x12E00];
	v21 =	vadd.f32 v21, v56;
	v25 =	vadd.f32 v25, v25;
	[tilespmem:s8+$0x12660] =	vst v32  }
0x301: {  	v52 =	vld [tilespmem:s8+$0x12E10];
	v20 =	vadd.f32 v20, v57;
	v30 =	vadd.f32 v30, v30;
	[tilespmem:s8+$0x12670] =	vst v33  }
0x302: {  	v38 =	vld [tilespmem:s8+$0x12A50];
	v22 =	vadd.f32 v22, v55;
	v21 =	vadd.f32 v21, v21;
	[tilespmem:s8+$0x12A00] =	vst v25  }
0x303: {  	v58 =	vld [tilespmem:s8+$0x12E70];
	v27 =	vadd.f32 v44, v37;
	v20 =	vadd.f32 v20, v20;
	[tilespmem:s8+$0x12A30] =	vst v30  }
0x304: {  	v39 =	vld [tilespmem:s8+$0x12A60];
	v32 =	vadd.f32 v47, v50;
	v22 =	vadd.f32 v22, v22;
	[tilespmem:s8+$0x12E50] =	vst v21  }
0x305: {  	v60 =	vld [tilespmem:s8+$0x13210];
	v33 =	vadd.f32 v48, v51;
	v27 =	vadd.f32 v27, v27;
	[tilespmem:s8+$0x12E60] =	vst v20  }
0x306: {  	v59 =	vld [tilespmem:s8+$0x13200];
	v25 =	vadd.f32 v49, v52;
	v32 =	vadd.f32 v32, v32;
	[tilespmem:s8+$0x12E40] =	vst v22  }
0x307: {  	v61 =	vld [tilespmem:s8+$0x13220];
	v26 =	vadd.f32 v45, v38;
	v33 =	vadd.f32 v33, v33;
	[tilespmem:s8+$0x12A40] =	vst v27  }
0x308: {  	v62 =	vld [tilespmem:s8+$0x13230];
	v19 =	vadd.f32 v19, v58;
	v25 =	vadd.f32 v25, v25;
	[tilespmem:s8+$0x12A70] =	vst v32  }
0x309: {  	v23 =	vld [tilespmem:s8+$0x13240];
	v31 =	vadd.f32 v46, v39;
	v26 =	vadd.f32 v26, v26;
	[tilespmem:s8+$0x12E00] =	vst v33  }
0x30a: {  	v20 =	vadd.f32 v17, v60;
	v22 =	vld [tilespmem:s8+$0x13250];
	v19 =	vadd.f32 v19, v19;
	[tilespmem:s8+$0x12E10] =	vst v25  }
0x30b: {  	v63 =	vadd.f32 v18, v59;
	v21 =	vld [tilespmem:s8+$0x13260];
	v31 =	vadd.f32 v31, v31;
	[tilespmem:s8+$0x12A50] =	vst v26  }
0x30c: {  	v18 =	vld [tilespmem:s8+$0x13270];
	v20 =	vadd.f32 v20, v20;
	[tilespmem:s8+$0x12E70] =	vst v19;
	v19 =	vadd.f32 v16, v61  }
0x30d: {  	v15 =	vadd.f32 v15, v62;
	v17 =	vld [tilespmem:s8+$0x13600];
	[tilespmem:s8+$0x12A60] =	vst v31;
	v26 =	vadd.f32 v63, v63  }
0x30e: {  	v23 =	vadd.f32 v14, v23;
	v16 =	vld [tilespmem:s8+$0x13610];
	[tilespmem:s8+$0x13210] =	vst v20;
	v19 =	vadd.f32 v19, v19  }
0x30f: {  	v14 =	vld [tilespmem:s8+$0x13620];
	v20 =	vadd.f32 v15, v15;
	[tilespmem:s8+$0x13200] =	vst v26;
	v15 =	vadd.f32 v13, v22  }
0x310: {  	s28 =	simm.s32 $0x1;
	v13 =	vadd.f32 v12, v21;
	v12 =	vld [tilespmem:s8+$0x13630];
	[tilespmem:s8+$0x13220] =	vst v19;
	v19 =	vadd.f32 v23, v23  }
.LBB2_9:
0x311: {  	s0 =	sshrl.u32 s28, $0x3;
	p1 =	sne.s32 s28, $0x1F;
	[tilespmem:s8+$0x13230] =	vst v20;
	v15 =	vadd.f32 v15, v15;
	v11 =	vadd.f32 v11, v18;
	v18 =	vld [tilespmem:s8+$0x13640]  }
0x312: {  	s22 =	sadd.s32 $0x80, s22;
	s0 =	smul.u32 $0x1800, s0;
	[tilespmem:s8+$0x13240] =	vst v19;
	v13 =	vadd.f32 v13, v13;
	v10 =	vadd.f32 v10, v17;
	v17 =	vld [tilespmem:s8+$0x13650]  }
0x313: {  	s19 =	sand.u32 $0x380, s22;
	[tilespmem:s8+$0x13250] =	vst v15;
	v11 =	vadd.f32 v11, v11;
	v9 =	vadd.f32 v9, v16;
	v15 =	vld [tilespmem:s8+$0x13660]  }
0x314: {  	s0 =	sor.u32 s19, s0;
	[tilespmem:s8+$0x13260] =	vst v13;
	v10 =	vadd.f32 v10, v10;
	v8 =	vadd.f32 v8, v14;
	v13 =	vld [tilespmem:s8+$0x13670]  }
0x315: {  	v42 =	vld [tilespmem:s0+$0x200];
	[tilespmem:s8+$0x13270] =	vst v11;
	v9 =	vadd.f32 v9, v9;
	v7 =	vadd.f32 v7, v12  }
0x316: {  	v43 =	vld [tilespmem:s0+$0x210];
	[tilespmem:s8+$0x13600] =	vst v10;
	v8 =	vadd.f32 v8, v8;
	v6 =	vadd.f32 v6, v18  }
0x317: {  	v44 =	vld [tilespmem:s0+$0x220];
	[tilespmem:s8+$0x13610] =	vst v9;
	v7 =	vadd.f32 v7, v7;
	v4 =	vadd.f32 v4, v17  }
0x318: {  	v45 =	vld [tilespmem:s0+$0x230];
	[tilespmem:s8+$0x13620] =	vst v8;
	v6 =	vadd.f32 v6, v6;
	v3 =	vadd.f32 v3, v15  }
0x319: {  	v46 =	vld [tilespmem:s0+$0x240];
	[tilespmem:s8+$0x13630] =	vst v7;
	v4 =	vadd.f32 v4, v4;
	v5 =	vadd.f32 v5, v13  }
0x31a: {  	v47 =	vld [tilespmem:s0+$0x250];
	[tilespmem:s8+$0x13640] =	vst v6;
	v3 =	vadd.f32 v3, v3  }
0x31b: {  	v48 =	vld [tilespmem:s0+$0x260];
	[tilespmem:s8+$0x13650] =	vst v4;
	v4 =	vadd.f32 v5, v5  }
0x31c: {  	v49 =	vld [tilespmem:s0+$0x270];
	[tilespmem:s8+$0x13660] =	vst v3  }
0x31d: {  	v50 =	vld [tilespmem:s0+$0x600];
	[tilespmem:s8+$0x13670] =	vst v4;
	s8 =	smov.u32 s0  }
0x31e: {  	v41 =	vld [tilespmem:s8+$0x610]  }
0x31f: {  	v40 =	vld [tilespmem:s8+$0x620]  }
0x320: {  	v39 =	vld [tilespmem:s8+$0x630]  }
0x321: {  	v38 =	vld [tilespmem:s8+$0x640]  }
0x322: {  	v37 =	vld [tilespmem:s8+$0x650]  }
0x323: {  	v36 =	vld [tilespmem:s8+$0x660]  }
0x324: {  	v35 =	vld [tilespmem:s8+$0x670]  }
0x325: {  	v34 =	vld [tilespmem:s8+$0xA00]  }
0x326: {  	v33 =	vld [tilespmem:s8+$0xA10]  }
0x327: {  	v32 =	vld [tilespmem:s8+$0xA20]  }
0x328: {  	v31 =	vld [tilespmem:s8+$0xA30]  }
0x329: {  	v30 =	vld [tilespmem:s8+$0xA40]  }
0x32a: {  	v29 =	vld [tilespmem:s8+$0xA50]  }
0x32b: {  	v28 =	vld [tilespmem:s8+$0xA60]  }
0x32c: {  	v27 =	vld [tilespmem:s8+$0xA70]  }
0x32d: {  	v26 =	vld [tilespmem:s8+$0xE00]  }
0x32e: {  	v25 =	vld [tilespmem:s8+$0xE10]  }
0x32f: {  	v24 =	vld [tilespmem:s8+$0xE20]  }
0x330: {  	v23 =	vld [tilespmem:s8+$0xE30]  }
0x331: {  	v22 =	vld [tilespmem:s8+$0xE40]  }
0x332: {  	v21 =	vld [tilespmem:s8+$0xE50]  }
0x333: {  	v20 =	vld [tilespmem:s8+$0xE60]  }
0x334: {  	v19 =	vld [tilespmem:s8+$0xE70]  }
0x335: {  	v18 =	vld [tilespmem:s8+$0x1200]  }
0x336: {  	v17 =	vld [tilespmem:s8+$0x1210]  }
0x337: {  	v16 =	vld [tilespmem:s8+$0x1220]  }
0x338: {  	v15 =	vld [tilespmem:s8+$0x1230]  }
0x339: {  	v14 =	vld [tilespmem:s8+$0x1240]  }
0x33a: {  	v13 =	vld [tilespmem:s8+$0x1250]  }
0x33b: {  	v12 =	vld [tilespmem:s8+$0x1260]  }
0x33c: {  	v11 =	vld [tilespmem:s8+$0x1270]  }
0x33d: {  	v10 =	vld [tilespmem:s8+$0x1600]  }
0x33e: {  	v9 =	vld [tilespmem:s8+$0x1610]  }
0x33f: {  	v8 =	vld [tilespmem:s8+$0x1620]  }
0x340: {  	v7 =	vld [tilespmem:s8+$0x1630]  }
0x341: {  	v6 =	vld [tilespmem:s8+$0x1640]  }
0x342: {  	v4 =	vld [tilespmem:s8+$0x1650]  }
0x343: {  	v3 =	vld [tilespmem:s8+$0x1660]  }
0x344: {  	v5 =	vld [tilespmem:s8+$0x1670]  }
0x345: {  	v51 =	vld [tilespmem:s8+$0x12200]  }
0x346: {  	v52 =	vld [tilespmem:s8+$0x12210]  }
0x347: {  	v53 =	vld [tilespmem:s8+$0x12220]  }
0x348: {  	v54 =	vld [tilespmem:s8+$0x12230]  }
0x349: {  	v55 =	vld [tilespmem:s8+$0x12240]  }
0x34a: {  	v42 =	vadd.f32 v42, v51;
	v51 =	vld [tilespmem:s8+$0x12250]  }
0x34b: {  	v43 =	vadd.f32 v43, v52;
	v52 =	vld [tilespmem:s8+$0x12260]  }
0x34c: {  	v42 =	vadd.f32 v42, v42;
	v44 =	vadd.f32 v44, v53;
	v53 =	vld [tilespmem:s8+$0x12270]  }
0x34d: {  	v43 =	vadd.f32 v43, v43;
	v45 =	vadd.f32 v45, v54;
	v54 =	vld [tilespmem:s8+$0x12600]  }
0x34e: {  	[tilespmem:s8+$0x12200] =	vst v42;
	v42 =	vadd.f32 v44, v44;
	v44 =	vadd.f32 v46, v55;
	v46 =	vld [tilespmem:s8+$0x12610]  }
0x34f: {  	[tilespmem:s8+$0x12210] =	vst v43;
	v43 =	vadd.f32 v45, v45;
	v45 =	vadd.f32 v47, v51;
	v47 =	vld [tilespmem:s8+$0x12620]  }
0x350: {  	[tilespmem:s8+$0x12220] =	vst v42;
	v42 =	vadd.f32 v44, v44;
	v44 =	vadd.f32 v48, v52;
	v48 =	vld [tilespmem:s8+$0x12630]  }
0x351: {  	[tilespmem:s8+$0x12230] =	vst v43;
	v43 =	vadd.f32 v45, v45;
	v45 =	vadd.f32 v49, v53;
	v49 =	vld [tilespmem:s8+$0x12640]  }
0x352: {  	[tilespmem:s8+$0x12240] =	vst v42;
	v42 =	vadd.f32 v44, v44;
	v44 =	vadd.f32 v50, v54;
	v50 =	vld [tilespmem:s8+$0x12650]  }
0x353: {  	[tilespmem:s8+$0x12250] =	vst v43;
	v43 =	vadd.f32 v45, v45;
	v41 =	vadd.f32 v41, v46;
	v45 =	vld [tilespmem:s8+$0x12660]  }
0x354: {  	[tilespmem:s8+$0x12260] =	vst v42;
	v42 =	vadd.f32 v44, v44;
	v40 =	vadd.f32 v40, v47;
	v44 =	vld [tilespmem:s8+$0x12670]  }
0x355: {  	[tilespmem:s8+$0x12270] =	vst v43;
	v41 =	vadd.f32 v41, v41;
	v39 =	vadd.f32 v39, v48;
	v43 =	vld [tilespmem:s8+$0x12A00]  }
0x356: {  	[tilespmem:s8+$0x12600] =	vst v42;
	v40 =	vadd.f32 v40, v40;
	v38 =	vadd.f32 v38, v49;
	v42 =	vld [tilespmem:s8+$0x12A10]  }
0x357: {  	[tilespmem:s8+$0x12610] =	vst v41;
	v39 =	vadd.f32 v39, v39;
	v37 =	vadd.f32 v37, v50;
	v41 =	vld [tilespmem:s8+$0x12A20]  }
0x358: {  	[tilespmem:s8+$0x12620] =	vst v40;
	v38 =	vadd.f32 v38, v38;
	v36 =	vadd.f32 v36, v45;
	v40 =	vld [tilespmem:s8+$0x12A30]  }
0x359: {  	[tilespmem:s8+$0x12630] =	vst v39;
	v37 =	vadd.f32 v37, v37;
	v35 =	vadd.f32 v35, v44;
	v39 =	vld [tilespmem:s8+$0x12A40]  }
0x35a: {  	[tilespmem:s8+$0x12640] =	vst v38;
	v36 =	vadd.f32 v36, v36;
	v34 =	vadd.f32 v34, v43;
	v38 =	vld [tilespmem:s8+$0x12A50]  }
0x35b: {  	[tilespmem:s8+$0x12650] =	vst v37;
	v35 =	vadd.f32 v35, v35;
	v33 =	vadd.f32 v33, v42;
	v37 =	vld [tilespmem:s8+$0x12A60]  }
0x35c: {  	[tilespmem:s8+$0x12660] =	vst v36;
	v34 =	vadd.f32 v34, v34;
	v32 =	vadd.f32 v32, v41;
	v36 =	vld [tilespmem:s8+$0x12A70]  }
0x35d: {  	[tilespmem:s8+$0x12670] =	vst v35;
	v33 =	vadd.f32 v33, v33;
	v31 =	vadd.f32 v31, v40;
	v35 =	vld [tilespmem:s8+$0x12E00]  }
0x35e: {  	[tilespmem:s8+$0x12A00] =	vst v34;
	v32 =	vadd.f32 v32, v32;
	v30 =	vadd.f32 v30, v39;
	v34 =	vld [tilespmem:s8+$0x12E10]  }
0x35f: {  	[tilespmem:s8+$0x12A10] =	vst v33;
	v31 =	vadd.f32 v31, v31;
	v29 =	vadd.f32 v29, v38;
	v33 =	vld [tilespmem:s8+$0x12E20]  }
0x360: {  	[tilespmem:s8+$0x12A20] =	vst v32;
	v30 =	vadd.f32 v30, v30;
	v28 =	vadd.f32 v28, v37;
	v32 =	vld [tilespmem:s8+$0x12E30]  }
0x361: {  	[tilespmem:s8+$0x12A30] =	vst v31;
	v29 =	vadd.f32 v29, v29;
	v27 =	vadd.f32 v27, v36;
	v31 =	vld [tilespmem:s8+$0x12E40]  }
0x362: {  	[tilespmem:s8+$0x12A40] =	vst v30;
	v28 =	vadd.f32 v28, v28;
	v26 =	vadd.f32 v26, v35;
	v30 =	vld [tilespmem:s8+$0x12E50]  }
0x363: {  	[tilespmem:s8+$0x12A50] =	vst v29;
	v27 =	vadd.f32 v27, v27;
	v25 =	vadd.f32 v25, v34;
	v29 =	vld [tilespmem:s8+$0x12E60]  }
0x364: {  	[tilespmem:s8+$0x12A60] =	vst v28;
	v26 =	vadd.f32 v26, v26;
	v24 =	vadd.f32 v24, v33;
	v28 =	vld [tilespmem:s8+$0x12E70]  }
0x365: {  	[tilespmem:s8+$0x12A70] =	vst v27;
	v25 =	vadd.f32 v25, v25;
	v23 =	vadd.f32 v23, v32;
	v27 =	vld [tilespmem:s8+$0x13200]  }
0x366: {  	[tilespmem:s8+$0x12E00] =	vst v26;
	v24 =	vadd.f32 v24, v24;
	v22 =	vadd.f32 v22, v31;
	v26 =	vld [tilespmem:s8+$0x13210]  }
0x367: {  	[tilespmem:s8+$0x12E10] =	vst v25;
	v23 =	vadd.f32 v23, v23;
	v21 =	vadd.f32 v21, v30;
	v25 =	vld [tilespmem:s8+$0x13220]  }
0x368: {  	[tilespmem:s8+$0x12E20] =	vst v24;
	v22 =	vadd.f32 v22, v22;
	v20 =	vadd.f32 v20, v29;
	v24 =	vld [tilespmem:s8+$0x13230]  }
0x369: {  	[tilespmem:s8+$0x12E30] =	vst v23;
	v21 =	vadd.f32 v21, v21;
	v19 =	vadd.f32 v19, v28;
	v23 =	vld [tilespmem:s8+$0x13240]  }
0x36a: {  	[tilespmem:s8+$0x12E40] =	vst v22;
	v20 =	vadd.f32 v20, v20;
	v18 =	vadd.f32 v18, v27;
	v22 =	vld [tilespmem:s8+$0x13250]  }
0x36b: {  	[tilespmem:s8+$0x12E50] =	vst v21;
	v19 =	vadd.f32 v19, v19;
	v17 =	vadd.f32 v17, v26;
	v21 =	vld [tilespmem:s8+$0x13260]  }
.Ltmp5:
0x36c: {  	[tilespmem:s8+$0x12E60] =	vst v20;
	v20 =	vadd.f32 v18, v18;
	v16 =	vadd.f32 v16, v25;
	v18 =	vld [tilespmem:s8+$0x13270];
	(pc) =	sbr.rel @p1 .LBB2_9-.Ltmp5, $4  }
0x36d: {  	[tilespmem:s8+$0x12E70] =	vst v19;
	v19 =	vadd.f32 v17, v17;
	v15 =	vadd.f32 v15, v24;
	v17 =	vld [tilespmem:s8+$0x13600]  }
0x36e: {  	[tilespmem:s8+$0x13200] =	vst v20;
	v24 =	vadd.f32 v16, v16;
	v23 =	vadd.f32 v14, v23;
	v16 =	vld [tilespmem:s8+$0x13610]  }
0x36f: {  	[tilespmem:s8+$0x13210] =	vst v19;
	v20 =	vadd.f32 v15, v15;
	v15 =	vadd.f32 v13, v22;
	v14 =	vld [tilespmem:s8+$0x13620]  }
0x370: {  	s28 =	sadd.s32 $0x1, s28;
	[tilespmem:s8+$0x13220] =	vst v24;
	v19 =	vadd.f32 v23, v23;
	v13 =	vadd.f32 v12, v21;
	v12 =	vld [tilespmem:s8+$0x13630]  }
0x371: {  	[tilespmem:s8+$0x13230] =	vst v20;
	v20 =	vld [tilespmem:s8+$0x13640];
	v15 =	vadd.f32 v15, v15;
	v11 =	vadd.f32 v11, v18  }
0x372: {  	[tilespmem:s8+$0x13240] =	vst v19;
	v19 =	vld [tilespmem:s8+$0x13650];
	v13 =	vadd.f32 v13, v13;
	v10 =	vadd.f32 v10, v17  }
0x373: {  	[tilespmem:s8+$0x13250] =	vst v15;
	v15 =	vld [tilespmem:s8+$0x13660];
	v11 =	vadd.f32 v11, v11;
	v9 =	vadd.f32 v9, v16  }
0x374: {  	[tilespmem:s8+$0x13260] =	vst v13;
	v10 =	vadd.f32 v10, v10;
	v8 =	vadd.f32 v8, v14;
	v13 =	vld [tilespmem:s8+$0x13670]  }
0x375: {  	[tilespmem:s8+$0x13270] =	vst v11;
	v9 =	vadd.f32 v9, v9;
	v7 =	vadd.f32 v7, v12  }
0x376: {  	[tilespmem:s8+$0x13600] =	vst v10;
	v8 =	vadd.f32 v8, v8;
	v6 =	vadd.f32 v6, v20  }
0x377: {  	[tilespmem:s8+$0x13610] =	vst v9;
	v7 =	vadd.f32 v7, v7;
	v4 =	vadd.f32 v4, v19  }
0x378: {  	[tilespmem:s8+$0x13620] =	vst v8;
	v6 =	vadd.f32 v6, v6;
	v3 =	vadd.f32 v3, v15  }
0x379: {  	[tilespmem:s8+$0x13630] =	vst v7;
	v4 =	vadd.f32 v4, v4;
	v5 =	vadd.f32 v5, v13  }
0x37a: {  	[tilespmem:s8+$0x13640] =	vst v6;
	v3 =	vadd.f32 v3, v3  }
0x37b: {  	s0 =	sadd.s32 $0xC0000, s20;
	[tilespmem:s8+$0x13650] =	vst v4;
	v4 =	vadd.f32 v5, v5  }
0x37c: {  	s0 =	sshrl.u32 s0, $0x3;
	[tilespmem:s8+$0x13660] =	vst v3  }
0x37d: {  	s0 =	sadd.s32 s4, s0;
	[tilespmem:s8+$0x13670] =	vst v4  }
0x37e: {  	[hbm4b:s0+s5] =	stream.linear.scatter [tilespmem:s21], [sflag:$0x7], $0x6000, $0x38;
	[tilespmem:$0x1E200] =	vst v63  }
0x37f: {  	s0 =	sadd.s32 @!p0 s12, s18  }
0x380: {  	s0 =	sshll.u32 @!p0 s0, $0x9  }
0x381: {  	s0 =	sor.u32 @!p0 s6, s0  }
0x382: {  	s0 =	sshrl.u32 @!p0 s0, $0x3  }
0x383: {  	s19 =	simm.s32 @!p0 $0x100;
	s8 =	simm.s32 @!p0 $0x0;
	s0 =	sadd.s32 @!p0 s1, s0  }
0x384: {  	[tilespmem:s19], [sflag:$0xB] =	stream.linear.gather @!p0 [hbm4b:s0+s8], $0x20, $0x38;
	[tilespmem:$0x1E200] =	vst v63  }
0x385: {  	s0 =	simm.s32 @!p0 $0x6  }
0x386: {  	_ =	swait.ge @!p0 [sflag:s0], $0x6000  }
0x387: {  	[sflag:s0] =	ssyncset.done @!p0 $0x0  }
0x388: {  	[sflag:s0] =	ssyncadd.s32 @!p0 $0xFFFFA000;
	s0 =	simm.s32 @!p0 $0xA  }
0x389: {  	_ =	swait.ge @!p0 [sflag:s0], $0x20  }
0x38a: {  	[sflag:s0] =	ssyncset.done @!p0 $0x0  }
0x38b: {  	[sflag:s0] =	ssyncadd.s32 @!p0 $0xFFFFFFE0  }
0x38c: {  	v3 =	vld @!p0 [tilespmem:$0x80];
	_ =	sdelay $0x4  }
0x38d: {  	v4 =	vshrl.u32 @!p0 v3, $0x3  }
0x38e: {  	v4 =	vmul.u32 @!p0 $0x30, v4  }
0x38f: {  	v5 =	vlaneseq.u32 @!p0;
	v3 =	vand.u32 @!p0 $0x7, v3  }
0x390: {  	v6 =	vshrl.u32 @!p0 v5, $0x3;
	v3 =	vor.u32 @!p0 v3, v4;
	v4 =	vand.u32 @!p0 $0x7, v5  }
0x391: {  	v6 =	vmul.u32 @!p0 $0x8, v6;
	v7 =	vperm.xlane @!p0 v3, v4;
	_ =	sdelay $0x1  }
0x392: {  	v7 =	vadd.s32 @!p0 v6, v7;
	_ =	sdelay $0x2  }
0x393: {  	v5 =	vor.u32 @!p0 $0x8, v5  }
0x394: {  	s0 =	simm.s32 @!p0 $0xC200;
	v3 =	vperm.xlane @!p0 v3, v5  }
0x395: {  	[tilespmem:s0], [sflag:$0x2] =	stream.indirect_vreg.gather @!p0 [hbm4b:s3+s8], $0x80, v7, vm1, $0xb8;
	[tilespmem:$0x1E200] =	vst v63  }
0x396: {  	v3 =	vadd.s32 @!p0 v6, v3;
	s0 =	simm.s32 @!p0 $0xCA00  }
0x397: {  	[tilespmem:s0], [sflag:$0x2] =	stream.indirect_vreg.gather @!p0 [hbm4b:s14+s8], $0x80, v7, vm1, $0xb8;
	[tilespmem:$0x1E200] =	vst v63  }
0x398: {  	s0 =	simm.s32 @!p0 $0xD200  }
0x399: {  	[tilespmem:s0], [sflag:$0x2] =	stream.indirect_vreg.gather @!p0 [hbm4b:s15+s8], $0x80, v7, vm1, $0xb8;
	[tilespmem:$0x1E200] =	vst v63  }
0x39a: {  	s0 =	simm.s32 @!p0 $0xDA00  }
0x39b: {  	[tilespmem:s0], [sflag:$0x2] =	stream.indirect_vreg.gather @!p0 [hbm4b:s3+s8], $0x80, v3, vm1, $0xb8;
	[tilespmem:$0x1E200] =	vst v63  }
0x39c: {  	s0 =	simm.s32 @!p0 $0xE200  }
0x39d: {  	[tilespmem:s0], [sflag:$0x2] =	stream.indirect_vreg.gather @!p0 [hbm4b:s14+s8], $0x80, v3, vm1, $0xb8;
	[tilespmem:$0x1E200] =	vst v63  }
0x39e: {  	s0 =	simm.s32 @!p0 $0xEA00  }
0x39f: {  	[tilespmem:s0], [sflag:$0x2] =	stream.indirect_vreg.gather @!p0 [hbm4b:s15+s8], $0x80, v3, vm1, $0xb8;
	[tilespmem:$0x1E200] =	vst v63  }
0x3a0: {  	v3 =	vld @!p0 [tilespmem:$0x90];
	_ =	sdelay $0x4  }
0x3a1: {  	v7 =	vshrl.u32 @!p0 v3, $0x3  }
0x3a2: {  	v7 =	vmul.u32 @!p0 $0x30, v7  }
0x3a3: {  	v3 =	vand.u32 @!p0 $0x7, v3  }
0x3a4: {  	v3 =	vor.u32 @!p0 v3, v7  }
0x3a5: {  	v4 =	vperm.xlane @!p0 v3, v4;
	_ =	sdelay $0x1  }
0x3a6: {  	v4 =	vadd.s32 @!p0 v6, v4;
	_ =	sdelay $0x3  }
0x3a7: {  	s0 =	simm.s32 @!p0 $0xF200;
	v3 =	vperm.xlane @!p0 v3, v5  }
0x3a8: {  	[tilespmem:s0], [sflag:$0x2] =	stream.indirect_vreg.gather @!p0 [hbm4b:s3+s8], $0x80, v4, vm1, $0xb8;
	[tilespmem:$0x1E200] =	vst v63  }
0x3a9: {  	v3 =	vadd.s32 @!p0 v6, v3;
	s0 =	simm.s32 @!p0 $0xFA00  }
0x3aa: {  	[tilespmem:s0], [sflag:$0x2] =	stream.indirect_vreg.gather @!p0 [hbm4b:s14+s8], $0x80, v4, vm1, $0xb8;
	[tilespmem:$0x1E200] =	vst v63  }
0x3ab: {  	s0 =	simm.s32 @!p0 $0x10200  }
0x3ac: {  	[tilespmem:s0], [sflag:$0x2] =	stream.indirect_vreg.gather @!p0 [hbm4b:s15+s8], $0x80, v4, vm1, $0xb8;
	[tilespmem:$0x1E200] =	vst v63  }
0x3ad: {  	s0 =	simm.s32 @!p0 $0x10A00  }
0x3ae: {  	[tilespmem:s0], [sflag:$0x2] =	stream.indirect_vreg.gather @!p0 [hbm4b:s3+s8], $0x80, v3, vm1, $0xb8;
	[tilespmem:$0x1E200] =	vst v63  }
0x3af: {  	s0 =	simm.s32 @!p0 $0x11200  }
0x3b0: {  	[tilespmem:s0], [sflag:$0x2] =	stream.indirect_vreg.gather @!p0 [hbm4b:s14+s8], $0x80, v3, vm1, $0xb8;
	[tilespmem:$0x1E200] =	vst v63  }
0x3b1: {  	s22 =	simm.s32 $0x0;
	s0 =	simm.s32 @!p0 $0x11A00  }
0x3b2: {  	[tilespmem:s0], [sflag:$0x2] =	stream.indirect_vreg.gather @!p0 [hbm4b:s15+s8], $0x80, v3, vm1, $0xb8;
	[tilespmem:$0x1E200] =	vst v63  }
0x3b3: {  	s20 =	simm.s32 $0x0;
	s0 =	smul.u32 $0x1800, s22;
	_ =	swait.ge [sflag:s29], $0x6000  }
0x3b4: {  	s28 =	sand.u32 $0x380, s20;
	[sflag:s29] =	ssyncset.done $0x0  }
0x3b5: {  	s8 =	sor.u32 s28, s0;
	[sflag:s29] =	ssyncadd.s32 $0xFFFFA000  }
0x3b6: {  	v5 =	vld [tilespmem:s8+$0x200]  }
0x3b7: {  	v25 =	vld [tilespmem:s8+$0x210]  }
0x3b8: {  	v26 =	vld [tilespmem:s8+$0x220]  }
0x3b9: {  	v27 =	vld [tilespmem:s8+$0x230]  }
0x3ba: {  	v28 =	vld [tilespmem:s8+$0x240]  }
0x3bb: {  	v29 =	vld [tilespmem:s8+$0x250]  }
0x3bc: {  	v30 =	vld [tilespmem:s8+$0x260]  }
0x3bd: {  	v31 =	vld [tilespmem:s8+$0x270]  }
0x3be: {  	v32 =	vld [tilespmem:s8+$0x600]  }
0x3bf: {  	v33 =	vld [tilespmem:s8+$0x610]  }
0x3c0: {  	v34 =	vld [tilespmem:s8+$0x620]  }
0x3c1: {  	v35 =	vld [tilespmem:s8+$0x630]  }
0x3c2: {  	v36 =	vld [tilespmem:s8+$0x640]  }
0x3c3: {  	v37 =	vld [tilespmem:s8+$0x650]  }
0x3c4: {  	v38 =	vld [tilespmem:s8+$0x660]  }
0x3c5: {  	v39 =	vld [tilespmem:s8+$0x670]  }
0x3c6: {  	v40 =	vld [tilespmem:s8+$0xA00]  }
0x3c7: {  	v41 =	vld [tilespmem:s8+$0xA10]  }
0x3c8: {  	v42 =	vld [tilespmem:s8+$0xA20]  }
0x3c9: {  	v43 =	vld [tilespmem:s8+$0xA30]  }
0x3ca: {  	v44 =	vld [tilespmem:s8+$0xA40]  }
0x3cb: {  	v45 =	vld [tilespmem:s8+$0xA50]  }
0x3cc: {  	v46 =	vld [tilespmem:s8+$0xA60]  }
0x3cd: {  	v47 =	vld [tilespmem:s8+$0xA70]  }
0x3ce: {  	v48 =	vld [tilespmem:s8+$0xE00]  }
0x3cf: {  	v49 =	vld [tilespmem:s8+$0xE10]  }
0x3d0: {  	v24 =	vld [tilespmem:s8+$0xE20]  }
0x3d1: {  	v23 =	vld [tilespmem:s8+$0xE30]  }
0x3d2: {  	v22 =	vld [tilespmem:s8+$0xE40]  }
0x3d3: {  	v21 =	vld [tilespmem:s8+$0xE50]  }
0x3d4: {  	v20 =	vld [tilespmem:s8+$0xE60]  }
0x3d5: {  	v19 =	vld [tilespmem:s8+$0xE70]  }
0x3d6: {  	v18 =	vld [tilespmem:s8+$0x1200]  }
0x3d7: {  	v17 =	vld [tilespmem:s8+$0x1210]  }
0x3d8: {  	v16 =	vld [tilespmem:s8+$0x1220]  }
0x3d9: {  	v15 =	vld [tilespmem:s8+$0x1230]  }
0x3da: {  	v14 =	vld [tilespmem:s8+$0x1240]  }
0x3db: {  	v13 =	vld [tilespmem:s8+$0x1250]  }
0x3dc: {  	v12 =	vld [tilespmem:s8+$0x1260]  }
0x3dd: {  	v11 =	vld [tilespmem:s8+$0x1270]  }
0x3de: {  	v10 =	vld [tilespmem:s8+$0x1600]  }
0x3df: {  	v9 =	vld [tilespmem:s8+$0x1610]  }
0x3e0: {  	v8 =	vld [tilespmem:s8+$0x1620]  }
0x3e1: {  	v7 =	vld [tilespmem:s8+$0x1630]  }
0x3e2: {  	v6 =	vld [tilespmem:s8+$0x1640]  }
0x3e3: {  	v4 =	vld [tilespmem:s8+$0x1650]  }
0x3e4: {  	v50 =	vld [tilespmem:s8+$0x18200]  }
0x3e5: {  	v51 =	vld [tilespmem:s8+$0x18210]  }
0x3e6: {  	v52 =	vld [tilespmem:s8+$0x18220]  }
0x3e7: {  	v53 =	vld [tilespmem:s8+$0x18230]  }
0x3e8: {  	v54 =	vld [tilespmem:s8+$0x18240]  }
0x3e9: {  	v62 =	vld [tilespmem:s8+$0x18250]  }
0x3ea: {  	v63 =	vld [tilespmem:s8+$0x18260]  }
0x3eb: {  	v56 =	vld [tilespmem:s8+$0x18270];
	v5 =	vadd.f32 v5, v50;
	v25 =	vadd.f32 v25, v51  }
0x3ec: {  	v57 =	vld [tilespmem:s8+$0x18600];
	v26 =	vadd.f32 v26, v52;
	v27 =	vadd.f32 v27, v53  }
0x3ed: {  	v60 =	vld [tilespmem:s8+$0x18610];
	v28 =	vadd.f32 v28, v54;
	v55 =	vadd.f32 v5, v5  }
0x3ee: {  	v3 =	vld [tilespmem:s8+$0x1660];
	v59 =	vadd.f32 v29, v62;
	v25 =	vadd.f32 v25, v25  }
0x3ef: {  	v62 =	vadd.f32 v30, v63;
	v51 =	vld [tilespmem:s8+$0x18620];
	v26 =	vadd.f32 v26, v26;
	[tilespmem:s8+$0x18200] =	vst v55  }
0x3f0: {  	v50 =	vadd.f32 v31, v56;
	v56 =	vld [tilespmem:s8+$0x18630];
	v58 =	vadd.f32 v27, v27;
	[tilespmem:s8+$0x18210] =	vst v25  }
0x3f1: {  	v54 =	vadd.f32 v32, v57;
	v57 =	vld [tilespmem:s8+$0x18640];
	v61 =	vadd.f32 v28, v28;
	[tilespmem:s8+$0x18220] =	vst v26  }
0x3f2: {  	v29 =	vadd.f32 v33, v60;
	v60 =	vld [tilespmem:s8+$0x18A10];
	v63 =	vadd.f32 v59, v59;
	[tilespmem:s8+$0x18230] =	vst v58  }
0x3f3: {  	v53 =	vld [tilespmem:s8+$0x18E20];
	v52 =	vadd.f32 v62, v62;
	[tilespmem:s8+$0x18240] =	vst v61  }
0x3f4: {  	v5 =	vld [tilespmem:s8+$0x1670];
	v28 =	vadd.f32 v54, v54;
	[tilespmem:s8+$0x18250] =	vst v63  }
0x3f5: {  	v59 =	vld [tilespmem:s8+$0x18650];
	v29 =	vadd.f32 v29, v29;
	[tilespmem:s8+$0x18260] =	vst v52;
	v30 =	vadd.f32 v34, v51  }
0x3f6: {  	v62 =	vld [tilespmem:s8+$0x18A20];
	v55 =	vadd.f32 v50, v50;
	[tilespmem:s8+$0x18600] =	vst v28;
	v27 =	vadd.f32 v35, v56  }
0x3f7: {  	v54 =	vld [tilespmem:s8+$0x18E30];
	[tilespmem:s8+$0x18610] =	vst v29;
	v26 =	vadd.f32 v36, v57;
	v30 =	vadd.f32 v30, v30  }
0x3f8: {  	v61 =	vld [tilespmem:s8+$0x18660];
	v28 =	vadd.f32 v41, v60;
	[tilespmem:s8+$0x18270] =	vst v55;
	v27 =	vadd.f32 v27, v27  }
0x3f9: {  	v63 =	vld [tilespmem:s8+$0x18670];
	v24 =	vadd.f32 v24, v53;
	v26 =	vadd.f32 v26, v26;
	[tilespmem:s8+$0x18620] =	vst v30  }
0x3fa: {  	v58 =	vld [tilespmem:s8+$0x18A00];
	v31 =	vadd.f32 v37, v59;
	v28 =	vadd.f32 v28, v28;
	[tilespmem:s8+$0x18630] =	vst v27  }
0x3fb: {  	v36 =	vld [tilespmem:s8+$0x18A30];
	v29 =	vadd.f32 v42, v62;
	v24 =	vadd.f32 v24, v24;
	[tilespmem:s8+$0x18640] =	vst v26  }
0x3fc: {  	v56 =	vld [tilespmem:s8+$0x18E50];
	v23 =	vadd.f32 v23, v54;
	v31 =	vadd.f32 v31, v31;
	[tilespmem:s8+$0x18A10] =	vst v28  }
0x3fd: {  	v57 =	vld [tilespmem:s8+$0x18E60];
	v32 =	vadd.f32 v38, v61;
	v29 =	vadd.f32 v29, v29;
	[tilespmem:s8+$0x18E20] =	vst v24  }
0x3fe: {  	v55 =	vld [tilespmem:s8+$0x18E40];
	v33 =	vadd.f32 v39, v63;
	v23 =	vadd.f32 v23, v23;
	[tilespmem:s8+$0x18650] =	vst v31  }
0x3ff: {  	v37 =	vld [tilespmem:s8+$0x18A40];
	v25 =	vadd.f32 v40, v58;
	v32 =	vadd.f32 v32, v32;
	[tilespmem:s8+$0x18A20] =	vst v29  }
0x400: {  	v50 =	vld [tilespmem:s8+$0x18A70];
	v30 =	vadd.f32 v43, v36;
	v33 =	vadd.f32 v33, v33;
	[tilespmem:s8+$0x18E30] =	vst v23  }
0x401: {  	v51 =	vld [tilespmem:s8+$0x18E00];
	v21 =	vadd.f32 v21, v56;
	v25 =	vadd.f32 v25, v25;
	[tilespmem:s8+$0x18660] =	vst v32  }
0x402: {  	v52 =	vld [tilespmem:s8+$0x18E10];
	v20 =	vadd.f32 v20, v57;
	v30 =	vadd.f32 v30, v30;
	[tilespmem:s8+$0x18670] =	vst v33  }
0x403: {  	v38 =	vld [tilespmem:s8+$0x18A50];
	v22 =	vadd.f32 v22, v55;
	v21 =	vadd.f32 v21, v21;
	[tilespmem:s8+$0x18A00] =	vst v25  }
0x404: {  	v58 =	vld [tilespmem:s8+$0x18E70];
	v27 =	vadd.f32 v44, v37;
	v20 =	vadd.f32 v20, v20;
	[tilespmem:s8+$0x18A30] =	vst v30  }
0x405: {  	v39 =	vld [tilespmem:s8+$0x18A60];
	v32 =	vadd.f32 v47, v50;
	v22 =	vadd.f32 v22, v22;
	[tilespmem:s8+$0x18E50] =	vst v21  }
0x406: {  	v60 =	vld [tilespmem:s8+$0x19210];
	v33 =	vadd.f32 v48, v51;
	v27 =	vadd.f32 v27, v27;
	[tilespmem:s8+$0x18E60] =	vst v20  }
0x407: {  	v59 =	vld [tilespmem:s8+$0x19200];
	v25 =	vadd.f32 v49, v52;
	v32 =	vadd.f32 v32, v32;
	[tilespmem:s8+$0x18E40] =	vst v22  }
0x408: {  	v61 =	vld [tilespmem:s8+$0x19220];
	v26 =	vadd.f32 v45, v38;
	v33 =	vadd.f32 v33, v33;
	[tilespmem:s8+$0x18A40] =	vst v27  }
0x409: {  	v62 =	vld [tilespmem:s8+$0x19230];
	v19 =	vadd.f32 v19, v58;
	v25 =	vadd.f32 v25, v25;
	[tilespmem:s8+$0x18A70] =	vst v32  }
0x40a: {  	v23 =	vld [tilespmem:s8+$0x19240];
	v31 =	vadd.f32 v46, v39;
	v26 =	vadd.f32 v26, v26;
	[tilespmem:s8+$0x18E00] =	vst v33  }
0x40b: {  	v20 =	vadd.f32 v17, v60;
	v22 =	vld [tilespmem:s8+$0x19250];
	v19 =	vadd.f32 v19, v19;
	[tilespmem:s8+$0x18E10] =	vst v25  }
0x40c: {  	v63 =	vadd.f32 v18, v59;
	v21 =	vld [tilespmem:s8+$0x19260];
	v31 =	vadd.f32 v31, v31;
	[tilespmem:s8+$0x18A50] =	vst v26  }
0x40d: {  	v18 =	vld [tilespmem:s8+$0x19270];
	v20 =	vadd.f32 v20, v20;
	[tilespmem:s8+$0x18E70] =	vst v19;
	v19 =	vadd.f32 v16, v61  }
0x40e: {  	v15 =	vadd.f32 v15, v62;
	v17 =	vld [tilespmem:s8+$0x19600];
	[tilespmem:s8+$0x18A60] =	vst v31;
	v26 =	vadd.f32 v63, v63  }
0x40f: {  	v23 =	vadd.f32 v14, v23;
	v16 =	vld [tilespmem:s8+$0x19610];
	[tilespmem:s8+$0x19210] =	vst v20;
	v19 =	vadd.f32 v19, v19  }
0x410: {  	v14 =	vld [tilespmem:s8+$0x19620];
	v20 =	vadd.f32 v15, v15;
	[tilespmem:s8+$0x19200] =	vst v26;
	v15 =	vadd.f32 v13, v22  }
0x411: {  	s22 =	simm.s32 $0x1;
	v13 =	vadd.f32 v12, v21;
	v12 =	vld [tilespmem:s8+$0x19630];
	[tilespmem:s8+$0x19220] =	vst v19;
	v19 =	vadd.f32 v23, v23  }
.LBB2_11:
0x412: {  	s0 =	sshrl.u32 s22, $0x3;
	p1 =	sne.s32 s22, $0x1F;
	[tilespmem:s8+$0x19230] =	vst v20;
	v15 =	vadd.f32 v15, v15;
	v11 =	vadd.f32 v11, v18;
	v18 =	vld [tilespmem:s8+$0x19640]  }
0x413: {  	s20 =	sadd.s32 $0x80, s20;
	s0 =	smul.u32 $0x1800, s0;
	[tilespmem:s8+$0x19240] =	vst v19;
	v13 =	vadd.f32 v13, v13;
	v10 =	vadd.f32 v10, v17;
	v17 =	vld [tilespmem:s8+$0x19650]  }
0x414: {  	s19 =	sand.u32 $0x380, s20;
	[tilespmem:s8+$0x19250] =	vst v15;
	v11 =	vadd.f32 v11, v11;
	v9 =	vadd.f32 v9, v16;
	v15 =	vld [tilespmem:s8+$0x19660]  }
0x415: {  	s0 =	sor.u32 s19, s0;
	[tilespmem:s8+$0x19260] =	vst v13;
	v10 =	vadd.f32 v10, v10;
	v8 =	vadd.f32 v8, v14;
	v13 =	vld [tilespmem:s8+$0x19670]  }
0x416: {  	v42 =	vld [tilespmem:s0+$0x200];
	[tilespmem:s8+$0x19270] =	vst v11;
	v9 =	vadd.f32 v9, v9;
	v7 =	vadd.f32 v7, v12  }
0x417: {  	v43 =	vld [tilespmem:s0+$0x210];
	[tilespmem:s8+$0x19600] =	vst v10;
	v8 =	vadd.f32 v8, v8;
	v6 =	vadd.f32 v6, v18  }
0x418: {  	v44 =	vld [tilespmem:s0+$0x220];
	[tilespmem:s8+$0x19610] =	vst v9;
	v7 =	vadd.f32 v7, v7;
	v4 =	vadd.f32 v4, v17  }
0x419: {  	v45 =	vld [tilespmem:s0+$0x230];
	[tilespmem:s8+$0x19620] =	vst v8;
	v6 =	vadd.f32 v6, v6;
	v3 =	vadd.f32 v3, v15  }
0x41a: {  	v46 =	vld [tilespmem:s0+$0x240];
	[tilespmem:s8+$0x19630] =	vst v7;
	v4 =	vadd.f32 v4, v4;
	v5 =	vadd.f32 v5, v13  }
0x41b: {  	v47 =	vld [tilespmem:s0+$0x250];
	[tilespmem:s8+$0x19640] =	vst v6;
	v3 =	vadd.f32 v3, v3  }
0x41c: {  	v48 =	vld [tilespmem:s0+$0x260];
	[tilespmem:s8+$0x19650] =	vst v4;
	v4 =	vadd.f32 v5, v5  }
0x41d: {  	v49 =	vld [tilespmem:s0+$0x270];
	[tilespmem:s8+$0x19660] =	vst v3  }
0x41e: {  	v50 =	vld [tilespmem:s0+$0x600];
	[tilespmem:s8+$0x19670] =	vst v4;
	s8 =	smov.u32 s0  }
0x41f: {  	v41 =	vld [tilespmem:s8+$0x610]  }
0x420: {  	v40 =	vld [tilespmem:s8+$0x620]  }
0x421: {  	v39 =	vld [tilespmem:s8+$0x630]  }
0x422: {  	v38 =	vld [tilespmem:s8+$0x640]  }
0x423: {  	v37 =	vld [tilespmem:s8+$0x650]  }
0x424: {  	v36 =	vld [tilespmem:s8+$0x660]  }
0x425: {  	v35 =	vld [tilespmem:s8+$0x670]  }
0x426: {  	v34 =	vld [tilespmem:s8+$0xA00]  }
0x427: {  	v33 =	vld [tilespmem:s8+$0xA10]  }
0x428: {  	v32 =	vld [tilespmem:s8+$0xA20]  }
0x429: {  	v31 =	vld [tilespmem:s8+$0xA30]  }
0x42a: {  	v30 =	vld [tilespmem:s8+$0xA40]  }
0x42b: {  	v29 =	vld [tilespmem:s8+$0xA50]  }
0x42c: {  	v28 =	vld [tilespmem:s8+$0xA60]  }
0x42d: {  	v27 =	vld [tilespmem:s8+$0xA70]  }
0x42e: {  	v26 =	vld [tilespmem:s8+$0xE00]  }
0x42f: {  	v25 =	vld [tilespmem:s8+$0xE10]  }
0x430: {  	v24 =	vld [tilespmem:s8+$0xE20]  }
0x431: {  	v23 =	vld [tilespmem:s8+$0xE30]  }
0x432: {  	v22 =	vld [tilespmem:s8+$0xE40]  }
0x433: {  	v21 =	vld [tilespmem:s8+$0xE50]  }
0x434: {  	v20 =	vld [tilespmem:s8+$0xE60]  }
0x435: {  	v19 =	vld [tilespmem:s8+$0xE70]  }
0x436: {  	v18 =	vld [tilespmem:s8+$0x1200]  }
0x437: {  	v17 =	vld [tilespmem:s8+$0x1210]  }
0x438: {  	v16 =	vld [tilespmem:s8+$0x1220]  }
0x439: {  	v15 =	vld [tilespmem:s8+$0x1230]  }
0x43a: {  	v14 =	vld [tilespmem:s8+$0x1240]  }
0x43b: {  	v13 =	vld [tilespmem:s8+$0x1250]  }
0x43c: {  	v12 =	vld [tilespmem:s8+$0x1260]  }
0x43d: {  	v11 =	vld [tilespmem:s8+$0x1270]  }
0x43e: {  	v10 =	vld [tilespmem:s8+$0x1600]  }
0x43f: {  	v9 =	vld [tilespmem:s8+$0x1610]  }
0x440: {  	v8 =	vld [tilespmem:s8+$0x1620]  }
0x441: {  	v7 =	vld [tilespmem:s8+$0x1630]  }
0x442: {  	v6 =	vld [tilespmem:s8+$0x1640]  }
0x443: {  	v4 =	vld [tilespmem:s8+$0x1650]  }
0x444: {  	v3 =	vld [tilespmem:s8+$0x1660]  }
0x445: {  	v5 =	vld [tilespmem:s8+$0x1670]  }
0x446: {  	v51 =	vld [tilespmem:s8+$0x18200]  }
0x447: {  	v52 =	vld [tilespmem:s8+$0x18210]  }
0x448: {  	v53 =	vld [tilespmem:s8+$0x18220]  }
0x449: {  	v54 =	vld [tilespmem:s8+$0x18230]  }
0x44a: {  	v55 =	vld [tilespmem:s8+$0x18240]  }
0x44b: {  	v42 =	vadd.f32 v42, v51;
	v51 =	vld [tilespmem:s8+$0x18250]  }
0x44c: {  	v43 =	vadd.f32 v43, v52;
	v52 =	vld [tilespmem:s8+$0x18260]  }
0x44d: {  	v42 =	vadd.f32 v42, v42;
	v44 =	vadd.f32 v44, v53;
	v53 =	vld [tilespmem:s8+$0x18270]  }
0x44e: {  	v43 =	vadd.f32 v43, v43;
	v45 =	vadd.f32 v45, v54;
	v54 =	vld [tilespmem:s8+$0x18600]  }
0x44f: {  	[tilespmem:s8+$0x18200] =	vst v42;
	v42 =	vadd.f32 v44, v44;
	v44 =	vadd.f32 v46, v55;
	v46 =	vld [tilespmem:s8+$0x18610]  }
0x450: {  	[tilespmem:s8+$0x18210] =	vst v43;
	v43 =	vadd.f32 v45, v45;
	v45 =	vadd.f32 v47, v51;
	v47 =	vld [tilespmem:s8+$0x18620]  }
0x451: {  	[tilespmem:s8+$0x18220] =	vst v42;
	v42 =	vadd.f32 v44, v44;
	v44 =	vadd.f32 v48, v52;
	v48 =	vld [tilespmem:s8+$0x18630]  }
0x452: {  	[tilespmem:s8+$0x18230] =	vst v43;
	v43 =	vadd.f32 v45, v45;
	v45 =	vadd.f32 v49, v53;
	v49 =	vld [tilespmem:s8+$0x18640]  }
0x453: {  	[tilespmem:s8+$0x18240] =	vst v42;
	v42 =	vadd.f32 v44, v44;
	v44 =	vadd.f32 v50, v54;
	v50 =	vld [tilespmem:s8+$0x18650]  }
0x454: {  	[tilespmem:s8+$0x18250] =	vst v43;
	v43 =	vadd.f32 v45, v45;
	v41 =	vadd.f32 v41, v46;
	v45 =	vld [tilespmem:s8+$0x18660]  }
0x455: {  	[tilespmem:s8+$0x18260] =	vst v42;
	v42 =	vadd.f32 v44, v44;
	v40 =	vadd.f32 v40, v47;
	v44 =	vld [tilespmem:s8+$0x18670]  }
0x456: {  	[tilespmem:s8+$0x18270] =	vst v43;
	v41 =	vadd.f32 v41, v41;
	v39 =	vadd.f32 v39, v48;
	v43 =	vld [tilespmem:s8+$0x18A00]  }
0x457: {  	[tilespmem:s8+$0x18600] =	vst v42;
	v40 =	vadd.f32 v40, v40;
	v38 =	vadd.f32 v38, v49;
	v42 =	vld [tilespmem:s8+$0x18A10]  }
0x458: {  	[tilespmem:s8+$0x18610] =	vst v41;
	v39 =	vadd.f32 v39, v39;
	v37 =	vadd.f32 v37, v50;
	v41 =	vld [tilespmem:s8+$0x18A20]  }
0x459: {  	[tilespmem:s8+$0x18620] =	vst v40;
	v38 =	vadd.f32 v38, v38;
	v36 =	vadd.f32 v36, v45;
	v40 =	vld [tilespmem:s8+$0x18A30]  }
0x45a: {  	[tilespmem:s8+$0x18630] =	vst v39;
	v37 =	vadd.f32 v37, v37;
	v35 =	vadd.f32 v35, v44;
	v39 =	vld [tilespmem:s8+$0x18A40]  }
0x45b: {  	[tilespmem:s8+$0x18640] =	vst v38;
	v36 =	vadd.f32 v36, v36;
	v34 =	vadd.f32 v34, v43;
	v38 =	vld [tilespmem:s8+$0x18A50]  }
0x45c: {  	[tilespmem:s8+$0x18650] =	vst v37;
	v35 =	vadd.f32 v35, v35;
	v33 =	vadd.f32 v33, v42;
	v37 =	vld [tilespmem:s8+$0x18A60]  }
0x45d: {  	[tilespmem:s8+$0x18660] =	vst v36;
	v34 =	vadd.f32 v34, v34;
	v32 =	vadd.f32 v32, v41;
	v36 =	vld [tilespmem:s8+$0x18A70]  }
0x45e: {  	[tilespmem:s8+$0x18670] =	vst v35;
	v33 =	vadd.f32 v33, v33;
	v31 =	vadd.f32 v31, v40;
	v35 =	vld [tilespmem:s8+$0x18E00]  }
0x45f: {  	[tilespmem:s8+$0x18A00] =	vst v34;
	v32 =	vadd.f32 v32, v32;
	v30 =	vadd.f32 v30, v39;
	v34 =	vld [tilespmem:s8+$0x18E10]  }
0x460: {  	[tilespmem:s8+$0x18A10] =	vst v33;
	v31 =	vadd.f32 v31, v31;
	v29 =	vadd.f32 v29, v38;
	v33 =	vld [tilespmem:s8+$0x18E20]  }
0x461: {  	[tilespmem:s8+$0x18A20] =	vst v32;
	v30 =	vadd.f32 v30, v30;
	v28 =	vadd.f32 v28, v37;
	v32 =	vld [tilespmem:s8+$0x18E30]  }
0x462: {  	[tilespmem:s8+$0x18A30] =	vst v31;
	v29 =	vadd.f32 v29, v29;
	v27 =	vadd.f32 v27, v36;
	v31 =	vld [tilespmem:s8+$0x18E40]  }
0x463: {  	[tilespmem:s8+$0x18A40] =	vst v30;
	v28 =	vadd.f32 v28, v28;
	v26 =	vadd.f32 v26, v35;
	v30 =	vld [tilespmem:s8+$0x18E50]  }
0x464: {  	[tilespmem:s8+$0x18A50] =	vst v29;
	v27 =	vadd.f32 v27, v27;
	v25 =	vadd.f32 v25, v34;
	v29 =	vld [tilespmem:s8+$0x18E60]  }
0x465: {  	[tilespmem:s8+$0x18A60] =	vst v28;
	v26 =	vadd.f32 v26, v26;
	v24 =	vadd.f32 v24, v33;
	v28 =	vld [tilespmem:s8+$0x18E70]  }
0x466: {  	[tilespmem:s8+$0x18A70] =	vst v27;
	v25 =	vadd.f32 v25, v25;
	v23 =	vadd.f32 v23, v32;
	v27 =	vld [tilespmem:s8+$0x19200]  }
0x467: {  	[tilespmem:s8+$0x18E00] =	vst v26;
	v24 =	vadd.f32 v24, v24;
	v22 =	vadd.f32 v22, v31;
	v26 =	vld [tilespmem:s8+$0x19210]  }
0x468: {  	[tilespmem:s8+$0x18E10] =	vst v25;
	v23 =	vadd.f32 v23, v23;
	v21 =	vadd.f32 v21, v30;
	v25 =	vld [tilespmem:s8+$0x19220]  }
0x469: {  	[tilespmem:s8+$0x18E20] =	vst v24;
	v22 =	vadd.f32 v22, v22;
	v20 =	vadd.f32 v20, v29;
	v24 =	vld [tilespmem:s8+$0x19230]  }
0x46a: {  	[tilespmem:s8+$0x18E30] =	vst v23;
	v21 =	vadd.f32 v21, v21;
	v19 =	vadd.f32 v19, v28;
	v23 =	vld [tilespmem:s8+$0x19240]  }
0x46b: {  	[tilespmem:s8+$0x18E40] =	vst v22;
	v20 =	vadd.f32 v20, v20;
	v18 =	vadd.f32 v18, v27;
	v22 =	vld [tilespmem:s8+$0x19250]  }
0x46c: {  	[tilespmem:s8+$0x18E50] =	vst v21;
	v19 =	vadd.f32 v19, v19;
	v17 =	vadd.f32 v17, v26;
	v21 =	vld [tilespmem:s8+$0x19260]  }
.Ltmp6:
0x46d: {  	[tilespmem:s8+$0x18E60] =	vst v20;
	v20 =	vadd.f32 v18, v18;
	v16 =	vadd.f32 v16, v25;
	v18 =	vld [tilespmem:s8+$0x19270];
	(pc) =	sbr.rel @p1 .LBB2_11-.Ltmp6, $4  }
0x46e: {  	[tilespmem:s8+$0x18E70] =	vst v19;
	v19 =	vadd.f32 v17, v17;
	v15 =	vadd.f32 v15, v24;
	v17 =	vld [tilespmem:s8+$0x19600]  }
0x46f: {  	[tilespmem:s8+$0x19200] =	vst v20;
	v24 =	vadd.f32 v16, v16;
	v23 =	vadd.f32 v14, v23;
	v16 =	vld [tilespmem:s8+$0x19610]  }
0x470: {  	[tilespmem:s8+$0x19210] =	vst v19;
	v20 =	vadd.f32 v15, v15;
	v15 =	vadd.f32 v13, v22;
	v14 =	vld [tilespmem:s8+$0x19620]  }
0x471: {  	s22 =	sadd.s32 $0x1, s22;
	[tilespmem:s8+$0x19220] =	vst v24;
	v19 =	vadd.f32 v23, v23;
	v13 =	vadd.f32 v12, v21;
	v12 =	vld [tilespmem:s8+$0x19630]  }
0x472: {  	[tilespmem:s8+$0x19230] =	vst v20;
	v59 =	vld [tilespmem:s8+$0x19640];
	v15 =	vadd.f32 v15, v15;
	v11 =	vadd.f32 v11, v18  }
0x473: {  	v60 =	vld [tilespmem:s8+$0x19650];
	[tilespmem:s8+$0x19240] =	vst v19;
	v13 =	vadd.f32 v13, v13;
	v10 =	vadd.f32 v10, v17  }
0x474: {  	v61 =	vld [tilespmem:s8+$0x19660];
	[tilespmem:s8+$0x19250] =	vst v15;
	v11 =	vadd.f32 v11, v11;
	v9 =	vadd.f32 v9, v16  }
0x475: {  	v62 =	vld [tilespmem:s8+$0x19670];
	[tilespmem:s8+$0x19260] =	vst v13;
	v10 =	vadd.f32 v10, v10;
	v8 =	vadd.f32 v8, v14  }
0x476: {  	[tilespmem:s8+$0x19270] =	vst v11;
	v9 =	vadd.f32 v9, v9;
	v7 =	vadd.f32 v7, v12  }
0x477: {  	[tilespmem:s8+$0x19600] =	vst v10;
	v8 =	vadd.f32 v8, v8;
	v6 =	vadd.f32 v6, v59  }
0x478: {  	v4 =	vadd.f32 v4, v60;
	[tilespmem:s8+$0x19610] =	vst v9;
	v7 =	vadd.f32 v7, v7  }
0x479: {  	s0 =	sadd.s32 s9, s13;
	v3 =	vadd.f32 v3, v61;
	[tilespmem:s8+$0x19620] =	vst v8;
	v6 =	vadd.f32 v6, v6  }
0x47a: {  	s0 =	smul.u32 $0x60000, s0;
	v5 =	vadd.f32 v5, v62;
	v4 =	vadd.f32 v4, v4;
	[tilespmem:s8+$0x19630] =	vst v7  }
.Ltmp7:
0x47b: {  	v3 =	vadd.f32 v3, v3;
	[tilespmem:s8+$0x19640] =	vst v6;
	(pc) =	sbr.rel @p0 .LBB2_14-.Ltmp7, $4  }
0x47c: {  	s0 =	sadd.s32 s7, s0;
	v63 =	vadd.f32 v5, v5;
	[tilespmem:s8+$0x19650] =	vst v4  }
0x47d: {  	s0 =	sshrl.u32 s0, $0x3;
	[tilespmem:s8+$0x19660] =	vst v3  }
0x47e: {  	s0 =	sadd.s32 s4, s0;
	[tilespmem:s8+$0x19670] =	vst v63  }
0x47f: {  	[hbm4b:s0+s5] =	stream.linear.scatter [tilespmem:s25], [sflag:$0x8], $0x6000, $0x38;
	[tilespmem:$0x1E200] =	vst v63  }
0x480: {  	s0 =	rddreg [dreg:$0xa]  }
0x481: {  	s0 =	sadd.s32 s12, s0  }
0x482: {  	s0 =	sshll.u32 s0, $0x9  }
0x483: {  	s0 =	sor.u32 s6, s0  }
0x484: {  	s0 =	sshrl.u32 s0, $0x3  }
0x485: {  	s8 =	simm.s32 $0x180;
	s0 =	sadd.s32 s1, s0  }
0x486: {  	[tilespmem:s8], [sflag:$0xC] =	stream.linear.gather [hbm4b:s0+s5], $0x20, $0x38;
	[tilespmem:$0x1E200] =	vst v63  }
0x487: {  	_ =	swait.ge [sflag:s30], $0x6000  }
0x488: {  	[sflag:s30] =	ssyncset.done $0x0  }
0x489: {  	[sflag:s30] =	ssyncadd.s32 $0xFFFFA000  }
0x48a: {  	_ =	swait.ge [sflag:s31], $0x20  }
0x48b: {  	[sflag:s31] =	ssyncset.done $0x0  }
0x48c: {  	[sflag:s31] =	ssyncadd.s32 $0xFFFFFFE0  }
0x48d: {  	v3 =	vld [tilespmem:$0x100];
	_ =	sdelay $0x4  }
0x48e: {  	v4 =	vshrl.u32 v3, $0x3  }
0x48f: {  	v4 =	vmul.u32 $0x30, v4  }
0x490: {  	v3 =	vand.u32 $0x7, v3  }
0x491: {  	v3 =	vor.u32 v3, v4  }
0x492: {  	v4 =	vperm.xlane v3, v0;
	_ =	sdelay $0x1  }
0x493: {  	v4 =	vadd.s32 v1, v4;
	_ =	sdelay $0x3  }
0x494: {  	v3 =	vperm.xlane v3, v2  }
0x495: {  	[tilespmem:s21], [sflag:$0x3] =	stream.indirect_vreg.gather [hbm4b:s3+s5], $0x80, v4, vm0, $0xb8;
	[tilespmem:$0x1E200] =	vst v63  }
0x496: {  	s19 =	simm.s32 $0x12A00;
	v3 =	vadd.s32 v1, v3  }
0x497: {  	[tilespmem:s19], [sflag:$0x3] =	stream.indirect_vreg.gather [hbm4b:s14+s5], $0x80, v4, vm0, $0xb8;
	[tilespmem:$0x1E200] =	vst v63  }
0x498: {  	s20 =	simm.s32 $0x13200  }
0x499: {  	[tilespmem:s20], [sflag:$0x3] =	stream.indirect_vreg.gather [hbm4b:s15+s5], $0x80, v4, vm0, $0xb8;
	[tilespmem:$0x1E200] =	vst v63  }
0x49a: {  	s22 =	simm.s32 $0x13A00  }
0x49b: {  	[tilespmem:s22], [sflag:$0x3] =	stream.indirect_vreg.gather [hbm4b:s3+s5], $0x80, v3, vm0, $0xb8;
	[tilespmem:$0x1E200] =	vst v63  }
0x49c: {  	s28 =	simm.s32 $0x14200  }
0x49d: {  	[tilespmem:s28], [sflag:$0x3] =	stream.indirect_vreg.gather [hbm4b:s14+s5], $0x80, v3, vm0, $0xb8;
	[tilespmem:$0x1E200] =	vst v63  }
0x49e: {  	s8 =	simm.s32 $0x14A00  }
0x49f: {  	[tilespmem:s8], [sflag:$0x3] =	stream.indirect_vreg.gather [hbm4b:s15+s5], $0x80, v3, vm0, $0xb8;
	[tilespmem:$0x1E200] =	vst v63  }
0x4a0: {  	v3 =	vld [tilespmem:$0x110];
	_ =	sdelay $0x4  }
0x4a1: {  	v63 =	vshrl.u32 v3, $0x3  }
0x4a2: {  	v4 =	vmul.u32 $0x30, v63  }
0x4a3: {  	v3 =	vand.u32 $0x7, v3  }
0x4a4: {  	v3 =	vor.u32 v3, v4  }
0x4a5: {  	v4 =	vperm.xlane v3, v0;
	_ =	sdelay $0x1  }
0x4a6: {  	v4 =	vadd.s32 v1, v4;
	_ =	sdelay $0x3  }
0x4a7: {  	s12 =	simm.s32 $0x15200;
	v3 =	vperm.xlane v3, v2  }
0x4a8: {  	[tilespmem:s12], [sflag:$0x3] =	stream.indirect_vreg.gather [hbm4b:s3+s5], $0x80, v4, vm0, $0xb8;
	[tilespmem:$0x1E200] =	vst v63  }
0x4a9: {  	s13 =	simm.s32 $0x15A00;
	v3 =	vadd.s32 v1, v3  }
0x4aa: {  	[tilespmem:s13], [sflag:$0x3] =	stream.indirect_vreg.gather [hbm4b:s14+s5], $0x80, v4, vm0, $0xb8;
	[tilespmem:$0x1E200] =	vst v63  }
0x4ab: {  	s19 =	simm.s32 $0x16200  }
0x4ac: {  	[tilespmem:s19], [sflag:$0x3] =	stream.indirect_vreg.gather [hbm4b:s15+s5], $0x80, v4, vm0, $0xb8;
	[tilespmem:$0x1E200] =	vst v63  }
0x4ad: {  	s20 =	simm.s32 $0x16A00  }
0x4ae: {  	[tilespmem:s20], [sflag:$0x3] =	stream.indirect_vreg.gather [hbm4b:s3+s5], $0x80, v3, vm0, $0xb8;
	[tilespmem:$0x1E200] =	vst v63  }
.Ltmp8:
0x4af: {  	_ = 	snop;
	(pc) =	sbr.rel .LBB2_2-.Ltmp8, $4  }
0x4b0: {  	s22 =	simm.s32 $0x17200  }
0x4b1: {  	[tilespmem:s22], [sflag:$0x3] =	stream.indirect_vreg.gather [hbm4b:s14+s5], $0x80, v3, vm0, $0xb8;
	[tilespmem:$0x1E200] =	vst v63  }
0x4b2: {  	s11 =	sadd.s32 $0x1, s11;
	s28 =	simm.s32 $0x17A00  }
0x4b3: {  	[tilespmem:s28], [sflag:$0x3] =	stream.indirect_vreg.gather [hbm4b:s15+s5], $0x80, v3, vm0, $0xb8;
	[tilespmem:$0x1E200] =	vst v63  }
.LBB2_15:
0x4b4: {  	_ =	sfence.sel $0x180000  }
0x4b5: {  	[bflag:$0x0] =	sbarrier.arrive $0xFFFF  }
0x4b6: {  	_ =	strace $0x90000047  }
0x4b7: {  	s0 =	stileid.u32;
	[bflag:$0x2] =	sbarrier.arrive $0xFFFF  }
0x4b8: {  	p0 =	sne.s32 s0, $0x0;
	s0 =	rddreg [dreg:$0x4]  }
0x4b9: {  	s0 =	sadd.s32 @!p0 $0x100000, s0  }
0x4ba: {  	[sflag:s0] =	ssyncadd.tile.s32 @!p0 $0x1;
	_ =	shalt  }
.Lfunc_end2:
_tile_overlayer_lowered:
.L_overlay_start_2:
0x4bb: {  	(tag) =	ssettag $0x2  }
0x4bc: {  	s0 =	rddreg [dreg:$0x0];
	s2 =	stileid.u32  }
0x4bd: {  	s1 =	rddreg [dreg:$0x1];
	p0 =	sne.s32 s2, $0x0  }
0x4be: {  	s3 =	rddreg [dreg:$0x2];
	[bflag:$0x3] =	sbarrier.arrive $0xFFFF;
	s2 =	simm.s32 @!p0 $0x1C0D  }
0x4bf: {  	[timem:s3], [sflag:s2] =	dma.local @!p0 [hbm:s0], s1  }
0x4c0: {  	s0 =	simm.s32 @!p0 $0xD  }
0x4c1: {  	_ =	swait.ge @!p0 [sflag:s0], s1  }
0x4c2: {  	s1 =	ssub.s32 @!p0 $0x0, s1;
	[sflag:s0] =	ssyncset.done @!p0 $0x0  }
0x4c3: {  	[sflag:s0] =	ssyncadd.s32 @!p0 s1  }
0x4c4: {  	[bflag:$0x3] =	sbarrier.arrive $0xFFFF  }
0x4c5: {  	_ =	shalt  }

</sc_bundles>
